<compile_context>
chip_gen: v7x
topology: tpu7x:2x2x1
jax: 0.10.2.dev20260603
libtpu: 0.0.44.dev20260713+nightly
codegen_flags: <defaults>
</compile_context>

<pallas_src>
import functools

import jax
import jax.numpy as jnp
from jax import lax
from jax.experimental import pallas as pl
from jax.experimental.pallas import tpu as pltpu
from jax.experimental.pallas import tpu_sc as plsc

E = 320000
H = 8
W = 16
D = 16
N = 10000
NCORE = 2
NSUB = 16
L = 16
NPC = N // NCORE
RPAD = 5120
DUMMY = NPC

EB = 2560


def _tc_body(xit_ref, xjt_ref, sw_ref, p_ref):
    prod_t = xit_ref[...] * xjt_ref[...]
    e = lax.dot_general(
        prod_t, sw_ref[...], (((0,), (0,)), ((), ())),
        preferred_element_type=jnp.float32,
    )
    pw = jnp.concatenate([jnp.exp(e), jnp.zeros((EB, W - H), jnp.float32)], axis=1)
    t8 = jnp.concatenate([pw] * (128 // W), axis=1)
    tr = t8.reshape(EB // 8, 8, 128)
    ar = lax.broadcasted_iota(jnp.int32, (8, 128), 0)
    jc = lax.broadcasted_iota(jnp.int32, (8, 128), 1)
    msk = (ar == (jc >> 4)).astype(jnp.float32)
    p_ref[...] = (tr * msk[None, :, :]).sum(axis=1)


def _tc_logits(xit, xjt, sw):
    return pl.pallas_call(
        _tc_body,
        grid=(E // EB,),
        in_specs=[
            pl.BlockSpec((H * D, EB), lambda i: (0, i)),
            pl.BlockSpec((H * D, EB), lambda i: (0, i)),
            pl.BlockSpec((H * D, H), lambda i: (0, 0)),
        ],
        out_specs=pl.BlockSpec((EB * W // 128, 128), lambda i: (i, 0)),
        out_shape=jax.ShapeDtypeStruct((E * W // 128, 128), jnp.float32),
    )(xit, xjt, sw)


_MESH = dict(core_axis_name="c", subcore_axis_name="s")

CH1 = 2000
NCH1 = (E // NSUB) // CH1
SL = 80
NSL1 = CH1 // SL

EPT = E // (NCORE * NSUB)
CH2 = 2000
NCH2 = EPT // CH2
SL2 = 80
NSL2 = CH2 // SL2


def _sc_sums_body(p_hbm, idx_hbm, z_hbm, r_hbm, ibuf, libuf, pslots, rbi, acc,
                  semc, sems):
    c = lax.axis_index("c")
    s = lax.axis_index("s")
    rows = RPAD // NSUB
    pltpu.sync_copy(z_hbm.at[pl.ds(s * rows, rows)], acc.at[pl.ds(s * rows, rows)])
    plsc.subcore_barrier()
    nbase = c * NPC

    @pl.loop(0, NCH1)
    def _chunk(g):
        base = s * (E // NSUB) + g * CH1
        pltpu.sync_copy(idx_hbm.at[pl.ds(base, CH1)], ibuf)

        @pl.loop(0, NSL1)
        def _ixgrp(j):
            for k in range(SL // L):
                v = ibuf[pl.ds(j * SL + k * L, L)]
                local = v - nbase
                ok = (local >= 0) & (local < NPC)
                li = jnp.where(ok, local, jnp.full((L,), DUMMY, jnp.int32))
                libuf[j, pl.ds(k * L, L)] = li

        cds = [
            pltpu.async_copy(
                p_hbm.at[pl.ds(base + j * SL, SL)], pslots[j], semc
            )
            for j in range(NSL1)
        ]
        sds = []
        for j in range(NSL1):
            cds[j].wait()
            sds.append(
                pltpu.async_copy(
                    pslots[j], acc.at[libuf.at[j]], sems, add=True
                )
            )
        for d_ in sds:
            d_.wait()

    plsc.subcore_barrier()
    for q in range(4):
        qr = rows // 4
        pltpu.sync_copy(acc.at[pl.ds(s * rows + q * qr, qr)], rbi)
        pltpu.sync_copy(rbi, r_hbm.at[c, pl.ds(s * rows + q * qr, qr)])


def _sc_sums(p2, idx, z):
    mesh = plsc.VectorSubcoreMesh(**_MESH)
    f = functools.partial(
        pl.kernel,
        out_type=jax.ShapeDtypeStruct((NCORE, RPAD, W), jnp.float32),
        mesh=mesh,
        compiler_params=pltpu.CompilerParams(use_tc_tiling_on_sc=False),
        scratch_types=[
            pltpu.VMEM((CH1,), jnp.int32),
            pltpu.VMEM((NSL1, SL), jnp.int32),
            [pltpu.VMEM((SL, W), jnp.float32) for _ in range(NSL1)],
            pltpu.VMEM((RPAD // NSUB // 4, W), jnp.float32),
            pltpu.VMEM_SHARED((RPAD, W), jnp.float32),
            pltpu.SemaphoreType.DMA,
            pltpu.SemaphoreType.DMA,
        ],
    )(_sc_sums_body)
    return f(p2, idx, z)


def _sc_norm_body(p_hbm, idx_hbm, r2_hbm, out_hbm, ibuf, gbuf, dslots, pbuf,
                  obuf, semg):
    c = lax.axis_index("c")
    s = lax.axis_index("s")
    t = c * NSUB + s

    @pl.loop(0, NCH2)
    def _chunk(g):
        base = t * EPT + g * CH2
        pltpu.sync_copy(idx_hbm.at[pl.ds(base, CH2)], ibuf)
        pltpu.sync_copy(p_hbm.at[pl.ds(base, CH2)], pbuf)
        shift = jnp.full((L,), RPAD - NPC, jnp.int32)
        zero16 = jnp.zeros((L,), jnp.int32)

        @pl.loop(0, NSL2)
        def _gix(j):
            for k in range(SL2 // L):
                v = ibuf[pl.ds(j * SL2 + k * L, L)]
                gv = v + jnp.where(v >= NPC, shift, zero16)
                gbuf[j, pl.ds(k * L, L)] = gv

        gds = [
            pltpu.async_copy(r2_hbm.at[gbuf.at[j]], dslots[j], semg)
            for j in range(NSL2)
        ]
        for j in range(NSL2):
            gds[j].wait()
            slot = dslots[j]
            sbase = j * SL2

            @pl.loop(0, SL2)
            def _edge(k):
                dv = slot[k, :]
                obuf[sbase + k, :] = pbuf[sbase + k, :] / (dv + 1e-16)

        pltpu.sync_copy(obuf, out_hbm.at[pl.ds(base, CH2)])


def _sc_norm(p, idx, r2):
    mesh = plsc.VectorSubcoreMesh(**_MESH)
    f = functools.partial(
        pl.kernel,
        out_type=jax.ShapeDtypeStruct((E, W), jnp.float32),
        mesh=mesh,
        compiler_params=pltpu.CompilerParams(use_tc_tiling_on_sc=False),
        scratch_types=[
            pltpu.VMEM((CH2,), jnp.int32),
            pltpu.VMEM((NSL2, SL2), jnp.int32),
            [pltpu.VMEM((SL2, W), jnp.float32) for _ in range(NSL2)],
            pltpu.VMEM((CH2, W), jnp.float32),
            pltpu.VMEM((CH2, W), jnp.float32),
            pltpu.SemaphoreType.DMA,
        ],
    )(_sc_norm_body)
    return f(p, idx, r2)




def kernel(x_i, x_j, edge_index, num_nodes, a):
    del num_nodes
    w = (a[:, :, :D] * a[:, :, D:]).reshape(H * D)
    hsel = jnp.arange(H * D, dtype=jnp.int32)[:, None] // D == jnp.arange(
        H, dtype=jnp.int32
    )[None, :]
    sw = jnp.where(hsel, w[:, None], 0.0).astype(jnp.float32)
    xit = x_i.reshape(E, H * D).T
    xjt = x_j.reshape(E, H * D).T
    idx = edge_index[1]
    p2d = _tc_logits(xit, xjt, sw)
    z = jnp.zeros((RPAD, W), jnp.float32)
    p2 = p2d.reshape(E, W)
    r = _sc_sums(p2, idx, z)
    out = _sc_norm(p2, idx, r.reshape(NCORE * RPAD, W))
    return out[:, :H].reshape(E, H, 1)

# --- scband reference (transcript-rebuilt; emitter-appended) ---
"""Pipeline reference for scband-attention-12197707120688 (READ-ONLY COPY).

The authoritative reference and input builder live on the scoring server;
editing this copy changes nothing except your own understanding.
"""

import jax, jax.numpy as jnp
import numpy as np

HEADS = 8
OUT_DIM = 16
NUM_NODES = 10000
NUM_EDGES = 320000


def setup_inputs(seed: int = 0) -> dict:
    key = jax.random.key(seed)
    k1, k2, k3, k4 = jax.random.split(key, 4)
    x_i = jax.random.normal(k1, (NUM_EDGES, HEADS, OUT_DIM), dtype=jnp.float32)
    x_j = jax.random.normal(k2, (NUM_EDGES, HEADS, OUT_DIM), dtype=jnp.float32)
    edge_index = jax.random.randint(k3, (2, NUM_EDGES), 0, NUM_NODES, dtype=jnp.int32)
    # glorot init for attention parameter a: [1, heads, 2*output_dim]
    stdv = float(np.sqrt(6.0 / (HEADS + 2 * OUT_DIM)))
    a = jax.random.uniform(k4, (1, HEADS, 2 * OUT_DIM), dtype=jnp.float32, minval=-stdv, maxval=stdv)
    return {"x_i": x_i, "x_j": x_j, "edge_index": edge_index, "num_nodes": NUM_NODES, "a": a}


def _segment_softmax(e, idx, num_segments):
    # PyG-style softmax over segments defined by target node index
    seg_max = jax.ops.segment_max(e, idx, num_segments=num_segments)
    seg_max = jnp.where(jnp.isfinite(seg_max), seg_max, 0.0)
    out = jnp.exp(e - seg_max[idx])
    seg_sum = jax.ops.segment_sum(out, idx, num_segments=num_segments)
    return out / (seg_sum[idx] + 1e-16)


def reference(x_i, x_j, edge_index, num_nodes, a):
    a_l = a[:, :, :OUT_DIM]
    a_r = a[:, :, OUT_DIM:]
    e = x_i * a_l * x_j * a_r
    e = e.sum(axis=-1)  # [E, heads]
    edge_index_i = edge_index[1] + (num_nodes - num_nodes)
    attention_coefficient = _segment_softmax(e, edge_index_i, NUM_NODES)
    return attention_coefficient.reshape(-1, HEADS, 1)

if __name__ == "__main__":
    import jax
    _d = setup_inputs()
    print(jax.jit(kernel)(*tuple(_d.values())))

</pallas_src>

<mosaic_0001>
#map = affine_map<(d0, d1) -> (0, 0)>
#map1 = affine_map<(d0, d1) -> (0)>
#map2 = affine_map<(d0, d1) -> (0, 0, 0)>
module attributes {stable_mosaic.version = 14 : i64} {
  func.func @_sc_sums_body(%arg0: i32, %arg1: i32, %arg2: memref<320000x16xf32, #tpu.memory_space<hbm>>, %arg3: memref<320000xi32, #tpu.memory_space<hbm>>, %arg4: memref<5120x16xf32, #tpu.memory_space<hbm>>, %arg5: memref<2x5120x16xf32, #tpu.memory_space<hbm>>, %arg6: memref<2000xi32, #tpu.memory_space<vmem>>, %arg7: memref<25x80xi32, #tpu.memory_space<vmem>>, %arg8: memref<80x16xf32, #tpu.memory_space<vmem>>, %arg9: memref<80x16xf32, #tpu.memory_space<vmem>>, %arg10: memref<80x16xf32, #tpu.memory_space<vmem>>, %arg11: memref<80x16xf32, #tpu.memory_space<vmem>>, %arg12: memref<80x16xf32, #tpu.memory_space<vmem>>, %arg13: memref<80x16xf32, #tpu.memory_space<vmem>>, %arg14: memref<80x16xf32, #tpu.memory_space<vmem>>, %arg15: memref<80x16xf32, #tpu.memory_space<vmem>>, %arg16: memref<80x16xf32, #tpu.memory_space<vmem>>, %arg17: memref<80x16xf32, #tpu.memory_space<vmem>>, %arg18: memref<80x16xf32, #tpu.memory_space<vmem>>, %arg19: memref<80x16xf32, #tpu.memory_space<vmem>>, %arg20: memref<80x16xf32, #tpu.memory_space<vmem>>, %arg21: memref<80x16xf32, #tpu.memory_space<vmem>>, %arg22: memref<80x16xf32, #tpu.memory_space<vmem>>, %arg23: memref<80x16xf32, #tpu.memory_space<vmem>>, %arg24: memref<80x16xf32, #tpu.memory_space<vmem>>, %arg25: memref<80x16xf32, #tpu.memory_space<vmem>>, %arg26: memref<80x16xf32, #tpu.memory_space<vmem>>, %arg27: memref<80x16xf32, #tpu.memory_space<vmem>>, %arg28: memref<80x16xf32, #tpu.memory_space<vmem>>, %arg29: memref<80x16xf32, #tpu.memory_space<vmem>>, %arg30: memref<80x16xf32, #tpu.memory_space<vmem>>, %arg31: memref<80x16xf32, #tpu.memory_space<vmem>>, %arg32: memref<80x16xf32, #tpu.memory_space<vmem>>, %arg33: memref<80x16xf32, #tpu.memory_space<vmem>>, %arg34: memref<5120x16xf32, #tpu.memory_space<vmem_shared>>, %arg35: memref<!tpu.dma_semaphore, #tpu.memory_space<semaphore_mem>>, %arg36: memref<!tpu.dma_semaphore, #tpu.memory_space<semaphore_mem>>) attributes {dimension_semantics = [#tpu.dimension_semantics<core_parallel>, #tpu.dimension_semantics<subcore_parallel>], iteration_bounds = array<i64: 2, 16>, scalar_prefetch = 0 : i64, scratch_operands = 31 : i64, tpu.core_type = #tpu.core_type<sc_vector_subcore>, window_params = [{transform_indices = #map}, {transform_indices = #map1}, {transform_indices = #map}, {transform_indices = #map2}]} {
    %mul3A = arith.constant 320 : i32
    %mul3A_0 = arith.muli %arg1, %mul3A : i32
    %mul3A_1 = arith.constant 320 : i32
    %mul3A_2 = arith.muli %arg1, %mul3A_1 : i32
    "tpu.region"() ({
      %run_scoped3A = tpu.sem_alloc : memref<!tpu.dma_semaphore, #tpu.memory_space<semaphore_mem>>
      %dma_start3A = arith.constant 0 : i32
      %dma_start3A_41 = tpu.memref_slice %arg34[%mul3A_2, %dma_start3A] : memref<5120x16xf32, #tpu.memory_space<vmem_shared>> -> memref<320x16xf32, #tpu.memory_space<vmem_shared>>
      %dma_start3A_42 = arith.constant 0 : i32
      %dma_start3A_43 = tpu.memref_slice %arg4[%mul3A_0, %dma_start3A_42] : memref<5120x16xf32, #tpu.memory_space<hbm>> -> memref<320x16xf32, #tpu.memory_space<hbm>>
      tpu.enqueue_dma source(%dma_start3A_43 : memref<320x16xf32, #tpu.memory_space<hbm>>) target(%dma_start3A_41 : memref<320x16xf32, #tpu.memory_space<vmem_shared>>) target_semaphore(%run_scoped3A : memref<!tpu.dma_semaphore, #tpu.memory_space<semaphore_mem>>)
      %dma_wait3A = arith.constant 0 : i32
      %dma_wait3A_44 = tpu.memref_slice %arg34[%mul3A_2, %dma_wait3A] : memref<5120x16xf32, #tpu.memory_space<vmem_shared>> -> memref<320x16xf32, #tpu.memory_space<vmem_shared>>
      %dma_wait3A_45 = arith.constant 0 : i32
      %dma_wait3A_46 = tpu.memref_slice %arg4[%mul3A_0, %dma_wait3A_45] : memref<5120x16xf32, #tpu.memory_space<hbm>> -> memref<320x16xf32, #tpu.memory_space<hbm>>
      tpu.wait_dma2 semaphore(%run_scoped3A : memref<!tpu.dma_semaphore, #tpu.memory_space<semaphore_mem>>) src(%dma_wait3A_46 : memref<320x16xf32, #tpu.memory_space<hbm>>) dst(%dma_wait3A_44 : memref<320x16xf32, #tpu.memory_space<vmem_shared>>)
      tpu.yield
    }) : () -> ()
    %barrier3A = arith.constant 0 : index
    tpu.barrier barrier_id(%barrier3A)
    %mul3A_3 = arith.constant 5000 : i32
    %mul3A_4 = arith.muli %arg0, %mul3A_3 : i32
    %scan3A = arith.constant 0 : i32
    %scan3A_5 = arith.constant 10 : i32
    %scan3A_6 = arith.addi %scan3A, %scan3A_5 : i32
    %scan3A_7 = arith.constant 1 : i32
    scf.for %scan3A_41 = %scan3A to %scan3A_6 step %scan3A_7  : i32 {
      %mul3A_42 = arith.constant 1 : i32
      %mul3A_43 = arith.muli %scan3A_41, %mul3A_42 : i32
      %add3A_44 = arith.constant 0 : i32
      %add3A_45 = arith.addi %add3A_44, %mul3A_43 : i32
      %mul3A_46 = arith.constant 20000 : i32
      %mul3A_47 = arith.muli %arg1, %mul3A_46 : i32
      %mul3A_48 = arith.constant 2000 : i32
      %mul3A_49 = arith.muli %add3A_45, %mul3A_48 : i32
      %add3A_50 = arith.addi %mul3A_47, %mul3A_49 : i32
      "tpu.region"() ({
        %run_scoped3A = tpu.sem_alloc : memref<!tpu.dma_semaphore, #tpu.memory_space<semaphore_mem>>
        %dma_start3A_654 = tpu.memref_slice %arg3[%add3A_50] : memref<320000xi32, #tpu.memory_space<hbm>> -> memref<2000xi32, #tpu.memory_space<hbm>>
        %dma_start3A_655 = tpu.memref_slice %arg3[%add3A_50] : memref<320000xi32, #tpu.memory_space<hbm>> -> memref<2000xi32, #tpu.memory_space<hbm>>
        tpu.enqueue_dma source(%dma_start3A_655 : memref<2000xi32, #tpu.memory_space<hbm>>) target(%arg6 : memref<2000xi32, #tpu.memory_space<vmem>>) target_semaphore(%run_scoped3A : memref<!tpu.dma_semaphore, #tpu.memory_space<semaphore_mem>>)
        %dma_wait3A_656 = tpu.memref_slice %arg3[%add3A_50] : memref<320000xi32, #tpu.memory_space<hbm>> -> memref<2000xi32, #tpu.memory_space<hbm>>
        %dma_wait3A_657 = tpu.memref_slice %arg3[%add3A_50] : memref<320000xi32, #tpu.memory_space<hbm>> -> memref<2000xi32, #tpu.memory_space<hbm>>
        tpu.wait_dma2 semaphore(%run_scoped3A : memref<!tpu.dma_semaphore, #tpu.memory_space<semaphore_mem>>) src(%dma_wait3A_657 : memref<2000xi32, #tpu.memory_space<hbm>>) dst(%arg6 : memref<2000xi32, #tpu.memory_space<vmem>>)
        tpu.yield
      }) : () -> ()
      %scan3A_51 = arith.constant 0 : i32
      %scan3A_52 = arith.constant 25 : i32
      %scan3A_53 = arith.addi %scan3A_51, %scan3A_52 : i32
      %scan3A_54 = arith.constant 1 : i32
      scf.for %scan3A_654 = %scan3A_51 to %scan3A_53 step %scan3A_54  : i32 {
        %mul3A_655 = arith.constant 1 : i32
        %mul3A_656 = arith.muli %scan3A_654, %mul3A_655 : i32
        %add3A_657 = arith.constant 0 : i32
        %add3A_658 = arith.addi %add3A_657, %mul3A_656 : i32
        %mul3A_659 = arith.constant 80 : i32
        %mul3A_660 = arith.muli %add3A_658, %mul3A_659 : i32
        %add3A_661 = arith.constant 0 : i32
        %add3A_662 = arith.addi %mul3A_660, %add3A_661 : i32
        %get3A = arith.index_cast %add3A_662 : i32 to index
        %get3A_663 = tpu.vector_load %arg6[%get3A] {strides = array<i32>} : memref<2000xi32, #tpu.memory_space<vmem>>, vector<16xi32>,
        %get3A_664 = vector.shape_cast %get3A_663 : vector<16xi32> to vector<16xi32>
        %sub3A = vector.broadcast %mul3A_4 : i32 to vector<16xi32>
        %sub3A_665 = arith.subi %get3A_664, %sub3A : vector<16xi32>
        %ge3A = arith.constant 0 : i32
        %ge3A_666 = vector.broadcast %ge3A : i32 to vector<16xi32>
        %ge3A_667 = arith.cmpi sge, %sub3A_665, %ge3A_666 : vector<16xi32>
        %lt3A = arith.constant 5000 : i32
        %lt3A_668 = vector.broadcast %lt3A : i32 to vector<16xi32>
        %lt3A_669 = arith.cmpi slt, %sub3A_665, %lt3A_668 : vector<16xi32>
        %and3A = arith.andi %ge3A_667, %lt3A_669 : vector<16xi1>
        %broadcast_in_dim3A = arith.constant 5000 : i32
        %broadcast_in_dim3A_670 = vector.broadcast %broadcast_in_dim3A : i32 to vector<16xi32>
        %select_n3A = arith.select %and3A, %sub3A_665, %broadcast_in_dim3A_670 : vector<16xi1>, vector<16xi32>
        %swap3A = arith.index_cast %add3A_658 : i32 to index
        %swap3A_671 = arith.constant 0 : index
        %swap3A_672 = tpu.vector_load %arg7[%swap3A, %swap3A_671] {strides = array<i32>} : memref<25x80xi32, #tpu.memory_space<vmem>>, vector<1x16xi32>,
        %swap3A_673 = vector.shape_cast %swap3A_672 : vector<1x16xi32> to vector<16xi32>
        %swap3A_674 = vector.shape_cast %select_n3A : vector<16xi32> to vector<1x16xi32>
        tpu.vector_store %arg7[%swap3A, %swap3A_671], %swap3A_674 {strides = array<i32>} : memref<25x80xi32, #tpu.memory_space<vmem>>, vector<1x16xi32>,
        %mul3A_675 = arith.constant 80 : i32
        %mul3A_676 = arith.muli %add3A_658, %mul3A_675 : i32
        %add3A_677 = arith.constant 16 : i32
        %add3A_678 = arith.addi %mul3A_676, %add3A_677 : i32
        %get3A_679 = arith.index_cast %add3A_678 : i32 to index
        %get3A_680 = tpu.vector_load %arg6[%get3A_679] {strides = array<i32>} : memref<2000xi32, #tpu.memory_space<vmem>>, vector<16xi32>,
        %get3A_681 = vector.shape_cast %get3A_680 : vector<16xi32> to vector<16xi32>
        %sub3A_682 = vector.broadcast %mul3A_4 : i32 to vector<16xi32>
        %sub3A_683 = arith.subi %get3A_681, %sub3A_682 : vector<16xi32>
        %ge3A_684 = arith.constant 0 : i32
        %ge3A_685 = vector.broadcast %ge3A_684 : i32 to vector<16xi32>
        %ge3A_686 = arith.cmpi sge, %sub3A_683, %ge3A_685 : vector<16xi32>
        %lt3A_687 = arith.constant 5000 : i32
        %lt3A_688 = vector.broadcast %lt3A_687 : i32 to vector<16xi32>
        %lt3A_689 = arith.cmpi slt, %sub3A_683, %lt3A_688 : vector<16xi32>
        %and3A_690 = arith.andi %ge3A_686, %lt3A_689 : vector<16xi1>
        %broadcast_in_dim3A_691 = arith.constant 5000 : i32
        %broadcast_in_dim3A_692 = vector.broadcast %broadcast_in_dim3A_691 : i32 to vector<16xi32>
        %select_n3A_693 = arith.select %and3A_690, %sub3A_683, %broadcast_in_dim3A_692 : vector<16xi1>, vector<16xi32>
        %swap3A_694 = arith.index_cast %add3A_658 : i32 to index
        %swap3A_695 = arith.constant 16 : index
        %swap3A_696 = tpu.vector_load %arg7[%swap3A_694, %swap3A_695] {strides = array<i32>} : memref<25x80xi32, #tpu.memory_space<vmem>>, vector<1x16xi32>,
        %swap3A_697 = vector.shape_cast %swap3A_696 : vector<1x16xi32> to vector<16xi32>
        %swap3A_698 = vector.shape_cast %select_n3A_693 : vector<16xi32> to vector<1x16xi32>
        tpu.vector_store %arg7[%swap3A_694, %swap3A_695], %swap3A_698 {strides = array<i32>} : memref<25x80xi32, #tpu.memory_space<vmem>>, vector<1x16xi32>,
        %mul3A_699 = arith.constant 80 : i32
        %mul3A_700 = arith.muli %add3A_658, %mul3A_699 : i32
        %add3A_701 = arith.constant 32 : i32
        %add3A_702 = arith.addi %mul3A_700, %add3A_701 : i32
        %get3A_703 = arith.index_cast %add3A_702 : i32 to index
        %get3A_704 = tpu.vector_load %arg6[%get3A_703] {strides = array<i32>} : memref<2000xi32, #tpu.memory_space<vmem>>, vector<16xi32>,
        %get3A_705 = vector.shape_cast %get3A_704 : vector<16xi32> to vector<16xi32>
        %sub3A_706 = vector.broadcast %mul3A_4 : i32 to vector<16xi32>
        %sub3A_707 = arith.subi %get3A_705, %sub3A_706 : vector<16xi32>
        %ge3A_708 = arith.constant 0 : i32
        %ge3A_709 = vector.broadcast %ge3A_708 : i32 to vector<16xi32>
        %ge3A_710 = arith.cmpi sge, %sub3A_707, %ge3A_709 : vector<16xi32>
        %lt3A_711 = arith.constant 5000 : i32
        %lt3A_712 = vector.broadcast %lt3A_711 : i32 to vector<16xi32>
        %lt3A_713 = arith.cmpi slt, %sub3A_707, %lt3A_712 : vector<16xi32>
        %and3A_714 = arith.andi %ge3A_710, %lt3A_713 : vector<16xi1>
        %broadcast_in_dim3A_715 = arith.constant 5000 : i32
        %broadcast_in_dim3A_716 = vector.broadcast %broadcast_in_dim3A_715 : i32 to vector<16xi32>
        %select_n3A_717 = arith.select %and3A_714, %sub3A_707, %broadcast_in_dim3A_716 : vector<16xi1>, vector<16xi32>
        %swap3A_718 = arith.index_cast %add3A_658 : i32 to index
        %swap3A_719 = arith.constant 32 : index
        %swap3A_720 = tpu.vector_load %arg7[%swap3A_718, %swap3A_719] {strides = array<i32>} : memref<25x80xi32, #tpu.memory_space<vmem>>, vector<1x16xi32>,
        %swap3A_721 = vector.shape_cast %swap3A_720 : vector<1x16xi32> to vector<16xi32>
        %swap3A_722 = vector.shape_cast %select_n3A_717 : vector<16xi32> to vector<1x16xi32>
        tpu.vector_store %arg7[%swap3A_718, %swap3A_719], %swap3A_722 {strides = array<i32>} : memref<25x80xi32, #tpu.memory_space<vmem>>, vector<1x16xi32>,
        %mul3A_723 = arith.constant 80 : i32
        %mul3A_724 = arith.muli %add3A_658, %mul3A_723 : i32
        %add3A_725 = arith.constant 48 : i32
        %add3A_726 = arith.addi %mul3A_724, %add3A_725 : i32
        %get3A_727 = arith.index_cast %add3A_726 : i32 to index
        %get3A_728 = tpu.vector_load %arg6[%get3A_727] {strides = array<i32>} : memref<2000xi32, #tpu.memory_space<vmem>>, vector<16xi32>,
        %get3A_729 = vector.shape_cast %get3A_728 : vector<16xi32> to vector<16xi32>
        %sub3A_730 = vector.broadcast %mul3A_4 : i32 to vector<16xi32>
        %sub3A_731 = arith.subi %get3A_729, %sub3A_730 : vector<16xi32>
        %ge3A_732 = arith.constant 0 : i32
        %ge3A_733 = vector.broadcast %ge3A_732 : i32 to vector<16xi32>
        %ge3A_734 = arith.cmpi sge, %sub3A_731, %ge3A_733 : vector<16xi32>
        %lt3A_735 = arith.constant 5000 : i32
        %lt3A_736 = vector.broadcast %lt3A_735 : i32 to vector<16xi32>
        %lt3A_737 = arith.cmpi slt, %sub3A_731, %lt3A_736 : vector<16xi32>
        %and3A_738 = arith.andi %ge3A_734, %lt3A_737 : vector<16xi1>
        %broadcast_in_dim3A_739 = arith.constant 5000 : i32
        %broadcast_in_dim3A_740 = vector.broadcast %broadcast_in_dim3A_739 : i32 to vector<16xi32>
        %select_n3A_741 = arith.select %and3A_738, %sub3A_731, %broadcast_in_dim3A_740 : vector<16xi1>, vector<16xi32>
        %swap3A_742 = arith.index_cast %add3A_658 : i32 to index
        %swap3A_743 = arith.constant 48 : index
        %swap3A_744 = tpu.vector_load %arg7[%swap3A_742, %swap3A_743] {strides = array<i32>} : memref<25x80xi32, #tpu.memory_space<vmem>>, vector<1x16xi32>,
        %swap3A_745 = vector.shape_cast %swap3A_744 : vector<1x16xi32> to vector<16xi32>
        %swap3A_746 = vector.shape_cast %select_n3A_741 : vector<16xi32> to vector<1x16xi32>
        tpu.vector_store %arg7[%swap3A_742, %swap3A_743], %swap3A_746 {strides = array<i32>} : memref<25x80xi32, #tpu.memory_space<vmem>>, vector<1x16xi32>,
        %mul3A_747 = arith.constant 80 : i32
        %mul3A_748 = arith.muli %add3A_658, %mul3A_747 : i32
        %add3A_749 = arith.constant 64 : i32
        %add3A_750 = arith.addi %mul3A_748, %add3A_749 : i32
        %get3A_751 = arith.index_cast %add3A_750 : i32 to index
        %get3A_752 = tpu.vector_load %arg6[%get3A_751] {strides = array<i32>} : memref<2000xi32, #tpu.memory_space<vmem>>, vector<16xi32>,
        %get3A_753 = vector.shape_cast %get3A_752 : vector<16xi32> to vector<16xi32>
        %sub3A_754 = vector.broadcast %mul3A_4 : i32 to vector<16xi32>
        %sub3A_755 = arith.subi %get3A_753, %sub3A_754 : vector<16xi32>
        %ge3A_756 = arith.constant 0 : i32
        %ge3A_757 = vector.broadcast %ge3A_756 : i32 to vector<16xi32>
        %ge3A_758 = arith.cmpi sge, %sub3A_755, %ge3A_757 : vector<16xi32>
        %lt3A_759 = arith.constant 5000 : i32
        %lt3A_760 = vector.broadcast %lt3A_759 : i32 to vector<16xi32>
        %lt3A_761 = arith.cmpi slt, %sub3A_755, %lt3A_760 : vector<16xi32>
        %and3A_762 = arith.andi %ge3A_758, %lt3A_761 : vector<16xi1>
        %broadcast_in_dim3A_763 = arith.constant 5000 : i32
        %broadcast_in_dim3A_764 = vector.broadcast %broadcast_in_dim3A_763 : i32 to vector<16xi32>
        %select_n3A_765 = arith.select %and3A_762, %sub3A_755, %broadcast_in_dim3A_764 : vector<16xi1>, vector<16xi32>
        %swap3A_766 = arith.index_cast %add3A_658 : i32 to index
        %swap3A_767 = arith.constant 64 : index
        %swap3A_768 = tpu.vector_load %arg7[%swap3A_766, %swap3A_767] {strides = array<i32>} : memref<25x80xi32, #tpu.memory_space<vmem>>, vector<1x16xi32>,
        %swap3A_769 = vector.shape_cast %swap3A_768 : vector<1x16xi32> to vector<16xi32>
        %swap3A_770 = vector.shape_cast %select_n3A_765 : vector<16xi32> to vector<1x16xi32>
        tpu.vector_store %arg7[%swap3A_766, %swap3A_767], %swap3A_770 {strides = array<i32>} : memref<25x80xi32, #tpu.memory_space<vmem>>, vector<1x16xi32>,
      }
      %scan3A_55 = arith.constant 25 : i32
      %add3A_56 = arith.constant 0 : i32
      %add3A_57 = arith.addi %add3A_50, %add3A_56 : i32
      %dma_start3A = arith.constant 0 : i32
      %dma_start3A_58 = tpu.memref_slice %arg2[%add3A_57, %dma_start3A] : memref<320000x16xf32, #tpu.memory_space<hbm>> -> memref<80x16xf32, #tpu.memory_space<hbm>>
      %dma_start3A_59 = arith.constant 0 : i32
      %dma_start3A_60 = tpu.memref_slice %arg2[%add3A_57, %dma_start3A_59] : memref<320000x16xf32, #tpu.memory_space<hbm>> -> memref<80x16xf32, #tpu.memory_space<hbm>>
      tpu.enqueue_dma source(%dma_start3A_60 : memref<80x16xf32, #tpu.memory_space<hbm>>) target(%arg8 : memref<80x16xf32, #tpu.memory_space<vmem>>) target_semaphore(%arg35 : memref<!tpu.dma_semaphore, #tpu.memory_space<semaphore_mem>>)
      %add3A_61 = arith.constant 80 : i32
      %add3A_62 = arith.addi %add3A_50, %add3A_61 : i32
      %dma_start3A_63 = arith.constant 0 : i32
      %dma_start3A_64 = tpu.memref_slice %arg2[%add3A_62, %dma_start3A_63] : memref<320000x16xf32, #tpu.memory_space<hbm>> -> memref<80x16xf32, #tpu.memory_space<hbm>>
      %dma_start3A_65 = arith.constant 0 : i32
      %dma_start3A_66 = tpu.memref_slice %arg2[%add3A_62, %dma_start3A_65] : memref<320000x16xf32, #tpu.memory_space<hbm>> -> memref<80x16xf32, #tpu.memory_space<hbm>>
      tpu.enqueue_dma source(%dma_start3A_66 : memref<80x16xf32, #tpu.memory_space<hbm>>) target(%arg9 : memref<80x16xf32, #tpu.memory_space<vmem>>) target_semaphore(%arg35 : memref<!tpu.dma_semaphore, #tpu.memory_space<semaphore_mem>>)
      %add3A_67 = arith.constant 160 : i32
      %add3A_68 = arith.addi %add3A_50, %add3A_67 : i32
      %dma_start3A_69 = arith.constant 0 : i32
      %dma_start3A_70 = tpu.memref_slice %arg2[%add3A_68, %dma_start3A_69] : memref<320000x16xf32, #tpu.memory_space<hbm>> -> memref<80x16xf32, #tpu.memory_space<hbm>>
      %dma_start3A_71 = arith.constant 0 : i32
      %dma_start3A_72 = tpu.memref_slice %arg2[%add3A_68, %dma_start3A_71] : memref<320000x16xf32, #tpu.memory_space<hbm>> -> memref<80x16xf32, #tpu.memory_space<hbm>>
      tpu.enqueue_dma source(%dma_start3A_72 : memref<80x16xf32, #tpu.memory_space<hbm>>) target(%arg10 : memref<80x16xf32, #tpu.memory_space<vmem>>) target_semaphore(%arg35 : memref<!tpu.dma_semaphore, #tpu.memory_space<semaphore_mem>>)
      %add3A_73 = arith.constant 240 : i32
      %add3A_74 = arith.addi %add3A_50, %add3A_73 : i32
      %dma_start3A_75 = arith.constant 0 : i32
      %dma_start3A_76 = tpu.memref_slice %arg2[%add3A_74, %dma_start3A_75] : memref<320000x16xf32, #tpu.memory_space<hbm>> -> memref<80x16xf32, #tpu.memory_space<hbm>>
      %dma_start3A_77 = arith.constant 0 : i32
      %dma_start3A_78 = tpu.memref_slice %arg2[%add3A_74, %dma_start3A_77] : memref<320000x16xf32, #tpu.memory_space<hbm>> -> memref<80x16xf32, #tpu.memory_space<hbm>>
      tpu.enqueue_dma source(%dma_start3A_78 : memref<80x16xf32, #tpu.memory_space<hbm>>) target(%arg11 : memref<80x16xf32, #tpu.memory_space<vmem>>) target_semaphore(%arg35 : memref<!tpu.dma_semaphore, #tpu.memory_space<semaphore_mem>>)
      %add3A_79 = arith.constant 320 : i32
      %add3A_80 = arith.addi %add3A_50, %add3A_79 : i32
      %dma_start3A_81 = arith.constant 0 : i32
      %dma_start3A_82 = tpu.memref_slice %arg2[%add3A_80, %dma_start3A_81] : memref<320000x16xf32, #tpu.memory_space<hbm>> -> memref<80x16xf32, #tpu.memory_space<hbm>>
      %dma_start3A_83 = arith.constant 0 : i32
      %dma_start3A_84 = tpu.memref_slice %arg2[%add3A_80, %dma_start3A_83] : memref<320000x16xf32, #tpu.memory_space<hbm>> -> memref<80x16xf32, #tpu.memory_space<hbm>>
      tpu.enqueue_dma source(%dma_start3A_84 : memref<80x16xf32, #tpu.memory_space<hbm>>) target(%arg12 : memref<80x16xf32, #tpu.memory_space<vmem>>) target_semaphore(%arg35 : memref<!tpu.dma_semaphore, #tpu.memory_space<semaphore_mem>>)
      %add3A_85 = arith.constant 400 : i32
      %add3A_86 = arith.addi %add3A_50, %add3A_85 : i32
      %dma_start3A_87 = arith.constant 0 : i32
      %dma_start3A_88 = tpu.memref_slice %arg2[%add3A_86, %dma_start3A_87] : memref<320000x16xf32, #tpu.memory_space<hbm>> -> memref<80x16xf32, #tpu.memory_space<hbm>>
      %dma_start3A_89 = arith.constant 0 : i32
      %dma_start3A_90 = tpu.memref_slice %arg2[%add3A_86, %dma_start3A_89] : memref<320000x16xf32, #tpu.memory_space<hbm>> -> memref<80x16xf32, #tpu.memory_space<hbm>>
      tpu.enqueue_dma source(%dma_start3A_90 : memref<80x16xf32, #tpu.memory_space<hbm>>) target(%arg13 : memref<80x16xf32, #tpu.memory_space<vmem>>) target_semaphore(%arg35 : memref<!tpu.dma_semaphore, #tpu.memory_space<semaphore_mem>>)
      %add3A_91 = arith.constant 480 : i32
      %add3A_92 = arith.addi %add3A_50, %add3A_91 : i32
      %dma_start3A_93 = arith.constant 0 : i32
      %dma_start3A_94 = tpu.memref_slice %arg2[%add3A_92, %dma_start3A_93] : memref<320000x16xf32, #tpu.memory_space<hbm>> -> memref<80x16xf32, #tpu.memory_space<hbm>>
      %dma_start3A_95 = arith.constant 0 : i32
      %dma_start3A_96 = tpu.memref_slice %arg2[%add3A_92, %dma_start3A_95] : memref<320000x16xf32, #tpu.memory_space<hbm>> -> memref<80x16xf32, #tpu.memory_space<hbm>>
      tpu.enqueue_dma source(%dma_start3A_96 : memref<80x16xf32, #tpu.memory_space<hbm>>) target(%arg14 : memref<80x16xf32, #tpu.memory_space<vmem>>) target_semaphore(%arg35 : memref<!tpu.dma_semaphore, #tpu.memory_space<semaphore_mem>>)
      %add3A_97 = arith.constant 560 : i32
      %add3A_98 = arith.addi %add3A_50, %add3A_97 : i32
      %dma_start3A_99 = arith.constant 0 : i32
      %dma_start3A_100 = tpu.memref_slice %arg2[%add3A_98, %dma_start3A_99] : memref<320000x16xf32, #tpu.memory_space<hbm>> -> memref<80x16xf32, #tpu.memory_space<hbm>>
      %dma_start3A_101 = arith.constant 0 : i32
      %dma_start3A_102 = tpu.memref_slice %arg2[%add3A_98, %dma_start3A_101] : memref<320000x16xf32, #tpu.memory_space<hbm>> -> memref<80x16xf32, #tpu.memory_space<hbm>>
      tpu.enqueue_dma source(%dma_start3A_102 : memref<80x16xf32, #tpu.memory_space<hbm>>) target(%arg15 : memref<80x16xf32, #tpu.memory_space<vmem>>) target_semaphore(%arg35 : memref<!tpu.dma_semaphore, #tpu.memory_space<semaphore_mem>>)
      %add3A_103 = arith.constant 640 : i32
      %add3A_104 = arith.addi %add3A_50, %add3A_103 : i32
      %dma_start3A_105 = arith.constant 0 : i32
      %dma_start3A_106 = tpu.memref_slice %arg2[%add3A_104, %dma_start3A_105] : memref<320000x16xf32, #tpu.memory_space<hbm>> -> memref<80x16xf32, #tpu.memory_space<hbm>>
      %dma_start3A_107 = arith.constant 0 : i32
      %dma_start3A_108 = tpu.memref_slice %arg2[%add3A_104, %dma_start3A_107] : memref<320000x16xf32, #tpu.memory_space<hbm>> -> memref<80x16xf32, #tpu.memory_space<hbm>>
      tpu.enqueue_dma source(%dma_start3A_108 : memref<80x16xf32, #tpu.memory_space<hbm>>) target(%arg16 : memref<80x16xf32, #tpu.memory_space<vmem>>) target_semaphore(%arg35 : memref<!tpu.dma_semaphore, #tpu.memory_space<semaphore_mem>>)
      %add3A_109 = arith.constant 720 : i32
      %add3A_110 = arith.addi %add3A_50, %add3A_109 : i32
      %dma_start3A_111 = arith.constant 0 : i32
      %dma_start3A_112 = tpu.memref_slice %arg2[%add3A_110, %dma_start3A_111] : memref<320000x16xf32, #tpu.memory_space<hbm>> -> memref<80x16xf32, #tpu.memory_space<hbm>>
      %dma_start3A_113 = arith.constant 0 : i32
      %dma_start3A_114 = tpu.memref_slice %arg2[%add3A_110, %dma_start3A_113] : memref<320000x16xf32, #tpu.memory_space<hbm>> -> memref<80x16xf32, #tpu.memory_space<hbm>>
      tpu.enqueue_dma source(%dma_start3A_114 : memref<80x16xf32, #tpu.memory_space<hbm>>) target(%arg17 : memref<80x16xf32, #tpu.memory_space<vmem>>) target_semaphore(%arg35 : memref<!tpu.dma_semaphore, #tpu.memory_space<semaphore_mem>>)
      %add3A_115 = arith.constant 800 : i32
      %add3A_116 = arith.addi %add3A_50, %add3A_115 : i32
      %dma_start3A_117 = arith.constant 0 : i32
      %dma_start3A_118 = tpu.memref_slice %arg2[%add3A_116, %dma_start3A_117] : memref<320000x16xf32, #tpu.memory_space<hbm>> -> memref<80x16xf32, #tpu.memory_space<hbm>>
      %dma_start3A_119 = arith.constant 0 : i32
      %dma_start3A_120 = tpu.memref_slice %arg2[%add3A_116, %dma_start3A_119] : memref<320000x16xf32, #tpu.memory_space<hbm>> -> memref<80x16xf32, #tpu.memory_space<hbm>>
      tpu.enqueue_dma source(%dma_start3A_120 : memref<80x16xf32, #tpu.memory_space<hbm>>) target(%arg18 : memref<80x16xf32, #tpu.memory_space<vmem>>) target_semaphore(%arg35 : memref<!tpu.dma_semaphore, #tpu.memory_space<semaphore_mem>>)
      %add3A_121 = arith.constant 880 : i32
      %add3A_122 = arith.addi %add3A_50, %add3A_121 : i32
      %dma_start3A_123 = arith.constant 0 : i32
      %dma_start3A_124 = tpu.memref_slice %arg2[%add3A_122, %dma_start3A_123] : memref<320000x16xf32, #tpu.memory_space<hbm>> -> memref<80x16xf32, #tpu.memory_space<hbm>>
      %dma_start3A_125 = arith.constant 0 : i32
      %dma_start3A_126 = tpu.memref_slice %arg2[%add3A_122, %dma_start3A_125] : memref<320000x16xf32, #tpu.memory_space<hbm>> -> memref<80x16xf32, #tpu.memory_space<hbm>>
      tpu.enqueue_dma source(%dma_start3A_126 : memref<80x16xf32, #tpu.memory_space<hbm>>) target(%arg19 : memref<80x16xf32, #tpu.memory_space<vmem>>) target_semaphore(%arg35 : memref<!tpu.dma_semaphore, #tpu.memory_space<semaphore_mem>>)
      %add3A_127 = arith.constant 960 : i32
      %add3A_128 = arith.addi %add3A_50, %add3A_127 : i32
      %dma_start3A_129 = arith.constant 0 : i32
      %dma_start3A_130 = tpu.memref_slice %arg2[%add3A_128, %dma_start3A_129] : memref<320000x16xf32, #tpu.memory_space<hbm>> -> memref<80x16xf32, #tpu.memory_space<hbm>>
      %dma_start3A_131 = arith.constant 0 : i32
      %dma_start3A_132 = tpu.memref_slice %arg2[%add3A_128, %dma_start3A_131] : memref<320000x16xf32, #tpu.memory_space<hbm>> -> memref<80x16xf32, #tpu.memory_space<hbm>>
      tpu.enqueue_dma source(%dma_start3A_132 : memref<80x16xf32, #tpu.memory_space<hbm>>) target(%arg20 : memref<80x16xf32, #tpu.memory_space<vmem>>) target_semaphore(%arg35 : memref<!tpu.dma_semaphore, #tpu.memory_space<semaphore_mem>>)
      %add3A_133 = arith.constant 1040 : i32
      %add3A_134 = arith.addi %add3A_50, %add3A_133 : i32
      %dma_start3A_135 = arith.constant 0 : i32
      %dma_start3A_136 = tpu.memref_slice %arg2[%add3A_134, %dma_start3A_135] : memref<320000x16xf32, #tpu.memory_space<hbm>> -> memref<80x16xf32, #tpu.memory_space<hbm>>
      %dma_start3A_137 = arith.constant 0 : i32
      %dma_start3A_138 = tpu.memref_slice %arg2[%add3A_134, %dma_start3A_137] : memref<320000x16xf32, #tpu.memory_space<hbm>> -> memref<80x16xf32, #tpu.memory_space<hbm>>
      tpu.enqueue_dma source(%dma_start3A_138 : memref<80x16xf32, #tpu.memory_space<hbm>>) target(%arg21 : memref<80x16xf32, #tpu.memory_space<vmem>>) target_semaphore(%arg35 : memref<!tpu.dma_semaphore, #tpu.memory_space<semaphore_mem>>)
      %add3A_139 = arith.constant 1120 : i32
      %add3A_140 = arith.addi %add3A_50, %add3A_139 : i32
      %dma_start3A_141 = arith.constant 0 : i32
      %dma_start3A_142 = tpu.memref_slice %arg2[%add3A_140, %dma_start3A_141] : memref<320000x16xf32, #tpu.memory_space<hbm>> -> memref<80x16xf32, #tpu.memory_space<hbm>>
      %dma_start3A_143 = arith.constant 0 : i32
      %dma_start3A_144 = tpu.memref_slice %arg2[%add3A_140, %dma_start3A_143] : memref<320000x16xf32, #tpu.memory_space<hbm>> -> memref<80x16xf32, #tpu.memory_space<hbm>>
      tpu.enqueue_dma source(%dma_start3A_144 : memref<80x16xf32, #tpu.memory_space<hbm>>) target(%arg22 : memref<80x16xf32, #tpu.memory_space<vmem>>) target_semaphore(%arg35 : memref<!tpu.dma_semaphore, #tpu.memory_space<semaphore_mem>>)
      %add3A_145 = arith.constant 1200 : i32
      %add3A_146 = arith.addi %add3A_50, %add3A_145 : i32
      %dma_start3A_147 = arith.constant 0 : i32
      %dma_start3A_148 = tpu.memref_slice %arg2[%add3A_146, %dma_start3A_147] : memref<320000x16xf32, #tpu.memory_space<hbm>> -> memref<80x16xf32, #tpu.memory_space<hbm>>
      %dma_start3A_149 = arith.constant 0 : i32
      %dma_start3A_150 = tpu.memref_slice %arg2[%add3A_146, %dma_start3A_149] : memref<320000x16xf32, #tpu.memory_space<hbm>> -> memref<80x16xf32, #tpu.memory_space<hbm>>
      tpu.enqueue_dma source(%dma_start3A_150 : memref<80x16xf32, #tpu.memory_space<hbm>>) target(%arg23 : memref<80x16xf32, #tpu.memory_space<vmem>>) target_semaphore(%arg35 : memref<!tpu.dma_semaphore, #tpu.memory_space<semaphore_mem>>)
      %add3A_151 = arith.constant 1280 : i32
      %add3A_152 = arith.addi %add3A_50, %add3A_151 : i32
      %dma_start3A_153 = arith.constant 0 : i32
      %dma_start3A_154 = tpu.memref_slice %arg2[%add3A_152, %dma_start3A_153] : memref<320000x16xf32, #tpu.memory_space<hbm>> -> memref<80x16xf32, #tpu.memory_space<hbm>>
      %dma_start3A_155 = arith.constant 0 : i32
      %dma_start3A_156 = tpu.memref_slice %arg2[%add3A_152, %dma_start3A_155] : memref<320000x16xf32, #tpu.memory_space<hbm>> -> memref<80x16xf32, #tpu.memory_space<hbm>>
      tpu.enqueue_dma source(%dma_start3A_156 : memref<80x16xf32, #tpu.memory_space<hbm>>) target(%arg24 : memref<80x16xf32, #tpu.memory_space<vmem>>) target_semaphore(%arg35 : memref<!tpu.dma_semaphore, #tpu.memory_space<semaphore_mem>>)
      %add3A_157 = arith.constant 1360 : i32
      %add3A_158 = arith.addi %add3A_50, %add3A_157 : i32
      %dma_start3A_159 = arith.constant 0 : i32
      %dma_start3A_160 = tpu.memref_slice %arg2[%add3A_158, %dma_start3A_159] : memref<320000x16xf32, #tpu.memory_space<hbm>> -> memref<80x16xf32, #tpu.memory_space<hbm>>
      %dma_start3A_161 = arith.constant 0 : i32
      %dma_start3A_162 = tpu.memref_slice %arg2[%add3A_158, %dma_start3A_161] : memref<320000x16xf32, #tpu.memory_space<hbm>> -> memref<80x16xf32, #tpu.memory_space<hbm>>
      tpu.enqueue_dma source(%dma_start3A_162 : memref<80x16xf32, #tpu.memory_space<hbm>>) target(%arg25 : memref<80x16xf32, #tpu.memory_space<vmem>>) target_semaphore(%arg35 : memref<!tpu.dma_semaphore, #tpu.memory_space<semaphore_mem>>)
      %add3A_163 = arith.constant 1440 : i32
      %add3A_164 = arith.addi %add3A_50, %add3A_163 : i32
      %dma_start3A_165 = arith.constant 0 : i32
      %dma_start3A_166 = tpu.memref_slice %arg2[%add3A_164, %dma_start3A_165] : memref<320000x16xf32, #tpu.memory_space<hbm>> -> memref<80x16xf32, #tpu.memory_space<hbm>>
      %dma_start3A_167 = arith.constant 0 : i32
      %dma_start3A_168 = tpu.memref_slice %arg2[%add3A_164, %dma_start3A_167] : memref<320000x16xf32, #tpu.memory_space<hbm>> -> memref<80x16xf32, #tpu.memory_space<hbm>>
      tpu.enqueue_dma source(%dma_start3A_168 : memref<80x16xf32, #tpu.memory_space<hbm>>) target(%arg26 : memref<80x16xf32, #tpu.memory_space<vmem>>) target_semaphore(%arg35 : memref<!tpu.dma_semaphore, #tpu.memory_space<semaphore_mem>>)
      %add3A_169 = arith.constant 1520 : i32
      %add3A_170 = arith.addi %add3A_50, %add3A_169 : i32
      %dma_start3A_171 = arith.constant 0 : i32
      %dma_start3A_172 = tpu.memref_slice %arg2[%add3A_170, %dma_start3A_171] : memref<320000x16xf32, #tpu.memory_space<hbm>> -> memref<80x16xf32, #tpu.memory_space<hbm>>
      %dma_start3A_173 = arith.constant 0 : i32
      %dma_start3A_174 = tpu.memref_slice %arg2[%add3A_170, %dma_start3A_173] : memref<320000x16xf32, #tpu.memory_space<hbm>> -> memref<80x16xf32, #tpu.memory_space<hbm>>
      tpu.enqueue_dma source(%dma_start3A_174 : memref<80x16xf32, #tpu.memory_space<hbm>>) target(%arg27 : memref<80x16xf32, #tpu.memory_space<vmem>>) target_semaphore(%arg35 : memref<!tpu.dma_semaphore, #tpu.memory_space<semaphore_mem>>)
      %add3A_175 = arith.constant 1600 : i32
      %add3A_176 = arith.addi %add3A_50, %add3A_175 : i32
      %dma_start3A_177 = arith.constant 0 : i32
      %dma_start3A_178 = tpu.memref_slice %arg2[%add3A_176, %dma_start3A_177] : memref<320000x16xf32, #tpu.memory_space<hbm>> -> memref<80x16xf32, #tpu.memory_space<hbm>>
      %dma_start3A_179 = arith.constant 0 : i32
      %dma_start3A_180 = tpu.memref_slice %arg2[%add3A_176, %dma_start3A_179] : memref<320000x16xf32, #tpu.memory_space<hbm>> -> memref<80x16xf32, #tpu.memory_space<hbm>>
      tpu.enqueue_dma source(%dma_start3A_180 : memref<80x16xf32, #tpu.memory_space<hbm>>) target(%arg28 : memref<80x16xf32, #tpu.memory_space<vmem>>) target_semaphore(%arg35 : memref<!tpu.dma_semaphore, #tpu.memory_space<semaphore_mem>>)
      %add3A_181 = arith.constant 1680 : i32
      %add3A_182 = arith.addi %add3A_50, %add3A_181 : i32
      %dma_start3A_183 = arith.constant 0 : i32
      %dma_start3A_184 = tpu.memref_slice %arg2[%add3A_182, %dma_start3A_183] : memref<320000x16xf32, #tpu.memory_space<hbm>> -> memref<80x16xf32, #tpu.memory_space<hbm>>
      %dma_start3A_185 = arith.constant 0 : i32
      %dma_start3A_186 = tpu.memref_slice %arg2[%add3A_182, %dma_start3A_185] : memref<320000x16xf32, #tpu.memory_space<hbm>> -> memref<80x16xf32, #tpu.memory_space<hbm>>
      tpu.enqueue_dma source(%dma_start3A_186 : memref<80x16xf32, #tpu.memory_space<hbm>>) target(%arg29 : memref<80x16xf32, #tpu.memory_space<vmem>>) target_semaphore(%arg35 : memref<!tpu.dma_semaphore, #tpu.memory_space<semaphore_mem>>)
      %add3A_187 = arith.constant 1760 : i32
      %add3A_188 = arith.addi %add3A_50, %add3A_187 : i32
      %dma_start3A_189 = arith.constant 0 : i32
      %dma_start3A_190 = tpu.memref_slice %arg2[%add3A_188, %dma_start3A_189] : memref<320000x16xf32, #tpu.memory_space<hbm>> -> memref<80x16xf32, #tpu.memory_space<hbm>>
      %dma_start3A_191 = arith.constant 0 : i32
      %dma_start3A_192 = tpu.memref_slice %arg2[%add3A_188, %dma_start3A_191] : memref<320000x16xf32, #tpu.memory_space<hbm>> -> memref<80x16xf32, #tpu.memory_space<hbm>>
      tpu.enqueue_dma source(%dma_start3A_192 : memref<80x16xf32, #tpu.memory_space<hbm>>) target(%arg30 : memref<80x16xf32, #tpu.memory_space<vmem>>) target_semaphore(%arg35 : memref<!tpu.dma_semaphore, #tpu.memory_space<semaphore_mem>>)
      %add3A_193 = arith.constant 1840 : i32
      %add3A_194 = arith.addi %add3A_50, %add3A_193 : i32
      %dma_start3A_195 = arith.constant 0 : i32
      %dma_start3A_196 = tpu.memref_slice %arg2[%add3A_194, %dma_start3A_195] : memref<320000x16xf32, #tpu.memory_space<hbm>> -> memref<80x16xf32, #tpu.memory_space<hbm>>
      %dma_start3A_197 = arith.constant 0 : i32
      %dma_start3A_198 = tpu.memref_slice %arg2[%add3A_194, %dma_start3A_197] : memref<320000x16xf32, #tpu.memory_space<hbm>> -> memref<80x16xf32, #tpu.memory_space<hbm>>
      tpu.enqueue_dma source(%dma_start3A_198 : memref<80x16xf32, #tpu.memory_space<hbm>>) target(%arg31 : memref<80x16xf32, #tpu.memory_space<vmem>>) target_semaphore(%arg35 : memref<!tpu.dma_semaphore, #tpu.memory_space<semaphore_mem>>)
      %add3A_199 = arith.constant 1920 : i32
      %add3A_200 = arith.addi %add3A_50, %add3A_199 : i32
      %dma_start3A_201 = arith.constant 0 : i32
      %dma_start3A_202 = tpu.memref_slice %arg2[%add3A_200, %dma_start3A_201] : memref<320000x16xf32, #tpu.memory_space<hbm>> -> memref<80x16xf32, #tpu.memory_space<hbm>>
      %dma_start3A_203 = arith.constant 0 : i32
      %dma_start3A_204 = tpu.memref_slice %arg2[%add3A_200, %dma_start3A_203] : memref<320000x16xf32, #tpu.memory_space<hbm>> -> memref<80x16xf32, #tpu.memory_space<hbm>>
      tpu.enqueue_dma source(%dma_start3A_204 : memref<80x16xf32, #tpu.memory_space<hbm>>) target(%arg32 : memref<80x16xf32, #tpu.memory_space<vmem>>) target_semaphore(%arg35 : memref<!tpu.dma_semaphore, #tpu.memory_space<semaphore_mem>>)
      %dma_wait3A = arith.constant 0 : i32
      %dma_wait3A_205 = tpu.memref_slice %arg2[%add3A_57, %dma_wait3A] : memref<320000x16xf32, #tpu.memory_space<hbm>> -> memref<80x16xf32, #tpu.memory_space<hbm>>
      %dma_wait3A_206 = arith.constant 0 : i32
      %dma_wait3A_207 = tpu.memref_slice %arg2[%add3A_57, %dma_wait3A_206] : memref<320000x16xf32, #tpu.memory_space<hbm>> -> memref<80x16xf32, #tpu.memory_space<hbm>>
      tpu.wait_dma2 semaphore(%arg35 : memref<!tpu.dma_semaphore, #tpu.memory_space<semaphore_mem>>) src(%dma_wait3A_207 : memref<80x16xf32, #tpu.memory_space<hbm>>) dst(%arg8 : memref<80x16xf32, #tpu.memory_space<vmem>>)
      %dma_start3A_208 = arith.constant 0 : i32
      %dma_start3A_209 = arith.constant 0 : i32
      %dma_start3A_210 = tpu.memref_slice %arg7[%dma_start3A_208, %dma_start3A_209] : memref<25x80xi32, #tpu.memory_space<vmem>> -> memref<1x80xi32, #tpu.memory_space<vmem>>
      %dma_start3A_211 = tpu.memref_squeeze %dma_start3A_210 : memref<1x80xi32, #tpu.memory_space<vmem>> -> memref<80xi32, #tpu.memory_space<vmem>>
      %dma_start3A_212 = arith.constant 0 : i32
      %dma_start3A_213 = arith.constant 0 : i32
      %dma_start3A_214 = tpu.memref_slice %arg34[%dma_start3A_212, %dma_start3A_213] : memref<5120x16xf32, #tpu.memory_space<vmem_shared>> -> memref<5120x16xf32, #tpu.memory_space<vmem_shared>>
      tpu.enqueue_indirect_dma source(%arg8 : memref<80x16xf32, #tpu.memory_space<vmem>>) target(%dma_start3A_214 : memref<5120x16xf32, #tpu.memory_space<vmem_shared>>) offsets(%dma_start3A_211 : memref<80xi32, #tpu.memory_space<vmem>>) semaphore(%arg36 : memref<!tpu.dma_semaphore, #tpu.memory_space<semaphore_mem>>) {add = true}
      %dma_wait3A_215 = arith.constant 0 : i32
      %dma_wait3A_216 = tpu.memref_slice %arg2[%add3A_62, %dma_wait3A_215] : memref<320000x16xf32, #tpu.memory_space<hbm>> -> memref<80x16xf32, #tpu.memory_space<hbm>>
      %dma_wait3A_217 = arith.constant 0 : i32
      %dma_wait3A_218 = tpu.memref_slice %arg2[%add3A_62, %dma_wait3A_217] : memref<320000x16xf32, #tpu.memory_space<hbm>> -> memref<80x16xf32, #tpu.memory_space<hbm>>
      tpu.wait_dma2 semaphore(%arg35 : memref<!tpu.dma_semaphore, #tpu.memory_space<semaphore_mem>>) src(%dma_wait3A_218 : memref<80x16xf32, #tpu.memory_space<hbm>>) dst(%arg9 : memref<80x16xf32, #tpu.memory_space<vmem>>)
      %dma_start3A_219 = arith.constant 1 : i32
      %dma_start3A_220 = arith.constant 0 : i32
      %dma_start3A_221 = tpu.memref_slice %arg7[%dma_start3A_219, %dma_start3A_220] : memref<25x80xi32, #tpu.memory_space<vmem>> -> memref<1x80xi32, #tpu.memory_space<vmem>>
      %dma_start3A_222 = tpu.memref_squeeze %dma_start3A_221 : memref<1x80xi32, #tpu.memory_space<vmem>> -> memref<80xi32, #tpu.memory_space<vmem>>
      %dma_start3A_223 = arith.constant 0 : i32
      %dma_start3A_224 = arith.constant 0 : i32
      %dma_start3A_225 = tpu.memref_slice %arg34[%dma_start3A_223, %dma_start3A_224] : memref<5120x16xf32, #tpu.memory_space<vmem_shared>> -> memref<5120x16xf32, #tpu.memory_space<vmem_shared>>
      tpu.enqueue_indirect_dma source(%arg9 : memref<80x16xf32, #tpu.memory_space<vmem>>) target(%dma_start3A_225 : memref<5120x16xf32, #tpu.memory_space<vmem_shared>>) offsets(%dma_start3A_222 : memref<80xi32, #tpu.memory_space<vmem>>) semaphore(%arg36 : memref<!tpu.dma_semaphore, #tpu.memory_space<semaphore_mem>>) {add = true}
      %dma_wait3A_226 = arith.constant 0 : i32
      %dma_wait3A_227 = tpu.memref_slice %arg2[%add3A_68, %dma_wait3A_226] : memref<320000x16xf32, #tpu.memory_space<hbm>> -> memref<80x16xf32, #tpu.memory_space<hbm>>
      %dma_wait3A_228 = arith.constant 0 : i32
      %dma_wait3A_229 = tpu.memref_slice %arg2[%add3A_68, %dma_wait3A_228] : memref<320000x16xf32, #tpu.memory_space<hbm>> -> memref<80x16xf32, #tpu.memory_space<hbm>>
      tpu.wait_dma2 semaphore(%arg35 : memref<!tpu.dma_semaphore, #tpu.memory_space<semaphore_mem>>) src(%dma_wait3A_229 : memref<80x16xf32, #tpu.memory_space<hbm>>) dst(%arg10 : memref<80x16xf32, #tpu.memory_space<vmem>>)
      %dma_start3A_230 = arith.constant 2 : i32
      %dma_start3A_231 = arith.constant 0 : i32
      %dma_start3A_232 = tpu.memref_slice %arg7[%dma_start3A_230, %dma_start3A_231] : memref<25x80xi32, #tpu.memory_space<vmem>> -> memref<1x80xi32, #tpu.memory_space<vmem>>
      %dma_start3A_233 = tpu.memref_squeeze %dma_start3A_232 : memref<1x80xi32, #tpu.memory_space<vmem>> -> memref<80xi32, #tpu.memory_space<vmem>>
      %dma_start3A_234 = arith.constant 0 : i32
      %dma_start3A_235 = arith.constant 0 : i32
      %dma_start3A_236 = tpu.memref_slice %arg34[%dma_start3A_234, %dma_start3A_235] : memref<5120x16xf32, #tpu.memory_space<vmem_shared>> -> memref<5120x16xf32, #tpu.memory_space<vmem_shared>>
      tpu.enqueue_indirect_dma source(%arg10 : memref<80x16xf32, #tpu.memory_space<vmem>>) target(%dma_start3A_236 : memref<5120x16xf32, #tpu.memory_space<vmem_shared>>) offsets(%dma_start3A_233 : memref<80xi32, #tpu.memory_space<vmem>>) semaphore(%arg36 : memref<!tpu.dma_semaphore, #tpu.memory_space<semaphore_mem>>) {add = true}
      %dma_wait3A_237 = arith.constant 0 : i32
      %dma_wait3A_238 = tpu.memref_slice %arg2[%add3A_74, %dma_wait3A_237] : memref<320000x16xf32, #tpu.memory_space<hbm>> -> memref<80x16xf32, #tpu.memory_space<hbm>>
      %dma_wait3A_239 = arith.constant 0 : i32
      %dma_wait3A_240 = tpu.memref_slice %arg2[%add3A_74, %dma_wait3A_239] : memref<320000x16xf32, #tpu.memory_space<hbm>> -> memref<80x16xf32, #tpu.memory_space<hbm>>
      tpu.wait_dma2 semaphore(%arg35 : memref<!tpu.dma_semaphore, #tpu.memory_space<semaphore_mem>>) src(%dma_wait3A_240 : memref<80x16xf32, #tpu.memory_space<hbm>>) dst(%arg11 : memref<80x16xf32, #tpu.memory_space<vmem>>)
      %dma_start3A_241 = arith.constant 3 : i32
      %dma_start3A_242 = arith.constant 0 : i32
      %dma_start3A_243 = tpu.memref_slice %arg7[%dma_start3A_241, %dma_start3A_242] : memref<25x80xi32, #tpu.memory_space<vmem>> -> memref<1x80xi32, #tpu.memory_space<vmem>>
      %dma_start3A_244 = tpu.memref_squeeze %dma_start3A_243 : memref<1x80xi32, #tpu.memory_space<vmem>> -> memref<80xi32, #tpu.memory_space<vmem>>
      %dma_start3A_245 = arith.constant 0 : i32
      %dma_start3A_246 = arith.constant 0 : i32
      %dma_start3A_247 = tpu.memref_slice %arg34[%dma_start3A_245, %dma_start3A_246] : memref<5120x16xf32, #tpu.memory_space<vmem_shared>> -> memref<5120x16xf32, #tpu.memory_space<vmem_shared>>
      tpu.enqueue_indirect_dma source(%arg11 : memref<80x16xf32, #tpu.memory_space<vmem>>) target(%dma_start3A_247 : memref<5120x16xf32, #tpu.memory_space<vmem_shared>>) offsets(%dma_start3A_244 : memref<80xi32, #tpu.memory_space<vmem>>) semaphore(%arg36 : memref<!tpu.dma_semaphore, #tpu.memory_space<semaphore_mem>>) {add = true}
      %dma_wait3A_248 = arith.constant 0 : i32
      %dma_wait3A_249 = tpu.memref_slice %arg2[%add3A_80, %dma_wait3A_248] : memref<320000x16xf32, #tpu.memory_space<hbm>> -> memref<80x16xf32, #tpu.memory_space<hbm>>
      %dma_wait3A_250 = arith.constant 0 : i32
      %dma_wait3A_251 = tpu.memref_slice %arg2[%add3A_80, %dma_wait3A_250] : memref<320000x16xf32, #tpu.memory_space<hbm>> -> memref<80x16xf32, #tpu.memory_space<hbm>>
      tpu.wait_dma2 semaphore(%arg35 : memref<!tpu.dma_semaphore, #tpu.memory_space<semaphore_mem>>) src(%dma_wait3A_251 : memref<80x16xf32, #tpu.memory_space<hbm>>) dst(%arg12 : memref<80x16xf32, #tpu.memory_space<vmem>>)
      %dma_start3A_252 = arith.constant 4 : i32
      %dma_start3A_253 = arith.constant 0 : i32
      %dma_start3A_254 = tpu.memref_slice %arg7[%dma_start3A_252, %dma_start3A_253] : memref<25x80xi32, #tpu.memory_space<vmem>> -> memref<1x80xi32, #tpu.memory_space<vmem>>
      %dma_start3A_255 = tpu.memref_squeeze %dma_start3A_254 : memref<1x80xi32, #tpu.memory_space<vmem>> -> memref<80xi32, #tpu.memory_space<vmem>>
      %dma_start3A_256 = arith.constant 0 : i32
      %dma_start3A_257 = arith.constant 0 : i32
      %dma_start3A_258 = tpu.memref_slice %arg34[%dma_start3A_256, %dma_start3A_257] : memref<5120x16xf32, #tpu.memory_space<vmem_shared>> -> memref<5120x16xf32, #tpu.memory_space<vmem_shared>>
      tpu.enqueue_indirect_dma source(%arg12 : memref<80x16xf32, #tpu.memory_space<vmem>>) target(%dma_start3A_258 : memref<5120x16xf32, #tpu.memory_space<vmem_shared>>) offsets(%dma_start3A_255 : memref<80xi32, #tpu.memory_space<vmem>>) semaphore(%arg36 : memref<!tpu.dma_semaphore, #tpu.memory_space<semaphore_mem>>) {add = true}
      %dma_wait3A_259 = arith.constant 0 : i32
      %dma_wait3A_260 = tpu.memref_slice %arg2[%add3A_86, %dma_wait3A_259] : memref<320000x16xf32, #tpu.memory_space<hbm>> -> memref<80x16xf32, #tpu.memory_space<hbm>>
      %dma_wait3A_261 = arith.constant 0 : i32
      %dma_wait3A_262 = tpu.memref_slice %arg2[%add3A_86, %dma_wait3A_261] : memref<320000x16xf32, #tpu.memory_space<hbm>> -> memref<80x16xf32, #tpu.memory_space<hbm>>
      tpu.wait_dma2 semaphore(%arg35 : memref<!tpu.dma_semaphore, #tpu.memory_space<semaphore_mem>>) src(%dma_wait3A_262 : memref<80x16xf32, #tpu.memory_space<hbm>>) dst(%arg13 : memref<80x16xf32, #tpu.memory_space<vmem>>)
      %dma_start3A_263 = arith.constant 5 : i32
      %dma_start3A_264 = arith.constant 0 : i32
      %dma_start3A_265 = tpu.memref_slice %arg7[%dma_start3A_263, %dma_start3A_264] : memref<25x80xi32, #tpu.memory_space<vmem>> -> memref<1x80xi32, #tpu.memory_space<vmem>>
      %dma_start3A_266 = tpu.memref_squeeze %dma_start3A_265 : memref<1x80xi32, #tpu.memory_space<vmem>> -> memref<80xi32, #tpu.memory_space<vmem>>
      %dma_start3A_267 = arith.constant 0 : i32
      %dma_start3A_268 = arith.constant 0 : i32
      %dma_start3A_269 = tpu.memref_slice %arg34[%dma_start3A_267, %dma_start3A_268] : memref<5120x16xf32, #tpu.memory_space<vmem_shared>> -> memref<5120x16xf32, #tpu.memory_space<vmem_shared>>
      tpu.enqueue_indirect_dma source(%arg13 : memref<80x16xf32, #tpu.memory_space<vmem>>) target(%dma_start3A_269 : memref<5120x16xf32, #tpu.memory_space<vmem_shared>>) offsets(%dma_start3A_266 : memref<80xi32, #tpu.memory_space<vmem>>) semaphore(%arg36 : memref<!tpu.dma_semaphore, #tpu.memory_space<semaphore_mem>>) {add = true}
      %dma_wait3A_270 = arith.constant 0 : i32
      %dma_wait3A_271 = tpu.memref_slice %arg2[%add3A_92, %dma_wait3A_270] : memref<320000x16xf32, #tpu.memory_space<hbm>> -> memref<80x16xf32, #tpu.memory_space<hbm>>
      %dma_wait3A_272 = arith.constant 0 : i32
      %dma_wait3A_273 = tpu.memref_slice %arg2[%add3A_92, %dma_wait3A_272] : memref<320000x16xf32, #tpu.memory_space<hbm>> -> memref<80x16xf32, #tpu.memory_space<hbm>>
      tpu.wait_dma2 semaphore(%arg35 : memref<!tpu.dma_semaphore, #tpu.memory_space<semaphore_mem>>) src(%dma_wait3A_273 : memref<80x16xf32, #tpu.memory_space<hbm>>) dst(%arg14 : memref<80x16xf32, #tpu.memory_space<vmem>>)
      %dma_start3A_274 = arith.constant 6 : i32
      %dma_start3A_275 = arith.constant 0 : i32
      %dma_start3A_276 = tpu.memref_slice %arg7[%dma_start3A_274, %dma_start3A_275] : memref<25x80xi32, #tpu.memory_space<vmem>> -> memref<1x80xi32, #tpu.memory_space<vmem>>
      %dma_start3A_277 = tpu.memref_squeeze %dma_start3A_276 : memref<1x80xi32, #tpu.memory_space<vmem>> -> memref<80xi32, #tpu.memory_space<vmem>>
      %dma_start3A_278 = arith.constant 0 : i32
      %dma_start3A_279 = arith.constant 0 : i32
      %dma_start3A_280 = tpu.memref_slice %arg34[%dma_start3A_278, %dma_start3A_279] : memref<5120x16xf32, #tpu.memory_space<vmem_shared>> -> memref<5120x16xf32, #tpu.memory_space<vmem_shared>>
      tpu.enqueue_indirect_dma source(%arg14 : memref<80x16xf32, #tpu.memory_space<vmem>>) target(%dma_start3A_280 : memref<5120x16xf32, #tpu.memory_space<vmem_shared>>) offsets(%dma_start3A_277 : memref<80xi32, #tpu.memory_space<vmem>>) semaphore(%arg36 : memref<!tpu.dma_semaphore, #tpu.memory_space<semaphore_mem>>) {add = true}
      %dma_wait3A_281 = arith.constant 0 : i32
      %dma_wait3A_282 = tpu.memref_slice %arg2[%add3A_98, %dma_wait3A_281] : memref<320000x16xf32, #tpu.memory_space<hbm>> -> memref<80x16xf32, #tpu.memory_space<hbm>>
      %dma_wait3A_283 = arith.constant 0 : i32
      %dma_wait3A_284 = tpu.memref_slice %arg2[%add3A_98, %dma_wait3A_283] : memref<320000x16xf32, #tpu.memory_space<hbm>> -> memref<80x16xf32, #tpu.memory_space<hbm>>
      tpu.wait_dma2 semaphore(%arg35 : memref<!tpu.dma_semaphore, #tpu.memory_space<semaphore_mem>>) src(%dma_wait3A_284 : memref<80x16xf32, #tpu.memory_space<hbm>>) dst(%arg15 : memref<80x16xf32, #tpu.memory_space<vmem>>)
      %dma_start3A_285 = arith.constant 7 : i32
      %dma_start3A_286 = arith.constant 0 : i32
      %dma_start3A_287 = tpu.memref_slice %arg7[%dma_start3A_285, %dma_start3A_286] : memref<25x80xi32, #tpu.memory_space<vmem>> -> memref<1x80xi32, #tpu.memory_space<vmem>>
      %dma_start3A_288 = tpu.memref_squeeze %dma_start3A_287 : memref<1x80xi32, #tpu.memory_space<vmem>> -> memref<80xi32, #tpu.memory_space<vmem>>
      %dma_start3A_289 = arith.constant 0 : i32
      %dma_start3A_290 = arith.constant 0 : i32
      %dma_start3A_291 = tpu.memref_slice %arg34[%dma_start3A_289, %dma_start3A_290] : memref<5120x16xf32, #tpu.memory_space<vmem_shared>> -> memref<5120x16xf32, #tpu.memory_space<vmem_shared>>
      tpu.enqueue_indirect_dma source(%arg15 : memref<80x16xf32, #tpu.memory_space<vmem>>) target(%dma_start3A_291 : memref<5120x16xf32, #tpu.memory_space<vmem_shared>>) offsets(%dma_start3A_288 : memref<80xi32, #tpu.memory_space<vmem>>) semaphore(%arg36 : memref<!tpu.dma_semaphore, #tpu.memory_space<semaphore_mem>>) {add = true}
      %dma_wait3A_292 = arith.constant 0 : i32
      %dma_wait3A_293 = tpu.memref_slice %arg2[%add3A_104, %dma_wait3A_292] : memref<320000x16xf32, #tpu.memory_space<hbm>> -> memref<80x16xf32, #tpu.memory_space<hbm>>
      %dma_wait3A_294 = arith.constant 0 : i32
      %dma_wait3A_295 = tpu.memref_slice %arg2[%add3A_104, %dma_wait3A_294] : memref<320000x16xf32, #tpu.memory_space<hbm>> -> memref<80x16xf32, #tpu.memory_space<hbm>>
      tpu.wait_dma2 semaphore(%arg35 : memref<!tpu.dma_semaphore, #tpu.memory_space<semaphore_mem>>) src(%dma_wait3A_295 : memref<80x16xf32, #tpu.memory_space<hbm>>) dst(%arg16 : memref<80x16xf32, #tpu.memory_space<vmem>>)
      %dma_start3A_296 = arith.constant 8 : i32
      %dma_start3A_297 = arith.constant 0 : i32
      %dma_start3A_298 = tpu.memref_slice %arg7[%dma_start3A_296, %dma_start3A_297] : memref<25x80xi32, #tpu.memory_space<vmem>> -> memref<1x80xi32, #tpu.memory_space<vmem>>
      %dma_start3A_299 = tpu.memref_squeeze %dma_start3A_298 : memref<1x80xi32, #tpu.memory_space<vmem>> -> memref<80xi32, #tpu.memory_space<vmem>>
      %dma_start3A_300 = arith.constant 0 : i32
      %dma_start3A_301 = arith.constant 0 : i32
      %dma_start3A_302 = tpu.memref_slice %arg34[%dma_start3A_300, %dma_start3A_301] : memref<5120x16xf32, #tpu.memory_space<vmem_shared>> -> memref<5120x16xf32, #tpu.memory_space<vmem_shared>>
      tpu.enqueue_indirect_dma source(%arg16 : memref<80x16xf32, #tpu.memory_space<vmem>>) target(%dma_start3A_302 : memref<5120x16xf32, #tpu.memory_space<vmem_shared>>) offsets(%dma_start3A_299 : memref<80xi32, #tpu.memory_space<vmem>>) semaphore(%arg36 : memref<!tpu.dma_semaphore, #tpu.memory_space<semaphore_mem>>) {add = true}
      %dma_wait3A_303 = arith.constant 0 : i32
      %dma_wait3A_304 = tpu.memref_slice %arg2[%add3A_110, %dma_wait3A_303] : memref<320000x16xf32, #tpu.memory_space<hbm>> -> memref<80x16xf32, #tpu.memory_space<hbm>>
      %dma_wait3A_305 = arith.constant 0 : i32
      %dma_wait3A_306 = tpu.memref_slice %arg2[%add3A_110, %dma_wait3A_305] : memref<320000x16xf32, #tpu.memory_space<hbm>> -> memref<80x16xf32, #tpu.memory_space<hbm>>
      tpu.wait_dma2 semaphore(%arg35 : memref<!tpu.dma_semaphore, #tpu.memory_space<semaphore_mem>>) src(%dma_wait3A_306 : memref<80x16xf32, #tpu.memory_space<hbm>>) dst(%arg17 : memref<80x16xf32, #tpu.memory_space<vmem>>)
      %dma_start3A_307 = arith.constant 9 : i32
      %dma_start3A_308 = arith.constant 0 : i32
      %dma_start3A_309 = tpu.memref_slice %arg7[%dma_start3A_307, %dma_start3A_308] : memref<25x80xi32, #tpu.memory_space<vmem>> -> memref<1x80xi32, #tpu.memory_space<vmem>>
      %dma_start3A_310 = tpu.memref_squeeze %dma_start3A_309 : memref<1x80xi32, #tpu.memory_space<vmem>> -> memref<80xi32, #tpu.memory_space<vmem>>
      %dma_start3A_311 = arith.constant 0 : i32
      %dma_start3A_312 = arith.constant 0 : i32
      %dma_start3A_313 = tpu.memref_slice %arg34[%dma_start3A_311, %dma_start3A_312] : memref<5120x16xf32, #tpu.memory_space<vmem_shared>> -> memref<5120x16xf32, #tpu.memory_space<vmem_shared>>
      tpu.enqueue_indirect_dma source(%arg17 : memref<80x16xf32, #tpu.memory_space<vmem>>) target(%dma_start3A_313 : memref<5120x16xf32, #tpu.memory_space<vmem_shared>>) offsets(%dma_start3A_310 : memref<80xi32, #tpu.memory_space<vmem>>) semaphore(%arg36 : memref<!tpu.dma_semaphore, #tpu.memory_space<semaphore_mem>>) {add = true}
      %dma_wait3A_314 = arith.constant 0 : i32
      %dma_wait3A_315 = tpu.memref_slice %arg2[%add3A_116, %dma_wait3A_314] : memref<320000x16xf32, #tpu.memory_space<hbm>> -> memref<80x16xf32, #tpu.memory_space<hbm>>
      %dma_wait3A_316 = arith.constant 0 : i32
      %dma_wait3A_317 = tpu.memref_slice %arg2[%add3A_116, %dma_wait3A_316] : memref<320000x16xf32, #tpu.memory_space<hbm>> -> memref<80x16xf32, #tpu.memory_space<hbm>>
      tpu.wait_dma2 semaphore(%arg35 : memref<!tpu.dma_semaphore, #tpu.memory_space<semaphore_mem>>) src(%dma_wait3A_317 : memref<80x16xf32, #tpu.memory_space<hbm>>) dst(%arg18 : memref<80x16xf32, #tpu.memory_space<vmem>>)
      %dma_start3A_318 = arith.constant 10 : i32
      %dma_start3A_319 = arith.constant 0 : i32
      %dma_start3A_320 = tpu.memref_slice %arg7[%dma_start3A_318, %dma_start3A_319] : memref<25x80xi32, #tpu.memory_space<vmem>> -> memref<1x80xi32, #tpu.memory_space<vmem>>
      %dma_start3A_321 = tpu.memref_squeeze %dma_start3A_320 : memref<1x80xi32, #tpu.memory_space<vmem>> -> memref<80xi32, #tpu.memory_space<vmem>>
      %dma_start3A_322 = arith.constant 0 : i32
      %dma_start3A_323 = arith.constant 0 : i32
      %dma_start3A_324 = tpu.memref_slice %arg34[%dma_start3A_322, %dma_start3A_323] : memref<5120x16xf32, #tpu.memory_space<vmem_shared>> -> memref<5120x16xf32, #tpu.memory_space<vmem_shared>>
      tpu.enqueue_indirect_dma source(%arg18 : memref<80x16xf32, #tpu.memory_space<vmem>>) target(%dma_start3A_324 : memref<5120x16xf32, #tpu.memory_space<vmem_shared>>) offsets(%dma_start3A_321 : memref<80xi32, #tpu.memory_space<vmem>>) semaphore(%arg36 : memref<!tpu.dma_semaphore, #tpu.memory_space<semaphore_mem>>) {add = true}
      %dma_wait3A_325 = arith.constant 0 : i32
      %dma_wait3A_326 = tpu.memref_slice %arg2[%add3A_122, %dma_wait3A_325] : memref<320000x16xf32, #tpu.memory_space<hbm>> -> memref<80x16xf32, #tpu.memory_space<hbm>>
      %dma_wait3A_327 = arith.constant 0 : i32
      %dma_wait3A_328 = tpu.memref_slice %arg2[%add3A_122, %dma_wait3A_327] : memref<320000x16xf32, #tpu.memory_space<hbm>> -> memref<80x16xf32, #tpu.memory_space<hbm>>
      tpu.wait_dma2 semaphore(%arg35 : memref<!tpu.dma_semaphore, #tpu.memory_space<semaphore_mem>>) src(%dma_wait3A_328 : memref<80x16xf32, #tpu.memory_space<hbm>>) dst(%arg19 : memref<80x16xf32, #tpu.memory_space<vmem>>)
      %dma_start3A_329 = arith.constant 11 : i32
      %dma_start3A_330 = arith.constant 0 : i32
      %dma_start3A_331 = tpu.memref_slice %arg7[%dma_start3A_329, %dma_start3A_330] : memref<25x80xi32, #tpu.memory_space<vmem>> -> memref<1x80xi32, #tpu.memory_space<vmem>>
      %dma_start3A_332 = tpu.memref_squeeze %dma_start3A_331 : memref<1x80xi32, #tpu.memory_space<vmem>> -> memref<80xi32, #tpu.memory_space<vmem>>
      %dma_start3A_333 = arith.constant 0 : i32
      %dma_start3A_334 = arith.constant 0 : i32
      %dma_start3A_335 = tpu.memref_slice %arg34[%dma_start3A_333, %dma_start3A_334] : memref<5120x16xf32, #tpu.memory_space<vmem_shared>> -> memref<5120x16xf32, #tpu.memory_space<vmem_shared>>
      tpu.enqueue_indirect_dma source(%arg19 : memref<80x16xf32, #tpu.memory_space<vmem>>) target(%dma_start3A_335 : memref<5120x16xf32, #tpu.memory_space<vmem_shared>>) offsets(%dma_start3A_332 : memref<80xi32, #tpu.memory_space<vmem>>) semaphore(%arg36 : memref<!tpu.dma_semaphore, #tpu.memory_space<semaphore_mem>>) {add = true}
      %dma_wait3A_336 = arith.constant 0 : i32
      %dma_wait3A_337 = tpu.memref_slice %arg2[%add3A_128, %dma_wait3A_336] : memref<320000x16xf32, #tpu.memory_space<hbm>> -> memref<80x16xf32, #tpu.memory_space<hbm>>
      %dma_wait3A_338 = arith.constant 0 : i32
      %dma_wait3A_339 = tpu.memref_slice %arg2[%add3A_128, %dma_wait3A_338] : memref<320000x16xf32, #tpu.memory_space<hbm>> -> memref<80x16xf32, #tpu.memory_space<hbm>>
      tpu.wait_dma2 semaphore(%arg35 : memref<!tpu.dma_semaphore, #tpu.memory_space<semaphore_mem>>) src(%dma_wait3A_339 : memref<80x16xf32, #tpu.memory_space<hbm>>) dst(%arg20 : memref<80x16xf32, #tpu.memory_space<vmem>>)
      %dma_start3A_340 = arith.constant 12 : i32
      %dma_start3A_341 = arith.constant 0 : i32
      %dma_start3A_342 = tpu.memref_slice %arg7[%dma_start3A_340, %dma_start3A_341] : memref<25x80xi32, #tpu.memory_space<vmem>> -> memref<1x80xi32, #tpu.memory_space<vmem>>
      %dma_start3A_343 = tpu.memref_squeeze %dma_start3A_342 : memref<1x80xi32, #tpu.memory_space<vmem>> -> memref<80xi32, #tpu.memory_space<vmem>>
      %dma_start3A_344 = arith.constant 0 : i32
      %dma_start3A_345 = arith.constant 0 : i32
      %dma_start3A_346 = tpu.memref_slice %arg34[%dma_start3A_344, %dma_start3A_345] : memref<5120x16xf32, #tpu.memory_space<vmem_shared>> -> memref<5120x16xf32, #tpu.memory_space<vmem_shared>>
      tpu.enqueue_indirect_dma source(%arg20 : memref<80x16xf32, #tpu.memory_space<vmem>>) target(%dma_start3A_346 : memref<5120x16xf32, #tpu.memory_space<vmem_shared>>) offsets(%dma_start3A_343 : memref<80xi32, #tpu.memory_space<vmem>>) semaphore(%arg36 : memref<!tpu.dma_semaphore, #tpu.memory_space<semaphore_mem>>) {add = true}
      %dma_wait3A_347 = arith.constant 0 : i32
      %dma_wait3A_348 = tpu.memref_slice %arg2[%add3A_134, %dma_wait3A_347] : memref<320000x16xf32, #tpu.memory_space<hbm>> -> memref<80x16xf32, #tpu.memory_space<hbm>>
      %dma_wait3A_349 = arith.constant 0 : i32
      %dma_wait3A_350 = tpu.memref_slice %arg2[%add3A_134, %dma_wait3A_349] : memref<320000x16xf32, #tpu.memory_space<hbm>> -> memref<80x16xf32, #tpu.memory_space<hbm>>
      tpu.wait_dma2 semaphore(%arg35 : memref<!tpu.dma_semaphore, #tpu.memory_space<semaphore_mem>>) src(%dma_wait3A_350 : memref<80x16xf32, #tpu.memory_space<hbm>>) dst(%arg21 : memref<80x16xf32, #tpu.memory_space<vmem>>)
      %dma_start3A_351 = arith.constant 13 : i32
      %dma_start3A_352 = arith.constant 0 : i32
      %dma_start3A_353 = tpu.memref_slice %arg7[%dma_start3A_351, %dma_start3A_352] : memref<25x80xi32, #tpu.memory_space<vmem>> -> memref<1x80xi32, #tpu.memory_space<vmem>>
      %dma_start3A_354 = tpu.memref_squeeze %dma_start3A_353 : memref<1x80xi32, #tpu.memory_space<vmem>> -> memref<80xi32, #tpu.memory_space<vmem>>
      %dma_start3A_355 = arith.constant 0 : i32
      %dma_start3A_356 = arith.constant 0 : i32
      %dma_start3A_357 = tpu.memref_slice %arg34[%dma_start3A_355, %dma_start3A_356] : memref<5120x16xf32, #tpu.memory_space<vmem_shared>> -> memref<5120x16xf32, #tpu.memory_space<vmem_shared>>
      tpu.enqueue_indirect_dma source(%arg21 : memref<80x16xf32, #tpu.memory_space<vmem>>) target(%dma_start3A_357 : memref<5120x16xf32, #tpu.memory_space<vmem_shared>>) offsets(%dma_start3A_354 : memref<80xi32, #tpu.memory_space<vmem>>) semaphore(%arg36 : memref<!tpu.dma_semaphore, #tpu.memory_space<semaphore_mem>>) {add = true}
      %dma_wait3A_358 = arith.constant 0 : i32
      %dma_wait3A_359 = tpu.memref_slice %arg2[%add3A_140, %dma_wait3A_358] : memref<320000x16xf32, #tpu.memory_space<hbm>> -> memref<80x16xf32, #tpu.memory_space<hbm>>
      %dma_wait3A_360 = arith.constant 0 : i32
      %dma_wait3A_361 = tpu.memref_slice %arg2[%add3A_140, %dma_wait3A_360] : memref<320000x16xf32, #tpu.memory_space<hbm>> -> memref<80x16xf32, #tpu.memory_space<hbm>>
      tpu.wait_dma2 semaphore(%arg35 : memref<!tpu.dma_semaphore, #tpu.memory_space<semaphore_mem>>) src(%dma_wait3A_361 : memref<80x16xf32, #tpu.memory_space<hbm>>) dst(%arg22 : memref<80x16xf32, #tpu.memory_space<vmem>>)
      %dma_start3A_362 = arith.constant 14 : i32
      %dma_start3A_363 = arith.constant 0 : i32
      %dma_start3A_364 = tpu.memref_slice %arg7[%dma_start3A_362, %dma_start3A_363] : memref<25x80xi32, #tpu.memory_space<vmem>> -> memref<1x80xi32, #tpu.memory_space<vmem>>
      %dma_start3A_365 = tpu.memref_squeeze %dma_start3A_364 : memref<1x80xi32, #tpu.memory_space<vmem>> -> memref<80xi32, #tpu.memory_space<vmem>>
      %dma_start3A_366 = arith.constant 0 : i32
      %dma_start3A_367 = arith.constant 0 : i32
      %dma_start3A_368 = tpu.memref_slice %arg34[%dma_start3A_366, %dma_start3A_367] : memref<5120x16xf32, #tpu.memory_space<vmem_shared>> -> memref<5120x16xf32, #tpu.memory_space<vmem_shared>>
      tpu.enqueue_indirect_dma source(%arg22 : memref<80x16xf32, #tpu.memory_space<vmem>>) target(%dma_start3A_368 : memref<5120x16xf32, #tpu.memory_space<vmem_shared>>) offsets(%dma_start3A_365 : memref<80xi32, #tpu.memory_space<vmem>>) semaphore(%arg36 : memref<!tpu.dma_semaphore, #tpu.memory_space<semaphore_mem>>) {add = true}
      %dma_wait3A_369 = arith.constant 0 : i32
      %dma_wait3A_370 = tpu.memref_slice %arg2[%add3A_146, %dma_wait3A_369] : memref<320000x16xf32, #tpu.memory_space<hbm>> -> memref<80x16xf32, #tpu.memory_space<hbm>>
      %dma_wait3A_371 = arith.constant 0 : i32
      %dma_wait3A_372 = tpu.memref_slice %arg2[%add3A_146, %dma_wait3A_371] : memref<320000x16xf32, #tpu.memory_space<hbm>> -> memref<80x16xf32, #tpu.memory_space<hbm>>
      tpu.wait_dma2 semaphore(%arg35 : memref<!tpu.dma_semaphore, #tpu.memory_space<semaphore_mem>>) src(%dma_wait3A_372 : memref<80x16xf32, #tpu.memory_space<hbm>>) dst(%arg23 : memref<80x16xf32, #tpu.memory_space<vmem>>)
      %dma_start3A_373 = arith.constant 15 : i32
      %dma_start3A_374 = arith.constant 0 : i32
      %dma_start3A_375 = tpu.memref_slice %arg7[%dma_start3A_373, %dma_start3A_374] : memref<25x80xi32, #tpu.memory_space<vmem>> -> memref<1x80xi32, #tpu.memory_space<vmem>>
      %dma_start3A_376 = tpu.memref_squeeze %dma_start3A_375 : memref<1x80xi32, #tpu.memory_space<vmem>> -> memref<80xi32, #tpu.memory_space<vmem>>
      %dma_start3A_377 = arith.constant 0 : i32
      %dma_start3A_378 = arith.constant 0 : i32
      %dma_start3A_379 = tpu.memref_slice %arg34[%dma_start3A_377, %dma_start3A_378] : memref<5120x16xf32, #tpu.memory_space<vmem_shared>> -> memref<5120x16xf32, #tpu.memory_space<vmem_shared>>
      tpu.enqueue_indirect_dma source(%arg23 : memref<80x16xf32, #tpu.memory_space<vmem>>) target(%dma_start3A_379 : memref<5120x16xf32, #tpu.memory_space<vmem_shared>>) offsets(%dma_start3A_376 : memref<80xi32, #tpu.memory_space<vmem>>) semaphore(%arg36 : memref<!tpu.dma_semaphore, #tpu.memory_space<semaphore_mem>>) {add = true}
      %dma_wait3A_380 = arith.constant 0 : i32
      %dma_wait3A_381 = tpu.memref_slice %arg2[%add3A_152, %dma_wait3A_380] : memref<320000x16xf32, #tpu.memory_space<hbm>> -> memref<80x16xf32, #tpu.memory_space<hbm>>
      %dma_wait3A_382 = arith.constant 0 : i32
      %dma_wait3A_383 = tpu.memref_slice %arg2[%add3A_152, %dma_wait3A_382] : memref<320000x16xf32, #tpu.memory_space<hbm>> -> memref<80x16xf32, #tpu.memory_space<hbm>>
      tpu.wait_dma2 semaphore(%arg35 : memref<!tpu.dma_semaphore, #tpu.memory_space<semaphore_mem>>) src(%dma_wait3A_383 : memref<80x16xf32, #tpu.memory_space<hbm>>) dst(%arg24 : memref<80x16xf32, #tpu.memory_space<vmem>>)
      %dma_start3A_384 = arith.constant 16 : i32
      %dma_start3A_385 = arith.constant 0 : i32
      %dma_start3A_386 = tpu.memref_slice %arg7[%dma_start3A_384, %dma_start3A_385] : memref<25x80xi32, #tpu.memory_space<vmem>> -> memref<1x80xi32, #tpu.memory_space<vmem>>
      %dma_start3A_387 = tpu.memref_squeeze %dma_start3A_386 : memref<1x80xi32, #tpu.memory_space<vmem>> -> memref<80xi32, #tpu.memory_space<vmem>>
      %dma_start3A_388 = arith.constant 0 : i32
      %dma_start3A_389 = arith.constant 0 : i32
      %dma_start3A_390 = tpu.memref_slice %arg34[%dma_start3A_388, %dma_start3A_389] : memref<5120x16xf32, #tpu.memory_space<vmem_shared>> -> memref<5120x16xf32, #tpu.memory_space<vmem_shared>>
      tpu.enqueue_indirect_dma source(%arg24 : memref<80x16xf32, #tpu.memory_space<vmem>>) target(%dma_start3A_390 : memref<5120x16xf32, #tpu.memory_space<vmem_shared>>) offsets(%dma_start3A_387 : memref<80xi32, #tpu.memory_space<vmem>>) semaphore(%arg36 : memref<!tpu.dma_semaphore, #tpu.memory_space<semaphore_mem>>) {add = true}
      %dma_wait3A_391 = arith.constant 0 : i32
      %dma_wait3A_392 = tpu.memref_slice %arg2[%add3A_158, %dma_wait3A_391] : memref<320000x16xf32, #tpu.memory_space<hbm>> -> memref<80x16xf32, #tpu.memory_space<hbm>>
      %dma_wait3A_393 = arith.constant 0 : i32
      %dma_wait3A_394 = tpu.memref_slice %arg2[%add3A_158, %dma_wait3A_393] : memref<320000x16xf32, #tpu.memory_space<hbm>> -> memref<80x16xf32, #tpu.memory_space<hbm>>
      tpu.wait_dma2 semaphore(%arg35 : memref<!tpu.dma_semaphore, #tpu.memory_space<semaphore_mem>>) src(%dma_wait3A_394 : memref<80x16xf32, #tpu.memory_space<hbm>>) dst(%arg25 : memref<80x16xf32, #tpu.memory_space<vmem>>)
      %dma_start3A_395 = arith.constant 17 : i32
      %dma_start3A_396 = arith.constant 0 : i32
      %dma_start3A_397 = tpu.memref_slice %arg7[%dma_start3A_395, %dma_start3A_396] : memref<25x80xi32, #tpu.memory_space<vmem>> -> memref<1x80xi32, #tpu.memory_space<vmem>>
      %dma_start3A_398 = tpu.memref_squeeze %dma_start3A_397 : memref<1x80xi32, #tpu.memory_space<vmem>> -> memref<80xi32, #tpu.memory_space<vmem>>
      %dma_start3A_399 = arith.constant 0 : i32
      %dma_start3A_400 = arith.constant 0 : i32
      %dma_start3A_401 = tpu.memref_slice %arg34[%dma_start3A_399, %dma_start3A_400] : memref<5120x16xf32, #tpu.memory_space<vmem_shared>> -> memref<5120x16xf32, #tpu.memory_space<vmem_shared>>
      tpu.enqueue_indirect_dma source(%arg25 : memref<80x16xf32, #tpu.memory_space<vmem>>) target(%dma_start3A_401 : memref<5120x16xf32, #tpu.memory_space<vmem_shared>>) offsets(%dma_start3A_398 : memref<80xi32, #tpu.memory_space<vmem>>) semaphore(%arg36 : memref<!tpu.dma_semaphore, #tpu.memory_space<semaphore_mem>>) {add = true}
      %dma_wait3A_402 = arith.constant 0 : i32
      %dma_wait3A_403 = tpu.memref_slice %arg2[%add3A_164, %dma_wait3A_402] : memref<320000x16xf32, #tpu.memory_space<hbm>> -> memref<80x16xf32, #tpu.memory_space<hbm>>
      %dma_wait3A_404 = arith.constant 0 : i32
      %dma_wait3A_405 = tpu.memref_slice %arg2[%add3A_164, %dma_wait3A_404] : memref<320000x16xf32, #tpu.memory_space<hbm>> -> memref<80x16xf32, #tpu.memory_space<hbm>>
      tpu.wait_dma2 semaphore(%arg35 : memref<!tpu.dma_semaphore, #tpu.memory_space<semaphore_mem>>) src(%dma_wait3A_405 : memref<80x16xf32, #tpu.memory_space<hbm>>) dst(%arg26 : memref<80x16xf32, #tpu.memory_space<vmem>>)
      %dma_start3A_406 = arith.constant 18 : i32
      %dma_start3A_407 = arith.constant 0 : i32
      %dma_start3A_408 = tpu.memref_slice %arg7[%dma_start3A_406, %dma_start3A_407] : memref<25x80xi32, #tpu.memory_space<vmem>> -> memref<1x80xi32, #tpu.memory_space<vmem>>
      %dma_start3A_409 = tpu.memref_squeeze %dma_start3A_408 : memref<1x80xi32, #tpu.memory_space<vmem>> -> memref<80xi32, #tpu.memory_space<vmem>>
      %dma_start3A_410 = arith.constant 0 : i32
      %dma_start3A_411 = arith.constant 0 : i32
      %dma_start3A_412 = tpu.memref_slice %arg34[%dma_start3A_410, %dma_start3A_411] : memref<5120x16xf32, #tpu.memory_space<vmem_shared>> -> memref<5120x16xf32, #tpu.memory_space<vmem_shared>>
      tpu.enqueue_indirect_dma source(%arg26 : memref<80x16xf32, #tpu.memory_space<vmem>>) target(%dma_start3A_412 : memref<5120x16xf32, #tpu.memory_space<vmem_shared>>) offsets(%dma_start3A_409 : memref<80xi32, #tpu.memory_space<vmem>>) semaphore(%arg36 : memref<!tpu.dma_semaphore, #tpu.memory_space<semaphore_mem>>) {add = true}
      %dma_wait3A_413 = arith.constant 0 : i32
      %dma_wait3A_414 = tpu.memref_slice %arg2[%add3A_170, %dma_wait3A_413] : memref<320000x16xf32, #tpu.memory_space<hbm>> -> memref<80x16xf32, #tpu.memory_space<hbm>>
      %dma_wait3A_415 = arith.constant 0 : i32
      %dma_wait3A_416 = tpu.memref_slice %arg2[%add3A_170, %dma_wait3A_415] : memref<320000x16xf32, #tpu.memory_space<hbm>> -> memref<80x16xf32, #tpu.memory_space<hbm>>
      tpu.wait_dma2 semaphore(%arg35 : memref<!tpu.dma_semaphore, #tpu.memory_space<semaphore_mem>>) src(%dma_wait3A_416 : memref<80x16xf32, #tpu.memory_space<hbm>>) dst(%arg27 : memref<80x16xf32, #tpu.memory_space<vmem>>)
      %dma_start3A_417 = arith.constant 19 : i32
      %dma_start3A_418 = arith.constant 0 : i32
      %dma_start3A_419 = tpu.memref_slice %arg7[%dma_start3A_417, %dma_start3A_418] : memref<25x80xi32, #tpu.memory_space<vmem>> -> memref<1x80xi32, #tpu.memory_space<vmem>>
      %dma_start3A_420 = tpu.memref_squeeze %dma_start3A_419 : memref<1x80xi32, #tpu.memory_space<vmem>> -> memref<80xi32, #tpu.memory_space<vmem>>
      %dma_start3A_421 = arith.constant 0 : i32
      %dma_start3A_422 = arith.constant 0 : i32
      %dma_start3A_423 = tpu.memref_slice %arg34[%dma_start3A_421, %dma_start3A_422] : memref<5120x16xf32, #tpu.memory_space<vmem_shared>> -> memref<5120x16xf32, #tpu.memory_space<vmem_shared>>
      tpu.enqueue_indirect_dma source(%arg27 : memref<80x16xf32, #tpu.memory_space<vmem>>) target(%dma_start3A_423 : memref<5120x16xf32, #tpu.memory_space<vmem_shared>>) offsets(%dma_start3A_420 : memref<80xi32, #tpu.memory_space<vmem>>) semaphore(%arg36 : memref<!tpu.dma_semaphore, #tpu.memory_space<semaphore_mem>>) {add = true}
      %dma_wait3A_424 = arith.constant 0 : i32
      %dma_wait3A_425 = tpu.memref_slice %arg2[%add3A_176, %dma_wait3A_424] : memref<320000x16xf32, #tpu.memory_space<hbm>> -> memref<80x16xf32, #tpu.memory_space<hbm>>
      %dma_wait3A_426 = arith.constant 0 : i32
      %dma_wait3A_427 = tpu.memref_slice %arg2[%add3A_176, %dma_wait3A_426] : memref<320000x16xf32, #tpu.memory_space<hbm>> -> memref<80x16xf32, #tpu.memory_space<hbm>>
      tpu.wait_dma2 semaphore(%arg35 : memref<!tpu.dma_semaphore, #tpu.memory_space<semaphore_mem>>) src(%dma_wait3A_427 : memref<80x16xf32, #tpu.memory_space<hbm>>) dst(%arg28 : memref<80x16xf32, #tpu.memory_space<vmem>>)
      %dma_start3A_428 = arith.constant 20 : i32
      %dma_start3A_429 = arith.constant 0 : i32
      %dma_start3A_430 = tpu.memref_slice %arg7[%dma_start3A_428, %dma_start3A_429] : memref<25x80xi32, #tpu.memory_space<vmem>> -> memref<1x80xi32, #tpu.memory_space<vmem>>
      %dma_start3A_431 = tpu.memref_squeeze %dma_start3A_430 : memref<1x80xi32, #tpu.memory_space<vmem>> -> memref<80xi32, #tpu.memory_space<vmem>>
      %dma_start3A_432 = arith.constant 0 : i32
      %dma_start3A_433 = arith.constant 0 : i32
      %dma_start3A_434 = tpu.memref_slice %arg34[%dma_start3A_432, %dma_start3A_433] : memref<5120x16xf32, #tpu.memory_space<vmem_shared>> -> memref<5120x16xf32, #tpu.memory_space<vmem_shared>>
      tpu.enqueue_indirect_dma source(%arg28 : memref<80x16xf32, #tpu.memory_space<vmem>>) target(%dma_start3A_434 : memref<5120x16xf32, #tpu.memory_space<vmem_shared>>) offsets(%dma_start3A_431 : memref<80xi32, #tpu.memory_space<vmem>>) semaphore(%arg36 : memref<!tpu.dma_semaphore, #tpu.memory_space<semaphore_mem>>) {add = true}
      %dma_wait3A_435 = arith.constant 0 : i32
      %dma_wait3A_436 = tpu.memref_slice %arg2[%add3A_182, %dma_wait3A_435] : memref<320000x16xf32, #tpu.memory_space<hbm>> -> memref<80x16xf32, #tpu.memory_space<hbm>>
      %dma_wait3A_437 = arith.constant 0 : i32
      %dma_wait3A_438 = tpu.memref_slice %arg2[%add3A_182, %dma_wait3A_437] : memref<320000x16xf32, #tpu.memory_space<hbm>> -> memref<80x16xf32, #tpu.memory_space<hbm>>
      tpu.wait_dma2 semaphore(%arg35 : memref<!tpu.dma_semaphore, #tpu.memory_space<semaphore_mem>>) src(%dma_wait3A_438 : memref<80x16xf32, #tpu.memory_space<hbm>>) dst(%arg29 : memref<80x16xf32, #tpu.memory_space<vmem>>)
      %dma_start3A_439 = arith.constant 21 : i32
      %dma_start3A_440 = arith.constant 0 : i32
      %dma_start3A_441 = tpu.memref_slice %arg7[%dma_start3A_439, %dma_start3A_440] : memref<25x80xi32, #tpu.memory_space<vmem>> -> memref<1x80xi32, #tpu.memory_space<vmem>>
      %dma_start3A_442 = tpu.memref_squeeze %dma_start3A_441 : memref<1x80xi32, #tpu.memory_space<vmem>> -> memref<80xi32, #tpu.memory_space<vmem>>
      %dma_start3A_443 = arith.constant 0 : i32
      %dma_start3A_444 = arith.constant 0 : i32
      %dma_start3A_445 = tpu.memref_slice %arg34[%dma_start3A_443, %dma_start3A_444] : memref<5120x16xf32, #tpu.memory_space<vmem_shared>> -> memref<5120x16xf32, #tpu.memory_space<vmem_shared>>
      tpu.enqueue_indirect_dma source(%arg29 : memref<80x16xf32, #tpu.memory_space<vmem>>) target(%dma_start3A_445 : memref<5120x16xf32, #tpu.memory_space<vmem_shared>>) offsets(%dma_start3A_442 : memref<80xi32, #tpu.memory_space<vmem>>) semaphore(%arg36 : memref<!tpu.dma_semaphore, #tpu.memory_space<semaphore_mem>>) {add = true}
      %dma_wait3A_446 = arith.constant 0 : i32
      %dma_wait3A_447 = tpu.memref_slice %arg2[%add3A_188, %dma_wait3A_446] : memref<320000x16xf32, #tpu.memory_space<hbm>> -> memref<80x16xf32, #tpu.memory_space<hbm>>
      %dma_wait3A_448 = arith.constant 0 : i32
      %dma_wait3A_449 = tpu.memref_slice %arg2[%add3A_188, %dma_wait3A_448] : memref<320000x16xf32, #tpu.memory_space<hbm>> -> memref<80x16xf32, #tpu.memory_space<hbm>>
      tpu.wait_dma2 semaphore(%arg35 : memref<!tpu.dma_semaphore, #tpu.memory_space<semaphore_mem>>) src(%dma_wait3A_449 : memref<80x16xf32, #tpu.memory_space<hbm>>) dst(%arg30 : memref<80x16xf32, #tpu.memory_space<vmem>>)
      %dma_start3A_450 = arith.constant 22 : i32
      %dma_start3A_451 = arith.constant 0 : i32
      %dma_start3A_452 = tpu.memref_slice %arg7[%dma_start3A_450, %dma_start3A_451] : memref<25x80xi32, #tpu.memory_space<vmem>> -> memref<1x80xi32, #tpu.memory_space<vmem>>
      %dma_start3A_453 = tpu.memref_squeeze %dma_start3A_452 : memref<1x80xi32, #tpu.memory_space<vmem>> -> memref<80xi32, #tpu.memory_space<vmem>>
      %dma_start3A_454 = arith.constant 0 : i32
      %dma_start3A_455 = arith.constant 0 : i32
      %dma_start3A_456 = tpu.memref_slice %arg34[%dma_start3A_454, %dma_start3A_455] : memref<5120x16xf32, #tpu.memory_space<vmem_shared>> -> memref<5120x16xf32, #tpu.memory_space<vmem_shared>>
      tpu.enqueue_indirect_dma source(%arg30 : memref<80x16xf32, #tpu.memory_space<vmem>>) target(%dma_start3A_456 : memref<5120x16xf32, #tpu.memory_space<vmem_shared>>) offsets(%dma_start3A_453 : memref<80xi32, #tpu.memory_space<vmem>>) semaphore(%arg36 : memref<!tpu.dma_semaphore, #tpu.memory_space<semaphore_mem>>) {add = true}
      %dma_wait3A_457 = arith.constant 0 : i32
      %dma_wait3A_458 = tpu.memref_slice %arg2[%add3A_194, %dma_wait3A_457] : memref<320000x16xf32, #tpu.memory_space<hbm>> -> memref<80x16xf32, #tpu.memory_space<hbm>>
      %dma_wait3A_459 = arith.constant 0 : i32
      %dma_wait3A_460 = tpu.memref_slice %arg2[%add3A_194, %dma_wait3A_459] : memref<320000x16xf32, #tpu.memory_space<hbm>> -> memref<80x16xf32, #tpu.memory_space<hbm>>
      tpu.wait_dma2 semaphore(%arg35 : memref<!tpu.dma_semaphore, #tpu.memory_space<semaphore_mem>>) src(%dma_wait3A_460 : memref<80x16xf32, #tpu.memory_space<hbm>>) dst(%arg31 : memref<80x16xf32, #tpu.memory_space<vmem>>)
      %dma_start3A_461 = arith.constant 23 : i32
      %dma_start3A_462 = arith.constant 0 : i32
      %dma_start3A_463 = tpu.memref_slice %arg7[%dma_start3A_461, %dma_start3A_462] : memref<25x80xi32, #tpu.memory_space<vmem>> -> memref<1x80xi32, #tpu.memory_space<vmem>>
      %dma_start3A_464 = tpu.memref_squeeze %dma_start3A_463 : memref<1x80xi32, #tpu.memory_space<vmem>> -> memref<80xi32, #tpu.memory_space<vmem>>
      %dma_start3A_465 = arith.constant 0 : i32
      %dma_start3A_466 = arith.constant 0 : i32
      %dma_start3A_467 = tpu.memref_slice %arg34[%dma_start3A_465, %dma_start3A_466] : memref<5120x16xf32, #tpu.memory_space<vmem_shared>> -> memref<5120x16xf32, #tpu.memory_space<vmem_shared>>
      tpu.enqueue_indirect_dma source(%arg31 : memref<80x16xf32, #tpu.memory_space<vmem>>) target(%dma_start3A_467 : memref<5120x16xf32, #tpu.memory_space<vmem_shared>>) offsets(%dma_start3A_464 : memref<80xi32, #tpu.memory_space<vmem>>) semaphore(%arg36 : memref<!tpu.dma_semaphore, #tpu.memory_space<semaphore_mem>>) {add = true}
      %dma_wait3A_468 = arith.constant 0 : i32
      %dma_wait3A_469 = tpu.memref_slice %arg2[%add3A_200, %dma_wait3A_468] : memref<320000x16xf32, #tpu.memory_space<hbm>> -> memref<80x16xf32, #tpu.memory_space<hbm>>
      %dma_wait3A_470 = arith.constant 0 : i32
      %dma_wait3A_471 = tpu.memref_slice %arg2[%add3A_200, %dma_wait3A_470] : memref<320000x16xf32, #tpu.memory_space<hbm>> -> memref<80x16xf32, #tpu.memory_space<hbm>>
      tpu.wait_dma2 semaphore(%arg35 : memref<!tpu.dma_semaphore, #tpu.memory_space<semaphore_mem>>) src(%dma_wait3A_471 : memref<80x16xf32, #tpu.memory_space<hbm>>) dst(%arg32 : memref<80x16xf32, #tpu.memory_space<vmem>>)
      %dma_start3A_472 = arith.constant 24 : i32
      %dma_start3A_473 = arith.constant 0 : i32
      %dma_start3A_474 = tpu.memref_slice %arg7[%dma_start3A_472, %dma_start3A_473] : memref<25x80xi32, #tpu.memory_space<vmem>> -> memref<1x80xi32, #tpu.memory_space<vmem>>
      %dma_start3A_475 = tpu.memref_squeeze %dma_start3A_474 : memref<1x80xi32, #tpu.memory_space<vmem>> -> memref<80xi32, #tpu.memory_space<vmem>>
      %dma_start3A_476 = arith.constant 0 : i32
      %dma_start3A_477 = arith.constant 0 : i32
      %dma_start3A_478 = tpu.memref_slice %arg34[%dma_start3A_476, %dma_start3A_477] : memref<5120x16xf32, #tpu.memory_space<vmem_shared>> -> memref<5120x16xf32, #tpu.memory_space<vmem_shared>>
      tpu.enqueue_indirect_dma source(%arg32 : memref<80x16xf32, #tpu.memory_space<vmem>>) target(%dma_start3A_478 : memref<5120x16xf32, #tpu.memory_space<vmem_shared>>) offsets(%dma_start3A_475 : memref<80xi32, #tpu.memory_space<vmem>>) semaphore(%arg36 : memref<!tpu.dma_semaphore, #tpu.memory_space<semaphore_mem>>) {add = true}
      %dma_wait3A_479 = arith.constant 0 : i32
      %dma_wait3A_480 = arith.constant 0 : i32
      %dma_wait3A_481 = tpu.memref_slice %arg7[%dma_wait3A_479, %dma_wait3A_480] : memref<25x80xi32, #tpu.memory_space<vmem>> -> memref<1x80xi32, #tpu.memory_space<vmem>>
      %dma_wait3A_482 = tpu.memref_squeeze %dma_wait3A_481 : memref<1x80xi32, #tpu.memory_space<vmem>> -> memref<80xi32, #tpu.memory_space<vmem>>
      %dma_wait3A_483 = arith.constant 0 : i32
      %dma_wait3A_484 = arith.constant 0 : i32
      %dma_wait3A_485 = tpu.memref_slice %arg34[%dma_wait3A_483, %dma_wait3A_484] : memref<5120x16xf32, #tpu.memory_space<vmem_shared>> -> memref<5120x16xf32, #tpu.memory_space<vmem_shared>>
      tpu.wait_indirect_dma semaphore(%arg36 : memref<!tpu.dma_semaphore, #tpu.memory_space<semaphore_mem>>) src(%arg8 : memref<80x16xf32, #tpu.memory_space<vmem>>) dst(%dma_wait3A_485 : memref<5120x16xf32, #tpu.memory_space<vmem_shared>>)
      %dma_wait3A_486 = arith.constant 1 : i32
      %dma_wait3A_487 = arith.constant 0 : i32
      %dma_wait3A_488 = tpu.memref_slice %arg7[%dma_wait3A_486, %dma_wait3A_487] : memref<25x80xi32, #tpu.memory_space<vmem>> -> memref<1x80xi32, #tpu.memory_space<vmem>>
      %dma_wait3A_489 = tpu.memref_squeeze %dma_wait3A_488 : memref<1x80xi32, #tpu.memory_space<vmem>> -> memref<80xi32, #tpu.memory_space<vmem>>
      %dma_wait3A_490 = arith.constant 0 : i32
      %dma_wait3A_491 = arith.constant 0 : i32
      %dma_wait3A_492 = tpu.memref_slice %arg34[%dma_wait3A_490, %dma_wait3A_491] : memref<5120x16xf32, #tpu.memory_space<vmem_shared>> -> memref<5120x16xf32, #tpu.memory_space<vmem_shared>>
      tpu.wait_indirect_dma semaphore(%arg36 : memref<!tpu.dma_semaphore, #tpu.memory_space<semaphore_mem>>) src(%arg9 : memref<80x16xf32, #tpu.memory_space<vmem>>) dst(%dma_wait3A_492 : memref<5120x16xf32, #tpu.memory_space<vmem_shared>>)
      %dma_wait3A_493 = arith.constant 2 : i32
      %dma_wait3A_494 = arith.constant 0 : i32
      %dma_wait3A_495 = tpu.memref_slice %arg7[%dma_wait3A_493, %dma_wait3A_494] : memref<25x80xi32, #tpu.memory_space<vmem>> -> memref<1x80xi32, #tpu.memory_space<vmem>>
      %dma_wait3A_496 = tpu.memref_squeeze %dma_wait3A_495 : memref<1x80xi32, #tpu.memory_space<vmem>> -> memref<80xi32, #tpu.memory_space<vmem>>
      %dma_wait3A_497 = arith.constant 0 : i32
      %dma_wait3A_498 = arith.constant 0 : i32
      %dma_wait3A_499 = tpu.memref_slice %arg34[%dma_wait3A_497, %dma_wait3A_498] : memref<5120x16xf32, #tpu.memory_space<vmem_shared>> -> memref<5120x16xf32, #tpu.memory_space<vmem_shared>>
      tpu.wait_indirect_dma semaphore(%arg36 : memref<!tpu.dma_semaphore, #tpu.memory_space<semaphore_mem>>) src(%arg10 : memref<80x16xf32, #tpu.memory_space<vmem>>) dst(%dma_wait3A_499 : memref<5120x16xf32, #tpu.memory_space<vmem_shared>>)
      %dma_wait3A_500 = arith.constant 3 : i32
      %dma_wait3A_501 = arith.constant 0 : i32
      %dma_wait3A_502 = tpu.memref_slice %arg7[%dma_wait3A_500, %dma_wait3A_501] : memref<25x80xi32, #tpu.memory_space<vmem>> -> memref<1x80xi32, #tpu.memory_space<vmem>>
      %dma_wait3A_503 = tpu.memref_squeeze %dma_wait3A_502 : memref<1x80xi32, #tpu.memory_space<vmem>> -> memref<80xi32, #tpu.memory_space<vmem>>
      %dma_wait3A_504 = arith.constant 0 : i32
      %dma_wait3A_505 = arith.constant 0 : i32
      %dma_wait3A_506 = tpu.memref_slice %arg34[%dma_wait3A_504, %dma_wait3A_505] : memref<5120x16xf32, #tpu.memory_space<vmem_shared>> -> memref<5120x16xf32, #tpu.memory_space<vmem_shared>>
      tpu.wait_indirect_dma semaphore(%arg36 : memref<!tpu.dma_semaphore, #tpu.memory_space<semaphore_mem>>) src(%arg11 : memref<80x16xf32, #tpu.memory_space<vmem>>) dst(%dma_wait3A_506 : memref<5120x16xf32, #tpu.memory_space<vmem_shared>>)
      %dma_wait3A_507 = arith.constant 4 : i32
      %dma_wait3A_508 = arith.constant 0 : i32
      %dma_wait3A_509 = tpu.memref_slice %arg7[%dma_wait3A_507, %dma_wait3A_508] : memref<25x80xi32, #tpu.memory_space<vmem>> -> memref<1x80xi32, #tpu.memory_space<vmem>>
      %dma_wait3A_510 = tpu.memref_squeeze %dma_wait3A_509 : memref<1x80xi32, #tpu.memory_space<vmem>> -> memref<80xi32, #tpu.memory_space<vmem>>
      %dma_wait3A_511 = arith.constant 0 : i32
      %dma_wait3A_512 = arith.constant 0 : i32
      %dma_wait3A_513 = tpu.memref_slice %arg34[%dma_wait3A_511, %dma_wait3A_512] : memref<5120x16xf32, #tpu.memory_space<vmem_shared>> -> memref<5120x16xf32, #tpu.memory_space<vmem_shared>>
      tpu.wait_indirect_dma semaphore(%arg36 : memref<!tpu.dma_semaphore, #tpu.memory_space<semaphore_mem>>) src(%arg12 : memref<80x16xf32, #tpu.memory_space<vmem>>) dst(%dma_wait3A_513 : memref<5120x16xf32, #tpu.memory_space<vmem_shared>>)
      %dma_wait3A_514 = arith.constant 5 : i32
      %dma_wait3A_515 = arith.constant 0 : i32
      %dma_wait3A_516 = tpu.memref_slice %arg7[%dma_wait3A_514, %dma_wait3A_515] : memref<25x80xi32, #tpu.memory_space<vmem>> -> memref<1x80xi32, #tpu.memory_space<vmem>>
      %dma_wait3A_517 = tpu.memref_squeeze %dma_wait3A_516 : memref<1x80xi32, #tpu.memory_space<vmem>> -> memref<80xi32, #tpu.memory_space<vmem>>
      %dma_wait3A_518 = arith.constant 0 : i32
      %dma_wait3A_519 = arith.constant 0 : i32
      %dma_wait3A_520 = tpu.memref_slice %arg34[%dma_wait3A_518, %dma_wait3A_519] : memref<5120x16xf32, #tpu.memory_space<vmem_shared>> -> memref<5120x16xf32, #tpu.memory_space<vmem_shared>>
      tpu.wait_indirect_dma semaphore(%arg36 : memref<!tpu.dma_semaphore, #tpu.memory_space<semaphore_mem>>) src(%arg13 : memref<80x16xf32, #tpu.memory_space<vmem>>) dst(%dma_wait3A_520 : memref<5120x16xf32, #tpu.memory_space<vmem_shared>>)
      %dma_wait3A_521 = arith.constant 6 : i32
      %dma_wait3A_522 = arith.constant 0 : i32
      %dma_wait3A_523 = tpu.memref_slice %arg7[%dma_wait3A_521, %dma_wait3A_522] : memref<25x80xi32, #tpu.memory_space<vmem>> -> memref<1x80xi32, #tpu.memory_space<vmem>>
      %dma_wait3A_524 = tpu.memref_squeeze %dma_wait3A_523 : memref<1x80xi32, #tpu.memory_space<vmem>> -> memref<80xi32, #tpu.memory_space<vmem>>
      %dma_wait3A_525 = arith.constant 0 : i32
      %dma_wait3A_526 = arith.constant 0 : i32
      %dma_wait3A_527 = tpu.memref_slice %arg34[%dma_wait3A_525, %dma_wait3A_526] : memref<5120x16xf32, #tpu.memory_space<vmem_shared>> -> memref<5120x16xf32, #tpu.memory_space<vmem_shared>>
      tpu.wait_indirect_dma semaphore(%arg36 : memref<!tpu.dma_semaphore, #tpu.memory_space<semaphore_mem>>) src(%arg14 : memref<80x16xf32, #tpu.memory_space<vmem>>) dst(%dma_wait3A_527 : memref<5120x16xf32, #tpu.memory_space<vmem_shared>>)
      %dma_wait3A_528 = arith.constant 7 : i32
      %dma_wait3A_529 = arith.constant 0 : i32
      %dma_wait3A_530 = tpu.memref_slice %arg7[%dma_wait3A_528, %dma_wait3A_529] : memref<25x80xi32, #tpu.memory_space<vmem>> -> memref<1x80xi32, #tpu.memory_space<vmem>>
      %dma_wait3A_531 = tpu.memref_squeeze %dma_wait3A_530 : memref<1x80xi32, #tpu.memory_space<vmem>> -> memref<80xi32, #tpu.memory_space<vmem>>
      %dma_wait3A_532 = arith.constant 0 : i32
      %dma_wait3A_533 = arith.constant 0 : i32
      %dma_wait3A_534 = tpu.memref_slice %arg34[%dma_wait3A_532, %dma_wait3A_533] : memref<5120x16xf32, #tpu.memory_space<vmem_shared>> -> memref<5120x16xf32, #tpu.memory_space<vmem_shared>>
      tpu.wait_indirect_dma semaphore(%arg36 : memref<!tpu.dma_semaphore, #tpu.memory_space<semaphore_mem>>) src(%arg15 : memref<80x16xf32, #tpu.memory_space<vmem>>) dst(%dma_wait3A_534 : memref<5120x16xf32, #tpu.memory_space<vmem_shared>>)
      %dma_wait3A_535 = arith.constant 8 : i32
      %dma_wait3A_536 = arith.constant 0 : i32
      %dma_wait3A_537 = tpu.memref_slice %arg7[%dma_wait3A_535, %dma_wait3A_536] : memref<25x80xi32, #tpu.memory_space<vmem>> -> memref<1x80xi32, #tpu.memory_space<vmem>>
      %dma_wait3A_538 = tpu.memref_squeeze %dma_wait3A_537 : memref<1x80xi32, #tpu.memory_space<vmem>> -> memref<80xi32, #tpu.memory_space<vmem>>
      %dma_wait3A_539 = arith.constant 0 : i32
      %dma_wait3A_540 = arith.constant 0 : i32
      %dma_wait3A_541 = tpu.memref_slice %arg34[%dma_wait3A_539, %dma_wait3A_540] : memref<5120x16xf32, #tpu.memory_space<vmem_shared>> -> memref<5120x16xf32, #tpu.memory_space<vmem_shared>>
      tpu.wait_indirect_dma semaphore(%arg36 : memref<!tpu.dma_semaphore, #tpu.memory_space<semaphore_mem>>) src(%arg16 : memref<80x16xf32, #tpu.memory_space<vmem>>) dst(%dma_wait3A_541 : memref<5120x16xf32, #tpu.memory_space<vmem_shared>>)
      %dma_wait3A_542 = arith.constant 9 : i32
      %dma_wait3A_543 = arith.constant 0 : i32
      %dma_wait3A_544 = tpu.memref_slice %arg7[%dma_wait3A_542, %dma_wait3A_543] : memref<25x80xi32, #tpu.memory_space<vmem>> -> memref<1x80xi32, #tpu.memory_space<vmem>>
      %dma_wait3A_545 = tpu.memref_squeeze %dma_wait3A_544 : memref<1x80xi32, #tpu.memory_space<vmem>> -> memref<80xi32, #tpu.memory_space<vmem>>
      %dma_wait3A_546 = arith.constant 0 : i32
      %dma_wait3A_547 = arith.constant 0 : i32
      %dma_wait3A_548 = tpu.memref_slice %arg34[%dma_wait3A_546, %dma_wait3A_547] : memref<5120x16xf32, #tpu.memory_space<vmem_shared>> -> memref<5120x16xf32, #tpu.memory_space<vmem_shared>>
      tpu.wait_indirect_dma semaphore(%arg36 : memref<!tpu.dma_semaphore, #tpu.memory_space<semaphore_mem>>) src(%arg17 : memref<80x16xf32, #tpu.memory_space<vmem>>) dst(%dma_wait3A_548 : memref<5120x16xf32, #tpu.memory_space<vmem_shared>>)
      %dma_wait3A_549 = arith.constant 10 : i32
      %dma_wait3A_550 = arith.constant 0 : i32
      %dma_wait3A_551 = tpu.memref_slice %arg7[%dma_wait3A_549, %dma_wait3A_550] : memref<25x80xi32, #tpu.memory_space<vmem>> -> memref<1x80xi32, #tpu.memory_space<vmem>>
      %dma_wait3A_552 = tpu.memref_squeeze %dma_wait3A_551 : memref<1x80xi32, #tpu.memory_space<vmem>> -> memref<80xi32, #tpu.memory_space<vmem>>
      %dma_wait3A_553 = arith.constant 0 : i32
      %dma_wait3A_554 = arith.constant 0 : i32
      %dma_wait3A_555 = tpu.memref_slice %arg34[%dma_wait3A_553, %dma_wait3A_554] : memref<5120x16xf32, #tpu.memory_space<vmem_shared>> -> memref<5120x16xf32, #tpu.memory_space<vmem_shared>>
      tpu.wait_indirect_dma semaphore(%arg36 : memref<!tpu.dma_semaphore, #tpu.memory_space<semaphore_mem>>) src(%arg18 : memref<80x16xf32, #tpu.memory_space<vmem>>) dst(%dma_wait3A_555 : memref<5120x16xf32, #tpu.memory_space<vmem_shared>>)
      %dma_wait3A_556 = arith.constant 11 : i32
      %dma_wait3A_557 = arith.constant 0 : i32
      %dma_wait3A_558 = tpu.memref_slice %arg7[%dma_wait3A_556, %dma_wait3A_557] : memref<25x80xi32, #tpu.memory_space<vmem>> -> memref<1x80xi32, #tpu.memory_space<vmem>>
      %dma_wait3A_559 = tpu.memref_squeeze %dma_wait3A_558 : memref<1x80xi32, #tpu.memory_space<vmem>> -> memref<80xi32, #tpu.memory_space<vmem>>
      %dma_wait3A_560 = arith.constant 0 : i32
      %dma_wait3A_561 = arith.constant 0 : i32
      %dma_wait3A_562 = tpu.memref_slice %arg34[%dma_wait3A_560, %dma_wait3A_561] : memref<5120x16xf32, #tpu.memory_space<vmem_shared>> -> memref<5120x16xf32, #tpu.memory_space<vmem_shared>>
      tpu.wait_indirect_dma semaphore(%arg36 : memref<!tpu.dma_semaphore, #tpu.memory_space<semaphore_mem>>) src(%arg19 : memref<80x16xf32, #tpu.memory_space<vmem>>) dst(%dma_wait3A_562 : memref<5120x16xf32, #tpu.memory_space<vmem_shared>>)
      %dma_wait3A_563 = arith.constant 12 : i32
      %dma_wait3A_564 = arith.constant 0 : i32
      %dma_wait3A_565 = tpu.memref_slice %arg7[%dma_wait3A_563, %dma_wait3A_564] : memref<25x80xi32, #tpu.memory_space<vmem>> -> memref<1x80xi32, #tpu.memory_space<vmem>>
      %dma_wait3A_566 = tpu.memref_squeeze %dma_wait3A_565 : memref<1x80xi32, #tpu.memory_space<vmem>> -> memref<80xi32, #tpu.memory_space<vmem>>
      %dma_wait3A_567 = arith.constant 0 : i32
      %dma_wait3A_568 = arith.constant 0 : i32
      %dma_wait3A_569 = tpu.memref_slice %arg34[%dma_wait3A_567, %dma_wait3A_568] : memref<5120x16xf32, #tpu.memory_space<vmem_shared>> -> memref<5120x16xf32, #tpu.memory_space<vmem_shared>>
      tpu.wait_indirect_dma semaphore(%arg36 : memref<!tpu.dma_semaphore, #tpu.memory_space<semaphore_mem>>) src(%arg20 : memref<80x16xf32, #tpu.memory_space<vmem>>) dst(%dma_wait3A_569 : memref<5120x16xf32, #tpu.memory_space<vmem_shared>>)
      %dma_wait3A_570 = arith.constant 13 : i32
      %dma_wait3A_571 = arith.constant 0 : i32
      %dma_wait3A_572 = tpu.memref_slice %arg7[%dma_wait3A_570, %dma_wait3A_571] : memref<25x80xi32, #tpu.memory_space<vmem>> -> memref<1x80xi32, #tpu.memory_space<vmem>>
      %dma_wait3A_573 = tpu.memref_squeeze %dma_wait3A_572 : memref<1x80xi32, #tpu.memory_space<vmem>> -> memref<80xi32, #tpu.memory_space<vmem>>
      %dma_wait3A_574 = arith.constant 0 : i32
      %dma_wait3A_575 = arith.constant 0 : i32
      %dma_wait3A_576 = tpu.memref_slice %arg34[%dma_wait3A_574, %dma_wait3A_575] : memref<5120x16xf32, #tpu.memory_space<vmem_shared>> -> memref<5120x16xf32, #tpu.memory_space<vmem_shared>>
      tpu.wait_indirect_dma semaphore(%arg36 : memref<!tpu.dma_semaphore, #tpu.memory_space<semaphore_mem>>) src(%arg21 : memref<80x16xf32, #tpu.memory_space<vmem>>) dst(%dma_wait3A_576 : memref<5120x16xf32, #tpu.memory_space<vmem_shared>>)
      %dma_wait3A_577 = arith.constant 14 : i32
      %dma_wait3A_578 = arith.constant 0 : i32
      %dma_wait3A_579 = tpu.memref_slice %arg7[%dma_wait3A_577, %dma_wait3A_578] : memref<25x80xi32, #tpu.memory_space<vmem>> -> memref<1x80xi32, #tpu.memory_space<vmem>>
      %dma_wait3A_580 = tpu.memref_squeeze %dma_wait3A_579 : memref<1x80xi32, #tpu.memory_space<vmem>> -> memref<80xi32, #tpu.memory_space<vmem>>
      %dma_wait3A_581 = arith.constant 0 : i32
      %dma_wait3A_582 = arith.constant 0 : i32
      %dma_wait3A_583 = tpu.memref_slice %arg34[%dma_wait3A_581, %dma_wait3A_582] : memref<5120x16xf32, #tpu.memory_space<vmem_shared>> -> memref<5120x16xf32, #tpu.memory_space<vmem_shared>>
      tpu.wait_indirect_dma semaphore(%arg36 : memref<!tpu.dma_semaphore, #tpu.memory_space<semaphore_mem>>) src(%arg22 : memref<80x16xf32, #tpu.memory_space<vmem>>) dst(%dma_wait3A_583 : memref<5120x16xf32, #tpu.memory_space<vmem_shared>>)
      %dma_wait3A_584 = arith.constant 15 : i32
      %dma_wait3A_585 = arith.constant 0 : i32
      %dma_wait3A_586 = tpu.memref_slice %arg7[%dma_wait3A_584, %dma_wait3A_585] : memref<25x80xi32, #tpu.memory_space<vmem>> -> memref<1x80xi32, #tpu.memory_space<vmem>>
      %dma_wait3A_587 = tpu.memref_squeeze %dma_wait3A_586 : memref<1x80xi32, #tpu.memory_space<vmem>> -> memref<80xi32, #tpu.memory_space<vmem>>
      %dma_wait3A_588 = arith.constant 0 : i32
      %dma_wait3A_589 = arith.constant 0 : i32
      %dma_wait3A_590 = tpu.memref_slice %arg34[%dma_wait3A_588, %dma_wait3A_589] : memref<5120x16xf32, #tpu.memory_space<vmem_shared>> -> memref<5120x16xf32, #tpu.memory_space<vmem_shared>>
      tpu.wait_indirect_dma semaphore(%arg36 : memref<!tpu.dma_semaphore, #tpu.memory_space<semaphore_mem>>) src(%arg23 : memref<80x16xf32, #tpu.memory_space<vmem>>) dst(%dma_wait3A_590 : memref<5120x16xf32, #tpu.memory_space<vmem_shared>>)
      %dma_wait3A_591 = arith.constant 16 : i32
      %dma_wait3A_592 = arith.constant 0 : i32
      %dma_wait3A_593 = tpu.memref_slice %arg7[%dma_wait3A_591, %dma_wait3A_592] : memref<25x80xi32, #tpu.memory_space<vmem>> -> memref<1x80xi32, #tpu.memory_space<vmem>>
      %dma_wait3A_594 = tpu.memref_squeeze %dma_wait3A_593 : memref<1x80xi32, #tpu.memory_space<vmem>> -> memref<80xi32, #tpu.memory_space<vmem>>
      %dma_wait3A_595 = arith.constant 0 : i32
      %dma_wait3A_596 = arith.constant 0 : i32
      %dma_wait3A_597 = tpu.memref_slice %arg34[%dma_wait3A_595, %dma_wait3A_596] : memref<5120x16xf32, #tpu.memory_space<vmem_shared>> -> memref<5120x16xf32, #tpu.memory_space<vmem_shared>>
      tpu.wait_indirect_dma semaphore(%arg36 : memref<!tpu.dma_semaphore, #tpu.memory_space<semaphore_mem>>) src(%arg24 : memref<80x16xf32, #tpu.memory_space<vmem>>) dst(%dma_wait3A_597 : memref<5120x16xf32, #tpu.memory_space<vmem_shared>>)
      %dma_wait3A_598 = arith.constant 17 : i32
      %dma_wait3A_599 = arith.constant 0 : i32
      %dma_wait3A_600 = tpu.memref_slice %arg7[%dma_wait3A_598, %dma_wait3A_599] : memref<25x80xi32, #tpu.memory_space<vmem>> -> memref<1x80xi32, #tpu.memory_space<vmem>>
      %dma_wait3A_601 = tpu.memref_squeeze %dma_wait3A_600 : memref<1x80xi32, #tpu.memory_space<vmem>> -> memref<80xi32, #tpu.memory_space<vmem>>
      %dma_wait3A_602 = arith.constant 0 : i32
      %dma_wait3A_603 = arith.constant 0 : i32
      %dma_wait3A_604 = tpu.memref_slice %arg34[%dma_wait3A_602, %dma_wait3A_603] : memref<5120x16xf32, #tpu.memory_space<vmem_shared>> -> memref<5120x16xf32, #tpu.memory_space<vmem_shared>>
      tpu.wait_indirect_dma semaphore(%arg36 : memref<!tpu.dma_semaphore, #tpu.memory_space<semaphore_mem>>) src(%arg25 : memref<80x16xf32, #tpu.memory_space<vmem>>) dst(%dma_wait3A_604 : memref<5120x16xf32, #tpu.memory_space<vmem_shared>>)
      %dma_wait3A_605 = arith.constant 18 : i32
      %dma_wait3A_606 = arith.constant 0 : i32
      %dma_wait3A_607 = tpu.memref_slice %arg7[%dma_wait3A_605, %dma_wait3A_606] : memref<25x80xi32, #tpu.memory_space<vmem>> -> memref<1x80xi32, #tpu.memory_space<vmem>>
      %dma_wait3A_608 = tpu.memref_squeeze %dma_wait3A_607 : memref<1x80xi32, #tpu.memory_space<vmem>> -> memref<80xi32, #tpu.memory_space<vmem>>
      %dma_wait3A_609 = arith.constant 0 : i32
      %dma_wait3A_610 = arith.constant 0 : i32
      %dma_wait3A_611 = tpu.memref_slice %arg34[%dma_wait3A_609, %dma_wait3A_610] : memref<5120x16xf32, #tpu.memory_space<vmem_shared>> -> memref<5120x16xf32, #tpu.memory_space<vmem_shared>>
      tpu.wait_indirect_dma semaphore(%arg36 : memref<!tpu.dma_semaphore, #tpu.memory_space<semaphore_mem>>) src(%arg26 : memref<80x16xf32, #tpu.memory_space<vmem>>) dst(%dma_wait3A_611 : memref<5120x16xf32, #tpu.memory_space<vmem_shared>>)
      %dma_wait3A_612 = arith.constant 19 : i32
      %dma_wait3A_613 = arith.constant 0 : i32
      %dma_wait3A_614 = tpu.memref_slice %arg7[%dma_wait3A_612, %dma_wait3A_613] : memref<25x80xi32, #tpu.memory_space<vmem>> -> memref<1x80xi32, #tpu.memory_space<vmem>>
      %dma_wait3A_615 = tpu.memref_squeeze %dma_wait3A_614 : memref<1x80xi32, #tpu.memory_space<vmem>> -> memref<80xi32, #tpu.memory_space<vmem>>
      %dma_wait3A_616 = arith.constant 0 : i32
      %dma_wait3A_617 = arith.constant 0 : i32
      %dma_wait3A_618 = tpu.memref_slice %arg34[%dma_wait3A_616, %dma_wait3A_617] : memref<5120x16xf32, #tpu.memory_space<vmem_shared>> -> memref<5120x16xf32, #tpu.memory_space<vmem_shared>>
      tpu.wait_indirect_dma semaphore(%arg36 : memref<!tpu.dma_semaphore, #tpu.memory_space<semaphore_mem>>) src(%arg27 : memref<80x16xf32, #tpu.memory_space<vmem>>) dst(%dma_wait3A_618 : memref<5120x16xf32, #tpu.memory_space<vmem_shared>>)
      %dma_wait3A_619 = arith.constant 20 : i32
      %dma_wait3A_620 = arith.constant 0 : i32
      %dma_wait3A_621 = tpu.memref_slice %arg7[%dma_wait3A_619, %dma_wait3A_620] : memref<25x80xi32, #tpu.memory_space<vmem>> -> memref<1x80xi32, #tpu.memory_space<vmem>>
      %dma_wait3A_622 = tpu.memref_squeeze %dma_wait3A_621 : memref<1x80xi32, #tpu.memory_space<vmem>> -> memref<80xi32, #tpu.memory_space<vmem>>
      %dma_wait3A_623 = arith.constant 0 : i32
      %dma_wait3A_624 = arith.constant 0 : i32
      %dma_wait3A_625 = tpu.memref_slice %arg34[%dma_wait3A_623, %dma_wait3A_624] : memref<5120x16xf32, #tpu.memory_space<vmem_shared>> -> memref<5120x16xf32, #tpu.memory_space<vmem_shared>>
      tpu.wait_indirect_dma semaphore(%arg36 : memref<!tpu.dma_semaphore, #tpu.memory_space<semaphore_mem>>) src(%arg28 : memref<80x16xf32, #tpu.memory_space<vmem>>) dst(%dma_wait3A_625 : memref<5120x16xf32, #tpu.memory_space<vmem_shared>>)
      %dma_wait3A_626 = arith.constant 21 : i32
      %dma_wait3A_627 = arith.constant 0 : i32
      %dma_wait3A_628 = tpu.memref_slice %arg7[%dma_wait3A_626, %dma_wait3A_627] : memref<25x80xi32, #tpu.memory_space<vmem>> -> memref<1x80xi32, #tpu.memory_space<vmem>>
      %dma_wait3A_629 = tpu.memref_squeeze %dma_wait3A_628 : memref<1x80xi32, #tpu.memory_space<vmem>> -> memref<80xi32, #tpu.memory_space<vmem>>
      %dma_wait3A_630 = arith.constant 0 : i32
      %dma_wait3A_631 = arith.constant 0 : i32
      %dma_wait3A_632 = tpu.memref_slice %arg34[%dma_wait3A_630, %dma_wait3A_631] : memref<5120x16xf32, #tpu.memory_space<vmem_shared>> -> memref<5120x16xf32, #tpu.memory_space<vmem_shared>>
      tpu.wait_indirect_dma semaphore(%arg36 : memref<!tpu.dma_semaphore, #tpu.memory_space<semaphore_mem>>) src(%arg29 : memref<80x16xf32, #tpu.memory_space<vmem>>) dst(%dma_wait3A_632 : memref<5120x16xf32, #tpu.memory_space<vmem_shared>>)
      %dma_wait3A_633 = arith.constant 22 : i32
      %dma_wait3A_634 = arith.constant 0 : i32
      %dma_wait3A_635 = tpu.memref_slice %arg7[%dma_wait3A_633, %dma_wait3A_634] : memref<25x80xi32, #tpu.memory_space<vmem>> -> memref<1x80xi32, #tpu.memory_space<vmem>>
      %dma_wait3A_636 = tpu.memref_squeeze %dma_wait3A_635 : memref<1x80xi32, #tpu.memory_space<vmem>> -> memref<80xi32, #tpu.memory_space<vmem>>
      %dma_wait3A_637 = arith.constant 0 : i32
      %dma_wait3A_638 = arith.constant 0 : i32
      %dma_wait3A_639 = tpu.memref_slice %arg34[%dma_wait3A_637, %dma_wait3A_638] : memref<5120x16xf32, #tpu.memory_space<vmem_shared>> -> memref<5120x16xf32, #tpu.memory_space<vmem_shared>>
      tpu.wait_indirect_dma semaphore(%arg36 : memref<!tpu.dma_semaphore, #tpu.memory_space<semaphore_mem>>) src(%arg30 : memref<80x16xf32, #tpu.memory_space<vmem>>) dst(%dma_wait3A_639 : memref<5120x16xf32, #tpu.memory_space<vmem_shared>>)
      %dma_wait3A_640 = arith.constant 23 : i32
      %dma_wait3A_641 = arith.constant 0 : i32
      %dma_wait3A_642 = tpu.memref_slice %arg7[%dma_wait3A_640, %dma_wait3A_641] : memref<25x80xi32, #tpu.memory_space<vmem>> -> memref<1x80xi32, #tpu.memory_space<vmem>>
      %dma_wait3A_643 = tpu.memref_squeeze %dma_wait3A_642 : memref<1x80xi32, #tpu.memory_space<vmem>> -> memref<80xi32, #tpu.memory_space<vmem>>
      %dma_wait3A_644 = arith.constant 0 : i32
      %dma_wait3A_645 = arith.constant 0 : i32
      %dma_wait3A_646 = tpu.memref_slice %arg34[%dma_wait3A_644, %dma_wait3A_645] : memref<5120x16xf32, #tpu.memory_space<vmem_shared>> -> memref<5120x16xf32, #tpu.memory_space<vmem_shared>>
      tpu.wait_indirect_dma semaphore(%arg36 : memref<!tpu.dma_semaphore, #tpu.memory_space<semaphore_mem>>) src(%arg31 : memref<80x16xf32, #tpu.memory_space<vmem>>) dst(%dma_wait3A_646 : memref<5120x16xf32, #tpu.memory_space<vmem_shared>>)
      %dma_wait3A_647 = arith.constant 24 : i32
      %dma_wait3A_648 = arith.constant 0 : i32
      %dma_wait3A_649 = tpu.memref_slice %arg7[%dma_wait3A_647, %dma_wait3A_648] : memref<25x80xi32, #tpu.memory_space<vmem>> -> memref<1x80xi32, #tpu.memory_space<vmem>>
      %dma_wait3A_650 = tpu.memref_squeeze %dma_wait3A_649 : memref<1x80xi32, #tpu.memory_space<vmem>> -> memref<80xi32, #tpu.memory_space<vmem>>
      %dma_wait3A_651 = arith.constant 0 : i32
      %dma_wait3A_652 = arith.constant 0 : i32
      %dma_wait3A_653 = tpu.memref_slice %arg34[%dma_wait3A_651, %dma_wait3A_652] : memref<5120x16xf32, #tpu.memory_space<vmem_shared>> -> memref<5120x16xf32, #tpu.memory_space<vmem_shared>>
      tpu.wait_indirect_dma semaphore(%arg36 : memref<!tpu.dma_semaphore, #tpu.memory_space<semaphore_mem>>) src(%arg32 : memref<80x16xf32, #tpu.memory_space<vmem>>) dst(%dma_wait3A_653 : memref<5120x16xf32, #tpu.memory_space<vmem_shared>>)
    }
    %scan3A_8 = arith.constant 10 : i32
    %barrier3A_9 = arith.constant 0 : index
    tpu.barrier barrier_id(%barrier3A_9)
    %mul3A_10 = arith.constant 320 : i32
    %mul3A_11 = arith.muli %arg1, %mul3A_10 : i32
    %add3A = arith.constant 0 : i32
    %add3A_12 = arith.addi %mul3A_11, %add3A : i32
    "tpu.region"() ({
      %run_scoped3A = tpu.sem_alloc : memref<!tpu.dma_semaphore, #tpu.memory_space<semaphore_mem>>
      %dma_start3A = arith.constant 0 : i32
      %dma_start3A_41 = tpu.memref_slice %arg34[%add3A_12, %dma_start3A] : memref<5120x16xf32, #tpu.memory_space<vmem_shared>> -> memref<80x16xf32, #tpu.memory_space<vmem_shared>>
      %dma_start3A_42 = arith.constant 0 : i32
      %dma_start3A_43 = tpu.memref_slice %arg34[%add3A_12, %dma_start3A_42] : memref<5120x16xf32, #tpu.memory_space<vmem_shared>> -> memref<80x16xf32, #tpu.memory_space<vmem_shared>>
      tpu.enqueue_dma source(%dma_start3A_43 : memref<80x16xf32, #tpu.memory_space<vmem_shared>>) target(%arg33 : memref<80x16xf32, #tpu.memory_space<vmem>>) target_semaphore(%run_scoped3A : memref<!tpu.dma_semaphore, #tpu.memory_space<semaphore_mem>>)
      %dma_wait3A = arith.constant 0 : i32
      %dma_wait3A_44 = tpu.memref_slice %arg34[%add3A_12, %dma_wait3A] : memref<5120x16xf32, #tpu.memory_space<vmem_shared>> -> memref<80x16xf32, #tpu.memory_space<vmem_shared>>
      %dma_wait3A_45 = arith.constant 0 : i32
      %dma_wait3A_46 = tpu.memref_slice %arg34[%add3A_12, %dma_wait3A_45] : memref<5120x16xf32, #tpu.memory_space<vmem_shared>> -> memref<80x16xf32, #tpu.memory_space<vmem_shared>>
      tpu.wait_dma2 semaphore(%run_scoped3A : memref<!tpu.dma_semaphore, #tpu.memory_space<semaphore_mem>>) src(%dma_wait3A_46 : memref<80x16xf32, #tpu.memory_space<vmem_shared>>) dst(%arg33 : memref<80x16xf32, #tpu.memory_space<vmem>>)
      tpu.yield
    }) : () -> ()
    %mul3A_13 = arith.constant 320 : i32
    %mul3A_14 = arith.muli %arg1, %mul3A_13 : i32
    %add3A_15 = arith.constant 0 : i32
    %add3A_16 = arith.addi %mul3A_14, %add3A_15 : i32
    "tpu.region"() ({
      %run_scoped3A = tpu.sem_alloc : memref<!tpu.dma_semaphore, #tpu.memory_space<semaphore_mem>>
      %dma_start3A = arith.constant 0 : i32
      %dma_start3A_41 = tpu.memref_slice %arg5[%arg0, %add3A_16, %dma_start3A] : memref<2x5120x16xf32, #tpu.memory_space<hbm>> -> memref<1x80x16xf32, #tpu.memory_space<hbm>>
      %dma_start3A_42 = tpu.memref_squeeze %dma_start3A_41 : memref<1x80x16xf32, #tpu.memory_space<hbm>> -> memref<80x16xf32, #tpu.memory_space<hbm>>
      %dma_start3A_43 = arith.constant 0 : i32
      %dma_start3A_44 = tpu.memref_slice %arg5[%arg0, %add3A_16, %dma_start3A_43] : memref<2x5120x16xf32, #tpu.memory_space<hbm>> -> memref<1x80x16xf32, #tpu.memory_space<hbm>>
      %dma_start3A_45 = tpu.memref_squeeze %dma_start3A_44 : memref<1x80x16xf32, #tpu.memory_space<hbm>> -> memref<80x16xf32, #tpu.memory_space<hbm>>
      tpu.enqueue_dma source(%arg33 : memref<80x16xf32, #tpu.memory_space<vmem>>) target(%dma_start3A_45 : memref<80x16xf32, #tpu.memory_space<hbm>>) target_semaphore(%run_scoped3A : memref<!tpu.dma_semaphore, #tpu.memory_space<semaphore_mem>>)
      %dma_wait3A = arith.constant 0 : i32
      %dma_wait3A_46 = tpu.memref_slice %arg5[%arg0, %add3A_16, %dma_wait3A] : memref<2x5120x16xf32, #tpu.memory_space<hbm>> -> memref<1x80x16xf32, #tpu.memory_space<hbm>>
      %dma_wait3A_47 = tpu.memref_squeeze %dma_wait3A_46 : memref<1x80x16xf32, #tpu.memory_space<hbm>> -> memref<80x16xf32, #tpu.memory_space<hbm>>
      %dma_wait3A_48 = arith.constant 0 : i32
      %dma_wait3A_49 = tpu.memref_slice %arg5[%arg0, %add3A_16, %dma_wait3A_48] : memref<2x5120x16xf32, #tpu.memory_space<hbm>> -> memref<1x80x16xf32, #tpu.memory_space<hbm>>
      %dma_wait3A_50 = tpu.memref_squeeze %dma_wait3A_49 : memref<1x80x16xf32, #tpu.memory_space<hbm>> -> memref<80x16xf32, #tpu.memory_space<hbm>>
      tpu.wait_dma2 semaphore(%run_scoped3A : memref<!tpu.dma_semaphore, #tpu.memory_space<semaphore_mem>>) src(%arg33 : memref<80x16xf32, #tpu.memory_space<vmem>>) dst(%dma_wait3A_50 : memref<80x16xf32, #tpu.memory_space<hbm>>)
      tpu.yield
    }) : () -> ()
    %mul3A_17 = arith.constant 320 : i32
    %mul3A_18 = arith.muli %arg1, %mul3A_17 : i32
    %add3A_19 = arith.constant 80 : i32
    %add3A_20 = arith.addi %mul3A_18, %add3A_19 : i32
    "tpu.region"() ({
      %run_scoped3A = tpu.sem_alloc : memref<!tpu.dma_semaphore, #tpu.memory_space<semaphore_mem>>
      %dma_start3A = arith.constant 0 : i32
      %dma_start3A_41 = tpu.memref_slice %arg34[%add3A_20, %dma_start3A] : memref<5120x16xf32, #tpu.memory_space<vmem_shared>> -> memref<80x16xf32, #tpu.memory_space<vmem_shared>>
      %dma_start3A_42 = arith.constant 0 : i32
      %dma_start3A_43 = tpu.memref_slice %arg34[%add3A_20, %dma_start3A_42] : memref<5120x16xf32, #tpu.memory_space<vmem_shared>> -> memref<80x16xf32, #tpu.memory_space<vmem_shared>>
      tpu.enqueue_dma source(%dma_start3A_43 : memref<80x16xf32, #tpu.memory_space<vmem_shared>>) target(%arg33 : memref<80x16xf32, #tpu.memory_space<vmem>>) target_semaphore(%run_scoped3A : memref<!tpu.dma_semaphore, #tpu.memory_space<semaphore_mem>>)
      %dma_wait3A = arith.constant 0 : i32
      %dma_wait3A_44 = tpu.memref_slice %arg34[%add3A_20, %dma_wait3A] : memref<5120x16xf32, #tpu.memory_space<vmem_shared>> -> memref<80x16xf32, #tpu.memory_space<vmem_shared>>
      %dma_wait3A_45 = arith.constant 0 : i32
      %dma_wait3A_46 = tpu.memref_slice %arg34[%add3A_20, %dma_wait3A_45] : memref<5120x16xf32, #tpu.memory_space<vmem_shared>> -> memref<80x16xf32, #tpu.memory_space<vmem_shared>>
      tpu.wait_dma2 semaphore(%run_scoped3A : memref<!tpu.dma_semaphore, #tpu.memory_space<semaphore_mem>>) src(%dma_wait3A_46 : memref<80x16xf32, #tpu.memory_space<vmem_shared>>) dst(%arg33 : memref<80x16xf32, #tpu.memory_space<vmem>>)
      tpu.yield
    }) : () -> ()
    %mul3A_21 = arith.constant 320 : i32
    %mul3A_22 = arith.muli %arg1, %mul3A_21 : i32
    %add3A_23 = arith.constant 80 : i32
    %add3A_24 = arith.addi %mul3A_22, %add3A_23 : i32
    "tpu.region"() ({
      %run_scoped3A = tpu.sem_alloc : memref<!tpu.dma_semaphore, #tpu.memory_space<semaphore_mem>>
      %dma_start3A = arith.constant 0 : i32
      %dma_start3A_41 = tpu.memref_slice %arg5[%arg0, %add3A_24, %dma_start3A] : memref<2x5120x16xf32, #tpu.memory_space<hbm>> -> memref<1x80x16xf32, #tpu.memory_space<hbm>>
      %dma_start3A_42 = tpu.memref_squeeze %dma_start3A_41 : memref<1x80x16xf32, #tpu.memory_space<hbm>> -> memref<80x16xf32, #tpu.memory_space<hbm>>
      %dma_start3A_43 = arith.constant 0 : i32
      %dma_start3A_44 = tpu.memref_slice %arg5[%arg0, %add3A_24, %dma_start3A_43] : memref<2x5120x16xf32, #tpu.memory_space<hbm>> -> memref<1x80x16xf32, #tpu.memory_space<hbm>>
      %dma_start3A_45 = tpu.memref_squeeze %dma_start3A_44 : memref<1x80x16xf32, #tpu.memory_space<hbm>> -> memref<80x16xf32, #tpu.memory_space<hbm>>
      tpu.enqueue_dma source(%arg33 : memref<80x16xf32, #tpu.memory_space<vmem>>) target(%dma_start3A_45 : memref<80x16xf32, #tpu.memory_space<hbm>>) target_semaphore(%run_scoped3A : memref<!tpu.dma_semaphore, #tpu.memory_space<semaphore_mem>>)
      %dma_wait3A = arith.constant 0 : i32
      %dma_wait3A_46 = tpu.memref_slice %arg5[%arg0, %add3A_24, %dma_wait3A] : memref<2x5120x16xf32, #tpu.memory_space<hbm>> -> memref<1x80x16xf32, #tpu.memory_space<hbm>>
      %dma_wait3A_47 = tpu.memref_squeeze %dma_wait3A_46 : memref<1x80x16xf32, #tpu.memory_space<hbm>> -> memref<80x16xf32, #tpu.memory_space<hbm>>
      %dma_wait3A_48 = arith.constant 0 : i32
      %dma_wait3A_49 = tpu.memref_slice %arg5[%arg0, %add3A_24, %dma_wait3A_48] : memref<2x5120x16xf32, #tpu.memory_space<hbm>> -> memref<1x80x16xf32, #tpu.memory_space<hbm>>
      %dma_wait3A_50 = tpu.memref_squeeze %dma_wait3A_49 : memref<1x80x16xf32, #tpu.memory_space<hbm>> -> memref<80x16xf32, #tpu.memory_space<hbm>>
      tpu.wait_dma2 semaphore(%run_scoped3A : memref<!tpu.dma_semaphore, #tpu.memory_space<semaphore_mem>>) src(%arg33 : memref<80x16xf32, #tpu.memory_space<vmem>>) dst(%dma_wait3A_50 : memref<80x16xf32, #tpu.memory_space<hbm>>)
      tpu.yield
    }) : () -> ()
    %mul3A_25 = arith.constant 320 : i32
    %mul3A_26 = arith.muli %arg1, %mul3A_25 : i32
    %add3A_27 = arith.constant 160 : i32
    %add3A_28 = arith.addi %mul3A_26, %add3A_27 : i32
    "tpu.region"() ({
      %run_scoped3A = tpu.sem_alloc : memref<!tpu.dma_semaphore, #tpu.memory_space<semaphore_mem>>
      %dma_start3A = arith.constant 0 : i32
      %dma_start3A_41 = tpu.memref_slice %arg34[%add3A_28, %dma_start3A] : memref<5120x16xf32, #tpu.memory_space<vmem_shared>> -> memref<80x16xf32, #tpu.memory_space<vmem_shared>>
      %dma_start3A_42 = arith.constant 0 : i32
      %dma_start3A_43 = tpu.memref_slice %arg34[%add3A_28, %dma_start3A_42] : memref<5120x16xf32, #tpu.memory_space<vmem_shared>> -> memref<80x16xf32, #tpu.memory_space<vmem_shared>>
      tpu.enqueue_dma source(%dma_start3A_43 : memref<80x16xf32, #tpu.memory_space<vmem_shared>>) target(%arg33 : memref<80x16xf32, #tpu.memory_space<vmem>>) target_semaphore(%run_scoped3A : memref<!tpu.dma_semaphore, #tpu.memory_space<semaphore_mem>>)
      %dma_wait3A = arith.constant 0 : i32
      %dma_wait3A_44 = tpu.memref_slice %arg34[%add3A_28, %dma_wait3A] : memref<5120x16xf32, #tpu.memory_space<vmem_shared>> -> memref<80x16xf32, #tpu.memory_space<vmem_shared>>
      %dma_wait3A_45 = arith.constant 0 : i32
      %dma_wait3A_46 = tpu.memref_slice %arg34[%add3A_28, %dma_wait3A_45] : memref<5120x16xf32, #tpu.memory_space<vmem_shared>> -> memref<80x16xf32, #tpu.memory_space<vmem_shared>>
      tpu.wait_dma2 semaphore(%run_scoped3A : memref<!tpu.dma_semaphore, #tpu.memory_space<semaphore_mem>>) src(%dma_wait3A_46 : memref<80x16xf32, #tpu.memory_space<vmem_shared>>) dst(%arg33 : memref<80x16xf32, #tpu.memory_space<vmem>>)
      tpu.yield
    }) : () -> ()
    %mul3A_29 = arith.constant 320 : i32
    %mul3A_30 = arith.muli %arg1, %mul3A_29 : i32
    %add3A_31 = arith.constant 160 : i32
    %add3A_32 = arith.addi %mul3A_30, %add3A_31 : i32
    "tpu.region"() ({
      %run_scoped3A = tpu.sem_alloc : memref<!tpu.dma_semaphore, #tpu.memory_space<semaphore_mem>>
      %dma_start3A = arith.constant 0 : i32
      %dma_start3A_41 = tpu.memref_slice %arg5[%arg0, %add3A_32, %dma_start3A] : memref<2x5120x16xf32, #tpu.memory_space<hbm>> -> memref<1x80x16xf32, #tpu.memory_space<hbm>>
      %dma_start3A_42 = tpu.memref_squeeze %dma_start3A_41 : memref<1x80x16xf32, #tpu.memory_space<hbm>> -> memref<80x16xf32, #tpu.memory_space<hbm>>
      %dma_start3A_43 = arith.constant 0 : i32
      %dma_start3A_44 = tpu.memref_slice %arg5[%arg0, %add3A_32, %dma_start3A_43] : memref<2x5120x16xf32, #tpu.memory_space<hbm>> -> memref<1x80x16xf32, #tpu.memory_space<hbm>>
      %dma_start3A_45 = tpu.memref_squeeze %dma_start3A_44 : memref<1x80x16xf32, #tpu.memory_space<hbm>> -> memref<80x16xf32, #tpu.memory_space<hbm>>
      tpu.enqueue_dma source(%arg33 : memref<80x16xf32, #tpu.memory_space<vmem>>) target(%dma_start3A_45 : memref<80x16xf32, #tpu.memory_space<hbm>>) target_semaphore(%run_scoped3A : memref<!tpu.dma_semaphore, #tpu.memory_space<semaphore_mem>>)
      %dma_wait3A = arith.constant 0 : i32
      %dma_wait3A_46 = tpu.memref_slice %arg5[%arg0, %add3A_32, %dma_wait3A] : memref<2x5120x16xf32, #tpu.memory_space<hbm>> -> memref<1x80x16xf32, #tpu.memory_space<hbm>>
      %dma_wait3A_47 = tpu.memref_squeeze %dma_wait3A_46 : memref<1x80x16xf32, #tpu.memory_space<hbm>> -> memref<80x16xf32, #tpu.memory_space<hbm>>
      %dma_wait3A_48 = arith.constant 0 : i32
      %dma_wait3A_49 = tpu.memref_slice %arg5[%arg0, %add3A_32, %dma_wait3A_48] : memref<2x5120x16xf32, #tpu.memory_space<hbm>> -> memref<1x80x16xf32, #tpu.memory_space<hbm>>
      %dma_wait3A_50 = tpu.memref_squeeze %dma_wait3A_49 : memref<1x80x16xf32, #tpu.memory_space<hbm>> -> memref<80x16xf32, #tpu.memory_space<hbm>>
      tpu.wait_dma2 semaphore(%run_scoped3A : memref<!tpu.dma_semaphore, #tpu.memory_space<semaphore_mem>>) src(%arg33 : memref<80x16xf32, #tpu.memory_space<vmem>>) dst(%dma_wait3A_50 : memref<80x16xf32, #tpu.memory_space<hbm>>)
      tpu.yield
    }) : () -> ()
    %mul3A_33 = arith.constant 320 : i32
    %mul3A_34 = arith.muli %arg1, %mul3A_33 : i32
    %add3A_35 = arith.constant 240 : i32
    %add3A_36 = arith.addi %mul3A_34, %add3A_35 : i32
    "tpu.region"() ({
      %run_scoped3A = tpu.sem_alloc : memref<!tpu.dma_semaphore, #tpu.memory_space<semaphore_mem>>
      %dma_start3A = arith.constant 0 : i32
      %dma_start3A_41 = tpu.memref_slice %arg34[%add3A_36, %dma_start3A] : memref<5120x16xf32, #tpu.memory_space<vmem_shared>> -> memref<80x16xf32, #tpu.memory_space<vmem_shared>>
      %dma_start3A_42 = arith.constant 0 : i32
      %dma_start3A_43 = tpu.memref_slice %arg34[%add3A_36, %dma_start3A_42] : memref<5120x16xf32, #tpu.memory_space<vmem_shared>> -> memref<80x16xf32, #tpu.memory_space<vmem_shared>>
      tpu.enqueue_dma source(%dma_start3A_43 : memref<80x16xf32, #tpu.memory_space<vmem_shared>>) target(%arg33 : memref<80x16xf32, #tpu.memory_space<vmem>>) target_semaphore(%run_scoped3A : memref<!tpu.dma_semaphore, #tpu.memory_space<semaphore_mem>>)
      %dma_wait3A = arith.constant 0 : i32
      %dma_wait3A_44 = tpu.memref_slice %arg34[%add3A_36, %dma_wait3A] : memref<5120x16xf32, #tpu.memory_space<vmem_shared>> -> memref<80x16xf32, #tpu.memory_space<vmem_shared>>
      %dma_wait3A_45 = arith.constant 0 : i32
      %dma_wait3A_46 = tpu.memref_slice %arg34[%add3A_36, %dma_wait3A_45] : memref<5120x16xf32, #tpu.memory_space<vmem_shared>> -> memref<80x16xf32, #tpu.memory_space<vmem_shared>>
      tpu.wait_dma2 semaphore(%run_scoped3A : memref<!tpu.dma_semaphore, #tpu.memory_space<semaphore_mem>>) src(%dma_wait3A_46 : memref<80x16xf32, #tpu.memory_space<vmem_shared>>) dst(%arg33 : memref<80x16xf32, #tpu.memory_space<vmem>>)
      tpu.yield
    }) : () -> ()
    %mul3A_37 = arith.constant 320 : i32
    %mul3A_38 = arith.muli %arg1, %mul3A_37 : i32
    %add3A_39 = arith.constant 240 : i32
    %add3A_40 = arith.addi %mul3A_38, %add3A_39 : i32
    "tpu.region"() ({
      %run_scoped3A = tpu.sem_alloc : memref<!tpu.dma_semaphore, #tpu.memory_space<semaphore_mem>>
      %dma_start3A = arith.constant 0 : i32
      %dma_start3A_41 = tpu.memref_slice %arg5[%arg0, %add3A_40, %dma_start3A] : memref<2x5120x16xf32, #tpu.memory_space<hbm>> -> memref<1x80x16xf32, #tpu.memory_space<hbm>>
      %dma_start3A_42 = tpu.memref_squeeze %dma_start3A_41 : memref<1x80x16xf32, #tpu.memory_space<hbm>> -> memref<80x16xf32, #tpu.memory_space<hbm>>
      %dma_start3A_43 = arith.constant 0 : i32
      %dma_start3A_44 = tpu.memref_slice %arg5[%arg0, %add3A_40, %dma_start3A_43] : memref<2x5120x16xf32, #tpu.memory_space<hbm>> -> memref<1x80x16xf32, #tpu.memory_space<hbm>>
      %dma_start3A_45 = tpu.memref_squeeze %dma_start3A_44 : memref<1x80x16xf32, #tpu.memory_space<hbm>> -> memref<80x16xf32, #tpu.memory_space<hbm>>
      tpu.enqueue_dma source(%arg33 : memref<80x16xf32, #tpu.memory_space<vmem>>) target(%dma_start3A_45 : memref<80x16xf32, #tpu.memory_space<hbm>>) target_semaphore(%run_scoped3A : memref<!tpu.dma_semaphore, #tpu.memory_space<semaphore_mem>>)
      %dma_wait3A = arith.constant 0 : i32
      %dma_wait3A_46 = tpu.memref_slice %arg5[%arg0, %add3A_40, %dma_wait3A] : memref<2x5120x16xf32, #tpu.memory_space<hbm>> -> memref<1x80x16xf32, #tpu.memory_space<hbm>>
      %dma_wait3A_47 = tpu.memref_squeeze %dma_wait3A_46 : memref<1x80x16xf32, #tpu.memory_space<hbm>> -> memref<80x16xf32, #tpu.memory_space<hbm>>
      %dma_wait3A_48 = arith.constant 0 : i32
      %dma_wait3A_49 = tpu.memref_slice %arg5[%arg0, %add3A_40, %dma_wait3A_48] : memref<2x5120x16xf32, #tpu.memory_space<hbm>> -> memref<1x80x16xf32, #tpu.memory_space<hbm>>
      %dma_wait3A_50 = tpu.memref_squeeze %dma_wait3A_49 : memref<1x80x16xf32, #tpu.memory_space<hbm>> -> memref<80x16xf32, #tpu.memory_space<hbm>>
      tpu.wait_dma2 semaphore(%run_scoped3A : memref<!tpu.dma_semaphore, #tpu.memory_space<semaphore_mem>>) src(%arg33 : memref<80x16xf32, #tpu.memory_space<vmem>>) dst(%dma_wait3A_50 : memref<80x16xf32, #tpu.memory_space<hbm>>)
      tpu.yield
    }) : () -> ()
    return
  }
}

#map = affine_map<(d0, d1) -> (0, 0)>
#map1 = affine_map<(d0, d1) -> (0)>
module attributes {stable_mosaic.version = 14 : i64} {
  func.func @_sc_norm_body(%arg0: i32, %arg1: i32, %arg2: memref<320000x16xf32, #tpu.memory_space<hbm>>, %arg3: memref<320000xi32, #tpu.memory_space<hbm>>, %arg4: memref<10240x16xf32, #tpu.memory_space<hbm>>, %arg5: memref<320000x16xf32, #tpu.memory_space<hbm>>, %arg6: memref<2000xi32, #tpu.memory_space<vmem>>, %arg7: memref<25x80xi32, #tpu.memory_space<vmem>>, %arg8: memref<80x16xf32, #tpu.memory_space<vmem>>, %arg9: memref<80x16xf32, #tpu.memory_space<vmem>>, %arg10: memref<80x16xf32, #tpu.memory_space<vmem>>, %arg11: memref<80x16xf32, #tpu.memory_space<vmem>>, %arg12: memref<80x16xf32, #tpu.memory_space<vmem>>, %arg13: memref<80x16xf32, #tpu.memory_space<vmem>>, %arg14: memref<80x16xf32, #tpu.memory_space<vmem>>, %arg15: memref<80x16xf32, #tpu.memory_space<vmem>>, %arg16: memref<80x16xf32, #tpu.memory_space<vmem>>, %arg17: memref<80x16xf32, #tpu.memory_space<vmem>>, %arg18: memref<80x16xf32, #tpu.memory_space<vmem>>, %arg19: memref<80x16xf32, #tpu.memory_space<vmem>>, %arg20: memref<80x16xf32, #tpu.memory_space<vmem>>, %arg21: memref<80x16xf32, #tpu.memory_space<vmem>>, %arg22: memref<80x16xf32, #tpu.memory_space<vmem>>, %arg23: memref<80x16xf32, #tpu.memory_space<vmem>>, %arg24: memref<80x16xf32, #tpu.memory_space<vmem>>, %arg25: memref<80x16xf32, #tpu.memory_space<vmem>>, %arg26: memref<80x16xf32, #tpu.memory_space<vmem>>, %arg27: memref<80x16xf32, #tpu.memory_space<vmem>>, %arg28: memref<80x16xf32, #tpu.memory_space<vmem>>, %arg29: memref<80x16xf32, #tpu.memory_space<vmem>>, %arg30: memref<80x16xf32, #tpu.memory_space<vmem>>, %arg31: memref<80x16xf32, #tpu.memory_space<vmem>>, %arg32: memref<80x16xf32, #tpu.memory_space<vmem>>, %arg33: memref<2000x16xf32, #tpu.memory_space<vmem>>, %arg34: memref<2000x16xf32, #tpu.memory_space<vmem>>, %arg35: memref<!tpu.dma_semaphore, #tpu.memory_space<semaphore_mem>>) attributes {dimension_semantics = [#tpu.dimension_semantics<core_parallel>, #tpu.dimension_semantics<subcore_parallel>], iteration_bounds = array<i64: 2, 16>, scalar_prefetch = 0 : i64, scratch_operands = 30 : i64, tpu.core_type = #tpu.core_type<sc_vector_subcore>, window_params = [{transform_indices = #map}, {transform_indices = #map1}, {transform_indices = #map}, {transform_indices = #map}]} {
    %mul3A = arith.constant 16 : i32
    %mul3A_0 = arith.muli %arg0, %mul3A : i32
    %add3A = arith.addi %mul3A_0, %arg1 : i32
    %scan3A = arith.constant 0 : i32
    %scan3A_1 = arith.constant 5 : i32
    %scan3A_2 = arith.addi %scan3A, %scan3A_1 : i32
    %scan3A_3 = arith.constant 1 : i32
    scf.for %scan3A_5 = %scan3A to %scan3A_2 step %scan3A_3  : i32 {
      %mul3A_6 = arith.constant 1 : i32
      %mul3A_7 = arith.muli %scan3A_5, %mul3A_6 : i32
      %add3A_8 = arith.constant 0 : i32
      %add3A_9 = arith.addi %add3A_8, %mul3A_7 : i32
      %mul3A_10 = arith.constant 10000 : i32
      %mul3A_11 = arith.muli %add3A, %mul3A_10 : i32
      %mul3A_12 = arith.constant 2000 : i32
      %mul3A_13 = arith.muli %add3A_9, %mul3A_12 : i32
      %add3A_14 = arith.addi %mul3A_11, %mul3A_13 : i32
      "tpu.region"() ({
        %run_scoped3A = tpu.sem_alloc : memref<!tpu.dma_semaphore, #tpu.memory_space<semaphore_mem>>
        %dma_start3A_496 = tpu.memref_slice %arg3[%add3A_14] : memref<320000xi32, #tpu.memory_space<hbm>> -> memref<2000xi32, #tpu.memory_space<hbm>>
        %dma_start3A_497 = tpu.memref_slice %arg3[%add3A_14] : memref<320000xi32, #tpu.memory_space<hbm>> -> memref<2000xi32, #tpu.memory_space<hbm>>
        tpu.enqueue_dma source(%dma_start3A_497 : memref<2000xi32, #tpu.memory_space<hbm>>) target(%arg6 : memref<2000xi32, #tpu.memory_space<vmem>>) target_semaphore(%run_scoped3A : memref<!tpu.dma_semaphore, #tpu.memory_space<semaphore_mem>>)
        %dma_wait3A_498 = tpu.memref_slice %arg3[%add3A_14] : memref<320000xi32, #tpu.memory_space<hbm>> -> memref<2000xi32, #tpu.memory_space<hbm>>
        %dma_wait3A_499 = tpu.memref_slice %arg3[%add3A_14] : memref<320000xi32, #tpu.memory_space<hbm>> -> memref<2000xi32, #tpu.memory_space<hbm>>
        tpu.wait_dma2 semaphore(%run_scoped3A : memref<!tpu.dma_semaphore, #tpu.memory_space<semaphore_mem>>) src(%dma_wait3A_499 : memref<2000xi32, #tpu.memory_space<hbm>>) dst(%arg6 : memref<2000xi32, #tpu.memory_space<vmem>>)
        tpu.yield
      }) : () -> ()
      "tpu.region"() ({
        %run_scoped3A = tpu.sem_alloc : memref<!tpu.dma_semaphore, #tpu.memory_space<semaphore_mem>>
        %dma_start3A_496 = arith.constant 0 : i32
        %dma_start3A_497 = tpu.memref_slice %arg2[%add3A_14, %dma_start3A_496] : memref<320000x16xf32, #tpu.memory_space<hbm>> -> memref<2000x16xf32, #tpu.memory_space<hbm>>
        %dma_start3A_498 = arith.constant 0 : i32
        %dma_start3A_499 = tpu.memref_slice %arg2[%add3A_14, %dma_start3A_498] : memref<320000x16xf32, #tpu.memory_space<hbm>> -> memref<2000x16xf32, #tpu.memory_space<hbm>>
        tpu.enqueue_dma source(%dma_start3A_499 : memref<2000x16xf32, #tpu.memory_space<hbm>>) target(%arg33 : memref<2000x16xf32, #tpu.memory_space<vmem>>) target_semaphore(%run_scoped3A : memref<!tpu.dma_semaphore, #tpu.memory_space<semaphore_mem>>)
        %dma_wait3A_500 = arith.constant 0 : i32
        %dma_wait3A_501 = tpu.memref_slice %arg2[%add3A_14, %dma_wait3A_500] : memref<320000x16xf32, #tpu.memory_space<hbm>> -> memref<2000x16xf32, #tpu.memory_space<hbm>>
        %dma_wait3A_502 = arith.constant 0 : i32
        %dma_wait3A_503 = tpu.memref_slice %arg2[%add3A_14, %dma_wait3A_502] : memref<320000x16xf32, #tpu.memory_space<hbm>> -> memref<2000x16xf32, #tpu.memory_space<hbm>>
        tpu.wait_dma2 semaphore(%run_scoped3A : memref<!tpu.dma_semaphore, #tpu.memory_space<semaphore_mem>>) src(%dma_wait3A_503 : memref<2000x16xf32, #tpu.memory_space<hbm>>) dst(%arg33 : memref<2000x16xf32, #tpu.memory_space<vmem>>)
        tpu.yield
      }) : () -> ()
      %broadcast_in_dim3A = arith.constant 120 : i32
      %broadcast_in_dim3A_15 = vector.broadcast %broadcast_in_dim3A : i32 to vector<16xi32>
      %broadcast_in_dim3A_16 = arith.constant 0 : i32
      %broadcast_in_dim3A_17 = vector.broadcast %broadcast_in_dim3A_16 : i32 to vector<16xi32>
      %scan3A_18 = arith.constant 0 : i32
      %scan3A_19 = arith.constant 25 : i32
      %scan3A_20 = arith.addi %scan3A_18, %scan3A_19 : i32
      %scan3A_21 = arith.constant 1 : i32
      scf.for %scan3A_496 = %scan3A_18 to %scan3A_20 step %scan3A_21  : i32 {
        %mul3A_497 = arith.constant 1 : i32
        %mul3A_498 = arith.muli %scan3A_496, %mul3A_497 : i32
        %add3A_499 = arith.constant 0 : i32
        %add3A_500 = arith.addi %add3A_499, %mul3A_498 : i32
        %mul3A_501 = arith.constant 80 : i32
        %mul3A_502 = arith.muli %add3A_500, %mul3A_501 : i32
        %add3A_503 = arith.constant 0 : i32
        %add3A_504 = arith.addi %mul3A_502, %add3A_503 : i32
        %get3A = arith.index_cast %add3A_504 : i32 to index
        %get3A_505 = tpu.vector_load %arg6[%get3A] {strides = array<i32>} : memref<2000xi32, #tpu.memory_space<vmem>>, vector<16xi32>,
        %get3A_506 = vector.shape_cast %get3A_505 : vector<16xi32> to vector<16xi32>
        %ge3A = arith.constant 5000 : i32
        %ge3A_507 = vector.broadcast %ge3A : i32 to vector<16xi32>
        %ge3A_508 = arith.cmpi sge, %get3A_506, %ge3A_507 : vector<16xi32>
        %select_n3A = arith.select %ge3A_508, %broadcast_in_dim3A_15, %broadcast_in_dim3A_17 : vector<16xi1>, vector<16xi32>
        %add3A_509 = arith.addi %get3A_506, %select_n3A : vector<16xi32>
        %swap3A = arith.index_cast %add3A_500 : i32 to index
        %swap3A_510 = arith.constant 0 : index
        %swap3A_511 = tpu.vector_load %arg7[%swap3A, %swap3A_510] {strides = array<i32>} : memref<25x80xi32, #tpu.memory_space<vmem>>, vector<1x16xi32>,
        %swap3A_512 = vector.shape_cast %swap3A_511 : vector<1x16xi32> to vector<16xi32>
        %swap3A_513 = vector.shape_cast %add3A_509 : vector<16xi32> to vector<1x16xi32>
        tpu.vector_store %arg7[%swap3A, %swap3A_510], %swap3A_513 {strides = array<i32>} : memref<25x80xi32, #tpu.memory_space<vmem>>, vector<1x16xi32>,
        %mul3A_514 = arith.constant 80 : i32
        %mul3A_515 = arith.muli %add3A_500, %mul3A_514 : i32
        %add3A_516 = arith.constant 16 : i32
        %add3A_517 = arith.addi %mul3A_515, %add3A_516 : i32
        %get3A_518 = arith.index_cast %add3A_517 : i32 to index
        %get3A_519 = tpu.vector_load %arg6[%get3A_518] {strides = array<i32>} : memref<2000xi32, #tpu.memory_space<vmem>>, vector<16xi32>,
        %get3A_520 = vector.shape_cast %get3A_519 : vector<16xi32> to vector<16xi32>
        %ge3A_521 = arith.constant 5000 : i32
        %ge3A_522 = vector.broadcast %ge3A_521 : i32 to vector<16xi32>
        %ge3A_523 = arith.cmpi sge, %get3A_520, %ge3A_522 : vector<16xi32>
        %select_n3A_524 = arith.select %ge3A_523, %broadcast_in_dim3A_15, %broadcast_in_dim3A_17 : vector<16xi1>, vector<16xi32>
        %add3A_525 = arith.addi %get3A_520, %select_n3A_524 : vector<16xi32>
        %swap3A_526 = arith.index_cast %add3A_500 : i32 to index
        %swap3A_527 = arith.constant 16 : index
        %swap3A_528 = tpu.vector_load %arg7[%swap3A_526, %swap3A_527] {strides = array<i32>} : memref<25x80xi32, #tpu.memory_space<vmem>>, vector<1x16xi32>,
        %swap3A_529 = vector.shape_cast %swap3A_528 : vector<1x16xi32> to vector<16xi32>
        %swap3A_530 = vector.shape_cast %add3A_525 : vector<16xi32> to vector<1x16xi32>
        tpu.vector_store %arg7[%swap3A_526, %swap3A_527], %swap3A_530 {strides = array<i32>} : memref<25x80xi32, #tpu.memory_space<vmem>>, vector<1x16xi32>,
        %mul3A_531 = arith.constant 80 : i32
        %mul3A_532 = arith.muli %add3A_500, %mul3A_531 : i32
        %add3A_533 = arith.constant 32 : i32
        %add3A_534 = arith.addi %mul3A_532, %add3A_533 : i32
        %get3A_535 = arith.index_cast %add3A_534 : i32 to index
        %get3A_536 = tpu.vector_load %arg6[%get3A_535] {strides = array<i32>} : memref<2000xi32, #tpu.memory_space<vmem>>, vector<16xi32>,
        %get3A_537 = vector.shape_cast %get3A_536 : vector<16xi32> to vector<16xi32>
        %ge3A_538 = arith.constant 5000 : i32
        %ge3A_539 = vector.broadcast %ge3A_538 : i32 to vector<16xi32>
        %ge3A_540 = arith.cmpi sge, %get3A_537, %ge3A_539 : vector<16xi32>
        %select_n3A_541 = arith.select %ge3A_540, %broadcast_in_dim3A_15, %broadcast_in_dim3A_17 : vector<16xi1>, vector<16xi32>
        %add3A_542 = arith.addi %get3A_537, %select_n3A_541 : vector<16xi32>
        %swap3A_543 = arith.index_cast %add3A_500 : i32 to index
        %swap3A_544 = arith.constant 32 : index
        %swap3A_545 = tpu.vector_load %arg7[%swap3A_543, %swap3A_544] {strides = array<i32>} : memref<25x80xi32, #tpu.memory_space<vmem>>, vector<1x16xi32>,
        %swap3A_546 = vector.shape_cast %swap3A_545 : vector<1x16xi32> to vector<16xi32>
        %swap3A_547 = vector.shape_cast %add3A_542 : vector<16xi32> to vector<1x16xi32>
        tpu.vector_store %arg7[%swap3A_543, %swap3A_544], %swap3A_547 {strides = array<i32>} : memref<25x80xi32, #tpu.memory_space<vmem>>, vector<1x16xi32>,
        %mul3A_548 = arith.constant 80 : i32
        %mul3A_549 = arith.muli %add3A_500, %mul3A_548 : i32
        %add3A_550 = arith.constant 48 : i32
        %add3A_551 = arith.addi %mul3A_549, %add3A_550 : i32
        %get3A_552 = arith.index_cast %add3A_551 : i32 to index
        %get3A_553 = tpu.vector_load %arg6[%get3A_552] {strides = array<i32>} : memref<2000xi32, #tpu.memory_space<vmem>>, vector<16xi32>,
        %get3A_554 = vector.shape_cast %get3A_553 : vector<16xi32> to vector<16xi32>
        %ge3A_555 = arith.constant 5000 : i32
        %ge3A_556 = vector.broadcast %ge3A_555 : i32 to vector<16xi32>
        %ge3A_557 = arith.cmpi sge, %get3A_554, %ge3A_556 : vector<16xi32>
        %select_n3A_558 = arith.select %ge3A_557, %broadcast_in_dim3A_15, %broadcast_in_dim3A_17 : vector<16xi1>, vector<16xi32>
        %add3A_559 = arith.addi %get3A_554, %select_n3A_558 : vector<16xi32>
        %swap3A_560 = arith.index_cast %add3A_500 : i32 to index
        %swap3A_561 = arith.constant 48 : index
        %swap3A_562 = tpu.vector_load %arg7[%swap3A_560, %swap3A_561] {strides = array<i32>} : memref<25x80xi32, #tpu.memory_space<vmem>>, vector<1x16xi32>,
        %swap3A_563 = vector.shape_cast %swap3A_562 : vector<1x16xi32> to vector<16xi32>
        %swap3A_564 = vector.shape_cast %add3A_559 : vector<16xi32> to vector<1x16xi32>
        tpu.vector_store %arg7[%swap3A_560, %swap3A_561], %swap3A_564 {strides = array<i32>} : memref<25x80xi32, #tpu.memory_space<vmem>>, vector<1x16xi32>,
        %mul3A_565 = arith.constant 80 : i32
        %mul3A_566 = arith.muli %add3A_500, %mul3A_565 : i32
        %add3A_567 = arith.constant 64 : i32
        %add3A_568 = arith.addi %mul3A_566, %add3A_567 : i32
        %get3A_569 = arith.index_cast %add3A_568 : i32 to index
        %get3A_570 = tpu.vector_load %arg6[%get3A_569] {strides = array<i32>} : memref<2000xi32, #tpu.memory_space<vmem>>, vector<16xi32>,
        %get3A_571 = vector.shape_cast %get3A_570 : vector<16xi32> to vector<16xi32>
        %ge3A_572 = arith.constant 5000 : i32
        %ge3A_573 = vector.broadcast %ge3A_572 : i32 to vector<16xi32>
        %ge3A_574 = arith.cmpi sge, %get3A_571, %ge3A_573 : vector<16xi32>
        %select_n3A_575 = arith.select %ge3A_574, %broadcast_in_dim3A_15, %broadcast_in_dim3A_17 : vector<16xi1>, vector<16xi32>
        %add3A_576 = arith.addi %get3A_571, %select_n3A_575 : vector<16xi32>
        %swap3A_577 = arith.index_cast %add3A_500 : i32 to index
        %swap3A_578 = arith.constant 64 : index
        %swap3A_579 = tpu.vector_load %arg7[%swap3A_577, %swap3A_578] {strides = array<i32>} : memref<25x80xi32, #tpu.memory_space<vmem>>, vector<1x16xi32>,
        %swap3A_580 = vector.shape_cast %swap3A_579 : vector<1x16xi32> to vector<16xi32>
        %swap3A_581 = vector.shape_cast %add3A_576 : vector<16xi32> to vector<1x16xi32>
        tpu.vector_store %arg7[%swap3A_577, %swap3A_578], %swap3A_581 {strides = array<i32>} : memref<25x80xi32, #tpu.memory_space<vmem>>, vector<1x16xi32>,
      }
      %scan3A_22 = arith.constant 25 : i32
      %dma_start3A = arith.constant 0 : i32
      %dma_start3A_23 = arith.constant 0 : i32
      %dma_start3A_24 = tpu.memref_slice %arg7[%dma_start3A, %dma_start3A_23] : memref<25x80xi32, #tpu.memory_space<vmem>> -> memref<1x80xi32, #tpu.memory_space<vmem>>
      %dma_start3A_25 = tpu.memref_squeeze %dma_start3A_24 : memref<1x80xi32, #tpu.memory_space<vmem>> -> memref<80xi32, #tpu.memory_space<vmem>>
      %dma_start3A_26 = arith.constant 0 : i32
      %dma_start3A_27 = arith.constant 0 : i32
      %dma_start3A_28 = tpu.memref_slice %arg4[%dma_start3A_26, %dma_start3A_27] : memref<10240x16xf32, #tpu.memory_space<hbm>> -> memref<10240x16xf32, #tpu.memory_space<hbm>>
      tpu.enqueue_indirect_dma source(%dma_start3A_28 : memref<10240x16xf32, #tpu.memory_space<hbm>>) target(%arg8 : memref<80x16xf32, #tpu.memory_space<vmem>>) offsets(%dma_start3A_25 : memref<80xi32, #tpu.memory_space<vmem>>) semaphore(%arg35 : memref<!tpu.dma_semaphore, #tpu.memory_space<semaphore_mem>>)
      %dma_start3A_29 = arith.constant 1 : i32
      %dma_start3A_30 = arith.constant 0 : i32
      %dma_start3A_31 = tpu.memref_slice %arg7[%dma_start3A_29, %dma_start3A_30] : memref<25x80xi32, #tpu.memory_space<vmem>> -> memref<1x80xi32, #tpu.memory_space<vmem>>
      %dma_start3A_32 = tpu.memref_squeeze %dma_start3A_31 : memref<1x80xi32, #tpu.memory_space<vmem>> -> memref<80xi32, #tpu.memory_space<vmem>>
      %dma_start3A_33 = arith.constant 0 : i32
      %dma_start3A_34 = arith.constant 0 : i32
      %dma_start3A_35 = tpu.memref_slice %arg4[%dma_start3A_33, %dma_start3A_34] : memref<10240x16xf32, #tpu.memory_space<hbm>> -> memref<10240x16xf32, #tpu.memory_space<hbm>>
      tpu.enqueue_indirect_dma source(%dma_start3A_35 : memref<10240x16xf32, #tpu.memory_space<hbm>>) target(%arg9 : memref<80x16xf32, #tpu.memory_space<vmem>>) offsets(%dma_start3A_32 : memref<80xi32, #tpu.memory_space<vmem>>) semaphore(%arg35 : memref<!tpu.dma_semaphore, #tpu.memory_space<semaphore_mem>>)
      %dma_start3A_36 = arith.constant 2 : i32
      %dma_start3A_37 = arith.constant 0 : i32
      %dma_start3A_38 = tpu.memref_slice %arg7[%dma_start3A_36, %dma_start3A_37] : memref<25x80xi32, #tpu.memory_space<vmem>> -> memref<1x80xi32, #tpu.memory_space<vmem>>
      %dma_start3A_39 = tpu.memref_squeeze %dma_start3A_38 : memref<1x80xi32, #tpu.memory_space<vmem>> -> memref<80xi32, #tpu.memory_space<vmem>>
      %dma_start3A_40 = arith.constant 0 : i32
      %dma_start3A_41 = arith.constant 0 : i32
      %dma_start3A_42 = tpu.memref_slice %arg4[%dma_start3A_40, %dma_start3A_41] : memref<10240x16xf32, #tpu.memory_space<hbm>> -> memref<10240x16xf32, #tpu.memory_space<hbm>>
      tpu.enqueue_indirect_dma source(%dma_start3A_42 : memref<10240x16xf32, #tpu.memory_space<hbm>>) target(%arg10 : memref<80x16xf32, #tpu.memory_space<vmem>>) offsets(%dma_start3A_39 : memref<80xi32, #tpu.memory_space<vmem>>) semaphore(%arg35 : memref<!tpu.dma_semaphore, #tpu.memory_space<semaphore_mem>>)
      %dma_start3A_43 = arith.constant 3 : i32
      %dma_start3A_44 = arith.constant 0 : i32
      %dma_start3A_45 = tpu.memref_slice %arg7[%dma_start3A_43, %dma_start3A_44] : memref<25x80xi32, #tpu.memory_space<vmem>> -> memref<1x80xi32, #tpu.memory_space<vmem>>
      %dma_start3A_46 = tpu.memref_squeeze %dma_start3A_45 : memref<1x80xi32, #tpu.memory_space<vmem>> -> memref<80xi32, #tpu.memory_space<vmem>>
      %dma_start3A_47 = arith.constant 0 : i32
      %dma_start3A_48 = arith.constant 0 : i32
      %dma_start3A_49 = tpu.memref_slice %arg4[%dma_start3A_47, %dma_start3A_48] : memref<10240x16xf32, #tpu.memory_space<hbm>> -> memref<10240x16xf32, #tpu.memory_space<hbm>>
      tpu.enqueue_indirect_dma source(%dma_start3A_49 : memref<10240x16xf32, #tpu.memory_space<hbm>>) target(%arg11 : memref<80x16xf32, #tpu.memory_space<vmem>>) offsets(%dma_start3A_46 : memref<80xi32, #tpu.memory_space<vmem>>) semaphore(%arg35 : memref<!tpu.dma_semaphore, #tpu.memory_space<semaphore_mem>>)
      %dma_start3A_50 = arith.constant 4 : i32
      %dma_start3A_51 = arith.constant 0 : i32
      %dma_start3A_52 = tpu.memref_slice %arg7[%dma_start3A_50, %dma_start3A_51] : memref<25x80xi32, #tpu.memory_space<vmem>> -> memref<1x80xi32, #tpu.memory_space<vmem>>
      %dma_start3A_53 = tpu.memref_squeeze %dma_start3A_52 : memref<1x80xi32, #tpu.memory_space<vmem>> -> memref<80xi32, #tpu.memory_space<vmem>>
      %dma_start3A_54 = arith.constant 0 : i32
      %dma_start3A_55 = arith.constant 0 : i32
      %dma_start3A_56 = tpu.memref_slice %arg4[%dma_start3A_54, %dma_start3A_55] : memref<10240x16xf32, #tpu.memory_space<hbm>> -> memref<10240x16xf32, #tpu.memory_space<hbm>>
      tpu.enqueue_indirect_dma source(%dma_start3A_56 : memref<10240x16xf32, #tpu.memory_space<hbm>>) target(%arg12 : memref<80x16xf32, #tpu.memory_space<vmem>>) offsets(%dma_start3A_53 : memref<80xi32, #tpu.memory_space<vmem>>) semaphore(%arg35 : memref<!tpu.dma_semaphore, #tpu.memory_space<semaphore_mem>>)
      %dma_start3A_57 = arith.constant 5 : i32
      %dma_start3A_58 = arith.constant 0 : i32
      %dma_start3A_59 = tpu.memref_slice %arg7[%dma_start3A_57, %dma_start3A_58] : memref<25x80xi32, #tpu.memory_space<vmem>> -> memref<1x80xi32, #tpu.memory_space<vmem>>
      %dma_start3A_60 = tpu.memref_squeeze %dma_start3A_59 : memref<1x80xi32, #tpu.memory_space<vmem>> -> memref<80xi32, #tpu.memory_space<vmem>>
      %dma_start3A_61 = arith.constant 0 : i32
      %dma_start3A_62 = arith.constant 0 : i32
      %dma_start3A_63 = tpu.memref_slice %arg4[%dma_start3A_61, %dma_start3A_62] : memref<10240x16xf32, #tpu.memory_space<hbm>> -> memref<10240x16xf32, #tpu.memory_space<hbm>>
      tpu.enqueue_indirect_dma source(%dma_start3A_63 : memref<10240x16xf32, #tpu.memory_space<hbm>>) target(%arg13 : memref<80x16xf32, #tpu.memory_space<vmem>>) offsets(%dma_start3A_60 : memref<80xi32, #tpu.memory_space<vmem>>) semaphore(%arg35 : memref<!tpu.dma_semaphore, #tpu.memory_space<semaphore_mem>>)
      %dma_start3A_64 = arith.constant 6 : i32
      %dma_start3A_65 = arith.constant 0 : i32
      %dma_start3A_66 = tpu.memref_slice %arg7[%dma_start3A_64, %dma_start3A_65] : memref<25x80xi32, #tpu.memory_space<vmem>> -> memref<1x80xi32, #tpu.memory_space<vmem>>
      %dma_start3A_67 = tpu.memref_squeeze %dma_start3A_66 : memref<1x80xi32, #tpu.memory_space<vmem>> -> memref<80xi32, #tpu.memory_space<vmem>>
      %dma_start3A_68 = arith.constant 0 : i32
      %dma_start3A_69 = arith.constant 0 : i32
      %dma_start3A_70 = tpu.memref_slice %arg4[%dma_start3A_68, %dma_start3A_69] : memref<10240x16xf32, #tpu.memory_space<hbm>> -> memref<10240x16xf32, #tpu.memory_space<hbm>>
      tpu.enqueue_indirect_dma source(%dma_start3A_70 : memref<10240x16xf32, #tpu.memory_space<hbm>>) target(%arg14 : memref<80x16xf32, #tpu.memory_space<vmem>>) offsets(%dma_start3A_67 : memref<80xi32, #tpu.memory_space<vmem>>) semaphore(%arg35 : memref<!tpu.dma_semaphore, #tpu.memory_space<semaphore_mem>>)
      %dma_start3A_71 = arith.constant 7 : i32
      %dma_start3A_72 = arith.constant 0 : i32
      %dma_start3A_73 = tpu.memref_slice %arg7[%dma_start3A_71, %dma_start3A_72] : memref<25x80xi32, #tpu.memory_space<vmem>> -> memref<1x80xi32, #tpu.memory_space<vmem>>
      %dma_start3A_74 = tpu.memref_squeeze %dma_start3A_73 : memref<1x80xi32, #tpu.memory_space<vmem>> -> memref<80xi32, #tpu.memory_space<vmem>>
      %dma_start3A_75 = arith.constant 0 : i32
      %dma_start3A_76 = arith.constant 0 : i32
      %dma_start3A_77 = tpu.memref_slice %arg4[%dma_start3A_75, %dma_start3A_76] : memref<10240x16xf32, #tpu.memory_space<hbm>> -> memref<10240x16xf32, #tpu.memory_space<hbm>>
      tpu.enqueue_indirect_dma source(%dma_start3A_77 : memref<10240x16xf32, #tpu.memory_space<hbm>>) target(%arg15 : memref<80x16xf32, #tpu.memory_space<vmem>>) offsets(%dma_start3A_74 : memref<80xi32, #tpu.memory_space<vmem>>) semaphore(%arg35 : memref<!tpu.dma_semaphore, #tpu.memory_space<semaphore_mem>>)
      %dma_start3A_78 = arith.constant 8 : i32
      %dma_start3A_79 = arith.constant 0 : i32
      %dma_start3A_80 = tpu.memref_slice %arg7[%dma_start3A_78, %dma_start3A_79] : memref<25x80xi32, #tpu.memory_space<vmem>> -> memref<1x80xi32, #tpu.memory_space<vmem>>
      %dma_start3A_81 = tpu.memref_squeeze %dma_start3A_80 : memref<1x80xi32, #tpu.memory_space<vmem>> -> memref<80xi32, #tpu.memory_space<vmem>>
      %dma_start3A_82 = arith.constant 0 : i32
      %dma_start3A_83 = arith.constant 0 : i32
      %dma_start3A_84 = tpu.memref_slice %arg4[%dma_start3A_82, %dma_start3A_83] : memref<10240x16xf32, #tpu.memory_space<hbm>> -> memref<10240x16xf32, #tpu.memory_space<hbm>>
      tpu.enqueue_indirect_dma source(%dma_start3A_84 : memref<10240x16xf32, #tpu.memory_space<hbm>>) target(%arg16 : memref<80x16xf32, #tpu.memory_space<vmem>>) offsets(%dma_start3A_81 : memref<80xi32, #tpu.memory_space<vmem>>) semaphore(%arg35 : memref<!tpu.dma_semaphore, #tpu.memory_space<semaphore_mem>>)
      %dma_start3A_85 = arith.constant 9 : i32
      %dma_start3A_86 = arith.constant 0 : i32
      %dma_start3A_87 = tpu.memref_slice %arg7[%dma_start3A_85, %dma_start3A_86] : memref<25x80xi32, #tpu.memory_space<vmem>> -> memref<1x80xi32, #tpu.memory_space<vmem>>
      %dma_start3A_88 = tpu.memref_squeeze %dma_start3A_87 : memref<1x80xi32, #tpu.memory_space<vmem>> -> memref<80xi32, #tpu.memory_space<vmem>>
      %dma_start3A_89 = arith.constant 0 : i32
      %dma_start3A_90 = arith.constant 0 : i32
      %dma_start3A_91 = tpu.memref_slice %arg4[%dma_start3A_89, %dma_start3A_90] : memref<10240x16xf32, #tpu.memory_space<hbm>> -> memref<10240x16xf32, #tpu.memory_space<hbm>>
      tpu.enqueue_indirect_dma source(%dma_start3A_91 : memref<10240x16xf32, #tpu.memory_space<hbm>>) target(%arg17 : memref<80x16xf32, #tpu.memory_space<vmem>>) offsets(%dma_start3A_88 : memref<80xi32, #tpu.memory_space<vmem>>) semaphore(%arg35 : memref<!tpu.dma_semaphore, #tpu.memory_space<semaphore_mem>>)
      %dma_start3A_92 = arith.constant 10 : i32
      %dma_start3A_93 = arith.constant 0 : i32
      %dma_start3A_94 = tpu.memref_slice %arg7[%dma_start3A_92, %dma_start3A_93] : memref<25x80xi32, #tpu.memory_space<vmem>> -> memref<1x80xi32, #tpu.memory_space<vmem>>
      %dma_start3A_95 = tpu.memref_squeeze %dma_start3A_94 : memref<1x80xi32, #tpu.memory_space<vmem>> -> memref<80xi32, #tpu.memory_space<vmem>>
      %dma_start3A_96 = arith.constant 0 : i32
      %dma_start3A_97 = arith.constant 0 : i32
      %dma_start3A_98 = tpu.memref_slice %arg4[%dma_start3A_96, %dma_start3A_97] : memref<10240x16xf32, #tpu.memory_space<hbm>> -> memref<10240x16xf32, #tpu.memory_space<hbm>>
      tpu.enqueue_indirect_dma source(%dma_start3A_98 : memref<10240x16xf32, #tpu.memory_space<hbm>>) target(%arg18 : memref<80x16xf32, #tpu.memory_space<vmem>>) offsets(%dma_start3A_95 : memref<80xi32, #tpu.memory_space<vmem>>) semaphore(%arg35 : memref<!tpu.dma_semaphore, #tpu.memory_space<semaphore_mem>>)
      %dma_start3A_99 = arith.constant 11 : i32
      %dma_start3A_100 = arith.constant 0 : i32
      %dma_start3A_101 = tpu.memref_slice %arg7[%dma_start3A_99, %dma_start3A_100] : memref<25x80xi32, #tpu.memory_space<vmem>> -> memref<1x80xi32, #tpu.memory_space<vmem>>
      %dma_start3A_102 = tpu.memref_squeeze %dma_start3A_101 : memref<1x80xi32, #tpu.memory_space<vmem>> -> memref<80xi32, #tpu.memory_space<vmem>>
      %dma_start3A_103 = arith.constant 0 : i32
      %dma_start3A_104 = arith.constant 0 : i32
      %dma_start3A_105 = tpu.memref_slice %arg4[%dma_start3A_103, %dma_start3A_104] : memref<10240x16xf32, #tpu.memory_space<hbm>> -> memref<10240x16xf32, #tpu.memory_space<hbm>>
      tpu.enqueue_indirect_dma source(%dma_start3A_105 : memref<10240x16xf32, #tpu.memory_space<hbm>>) target(%arg19 : memref<80x16xf32, #tpu.memory_space<vmem>>) offsets(%dma_start3A_102 : memref<80xi32, #tpu.memory_space<vmem>>) semaphore(%arg35 : memref<!tpu.dma_semaphore, #tpu.memory_space<semaphore_mem>>)
      %dma_start3A_106 = arith.constant 12 : i32
      %dma_start3A_107 = arith.constant 0 : i32
      %dma_start3A_108 = tpu.memref_slice %arg7[%dma_start3A_106, %dma_start3A_107] : memref<25x80xi32, #tpu.memory_space<vmem>> -> memref<1x80xi32, #tpu.memory_space<vmem>>
      %dma_start3A_109 = tpu.memref_squeeze %dma_start3A_108 : memref<1x80xi32, #tpu.memory_space<vmem>> -> memref<80xi32, #tpu.memory_space<vmem>>
      %dma_start3A_110 = arith.constant 0 : i32
      %dma_start3A_111 = arith.constant 0 : i32
      %dma_start3A_112 = tpu.memref_slice %arg4[%dma_start3A_110, %dma_start3A_111] : memref<10240x16xf32, #tpu.memory_space<hbm>> -> memref<10240x16xf32, #tpu.memory_space<hbm>>
      tpu.enqueue_indirect_dma source(%dma_start3A_112 : memref<10240x16xf32, #tpu.memory_space<hbm>>) target(%arg20 : memref<80x16xf32, #tpu.memory_space<vmem>>) offsets(%dma_start3A_109 : memref<80xi32, #tpu.memory_space<vmem>>) semaphore(%arg35 : memref<!tpu.dma_semaphore, #tpu.memory_space<semaphore_mem>>)
      %dma_start3A_113 = arith.constant 13 : i32
      %dma_start3A_114 = arith.constant 0 : i32
      %dma_start3A_115 = tpu.memref_slice %arg7[%dma_start3A_113, %dma_start3A_114] : memref<25x80xi32, #tpu.memory_space<vmem>> -> memref<1x80xi32, #tpu.memory_space<vmem>>
      %dma_start3A_116 = tpu.memref_squeeze %dma_start3A_115 : memref<1x80xi32, #tpu.memory_space<vmem>> -> memref<80xi32, #tpu.memory_space<vmem>>
      %dma_start3A_117 = arith.constant 0 : i32
      %dma_start3A_118 = arith.constant 0 : i32
      %dma_start3A_119 = tpu.memref_slice %arg4[%dma_start3A_117, %dma_start3A_118] : memref<10240x16xf32, #tpu.memory_space<hbm>> -> memref<10240x16xf32, #tpu.memory_space<hbm>>
      tpu.enqueue_indirect_dma source(%dma_start3A_119 : memref<10240x16xf32, #tpu.memory_space<hbm>>) target(%arg21 : memref<80x16xf32, #tpu.memory_space<vmem>>) offsets(%dma_start3A_116 : memref<80xi32, #tpu.memory_space<vmem>>) semaphore(%arg35 : memref<!tpu.dma_semaphore, #tpu.memory_space<semaphore_mem>>)
      %dma_start3A_120 = arith.constant 14 : i32
      %dma_start3A_121 = arith.constant 0 : i32
      %dma_start3A_122 = tpu.memref_slice %arg7[%dma_start3A_120, %dma_start3A_121] : memref<25x80xi32, #tpu.memory_space<vmem>> -> memref<1x80xi32, #tpu.memory_space<vmem>>
      %dma_start3A_123 = tpu.memref_squeeze %dma_start3A_122 : memref<1x80xi32, #tpu.memory_space<vmem>> -> memref<80xi32, #tpu.memory_space<vmem>>
      %dma_start3A_124 = arith.constant 0 : i32
      %dma_start3A_125 = arith.constant 0 : i32
      %dma_start3A_126 = tpu.memref_slice %arg4[%dma_start3A_124, %dma_start3A_125] : memref<10240x16xf32, #tpu.memory_space<hbm>> -> memref<10240x16xf32, #tpu.memory_space<hbm>>
      tpu.enqueue_indirect_dma source(%dma_start3A_126 : memref<10240x16xf32, #tpu.memory_space<hbm>>) target(%arg22 : memref<80x16xf32, #tpu.memory_space<vmem>>) offsets(%dma_start3A_123 : memref<80xi32, #tpu.memory_space<vmem>>) semaphore(%arg35 : memref<!tpu.dma_semaphore, #tpu.memory_space<semaphore_mem>>)
      %dma_start3A_127 = arith.constant 15 : i32
      %dma_start3A_128 = arith.constant 0 : i32
      %dma_start3A_129 = tpu.memref_slice %arg7[%dma_start3A_127, %dma_start3A_128] : memref<25x80xi32, #tpu.memory_space<vmem>> -> memref<1x80xi32, #tpu.memory_space<vmem>>
      %dma_start3A_130 = tpu.memref_squeeze %dma_start3A_129 : memref<1x80xi32, #tpu.memory_space<vmem>> -> memref<80xi32, #tpu.memory_space<vmem>>
      %dma_start3A_131 = arith.constant 0 : i32
      %dma_start3A_132 = arith.constant 0 : i32
      %dma_start3A_133 = tpu.memref_slice %arg4[%dma_start3A_131, %dma_start3A_132] : memref<10240x16xf32, #tpu.memory_space<hbm>> -> memref<10240x16xf32, #tpu.memory_space<hbm>>
      tpu.enqueue_indirect_dma source(%dma_start3A_133 : memref<10240x16xf32, #tpu.memory_space<hbm>>) target(%arg23 : memref<80x16xf32, #tpu.memory_space<vmem>>) offsets(%dma_start3A_130 : memref<80xi32, #tpu.memory_space<vmem>>) semaphore(%arg35 : memref<!tpu.dma_semaphore, #tpu.memory_space<semaphore_mem>>)
      %dma_start3A_134 = arith.constant 16 : i32
      %dma_start3A_135 = arith.constant 0 : i32
      %dma_start3A_136 = tpu.memref_slice %arg7[%dma_start3A_134, %dma_start3A_135] : memref<25x80xi32, #tpu.memory_space<vmem>> -> memref<1x80xi32, #tpu.memory_space<vmem>>
      %dma_start3A_137 = tpu.memref_squeeze %dma_start3A_136 : memref<1x80xi32, #tpu.memory_space<vmem>> -> memref<80xi32, #tpu.memory_space<vmem>>
      %dma_start3A_138 = arith.constant 0 : i32
      %dma_start3A_139 = arith.constant 0 : i32
      %dma_start3A_140 = tpu.memref_slice %arg4[%dma_start3A_138, %dma_start3A_139] : memref<10240x16xf32, #tpu.memory_space<hbm>> -> memref<10240x16xf32, #tpu.memory_space<hbm>>
      tpu.enqueue_indirect_dma source(%dma_start3A_140 : memref<10240x16xf32, #tpu.memory_space<hbm>>) target(%arg24 : memref<80x16xf32, #tpu.memory_space<vmem>>) offsets(%dma_start3A_137 : memref<80xi32, #tpu.memory_space<vmem>>) semaphore(%arg35 : memref<!tpu.dma_semaphore, #tpu.memory_space<semaphore_mem>>)
      %dma_start3A_141 = arith.constant 17 : i32
      %dma_start3A_142 = arith.constant 0 : i32
      %dma_start3A_143 = tpu.memref_slice %arg7[%dma_start3A_141, %dma_start3A_142] : memref<25x80xi32, #tpu.memory_space<vmem>> -> memref<1x80xi32, #tpu.memory_space<vmem>>
      %dma_start3A_144 = tpu.memref_squeeze %dma_start3A_143 : memref<1x80xi32, #tpu.memory_space<vmem>> -> memref<80xi32, #tpu.memory_space<vmem>>
      %dma_start3A_145 = arith.constant 0 : i32
      %dma_start3A_146 = arith.constant 0 : i32
      %dma_start3A_147 = tpu.memref_slice %arg4[%dma_start3A_145, %dma_start3A_146] : memref<10240x16xf32, #tpu.memory_space<hbm>> -> memref<10240x16xf32, #tpu.memory_space<hbm>>
      tpu.enqueue_indirect_dma source(%dma_start3A_147 : memref<10240x16xf32, #tpu.memory_space<hbm>>) target(%arg25 : memref<80x16xf32, #tpu.memory_space<vmem>>) offsets(%dma_start3A_144 : memref<80xi32, #tpu.memory_space<vmem>>) semaphore(%arg35 : memref<!tpu.dma_semaphore, #tpu.memory_space<semaphore_mem>>)
      %dma_start3A_148 = arith.constant 18 : i32
      %dma_start3A_149 = arith.constant 0 : i32
      %dma_start3A_150 = tpu.memref_slice %arg7[%dma_start3A_148, %dma_start3A_149] : memref<25x80xi32, #tpu.memory_space<vmem>> -> memref<1x80xi32, #tpu.memory_space<vmem>>
      %dma_start3A_151 = tpu.memref_squeeze %dma_start3A_150 : memref<1x80xi32, #tpu.memory_space<vmem>> -> memref<80xi32, #tpu.memory_space<vmem>>
      %dma_start3A_152 = arith.constant 0 : i32
      %dma_start3A_153 = arith.constant 0 : i32
      %dma_start3A_154 = tpu.memref_slice %arg4[%dma_start3A_152, %dma_start3A_153] : memref<10240x16xf32, #tpu.memory_space<hbm>> -> memref<10240x16xf32, #tpu.memory_space<hbm>>
      tpu.enqueue_indirect_dma source(%dma_start3A_154 : memref<10240x16xf32, #tpu.memory_space<hbm>>) target(%arg26 : memref<80x16xf32, #tpu.memory_space<vmem>>) offsets(%dma_start3A_151 : memref<80xi32, #tpu.memory_space<vmem>>) semaphore(%arg35 : memref<!tpu.dma_semaphore, #tpu.memory_space<semaphore_mem>>)
      %dma_start3A_155 = arith.constant 19 : i32
      %dma_start3A_156 = arith.constant 0 : i32
      %dma_start3A_157 = tpu.memref_slice %arg7[%dma_start3A_155, %dma_start3A_156] : memref<25x80xi32, #tpu.memory_space<vmem>> -> memref<1x80xi32, #tpu.memory_space<vmem>>
      %dma_start3A_158 = tpu.memref_squeeze %dma_start3A_157 : memref<1x80xi32, #tpu.memory_space<vmem>> -> memref<80xi32, #tpu.memory_space<vmem>>
      %dma_start3A_159 = arith.constant 0 : i32
      %dma_start3A_160 = arith.constant 0 : i32
      %dma_start3A_161 = tpu.memref_slice %arg4[%dma_start3A_159, %dma_start3A_160] : memref<10240x16xf32, #tpu.memory_space<hbm>> -> memref<10240x16xf32, #tpu.memory_space<hbm>>
      tpu.enqueue_indirect_dma source(%dma_start3A_161 : memref<10240x16xf32, #tpu.memory_space<hbm>>) target(%arg27 : memref<80x16xf32, #tpu.memory_space<vmem>>) offsets(%dma_start3A_158 : memref<80xi32, #tpu.memory_space<vmem>>) semaphore(%arg35 : memref<!tpu.dma_semaphore, #tpu.memory_space<semaphore_mem>>)
      %dma_start3A_162 = arith.constant 20 : i32
      %dma_start3A_163 = arith.constant 0 : i32
      %dma_start3A_164 = tpu.memref_slice %arg7[%dma_start3A_162, %dma_start3A_163] : memref<25x80xi32, #tpu.memory_space<vmem>> -> memref<1x80xi32, #tpu.memory_space<vmem>>
      %dma_start3A_165 = tpu.memref_squeeze %dma_start3A_164 : memref<1x80xi32, #tpu.memory_space<vmem>> -> memref<80xi32, #tpu.memory_space<vmem>>
      %dma_start3A_166 = arith.constant 0 : i32
      %dma_start3A_167 = arith.constant 0 : i32
      %dma_start3A_168 = tpu.memref_slice %arg4[%dma_start3A_166, %dma_start3A_167] : memref<10240x16xf32, #tpu.memory_space<hbm>> -> memref<10240x16xf32, #tpu.memory_space<hbm>>
      tpu.enqueue_indirect_dma source(%dma_start3A_168 : memref<10240x16xf32, #tpu.memory_space<hbm>>) target(%arg28 : memref<80x16xf32, #tpu.memory_space<vmem>>) offsets(%dma_start3A_165 : memref<80xi32, #tpu.memory_space<vmem>>) semaphore(%arg35 : memref<!tpu.dma_semaphore, #tpu.memory_space<semaphore_mem>>)
      %dma_start3A_169 = arith.constant 21 : i32
      %dma_start3A_170 = arith.constant 0 : i32
      %dma_start3A_171 = tpu.memref_slice %arg7[%dma_start3A_169, %dma_start3A_170] : memref<25x80xi32, #tpu.memory_space<vmem>> -> memref<1x80xi32, #tpu.memory_space<vmem>>
      %dma_start3A_172 = tpu.memref_squeeze %dma_start3A_171 : memref<1x80xi32, #tpu.memory_space<vmem>> -> memref<80xi32, #tpu.memory_space<vmem>>
      %dma_start3A_173 = arith.constant 0 : i32
      %dma_start3A_174 = arith.constant 0 : i32
      %dma_start3A_175 = tpu.memref_slice %arg4[%dma_start3A_173, %dma_start3A_174] : memref<10240x16xf32, #tpu.memory_space<hbm>> -> memref<10240x16xf32, #tpu.memory_space<hbm>>
      tpu.enqueue_indirect_dma source(%dma_start3A_175 : memref<10240x16xf32, #tpu.memory_space<hbm>>) target(%arg29 : memref<80x16xf32, #tpu.memory_space<vmem>>) offsets(%dma_start3A_172 : memref<80xi32, #tpu.memory_space<vmem>>) semaphore(%arg35 : memref<!tpu.dma_semaphore, #tpu.memory_space<semaphore_mem>>)
      %dma_start3A_176 = arith.constant 22 : i32
      %dma_start3A_177 = arith.constant 0 : i32
      %dma_start3A_178 = tpu.memref_slice %arg7[%dma_start3A_176, %dma_start3A_177] : memref<25x80xi32, #tpu.memory_space<vmem>> -> memref<1x80xi32, #tpu.memory_space<vmem>>
      %dma_start3A_179 = tpu.memref_squeeze %dma_start3A_178 : memref<1x80xi32, #tpu.memory_space<vmem>> -> memref<80xi32, #tpu.memory_space<vmem>>
      %dma_start3A_180 = arith.constant 0 : i32
      %dma_start3A_181 = arith.constant 0 : i32
      %dma_start3A_182 = tpu.memref_slice %arg4[%dma_start3A_180, %dma_start3A_181] : memref<10240x16xf32, #tpu.memory_space<hbm>> -> memref<10240x16xf32, #tpu.memory_space<hbm>>
      tpu.enqueue_indirect_dma source(%dma_start3A_182 : memref<10240x16xf32, #tpu.memory_space<hbm>>) target(%arg30 : memref<80x16xf32, #tpu.memory_space<vmem>>) offsets(%dma_start3A_179 : memref<80xi32, #tpu.memory_space<vmem>>) semaphore(%arg35 : memref<!tpu.dma_semaphore, #tpu.memory_space<semaphore_mem>>)
      %dma_start3A_183 = arith.constant 23 : i32
      %dma_start3A_184 = arith.constant 0 : i32
      %dma_start3A_185 = tpu.memref_slice %arg7[%dma_start3A_183, %dma_start3A_184] : memref<25x80xi32, #tpu.memory_space<vmem>> -> memref<1x80xi32, #tpu.memory_space<vmem>>
      %dma_start3A_186 = tpu.memref_squeeze %dma_start3A_185 : memref<1x80xi32, #tpu.memory_space<vmem>> -> memref<80xi32, #tpu.memory_space<vmem>>
      %dma_start3A_187 = arith.constant 0 : i32
      %dma_start3A_188 = arith.constant 0 : i32
      %dma_start3A_189 = tpu.memref_slice %arg4[%dma_start3A_187, %dma_start3A_188] : memref<10240x16xf32, #tpu.memory_space<hbm>> -> memref<10240x16xf32, #tpu.memory_space<hbm>>
      tpu.enqueue_indirect_dma source(%dma_start3A_189 : memref<10240x16xf32, #tpu.memory_space<hbm>>) target(%arg31 : memref<80x16xf32, #tpu.memory_space<vmem>>) offsets(%dma_start3A_186 : memref<80xi32, #tpu.memory_space<vmem>>) semaphore(%arg35 : memref<!tpu.dma_semaphore, #tpu.memory_space<semaphore_mem>>)
      %dma_start3A_190 = arith.constant 24 : i32
      %dma_start3A_191 = arith.constant 0 : i32
      %dma_start3A_192 = tpu.memref_slice %arg7[%dma_start3A_190, %dma_start3A_191] : memref<25x80xi32, #tpu.memory_space<vmem>> -> memref<1x80xi32, #tpu.memory_space<vmem>>
      %dma_start3A_193 = tpu.memref_squeeze %dma_start3A_192 : memref<1x80xi32, #tpu.memory_space<vmem>> -> memref<80xi32, #tpu.memory_space<vmem>>
      %dma_start3A_194 = arith.constant 0 : i32
      %dma_start3A_195 = arith.constant 0 : i32
      %dma_start3A_196 = tpu.memref_slice %arg4[%dma_start3A_194, %dma_start3A_195] : memref<10240x16xf32, #tpu.memory_space<hbm>> -> memref<10240x16xf32, #tpu.memory_space<hbm>>
      tpu.enqueue_indirect_dma source(%dma_start3A_196 : memref<10240x16xf32, #tpu.memory_space<hbm>>) target(%arg32 : memref<80x16xf32, #tpu.memory_space<vmem>>) offsets(%dma_start3A_193 : memref<80xi32, #tpu.memory_space<vmem>>) semaphore(%arg35 : memref<!tpu.dma_semaphore, #tpu.memory_space<semaphore_mem>>)
      %dma_wait3A = arith.constant 0 : i32
      %dma_wait3A_197 = arith.constant 0 : i32
      %dma_wait3A_198 = tpu.memref_slice %arg7[%dma_wait3A, %dma_wait3A_197] : memref<25x80xi32, #tpu.memory_space<vmem>> -> memref<1x80xi32, #tpu.memory_space<vmem>>
      %dma_wait3A_199 = tpu.memref_squeeze %dma_wait3A_198 : memref<1x80xi32, #tpu.memory_space<vmem>> -> memref<80xi32, #tpu.memory_space<vmem>>
      %dma_wait3A_200 = arith.constant 0 : i32
      %dma_wait3A_201 = arith.constant 0 : i32
      %dma_wait3A_202 = tpu.memref_slice %arg4[%dma_wait3A_200, %dma_wait3A_201] : memref<10240x16xf32, #tpu.memory_space<hbm>> -> memref<10240x16xf32, #tpu.memory_space<hbm>>
      tpu.wait_indirect_dma semaphore(%arg35 : memref<!tpu.dma_semaphore, #tpu.memory_space<semaphore_mem>>) src(%dma_wait3A_202 : memref<10240x16xf32, #tpu.memory_space<hbm>>) dst(%arg8 : memref<80x16xf32, #tpu.memory_space<vmem>>)
      %scan3A_203 = arith.constant 0 : i32
      %scan3A_204 = arith.constant 80 : i32
      %scan3A_205 = arith.addi %scan3A_203, %scan3A_204 : i32
      %scan3A_206 = arith.constant 1 : i32
      scf.for %scan3A_496 = %scan3A_203 to %scan3A_205 step %scan3A_206  : i32 {
        %mul3A_497 = arith.constant 1 : i32
        %mul3A_498 = arith.muli %scan3A_496, %mul3A_497 : i32
        %add3A_499 = arith.constant 0 : i32
        %add3A_500 = arith.addi %add3A_499, %mul3A_498 : i32
        %get3A = arith.index_cast %add3A_500 : i32 to index
        %get3A_501 = arith.constant 0 : index
        %get3A_502 = tpu.vector_load %arg8[%get3A, %get3A_501] {strides = array<i32>} : memref<80x16xf32, #tpu.memory_space<vmem>>, vector<1x16xf32>,
        %get3A_503 = vector.shape_cast %get3A_502 : vector<1x16xf32> to vector<16xf32>
        %add3A_504 = arith.constant 0 : i32
        %add3A_505 = arith.addi %add3A_504, %add3A_500 : i32
        %get3A_506 = arith.index_cast %add3A_505 : i32 to index
        %get3A_507 = arith.constant 0 : index
        %get3A_508 = tpu.vector_load %arg33[%get3A_506, %get3A_507] {strides = array<i32>} : memref<2000x16xf32, #tpu.memory_space<vmem>>, vector<1x16xf32>,
        %get3A_509 = vector.shape_cast %get3A_508 : vector<1x16xf32> to vector<16xf32>
        %add3A_510 = arith.constant 1.000000e-16 : f32
        %add3A_511 = vector.broadcast %add3A_510 : f32 to vector<16xf32>
        %add3A_512 = arith.addf %get3A_503, %add3A_511 : vector<16xf32>
        %div3A = arith.divf %get3A_509, %add3A_512 : vector<16xf32>
        %add3A_513 = arith.constant 0 : i32
        %add3A_514 = arith.addi %add3A_513, %add3A_500 : i32
        %swap3A = arith.index_cast %add3A_514 : i32 to index
        %swap3A_515 = arith.constant 0 : index
        %swap3A_516 = tpu.vector_load %arg34[%swap3A, %swap3A_515] {strides = array<i32>} : memref<2000x16xf32, #tpu.memory_space<vmem>>, vector<1x16xf32>,
        %swap3A_517 = vector.shape_cast %swap3A_516 : vector<1x16xf32> to vector<16xf32>
        %swap3A_518 = vector.shape_cast %div3A : vector<16xf32> to vector<1x16xf32>
        tpu.vector_store %arg34[%swap3A, %swap3A_515], %swap3A_518 {strides = array<i32>} : memref<2000x16xf32, #tpu.memory_space<vmem>>, vector<1x16xf32>,
      }
      %scan3A_207 = arith.constant 80 : i32
      %dma_wait3A_208 = arith.constant 1 : i32
      %dma_wait3A_209 = arith.constant 0 : i32
      %dma_wait3A_210 = tpu.memref_slice %arg7[%dma_wait3A_208, %dma_wait3A_209] : memref<25x80xi32, #tpu.memory_space<vmem>> -> memref<1x80xi32, #tpu.memory_space<vmem>>
      %dma_wait3A_211 = tpu.memref_squeeze %dma_wait3A_210 : memref<1x80xi32, #tpu.memory_space<vmem>> -> memref<80xi32, #tpu.memory_space<vmem>>
      %dma_wait3A_212 = arith.constant 0 : i32
      %dma_wait3A_213 = arith.constant 0 : i32
      %dma_wait3A_214 = tpu.memref_slice %arg4[%dma_wait3A_212, %dma_wait3A_213] : memref<10240x16xf32, #tpu.memory_space<hbm>> -> memref<10240x16xf32, #tpu.memory_space<hbm>>
      tpu.wait_indirect_dma semaphore(%arg35 : memref<!tpu.dma_semaphore, #tpu.memory_space<semaphore_mem>>) src(%dma_wait3A_214 : memref<10240x16xf32, #tpu.memory_space<hbm>>) dst(%arg9 : memref<80x16xf32, #tpu.memory_space<vmem>>)
      %scan3A_215 = arith.constant 0 : i32
      %scan3A_216 = arith.constant 80 : i32
      %scan3A_217 = arith.addi %scan3A_215, %scan3A_216 : i32
      %scan3A_218 = arith.constant 1 : i32
      scf.for %scan3A_496 = %scan3A_215 to %scan3A_217 step %scan3A_218  : i32 {
        %mul3A_497 = arith.constant 1 : i32
        %mul3A_498 = arith.muli %scan3A_496, %mul3A_497 : i32
        %add3A_499 = arith.constant 0 : i32
        %add3A_500 = arith.addi %add3A_499, %mul3A_498 : i32
        %get3A = arith.index_cast %add3A_500 : i32 to index
        %get3A_501 = arith.constant 0 : index
        %get3A_502 = tpu.vector_load %arg9[%get3A, %get3A_501] {strides = array<i32>} : memref<80x16xf32, #tpu.memory_space<vmem>>, vector<1x16xf32>,
        %get3A_503 = vector.shape_cast %get3A_502 : vector<1x16xf32> to vector<16xf32>
        %add3A_504 = arith.constant 80 : i32
        %add3A_505 = arith.addi %add3A_504, %add3A_500 : i32
        %get3A_506 = arith.index_cast %add3A_505 : i32 to index
        %get3A_507 = arith.constant 0 : index
        %get3A_508 = tpu.vector_load %arg33[%get3A_506, %get3A_507] {strides = array<i32>} : memref<2000x16xf32, #tpu.memory_space<vmem>>, vector<1x16xf32>,
        %get3A_509 = vector.shape_cast %get3A_508 : vector<1x16xf32> to vector<16xf32>
        %add3A_510 = arith.constant 1.000000e-16 : f32
        %add3A_511 = vector.broadcast %add3A_510 : f32 to vector<16xf32>
        %add3A_512 = arith.addf %get3A_503, %add3A_511 : vector<16xf32>
        %div3A = arith.divf %get3A_509, %add3A_512 : vector<16xf32>
        %add3A_513 = arith.constant 80 : i32
        %add3A_514 = arith.addi %add3A_513, %add3A_500 : i32
        %swap3A = arith.index_cast %add3A_514 : i32 to index
        %swap3A_515 = arith.constant 0 : index
        %swap3A_516 = tpu.vector_load %arg34[%swap3A, %swap3A_515] {strides = array<i32>} : memref<2000x16xf32, #tpu.memory_space<vmem>>, vector<1x16xf32>,
        %swap3A_517 = vector.shape_cast %swap3A_516 : vector<1x16xf32> to vector<16xf32>
        %swap3A_518 = vector.shape_cast %div3A : vector<16xf32> to vector<1x16xf32>
        tpu.vector_store %arg34[%swap3A, %swap3A_515], %swap3A_518 {strides = array<i32>} : memref<2000x16xf32, #tpu.memory_space<vmem>>, vector<1x16xf32>,
      }
      %scan3A_219 = arith.constant 80 : i32
      %dma_wait3A_220 = arith.constant 2 : i32
      %dma_wait3A_221 = arith.constant 0 : i32
      %dma_wait3A_222 = tpu.memref_slice %arg7[%dma_wait3A_220, %dma_wait3A_221] : memref<25x80xi32, #tpu.memory_space<vmem>> -> memref<1x80xi32, #tpu.memory_space<vmem>>
      %dma_wait3A_223 = tpu.memref_squeeze %dma_wait3A_222 : memref<1x80xi32, #tpu.memory_space<vmem>> -> memref<80xi32, #tpu.memory_space<vmem>>
      %dma_wait3A_224 = arith.constant 0 : i32
      %dma_wait3A_225 = arith.constant 0 : i32
      %dma_wait3A_226 = tpu.memref_slice %arg4[%dma_wait3A_224, %dma_wait3A_225] : memref<10240x16xf32, #tpu.memory_space<hbm>> -> memref<10240x16xf32, #tpu.memory_space<hbm>>
      tpu.wait_indirect_dma semaphore(%arg35 : memref<!tpu.dma_semaphore, #tpu.memory_space<semaphore_mem>>) src(%dma_wait3A_226 : memref<10240x16xf32, #tpu.memory_space<hbm>>) dst(%arg10 : memref<80x16xf32, #tpu.memory_space<vmem>>)
      %scan3A_227 = arith.constant 0 : i32
      %scan3A_228 = arith.constant 80 : i32
      %scan3A_229 = arith.addi %scan3A_227, %scan3A_228 : i32
      %scan3A_230 = arith.constant 1 : i32
      scf.for %scan3A_496 = %scan3A_227 to %scan3A_229 step %scan3A_230  : i32 {
        %mul3A_497 = arith.constant 1 : i32
        %mul3A_498 = arith.muli %scan3A_496, %mul3A_497 : i32
        %add3A_499 = arith.constant 0 : i32
        %add3A_500 = arith.addi %add3A_499, %mul3A_498 : i32
        %get3A = arith.index_cast %add3A_500 : i32 to index
        %get3A_501 = arith.constant 0 : index
        %get3A_502 = tpu.vector_load %arg10[%get3A, %get3A_501] {strides = array<i32>} : memref<80x16xf32, #tpu.memory_space<vmem>>, vector<1x16xf32>,
        %get3A_503 = vector.shape_cast %get3A_502 : vector<1x16xf32> to vector<16xf32>
        %add3A_504 = arith.constant 160 : i32
        %add3A_505 = arith.addi %add3A_504, %add3A_500 : i32
        %get3A_506 = arith.index_cast %add3A_505 : i32 to index
        %get3A_507 = arith.constant 0 : index
        %get3A_508 = tpu.vector_load %arg33[%get3A_506, %get3A_507] {strides = array<i32>} : memref<2000x16xf32, #tpu.memory_space<vmem>>, vector<1x16xf32>,
        %get3A_509 = vector.shape_cast %get3A_508 : vector<1x16xf32> to vector<16xf32>
        %add3A_510 = arith.constant 1.000000e-16 : f32
        %add3A_511 = vector.broadcast %add3A_510 : f32 to vector<16xf32>
        %add3A_512 = arith.addf %get3A_503, %add3A_511 : vector<16xf32>
        %div3A = arith.divf %get3A_509, %add3A_512 : vector<16xf32>
        %add3A_513 = arith.constant 160 : i32
        %add3A_514 = arith.addi %add3A_513, %add3A_500 : i32
        %swap3A = arith.index_cast %add3A_514 : i32 to index
        %swap3A_515 = arith.constant 0 : index
        %swap3A_516 = tpu.vector_load %arg34[%swap3A, %swap3A_515] {strides = array<i32>} : memref<2000x16xf32, #tpu.memory_space<vmem>>, vector<1x16xf32>,
        %swap3A_517 = vector.shape_cast %swap3A_516 : vector<1x16xf32> to vector<16xf32>
        %swap3A_518 = vector.shape_cast %div3A : vector<16xf32> to vector<1x16xf32>
        tpu.vector_store %arg34[%swap3A, %swap3A_515], %swap3A_518 {strides = array<i32>} : memref<2000x16xf32, #tpu.memory_space<vmem>>, vector<1x16xf32>,
      }
      %scan3A_231 = arith.constant 80 : i32
      %dma_wait3A_232 = arith.constant 3 : i32
      %dma_wait3A_233 = arith.constant 0 : i32
      %dma_wait3A_234 = tpu.memref_slice %arg7[%dma_wait3A_232, %dma_wait3A_233] : memref<25x80xi32, #tpu.memory_space<vmem>> -> memref<1x80xi32, #tpu.memory_space<vmem>>
      %dma_wait3A_235 = tpu.memref_squeeze %dma_wait3A_234 : memref<1x80xi32, #tpu.memory_space<vmem>> -> memref<80xi32, #tpu.memory_space<vmem>>
      %dma_wait3A_236 = arith.constant 0 : i32
      %dma_wait3A_237 = arith.constant 0 : i32
      %dma_wait3A_238 = tpu.memref_slice %arg4[%dma_wait3A_236, %dma_wait3A_237] : memref<10240x16xf32, #tpu.memory_space<hbm>> -> memref<10240x16xf32, #tpu.memory_space<hbm>>
      tpu.wait_indirect_dma semaphore(%arg35 : memref<!tpu.dma_semaphore, #tpu.memory_space<semaphore_mem>>) src(%dma_wait3A_238 : memref<10240x16xf32, #tpu.memory_space<hbm>>) dst(%arg11 : memref<80x16xf32, #tpu.memory_space<vmem>>)
      %scan3A_239 = arith.constant 0 : i32
      %scan3A_240 = arith.constant 80 : i32
      %scan3A_241 = arith.addi %scan3A_239, %scan3A_240 : i32
      %scan3A_242 = arith.constant 1 : i32
      scf.for %scan3A_496 = %scan3A_239 to %scan3A_241 step %scan3A_242  : i32 {
        %mul3A_497 = arith.constant 1 : i32
        %mul3A_498 = arith.muli %scan3A_496, %mul3A_497 : i32
        %add3A_499 = arith.constant 0 : i32
        %add3A_500 = arith.addi %add3A_499, %mul3A_498 : i32
        %get3A = arith.index_cast %add3A_500 : i32 to index
        %get3A_501 = arith.constant 0 : index
        %get3A_502 = tpu.vector_load %arg11[%get3A, %get3A_501] {strides = array<i32>} : memref<80x16xf32, #tpu.memory_space<vmem>>, vector<1x16xf32>,
        %get3A_503 = vector.shape_cast %get3A_502 : vector<1x16xf32> to vector<16xf32>
        %add3A_504 = arith.constant 240 : i32
        %add3A_505 = arith.addi %add3A_504, %add3A_500 : i32
        %get3A_506 = arith.index_cast %add3A_505 : i32 to index
        %get3A_507 = arith.constant 0 : index
        %get3A_508 = tpu.vector_load %arg33[%get3A_506, %get3A_507] {strides = array<i32>} : memref<2000x16xf32, #tpu.memory_space<vmem>>, vector<1x16xf32>,
        %get3A_509 = vector.shape_cast %get3A_508 : vector<1x16xf32> to vector<16xf32>
        %add3A_510 = arith.constant 1.000000e-16 : f32
        %add3A_511 = vector.broadcast %add3A_510 : f32 to vector<16xf32>
        %add3A_512 = arith.addf %get3A_503, %add3A_511 : vector<16xf32>
        %div3A = arith.divf %get3A_509, %add3A_512 : vector<16xf32>
        %add3A_513 = arith.constant 240 : i32
        %add3A_514 = arith.addi %add3A_513, %add3A_500 : i32
        %swap3A = arith.index_cast %add3A_514 : i32 to index
        %swap3A_515 = arith.constant 0 : index
        %swap3A_516 = tpu.vector_load %arg34[%swap3A, %swap3A_515] {strides = array<i32>} : memref<2000x16xf32, #tpu.memory_space<vmem>>, vector<1x16xf32>,
        %swap3A_517 = vector.shape_cast %swap3A_516 : vector<1x16xf32> to vector<16xf32>
        %swap3A_518 = vector.shape_cast %div3A : vector<16xf32> to vector<1x16xf32>
        tpu.vector_store %arg34[%swap3A, %swap3A_515], %swap3A_518 {strides = array<i32>} : memref<2000x16xf32, #tpu.memory_space<vmem>>, vector<1x16xf32>,
      }
      %scan3A_243 = arith.constant 80 : i32
      %dma_wait3A_244 = arith.constant 4 : i32
      %dma_wait3A_245 = arith.constant 0 : i32
      %dma_wait3A_246 = tpu.memref_slice %arg7[%dma_wait3A_244, %dma_wait3A_245] : memref<25x80xi32, #tpu.memory_space<vmem>> -> memref<1x80xi32, #tpu.memory_space<vmem>>
      %dma_wait3A_247 = tpu.memref_squeeze %dma_wait3A_246 : memref<1x80xi32, #tpu.memory_space<vmem>> -> memref<80xi32, #tpu.memory_space<vmem>>
      %dma_wait3A_248 = arith.constant 0 : i32
      %dma_wait3A_249 = arith.constant 0 : i32
      %dma_wait3A_250 = tpu.memref_slice %arg4[%dma_wait3A_248, %dma_wait3A_249] : memref<10240x16xf32, #tpu.memory_space<hbm>> -> memref<10240x16xf32, #tpu.memory_space<hbm>>
      tpu.wait_indirect_dma semaphore(%arg35 : memref<!tpu.dma_semaphore, #tpu.memory_space<semaphore_mem>>) src(%dma_wait3A_250 : memref<10240x16xf32, #tpu.memory_space<hbm>>) dst(%arg12 : memref<80x16xf32, #tpu.memory_space<vmem>>)
      %scan3A_251 = arith.constant 0 : i32
      %scan3A_252 = arith.constant 80 : i32
      %scan3A_253 = arith.addi %scan3A_251, %scan3A_252 : i32
      %scan3A_254 = arith.constant 1 : i32
      scf.for %scan3A_496 = %scan3A_251 to %scan3A_253 step %scan3A_254  : i32 {
        %mul3A_497 = arith.constant 1 : i32
        %mul3A_498 = arith.muli %scan3A_496, %mul3A_497 : i32
        %add3A_499 = arith.constant 0 : i32
        %add3A_500 = arith.addi %add3A_499, %mul3A_498 : i32
        %get3A = arith.index_cast %add3A_500 : i32 to index
        %get3A_501 = arith.constant 0 : index
        %get3A_502 = tpu.vector_load %arg12[%get3A, %get3A_501] {strides = array<i32>} : memref<80x16xf32, #tpu.memory_space<vmem>>, vector<1x16xf32>,
        %get3A_503 = vector.shape_cast %get3A_502 : vector<1x16xf32> to vector<16xf32>
        %add3A_504 = arith.constant 320 : i32
        %add3A_505 = arith.addi %add3A_504, %add3A_500 : i32
        %get3A_506 = arith.index_cast %add3A_505 : i32 to index
        %get3A_507 = arith.constant 0 : index
        %get3A_508 = tpu.vector_load %arg33[%get3A_506, %get3A_507] {strides = array<i32>} : memref<2000x16xf32, #tpu.memory_space<vmem>>, vector<1x16xf32>,
        %get3A_509 = vector.shape_cast %get3A_508 : vector<1x16xf32> to vector<16xf32>
        %add3A_510 = arith.constant 1.000000e-16 : f32
        %add3A_511 = vector.broadcast %add3A_510 : f32 to vector<16xf32>
        %add3A_512 = arith.addf %get3A_503, %add3A_511 : vector<16xf32>
        %div3A = arith.divf %get3A_509, %add3A_512 : vector<16xf32>
        %add3A_513 = arith.constant 320 : i32
        %add3A_514 = arith.addi %add3A_513, %add3A_500 : i32
        %swap3A = arith.index_cast %add3A_514 : i32 to index
        %swap3A_515 = arith.constant 0 : index
        %swap3A_516 = tpu.vector_load %arg34[%swap3A, %swap3A_515] {strides = array<i32>} : memref<2000x16xf32, #tpu.memory_space<vmem>>, vector<1x16xf32>,
        %swap3A_517 = vector.shape_cast %swap3A_516 : vector<1x16xf32> to vector<16xf32>
        %swap3A_518 = vector.shape_cast %div3A : vector<16xf32> to vector<1x16xf32>
        tpu.vector_store %arg34[%swap3A, %swap3A_515], %swap3A_518 {strides = array<i32>} : memref<2000x16xf32, #tpu.memory_space<vmem>>, vector<1x16xf32>,
      }
      %scan3A_255 = arith.constant 80 : i32
      %dma_wait3A_256 = arith.constant 5 : i32
      %dma_wait3A_257 = arith.constant 0 : i32
      %dma_wait3A_258 = tpu.memref_slice %arg7[%dma_wait3A_256, %dma_wait3A_257] : memref<25x80xi32, #tpu.memory_space<vmem>> -> memref<1x80xi32, #tpu.memory_space<vmem>>
      %dma_wait3A_259 = tpu.memref_squeeze %dma_wait3A_258 : memref<1x80xi32, #tpu.memory_space<vmem>> -> memref<80xi32, #tpu.memory_space<vmem>>
      %dma_wait3A_260 = arith.constant 0 : i32
      %dma_wait3A_261 = arith.constant 0 : i32
      %dma_wait3A_262 = tpu.memref_slice %arg4[%dma_wait3A_260, %dma_wait3A_261] : memref<10240x16xf32, #tpu.memory_space<hbm>> -> memref<10240x16xf32, #tpu.memory_space<hbm>>
      tpu.wait_indirect_dma semaphore(%arg35 : memref<!tpu.dma_semaphore, #tpu.memory_space<semaphore_mem>>) src(%dma_wait3A_262 : memref<10240x16xf32, #tpu.memory_space<hbm>>) dst(%arg13 : memref<80x16xf32, #tpu.memory_space<vmem>>)
      %scan3A_263 = arith.constant 0 : i32
      %scan3A_264 = arith.constant 80 : i32
      %scan3A_265 = arith.addi %scan3A_263, %scan3A_264 : i32
      %scan3A_266 = arith.constant 1 : i32
      scf.for %scan3A_496 = %scan3A_263 to %scan3A_265 step %scan3A_266  : i32 {
        %mul3A_497 = arith.constant 1 : i32
        %mul3A_498 = arith.muli %scan3A_496, %mul3A_497 : i32
        %add3A_499 = arith.constant 0 : i32
        %add3A_500 = arith.addi %add3A_499, %mul3A_498 : i32
        %get3A = arith.index_cast %add3A_500 : i32 to index
        %get3A_501 = arith.constant 0 : index
        %get3A_502 = tpu.vector_load %arg13[%get3A, %get3A_501] {strides = array<i32>} : memref<80x16xf32, #tpu.memory_space<vmem>>, vector<1x16xf32>,
        %get3A_503 = vector.shape_cast %get3A_502 : vector<1x16xf32> to vector<16xf32>
        %add3A_504 = arith.constant 400 : i32
        %add3A_505 = arith.addi %add3A_504, %add3A_500 : i32
        %get3A_506 = arith.index_cast %add3A_505 : i32 to index
        %get3A_507 = arith.constant 0 : index
        %get3A_508 = tpu.vector_load %arg33[%get3A_506, %get3A_507] {strides = array<i32>} : memref<2000x16xf32, #tpu.memory_space<vmem>>, vector<1x16xf32>,
        %get3A_509 = vector.shape_cast %get3A_508 : vector<1x16xf32> to vector<16xf32>
        %add3A_510 = arith.constant 1.000000e-16 : f32
        %add3A_511 = vector.broadcast %add3A_510 : f32 to vector<16xf32>
        %add3A_512 = arith.addf %get3A_503, %add3A_511 : vector<16xf32>
        %div3A = arith.divf %get3A_509, %add3A_512 : vector<16xf32>
        %add3A_513 = arith.constant 400 : i32
        %add3A_514 = arith.addi %add3A_513, %add3A_500 : i32
        %swap3A = arith.index_cast %add3A_514 : i32 to index
        %swap3A_515 = arith.constant 0 : index
        %swap3A_516 = tpu.vector_load %arg34[%swap3A, %swap3A_515] {strides = array<i32>} : memref<2000x16xf32, #tpu.memory_space<vmem>>, vector<1x16xf32>,
        %swap3A_517 = vector.shape_cast %swap3A_516 : vector<1x16xf32> to vector<16xf32>
        %swap3A_518 = vector.shape_cast %div3A : vector<16xf32> to vector<1x16xf32>
        tpu.vector_store %arg34[%swap3A, %swap3A_515], %swap3A_518 {strides = array<i32>} : memref<2000x16xf32, #tpu.memory_space<vmem>>, vector<1x16xf32>,
      }
      %scan3A_267 = arith.constant 80 : i32
      %dma_wait3A_268 = arith.constant 6 : i32
      %dma_wait3A_269 = arith.constant 0 : i32
      %dma_wait3A_270 = tpu.memref_slice %arg7[%dma_wait3A_268, %dma_wait3A_269] : memref<25x80xi32, #tpu.memory_space<vmem>> -> memref<1x80xi32, #tpu.memory_space<vmem>>
      %dma_wait3A_271 = tpu.memref_squeeze %dma_wait3A_270 : memref<1x80xi32, #tpu.memory_space<vmem>> -> memref<80xi32, #tpu.memory_space<vmem>>
      %dma_wait3A_272 = arith.constant 0 : i32
      %dma_wait3A_273 = arith.constant 0 : i32
      %dma_wait3A_274 = tpu.memref_slice %arg4[%dma_wait3A_272, %dma_wait3A_273] : memref<10240x16xf32, #tpu.memory_space<hbm>> -> memref<10240x16xf32, #tpu.memory_space<hbm>>
      tpu.wait_indirect_dma semaphore(%arg35 : memref<!tpu.dma_semaphore, #tpu.memory_space<semaphore_mem>>) src(%dma_wait3A_274 : memref<10240x16xf32, #tpu.memory_space<hbm>>) dst(%arg14 : memref<80x16xf32, #tpu.memory_space<vmem>>)
      %scan3A_275 = arith.constant 0 : i32
      %scan3A_276 = arith.constant 80 : i32
      %scan3A_277 = arith.addi %scan3A_275, %scan3A_276 : i32
      %scan3A_278 = arith.constant 1 : i32
      scf.for %scan3A_496 = %scan3A_275 to %scan3A_277 step %scan3A_278  : i32 {
        %mul3A_497 = arith.constant 1 : i32
        %mul3A_498 = arith.muli %scan3A_496, %mul3A_497 : i32
        %add3A_499 = arith.constant 0 : i32
        %add3A_500 = arith.addi %add3A_499, %mul3A_498 : i32
        %get3A = arith.index_cast %add3A_500 : i32 to index
        %get3A_501 = arith.constant 0 : index
        %get3A_502 = tpu.vector_load %arg14[%get3A, %get3A_501] {strides = array<i32>} : memref<80x16xf32, #tpu.memory_space<vmem>>, vector<1x16xf32>,
        %get3A_503 = vector.shape_cast %get3A_502 : vector<1x16xf32> to vector<16xf32>
        %add3A_504 = arith.constant 480 : i32
        %add3A_505 = arith.addi %add3A_504, %add3A_500 : i32
        %get3A_506 = arith.index_cast %add3A_505 : i32 to index
        %get3A_507 = arith.constant 0 : index
        %get3A_508 = tpu.vector_load %arg33[%get3A_506, %get3A_507] {strides = array<i32>} : memref<2000x16xf32, #tpu.memory_space<vmem>>, vector<1x16xf32>,
        %get3A_509 = vector.shape_cast %get3A_508 : vector<1x16xf32> to vector<16xf32>
        %add3A_510 = arith.constant 1.000000e-16 : f32
        %add3A_511 = vector.broadcast %add3A_510 : f32 to vector<16xf32>
        %add3A_512 = arith.addf %get3A_503, %add3A_511 : vector<16xf32>
        %div3A = arith.divf %get3A_509, %add3A_512 : vector<16xf32>
        %add3A_513 = arith.constant 480 : i32
        %add3A_514 = arith.addi %add3A_513, %add3A_500 : i32
        %swap3A = arith.index_cast %add3A_514 : i32 to index
        %swap3A_515 = arith.constant 0 : index
        %swap3A_516 = tpu.vector_load %arg34[%swap3A, %swap3A_515] {strides = array<i32>} : memref<2000x16xf32, #tpu.memory_space<vmem>>, vector<1x16xf32>,
        %swap3A_517 = vector.shape_cast %swap3A_516 : vector<1x16xf32> to vector<16xf32>
        %swap3A_518 = vector.shape_cast %div3A : vector<16xf32> to vector<1x16xf32>
        tpu.vector_store %arg34[%swap3A, %swap3A_515], %swap3A_518 {strides = array<i32>} : memref<2000x16xf32, #tpu.memory_space<vmem>>, vector<1x16xf32>,
      }
      %scan3A_279 = arith.constant 80 : i32
      %dma_wait3A_280 = arith.constant 7 : i32
      %dma_wait3A_281 = arith.constant 0 : i32
      %dma_wait3A_282 = tpu.memref_slice %arg7[%dma_wait3A_280, %dma_wait3A_281] : memref<25x80xi32, #tpu.memory_space<vmem>> -> memref<1x80xi32, #tpu.memory_space<vmem>>
      %dma_wait3A_283 = tpu.memref_squeeze %dma_wait3A_282 : memref<1x80xi32, #tpu.memory_space<vmem>> -> memref<80xi32, #tpu.memory_space<vmem>>
      %dma_wait3A_284 = arith.constant 0 : i32
      %dma_wait3A_285 = arith.constant 0 : i32
      %dma_wait3A_286 = tpu.memref_slice %arg4[%dma_wait3A_284, %dma_wait3A_285] : memref<10240x16xf32, #tpu.memory_space<hbm>> -> memref<10240x16xf32, #tpu.memory_space<hbm>>
      tpu.wait_indirect_dma semaphore(%arg35 : memref<!tpu.dma_semaphore, #tpu.memory_space<semaphore_mem>>) src(%dma_wait3A_286 : memref<10240x16xf32, #tpu.memory_space<hbm>>) dst(%arg15 : memref<80x16xf32, #tpu.memory_space<vmem>>)
      %scan3A_287 = arith.constant 0 : i32
      %scan3A_288 = arith.constant 80 : i32
      %scan3A_289 = arith.addi %scan3A_287, %scan3A_288 : i32
      %scan3A_290 = arith.constant 1 : i32
      scf.for %scan3A_496 = %scan3A_287 to %scan3A_289 step %scan3A_290  : i32 {
        %mul3A_497 = arith.constant 1 : i32
        %mul3A_498 = arith.muli %scan3A_496, %mul3A_497 : i32
        %add3A_499 = arith.constant 0 : i32
        %add3A_500 = arith.addi %add3A_499, %mul3A_498 : i32
        %get3A = arith.index_cast %add3A_500 : i32 to index
        %get3A_501 = arith.constant 0 : index
        %get3A_502 = tpu.vector_load %arg15[%get3A, %get3A_501] {strides = array<i32>} : memref<80x16xf32, #tpu.memory_space<vmem>>, vector<1x16xf32>,
        %get3A_503 = vector.shape_cast %get3A_502 : vector<1x16xf32> to vector<16xf32>
        %add3A_504 = arith.constant 560 : i32
        %add3A_505 = arith.addi %add3A_504, %add3A_500 : i32
        %get3A_506 = arith.index_cast %add3A_505 : i32 to index
        %get3A_507 = arith.constant 0 : index
        %get3A_508 = tpu.vector_load %arg33[%get3A_506, %get3A_507] {strides = array<i32>} : memref<2000x16xf32, #tpu.memory_space<vmem>>, vector<1x16xf32>,
        %get3A_509 = vector.shape_cast %get3A_508 : vector<1x16xf32> to vector<16xf32>
        %add3A_510 = arith.constant 1.000000e-16 : f32
        %add3A_511 = vector.broadcast %add3A_510 : f32 to vector<16xf32>
        %add3A_512 = arith.addf %get3A_503, %add3A_511 : vector<16xf32>
        %div3A = arith.divf %get3A_509, %add3A_512 : vector<16xf32>
        %add3A_513 = arith.constant 560 : i32
        %add3A_514 = arith.addi %add3A_513, %add3A_500 : i32
        %swap3A = arith.index_cast %add3A_514 : i32 to index
        %swap3A_515 = arith.constant 0 : index
        %swap3A_516 = tpu.vector_load %arg34[%swap3A, %swap3A_515] {strides = array<i32>} : memref<2000x16xf32, #tpu.memory_space<vmem>>, vector<1x16xf32>,
        %swap3A_517 = vector.shape_cast %swap3A_516 : vector<1x16xf32> to vector<16xf32>
        %swap3A_518 = vector.shape_cast %div3A : vector<16xf32> to vector<1x16xf32>
        tpu.vector_store %arg34[%swap3A, %swap3A_515], %swap3A_518 {strides = array<i32>} : memref<2000x16xf32, #tpu.memory_space<vmem>>, vector<1x16xf32>,
      }
      %scan3A_291 = arith.constant 80 : i32
      %dma_wait3A_292 = arith.constant 8 : i32
      %dma_wait3A_293 = arith.constant 0 : i32
      %dma_wait3A_294 = tpu.memref_slice %arg7[%dma_wait3A_292, %dma_wait3A_293] : memref<25x80xi32, #tpu.memory_space<vmem>> -> memref<1x80xi32, #tpu.memory_space<vmem>>
      %dma_wait3A_295 = tpu.memref_squeeze %dma_wait3A_294 : memref<1x80xi32, #tpu.memory_space<vmem>> -> memref<80xi32, #tpu.memory_space<vmem>>
      %dma_wait3A_296 = arith.constant 0 : i32
      %dma_wait3A_297 = arith.constant 0 : i32
      %dma_wait3A_298 = tpu.memref_slice %arg4[%dma_wait3A_296, %dma_wait3A_297] : memref<10240x16xf32, #tpu.memory_space<hbm>> -> memref<10240x16xf32, #tpu.memory_space<hbm>>
      tpu.wait_indirect_dma semaphore(%arg35 : memref<!tpu.dma_semaphore, #tpu.memory_space<semaphore_mem>>) src(%dma_wait3A_298 : memref<10240x16xf32, #tpu.memory_space<hbm>>) dst(%arg16 : memref<80x16xf32, #tpu.memory_space<vmem>>)
      %scan3A_299 = arith.constant 0 : i32
      %scan3A_300 = arith.constant 80 : i32
      %scan3A_301 = arith.addi %scan3A_299, %scan3A_300 : i32
      %scan3A_302 = arith.constant 1 : i32
      scf.for %scan3A_496 = %scan3A_299 to %scan3A_301 step %scan3A_302  : i32 {
        %mul3A_497 = arith.constant 1 : i32
        %mul3A_498 = arith.muli %scan3A_496, %mul3A_497 : i32
        %add3A_499 = arith.constant 0 : i32
        %add3A_500 = arith.addi %add3A_499, %mul3A_498 : i32
        %get3A = arith.index_cast %add3A_500 : i32 to index
        %get3A_501 = arith.constant 0 : index
        %get3A_502 = tpu.vector_load %arg16[%get3A, %get3A_501] {strides = array<i32>} : memref<80x16xf32, #tpu.memory_space<vmem>>, vector<1x16xf32>,
        %get3A_503 = vector.shape_cast %get3A_502 : vector<1x16xf32> to vector<16xf32>
        %add3A_504 = arith.constant 640 : i32
        %add3A_505 = arith.addi %add3A_504, %add3A_500 : i32
        %get3A_506 = arith.index_cast %add3A_505 : i32 to index
        %get3A_507 = arith.constant 0 : index
        %get3A_508 = tpu.vector_load %arg33[%get3A_506, %get3A_507] {strides = array<i32>} : memref<2000x16xf32, #tpu.memory_space<vmem>>, vector<1x16xf32>,
        %get3A_509 = vector.shape_cast %get3A_508 : vector<1x16xf32> to vector<16xf32>
        %add3A_510 = arith.constant 1.000000e-16 : f32
        %add3A_511 = vector.broadcast %add3A_510 : f32 to vector<16xf32>
        %add3A_512 = arith.addf %get3A_503, %add3A_511 : vector<16xf32>
        %div3A = arith.divf %get3A_509, %add3A_512 : vector<16xf32>
        %add3A_513 = arith.constant 640 : i32
        %add3A_514 = arith.addi %add3A_513, %add3A_500 : i32
        %swap3A = arith.index_cast %add3A_514 : i32 to index
        %swap3A_515 = arith.constant 0 : index
        %swap3A_516 = tpu.vector_load %arg34[%swap3A, %swap3A_515] {strides = array<i32>} : memref<2000x16xf32, #tpu.memory_space<vmem>>, vector<1x16xf32>,
        %swap3A_517 = vector.shape_cast %swap3A_516 : vector<1x16xf32> to vector<16xf32>
        %swap3A_518 = vector.shape_cast %div3A : vector<16xf32> to vector<1x16xf32>
        tpu.vector_store %arg34[%swap3A, %swap3A_515], %swap3A_518 {strides = array<i32>} : memref<2000x16xf32, #tpu.memory_space<vmem>>, vector<1x16xf32>,
      }
      %scan3A_303 = arith.constant 80 : i32
      %dma_wait3A_304 = arith.constant 9 : i32
      %dma_wait3A_305 = arith.constant 0 : i32
      %dma_wait3A_306 = tpu.memref_slice %arg7[%dma_wait3A_304, %dma_wait3A_305] : memref<25x80xi32, #tpu.memory_space<vmem>> -> memref<1x80xi32, #tpu.memory_space<vmem>>
      %dma_wait3A_307 = tpu.memref_squeeze %dma_wait3A_306 : memref<1x80xi32, #tpu.memory_space<vmem>> -> memref<80xi32, #tpu.memory_space<vmem>>
      %dma_wait3A_308 = arith.constant 0 : i32
      %dma_wait3A_309 = arith.constant 0 : i32
      %dma_wait3A_310 = tpu.memref_slice %arg4[%dma_wait3A_308, %dma_wait3A_309] : memref<10240x16xf32, #tpu.memory_space<hbm>> -> memref<10240x16xf32, #tpu.memory_space<hbm>>
      tpu.wait_indirect_dma semaphore(%arg35 : memref<!tpu.dma_semaphore, #tpu.memory_space<semaphore_mem>>) src(%dma_wait3A_310 : memref<10240x16xf32, #tpu.memory_space<hbm>>) dst(%arg17 : memref<80x16xf32, #tpu.memory_space<vmem>>)
      %scan3A_311 = arith.constant 0 : i32
      %scan3A_312 = arith.constant 80 : i32
      %scan3A_313 = arith.addi %scan3A_311, %scan3A_312 : i32
      %scan3A_314 = arith.constant 1 : i32
      scf.for %scan3A_496 = %scan3A_311 to %scan3A_313 step %scan3A_314  : i32 {
        %mul3A_497 = arith.constant 1 : i32
        %mul3A_498 = arith.muli %scan3A_496, %mul3A_497 : i32
        %add3A_499 = arith.constant 0 : i32
        %add3A_500 = arith.addi %add3A_499, %mul3A_498 : i32
        %get3A = arith.index_cast %add3A_500 : i32 to index
        %get3A_501 = arith.constant 0 : index
        %get3A_502 = tpu.vector_load %arg17[%get3A, %get3A_501] {strides = array<i32>} : memref<80x16xf32, #tpu.memory_space<vmem>>, vector<1x16xf32>,
        %get3A_503 = vector.shape_cast %get3A_502 : vector<1x16xf32> to vector<16xf32>
        %add3A_504 = arith.constant 720 : i32
        %add3A_505 = arith.addi %add3A_504, %add3A_500 : i32
        %get3A_506 = arith.index_cast %add3A_505 : i32 to index
        %get3A_507 = arith.constant 0 : index
        %get3A_508 = tpu.vector_load %arg33[%get3A_506, %get3A_507] {strides = array<i32>} : memref<2000x16xf32, #tpu.memory_space<vmem>>, vector<1x16xf32>,
        %get3A_509 = vector.shape_cast %get3A_508 : vector<1x16xf32> to vector<16xf32>
        %add3A_510 = arith.constant 1.000000e-16 : f32
        %add3A_511 = vector.broadcast %add3A_510 : f32 to vector<16xf32>
        %add3A_512 = arith.addf %get3A_503, %add3A_511 : vector<16xf32>
        %div3A = arith.divf %get3A_509, %add3A_512 : vector<16xf32>
        %add3A_513 = arith.constant 720 : i32
        %add3A_514 = arith.addi %add3A_513, %add3A_500 : i32
        %swap3A = arith.index_cast %add3A_514 : i32 to index
        %swap3A_515 = arith.constant 0 : index
        %swap3A_516 = tpu.vector_load %arg34[%swap3A, %swap3A_515] {strides = array<i32>} : memref<2000x16xf32, #tpu.memory_space<vmem>>, vector<1x16xf32>,
        %swap3A_517 = vector.shape_cast %swap3A_516 : vector<1x16xf32> to vector<16xf32>
        %swap3A_518 = vector.shape_cast %div3A : vector<16xf32> to vector<1x16xf32>
        tpu.vector_store %arg34[%swap3A, %swap3A_515], %swap3A_518 {strides = array<i32>} : memref<2000x16xf32, #tpu.memory_space<vmem>>, vector<1x16xf32>,
      }
      %scan3A_315 = arith.constant 80 : i32
      %dma_wait3A_316 = arith.constant 10 : i32
      %dma_wait3A_317 = arith.constant 0 : i32
      %dma_wait3A_318 = tpu.memref_slice %arg7[%dma_wait3A_316, %dma_wait3A_317] : memref<25x80xi32, #tpu.memory_space<vmem>> -> memref<1x80xi32, #tpu.memory_space<vmem>>
      %dma_wait3A_319 = tpu.memref_squeeze %dma_wait3A_318 : memref<1x80xi32, #tpu.memory_space<vmem>> -> memref<80xi32, #tpu.memory_space<vmem>>
      %dma_wait3A_320 = arith.constant 0 : i32
      %dma_wait3A_321 = arith.constant 0 : i32
      %dma_wait3A_322 = tpu.memref_slice %arg4[%dma_wait3A_320, %dma_wait3A_321] : memref<10240x16xf32, #tpu.memory_space<hbm>> -> memref<10240x16xf32, #tpu.memory_space<hbm>>
      tpu.wait_indirect_dma semaphore(%arg35 : memref<!tpu.dma_semaphore, #tpu.memory_space<semaphore_mem>>) src(%dma_wait3A_322 : memref<10240x16xf32, #tpu.memory_space<hbm>>) dst(%arg18 : memref<80x16xf32, #tpu.memory_space<vmem>>)
      %scan3A_323 = arith.constant 0 : i32
      %scan3A_324 = arith.constant 80 : i32
      %scan3A_325 = arith.addi %scan3A_323, %scan3A_324 : i32
      %scan3A_326 = arith.constant 1 : i32
      scf.for %scan3A_496 = %scan3A_323 to %scan3A_325 step %scan3A_326  : i32 {
        %mul3A_497 = arith.constant 1 : i32
        %mul3A_498 = arith.muli %scan3A_496, %mul3A_497 : i32
        %add3A_499 = arith.constant 0 : i32
        %add3A_500 = arith.addi %add3A_499, %mul3A_498 : i32
        %get3A = arith.index_cast %add3A_500 : i32 to index
        %get3A_501 = arith.constant 0 : index
        %get3A_502 = tpu.vector_load %arg18[%get3A, %get3A_501] {strides = array<i32>} : memref<80x16xf32, #tpu.memory_space<vmem>>, vector<1x16xf32>,
        %get3A_503 = vector.shape_cast %get3A_502 : vector<1x16xf32> to vector<16xf32>
        %add3A_504 = arith.constant 800 : i32
        %add3A_505 = arith.addi %add3A_504, %add3A_500 : i32
        %get3A_506 = arith.index_cast %add3A_505 : i32 to index
        %get3A_507 = arith.constant 0 : index
        %get3A_508 = tpu.vector_load %arg33[%get3A_506, %get3A_507] {strides = array<i32>} : memref<2000x16xf32, #tpu.memory_space<vmem>>, vector<1x16xf32>,
        %get3A_509 = vector.shape_cast %get3A_508 : vector<1x16xf32> to vector<16xf32>
        %add3A_510 = arith.constant 1.000000e-16 : f32
        %add3A_511 = vector.broadcast %add3A_510 : f32 to vector<16xf32>
        %add3A_512 = arith.addf %get3A_503, %add3A_511 : vector<16xf32>
        %div3A = arith.divf %get3A_509, %add3A_512 : vector<16xf32>
        %add3A_513 = arith.constant 800 : i32
        %add3A_514 = arith.addi %add3A_513, %add3A_500 : i32
        %swap3A = arith.index_cast %add3A_514 : i32 to index
        %swap3A_515 = arith.constant 0 : index
        %swap3A_516 = tpu.vector_load %arg34[%swap3A, %swap3A_515] {strides = array<i32>} : memref<2000x16xf32, #tpu.memory_space<vmem>>, vector<1x16xf32>,
        %swap3A_517 = vector.shape_cast %swap3A_516 : vector<1x16xf32> to vector<16xf32>
        %swap3A_518 = vector.shape_cast %div3A : vector<16xf32> to vector<1x16xf32>
        tpu.vector_store %arg34[%swap3A, %swap3A_515], %swap3A_518 {strides = array<i32>} : memref<2000x16xf32, #tpu.memory_space<vmem>>, vector<1x16xf32>,
      }
      %scan3A_327 = arith.constant 80 : i32
      %dma_wait3A_328 = arith.constant 11 : i32
      %dma_wait3A_329 = arith.constant 0 : i32
      %dma_wait3A_330 = tpu.memref_slice %arg7[%dma_wait3A_328, %dma_wait3A_329] : memref<25x80xi32, #tpu.memory_space<vmem>> -> memref<1x80xi32, #tpu.memory_space<vmem>>
      %dma_wait3A_331 = tpu.memref_squeeze %dma_wait3A_330 : memref<1x80xi32, #tpu.memory_space<vmem>> -> memref<80xi32, #tpu.memory_space<vmem>>
      %dma_wait3A_332 = arith.constant 0 : i32
      %dma_wait3A_333 = arith.constant 0 : i32
      %dma_wait3A_334 = tpu.memref_slice %arg4[%dma_wait3A_332, %dma_wait3A_333] : memref<10240x16xf32, #tpu.memory_space<hbm>> -> memref<10240x16xf32, #tpu.memory_space<hbm>>
      tpu.wait_indirect_dma semaphore(%arg35 : memref<!tpu.dma_semaphore, #tpu.memory_space<semaphore_mem>>) src(%dma_wait3A_334 : memref<10240x16xf32, #tpu.memory_space<hbm>>) dst(%arg19 : memref<80x16xf32, #tpu.memory_space<vmem>>)
      %scan3A_335 = arith.constant 0 : i32
      %scan3A_336 = arith.constant 80 : i32
      %scan3A_337 = arith.addi %scan3A_335, %scan3A_336 : i32
      %scan3A_338 = arith.constant 1 : i32
      scf.for %scan3A_496 = %scan3A_335 to %scan3A_337 step %scan3A_338  : i32 {
        %mul3A_497 = arith.constant 1 : i32
        %mul3A_498 = arith.muli %scan3A_496, %mul3A_497 : i32
        %add3A_499 = arith.constant 0 : i32
        %add3A_500 = arith.addi %add3A_499, %mul3A_498 : i32
        %get3A = arith.index_cast %add3A_500 : i32 to index
        %get3A_501 = arith.constant 0 : index
        %get3A_502 = tpu.vector_load %arg19[%get3A, %get3A_501] {strides = array<i32>} : memref<80x16xf32, #tpu.memory_space<vmem>>, vector<1x16xf32>,
        %get3A_503 = vector.shape_cast %get3A_502 : vector<1x16xf32> to vector<16xf32>
        %add3A_504 = arith.constant 880 : i32
        %add3A_505 = arith.addi %add3A_504, %add3A_500 : i32
        %get3A_506 = arith.index_cast %add3A_505 : i32 to index
        %get3A_507 = arith.constant 0 : index
        %get3A_508 = tpu.vector_load %arg33[%get3A_506, %get3A_507] {strides = array<i32>} : memref<2000x16xf32, #tpu.memory_space<vmem>>, vector<1x16xf32>,
        %get3A_509 = vector.shape_cast %get3A_508 : vector<1x16xf32> to vector<16xf32>
        %add3A_510 = arith.constant 1.000000e-16 : f32
        %add3A_511 = vector.broadcast %add3A_510 : f32 to vector<16xf32>
        %add3A_512 = arith.addf %get3A_503, %add3A_511 : vector<16xf32>
        %div3A = arith.divf %get3A_509, %add3A_512 : vector<16xf32>
        %add3A_513 = arith.constant 880 : i32
        %add3A_514 = arith.addi %add3A_513, %add3A_500 : i32
        %swap3A = arith.index_cast %add3A_514 : i32 to index
        %swap3A_515 = arith.constant 0 : index
        %swap3A_516 = tpu.vector_load %arg34[%swap3A, %swap3A_515] {strides = array<i32>} : memref<2000x16xf32, #tpu.memory_space<vmem>>, vector<1x16xf32>,
        %swap3A_517 = vector.shape_cast %swap3A_516 : vector<1x16xf32> to vector<16xf32>
        %swap3A_518 = vector.shape_cast %div3A : vector<16xf32> to vector<1x16xf32>
        tpu.vector_store %arg34[%swap3A, %swap3A_515], %swap3A_518 {strides = array<i32>} : memref<2000x16xf32, #tpu.memory_space<vmem>>, vector<1x16xf32>,
      }
      %scan3A_339 = arith.constant 80 : i32
      %dma_wait3A_340 = arith.constant 12 : i32
      %dma_wait3A_341 = arith.constant 0 : i32
      %dma_wait3A_342 = tpu.memref_slice %arg7[%dma_wait3A_340, %dma_wait3A_341] : memref<25x80xi32, #tpu.memory_space<vmem>> -> memref<1x80xi32, #tpu.memory_space<vmem>>
      %dma_wait3A_343 = tpu.memref_squeeze %dma_wait3A_342 : memref<1x80xi32, #tpu.memory_space<vmem>> -> memref<80xi32, #tpu.memory_space<vmem>>
      %dma_wait3A_344 = arith.constant 0 : i32
      %dma_wait3A_345 = arith.constant 0 : i32
      %dma_wait3A_346 = tpu.memref_slice %arg4[%dma_wait3A_344, %dma_wait3A_345] : memref<10240x16xf32, #tpu.memory_space<hbm>> -> memref<10240x16xf32, #tpu.memory_space<hbm>>
      tpu.wait_indirect_dma semaphore(%arg35 : memref<!tpu.dma_semaphore, #tpu.memory_space<semaphore_mem>>) src(%dma_wait3A_346 : memref<10240x16xf32, #tpu.memory_space<hbm>>) dst(%arg20 : memref<80x16xf32, #tpu.memory_space<vmem>>)
      %scan3A_347 = arith.constant 0 : i32
      %scan3A_348 = arith.constant 80 : i32
      %scan3A_349 = arith.addi %scan3A_347, %scan3A_348 : i32
      %scan3A_350 = arith.constant 1 : i32
      scf.for %scan3A_496 = %scan3A_347 to %scan3A_349 step %scan3A_350  : i32 {
        %mul3A_497 = arith.constant 1 : i32
        %mul3A_498 = arith.muli %scan3A_496, %mul3A_497 : i32
        %add3A_499 = arith.constant 0 : i32
        %add3A_500 = arith.addi %add3A_499, %mul3A_498 : i32
        %get3A = arith.index_cast %add3A_500 : i32 to index
        %get3A_501 = arith.constant 0 : index
        %get3A_502 = tpu.vector_load %arg20[%get3A, %get3A_501] {strides = array<i32>} : memref<80x16xf32, #tpu.memory_space<vmem>>, vector<1x16xf32>,
        %get3A_503 = vector.shape_cast %get3A_502 : vector<1x16xf32> to vector<16xf32>
        %add3A_504 = arith.constant 960 : i32
        %add3A_505 = arith.addi %add3A_504, %add3A_500 : i32
        %get3A_506 = arith.index_cast %add3A_505 : i32 to index
        %get3A_507 = arith.constant 0 : index
        %get3A_508 = tpu.vector_load %arg33[%get3A_506, %get3A_507] {strides = array<i32>} : memref<2000x16xf32, #tpu.memory_space<vmem>>, vector<1x16xf32>,
        %get3A_509 = vector.shape_cast %get3A_508 : vector<1x16xf32> to vector<16xf32>
        %add3A_510 = arith.constant 1.000000e-16 : f32
        %add3A_511 = vector.broadcast %add3A_510 : f32 to vector<16xf32>
        %add3A_512 = arith.addf %get3A_503, %add3A_511 : vector<16xf32>
        %div3A = arith.divf %get3A_509, %add3A_512 : vector<16xf32>
        %add3A_513 = arith.constant 960 : i32
        %add3A_514 = arith.addi %add3A_513, %add3A_500 : i32
        %swap3A = arith.index_cast %add3A_514 : i32 to index
        %swap3A_515 = arith.constant 0 : index
        %swap3A_516 = tpu.vector_load %arg34[%swap3A, %swap3A_515] {strides = array<i32>} : memref<2000x16xf32, #tpu.memory_space<vmem>>, vector<1x16xf32>,
        %swap3A_517 = vector.shape_cast %swap3A_516 : vector<1x16xf32> to vector<16xf32>
        %swap3A_518 = vector.shape_cast %div3A : vector<16xf32> to vector<1x16xf32>
        tpu.vector_store %arg34[%swap3A, %swap3A_515], %swap3A_518 {strides = array<i32>} : memref<2000x16xf32, #tpu.memory_space<vmem>>, vector<1x16xf32>,
      }
      %scan3A_351 = arith.constant 80 : i32
      %dma_wait3A_352 = arith.constant 13 : i32
      %dma_wait3A_353 = arith.constant 0 : i32
      %dma_wait3A_354 = tpu.memref_slice %arg7[%dma_wait3A_352, %dma_wait3A_353] : memref<25x80xi32, #tpu.memory_space<vmem>> -> memref<1x80xi32, #tpu.memory_space<vmem>>
      %dma_wait3A_355 = tpu.memref_squeeze %dma_wait3A_354 : memref<1x80xi32, #tpu.memory_space<vmem>> -> memref<80xi32, #tpu.memory_space<vmem>>
      %dma_wait3A_356 = arith.constant 0 : i32
      %dma_wait3A_357 = arith.constant 0 : i32
      %dma_wait3A_358 = tpu.memref_slice %arg4[%dma_wait3A_356, %dma_wait3A_357] : memref<10240x16xf32, #tpu.memory_space<hbm>> -> memref<10240x16xf32, #tpu.memory_space<hbm>>
      tpu.wait_indirect_dma semaphore(%arg35 : memref<!tpu.dma_semaphore, #tpu.memory_space<semaphore_mem>>) src(%dma_wait3A_358 : memref<10240x16xf32, #tpu.memory_space<hbm>>) dst(%arg21 : memref<80x16xf32, #tpu.memory_space<vmem>>)
      %scan3A_359 = arith.constant 0 : i32
      %scan3A_360 = arith.constant 80 : i32
      %scan3A_361 = arith.addi %scan3A_359, %scan3A_360 : i32
      %scan3A_362 = arith.constant 1 : i32
      scf.for %scan3A_496 = %scan3A_359 to %scan3A_361 step %scan3A_362  : i32 {
        %mul3A_497 = arith.constant 1 : i32
        %mul3A_498 = arith.muli %scan3A_496, %mul3A_497 : i32
        %add3A_499 = arith.constant 0 : i32
        %add3A_500 = arith.addi %add3A_499, %mul3A_498 : i32
        %get3A = arith.index_cast %add3A_500 : i32 to index
        %get3A_501 = arith.constant 0 : index
        %get3A_502 = tpu.vector_load %arg21[%get3A, %get3A_501] {strides = array<i32>} : memref<80x16xf32, #tpu.memory_space<vmem>>, vector<1x16xf32>,
        %get3A_503 = vector.shape_cast %get3A_502 : vector<1x16xf32> to vector<16xf32>
        %add3A_504 = arith.constant 1040 : i32
        %add3A_505 = arith.addi %add3A_504, %add3A_500 : i32
        %get3A_506 = arith.index_cast %add3A_505 : i32 to index
        %get3A_507 = arith.constant 0 : index
        %get3A_508 = tpu.vector_load %arg33[%get3A_506, %get3A_507] {strides = array<i32>} : memref<2000x16xf32, #tpu.memory_space<vmem>>, vector<1x16xf32>,
        %get3A_509 = vector.shape_cast %get3A_508 : vector<1x16xf32> to vector<16xf32>
        %add3A_510 = arith.constant 1.000000e-16 : f32
        %add3A_511 = vector.broadcast %add3A_510 : f32 to vector<16xf32>
        %add3A_512 = arith.addf %get3A_503, %add3A_511 : vector<16xf32>
        %div3A = arith.divf %get3A_509, %add3A_512 : vector<16xf32>
        %add3A_513 = arith.constant 1040 : i32
        %add3A_514 = arith.addi %add3A_513, %add3A_500 : i32
        %swap3A = arith.index_cast %add3A_514 : i32 to index
        %swap3A_515 = arith.constant 0 : index
        %swap3A_516 = tpu.vector_load %arg34[%swap3A, %swap3A_515] {strides = array<i32>} : memref<2000x16xf32, #tpu.memory_space<vmem>>, vector<1x16xf32>,
        %swap3A_517 = vector.shape_cast %swap3A_516 : vector<1x16xf32> to vector<16xf32>
        %swap3A_518 = vector.shape_cast %div3A : vector<16xf32> to vector<1x16xf32>
        tpu.vector_store %arg34[%swap3A, %swap3A_515], %swap3A_518 {strides = array<i32>} : memref<2000x16xf32, #tpu.memory_space<vmem>>, vector<1x16xf32>,
      }
      %scan3A_363 = arith.constant 80 : i32
      %dma_wait3A_364 = arith.constant 14 : i32
      %dma_wait3A_365 = arith.constant 0 : i32
      %dma_wait3A_366 = tpu.memref_slice %arg7[%dma_wait3A_364, %dma_wait3A_365] : memref<25x80xi32, #tpu.memory_space<vmem>> -> memref<1x80xi32, #tpu.memory_space<vmem>>
      %dma_wait3A_367 = tpu.memref_squeeze %dma_wait3A_366 : memref<1x80xi32, #tpu.memory_space<vmem>> -> memref<80xi32, #tpu.memory_space<vmem>>
      %dma_wait3A_368 = arith.constant 0 : i32
      %dma_wait3A_369 = arith.constant 0 : i32
      %dma_wait3A_370 = tpu.memref_slice %arg4[%dma_wait3A_368, %dma_wait3A_369] : memref<10240x16xf32, #tpu.memory_space<hbm>> -> memref<10240x16xf32, #tpu.memory_space<hbm>>
      tpu.wait_indirect_dma semaphore(%arg35 : memref<!tpu.dma_semaphore, #tpu.memory_space<semaphore_mem>>) src(%dma_wait3A_370 : memref<10240x16xf32, #tpu.memory_space<hbm>>) dst(%arg22 : memref<80x16xf32, #tpu.memory_space<vmem>>)
      %scan3A_371 = arith.constant 0 : i32
      %scan3A_372 = arith.constant 80 : i32
      %scan3A_373 = arith.addi %scan3A_371, %scan3A_372 : i32
      %scan3A_374 = arith.constant 1 : i32
      scf.for %scan3A_496 = %scan3A_371 to %scan3A_373 step %scan3A_374  : i32 {
        %mul3A_497 = arith.constant 1 : i32
        %mul3A_498 = arith.muli %scan3A_496, %mul3A_497 : i32
        %add3A_499 = arith.constant 0 : i32
        %add3A_500 = arith.addi %add3A_499, %mul3A_498 : i32
        %get3A = arith.index_cast %add3A_500 : i32 to index
        %get3A_501 = arith.constant 0 : index
        %get3A_502 = tpu.vector_load %arg22[%get3A, %get3A_501] {strides = array<i32>} : memref<80x16xf32, #tpu.memory_space<vmem>>, vector<1x16xf32>,
        %get3A_503 = vector.shape_cast %get3A_502 : vector<1x16xf32> to vector<16xf32>
        %add3A_504 = arith.constant 1120 : i32
        %add3A_505 = arith.addi %add3A_504, %add3A_500 : i32
        %get3A_506 = arith.index_cast %add3A_505 : i32 to index
        %get3A_507 = arith.constant 0 : index
        %get3A_508 = tpu.vector_load %arg33[%get3A_506, %get3A_507] {strides = array<i32>} : memref<2000x16xf32, #tpu.memory_space<vmem>>, vector<1x16xf32>,
        %get3A_509 = vector.shape_cast %get3A_508 : vector<1x16xf32> to vector<16xf32>
        %add3A_510 = arith.constant 1.000000e-16 : f32
        %add3A_511 = vector.broadcast %add3A_510 : f32 to vector<16xf32>
        %add3A_512 = arith.addf %get3A_503, %add3A_511 : vector<16xf32>
        %div3A = arith.divf %get3A_509, %add3A_512 : vector<16xf32>
        %add3A_513 = arith.constant 1120 : i32
        %add3A_514 = arith.addi %add3A_513, %add3A_500 : i32
        %swap3A = arith.index_cast %add3A_514 : i32 to index
        %swap3A_515 = arith.constant 0 : index
        %swap3A_516 = tpu.vector_load %arg34[%swap3A, %swap3A_515] {strides = array<i32>} : memref<2000x16xf32, #tpu.memory_space<vmem>>, vector<1x16xf32>,
        %swap3A_517 = vector.shape_cast %swap3A_516 : vector<1x16xf32> to vector<16xf32>
        %swap3A_518 = vector.shape_cast %div3A : vector<16xf32> to vector<1x16xf32>
        tpu.vector_store %arg34[%swap3A, %swap3A_515], %swap3A_518 {strides = array<i32>} : memref<2000x16xf32, #tpu.memory_space<vmem>>, vector<1x16xf32>,
      }
      %scan3A_375 = arith.constant 80 : i32
      %dma_wait3A_376 = arith.constant 15 : i32
      %dma_wait3A_377 = arith.constant 0 : i32
      %dma_wait3A_378 = tpu.memref_slice %arg7[%dma_wait3A_376, %dma_wait3A_377] : memref<25x80xi32, #tpu.memory_space<vmem>> -> memref<1x80xi32, #tpu.memory_space<vmem>>
      %dma_wait3A_379 = tpu.memref_squeeze %dma_wait3A_378 : memref<1x80xi32, #tpu.memory_space<vmem>> -> memref<80xi32, #tpu.memory_space<vmem>>
      %dma_wait3A_380 = arith.constant 0 : i32
      %dma_wait3A_381 = arith.constant 0 : i32
      %dma_wait3A_382 = tpu.memref_slice %arg4[%dma_wait3A_380, %dma_wait3A_381] : memref<10240x16xf32, #tpu.memory_space<hbm>> -> memref<10240x16xf32, #tpu.memory_space<hbm>>
      tpu.wait_indirect_dma semaphore(%arg35 : memref<!tpu.dma_semaphore, #tpu.memory_space<semaphore_mem>>) src(%dma_wait3A_382 : memref<10240x16xf32, #tpu.memory_space<hbm>>) dst(%arg23 : memref<80x16xf32, #tpu.memory_space<vmem>>)
      %scan3A_383 = arith.constant 0 : i32
      %scan3A_384 = arith.constant 80 : i32
      %scan3A_385 = arith.addi %scan3A_383, %scan3A_384 : i32
      %scan3A_386 = arith.constant 1 : i32
      scf.for %scan3A_496 = %scan3A_383 to %scan3A_385 step %scan3A_386  : i32 {
        %mul3A_497 = arith.constant 1 : i32
        %mul3A_498 = arith.muli %scan3A_496, %mul3A_497 : i32
        %add3A_499 = arith.constant 0 : i32
        %add3A_500 = arith.addi %add3A_499, %mul3A_498 : i32
        %get3A = arith.index_cast %add3A_500 : i32 to index
        %get3A_501 = arith.constant 0 : index
        %get3A_502 = tpu.vector_load %arg23[%get3A, %get3A_501] {strides = array<i32>} : memref<80x16xf32, #tpu.memory_space<vmem>>, vector<1x16xf32>,
        %get3A_503 = vector.shape_cast %get3A_502 : vector<1x16xf32> to vector<16xf32>
        %add3A_504 = arith.constant 1200 : i32
        %add3A_505 = arith.addi %add3A_504, %add3A_500 : i32
        %get3A_506 = arith.index_cast %add3A_505 : i32 to index
        %get3A_507 = arith.constant 0 : index
        %get3A_508 = tpu.vector_load %arg33[%get3A_506, %get3A_507] {strides = array<i32>} : memref<2000x16xf32, #tpu.memory_space<vmem>>, vector<1x16xf32>,
        %get3A_509 = vector.shape_cast %get3A_508 : vector<1x16xf32> to vector<16xf32>
        %add3A_510 = arith.constant 1.000000e-16 : f32
        %add3A_511 = vector.broadcast %add3A_510 : f32 to vector<16xf32>
        %add3A_512 = arith.addf %get3A_503, %add3A_511 : vector<16xf32>
        %div3A = arith.divf %get3A_509, %add3A_512 : vector<16xf32>
        %add3A_513 = arith.constant 1200 : i32
        %add3A_514 = arith.addi %add3A_513, %add3A_500 : i32
        %swap3A = arith.index_cast %add3A_514 : i32 to index
        %swap3A_515 = arith.constant 0 : index
        %swap3A_516 = tpu.vector_load %arg34[%swap3A, %swap3A_515] {strides = array<i32>} : memref<2000x16xf32, #tpu.memory_space<vmem>>, vector<1x16xf32>,
        %swap3A_517 = vector.shape_cast %swap3A_516 : vector<1x16xf32> to vector<16xf32>
        %swap3A_518 = vector.shape_cast %div3A : vector<16xf32> to vector<1x16xf32>
        tpu.vector_store %arg34[%swap3A, %swap3A_515], %swap3A_518 {strides = array<i32>} : memref<2000x16xf32, #tpu.memory_space<vmem>>, vector<1x16xf32>,
      }
      %scan3A_387 = arith.constant 80 : i32
      %dma_wait3A_388 = arith.constant 16 : i32
      %dma_wait3A_389 = arith.constant 0 : i32
      %dma_wait3A_390 = tpu.memref_slice %arg7[%dma_wait3A_388, %dma_wait3A_389] : memref<25x80xi32, #tpu.memory_space<vmem>> -> memref<1x80xi32, #tpu.memory_space<vmem>>
      %dma_wait3A_391 = tpu.memref_squeeze %dma_wait3A_390 : memref<1x80xi32, #tpu.memory_space<vmem>> -> memref<80xi32, #tpu.memory_space<vmem>>
      %dma_wait3A_392 = arith.constant 0 : i32
      %dma_wait3A_393 = arith.constant 0 : i32
      %dma_wait3A_394 = tpu.memref_slice %arg4[%dma_wait3A_392, %dma_wait3A_393] : memref<10240x16xf32, #tpu.memory_space<hbm>> -> memref<10240x16xf32, #tpu.memory_space<hbm>>
      tpu.wait_indirect_dma semaphore(%arg35 : memref<!tpu.dma_semaphore, #tpu.memory_space<semaphore_mem>>) src(%dma_wait3A_394 : memref<10240x16xf32, #tpu.memory_space<hbm>>) dst(%arg24 : memref<80x16xf32, #tpu.memory_space<vmem>>)
      %scan3A_395 = arith.constant 0 : i32
      %scan3A_396 = arith.constant 80 : i32
      %scan3A_397 = arith.addi %scan3A_395, %scan3A_396 : i32
      %scan3A_398 = arith.constant 1 : i32
      scf.for %scan3A_496 = %scan3A_395 to %scan3A_397 step %scan3A_398  : i32 {
        %mul3A_497 = arith.constant 1 : i32
        %mul3A_498 = arith.muli %scan3A_496, %mul3A_497 : i32
        %add3A_499 = arith.constant 0 : i32
        %add3A_500 = arith.addi %add3A_499, %mul3A_498 : i32
        %get3A = arith.index_cast %add3A_500 : i32 to index
        %get3A_501 = arith.constant 0 : index
        %get3A_502 = tpu.vector_load %arg24[%get3A, %get3A_501] {strides = array<i32>} : memref<80x16xf32, #tpu.memory_space<vmem>>, vector<1x16xf32>,
        %get3A_503 = vector.shape_cast %get3A_502 : vector<1x16xf32> to vector<16xf32>
        %add3A_504 = arith.constant 1280 : i32
        %add3A_505 = arith.addi %add3A_504, %add3A_500 : i32
        %get3A_506 = arith.index_cast %add3A_505 : i32 to index
        %get3A_507 = arith.constant 0 : index
        %get3A_508 = tpu.vector_load %arg33[%get3A_506, %get3A_507] {strides = array<i32>} : memref<2000x16xf32, #tpu.memory_space<vmem>>, vector<1x16xf32>,
        %get3A_509 = vector.shape_cast %get3A_508 : vector<1x16xf32> to vector<16xf32>
        %add3A_510 = arith.constant 1.000000e-16 : f32
        %add3A_511 = vector.broadcast %add3A_510 : f32 to vector<16xf32>
        %add3A_512 = arith.addf %get3A_503, %add3A_511 : vector<16xf32>
        %div3A = arith.divf %get3A_509, %add3A_512 : vector<16xf32>
        %add3A_513 = arith.constant 1280 : i32
        %add3A_514 = arith.addi %add3A_513, %add3A_500 : i32
        %swap3A = arith.index_cast %add3A_514 : i32 to index
        %swap3A_515 = arith.constant 0 : index
        %swap3A_516 = tpu.vector_load %arg34[%swap3A, %swap3A_515] {strides = array<i32>} : memref<2000x16xf32, #tpu.memory_space<vmem>>, vector<1x16xf32>,
        %swap3A_517 = vector.shape_cast %swap3A_516 : vector<1x16xf32> to vector<16xf32>
        %swap3A_518 = vector.shape_cast %div3A : vector<16xf32> to vector<1x16xf32>
        tpu.vector_store %arg34[%swap3A, %swap3A_515], %swap3A_518 {strides = array<i32>} : memref<2000x16xf32, #tpu.memory_space<vmem>>, vector<1x16xf32>,
      }
      %scan3A_399 = arith.constant 80 : i32
      %dma_wait3A_400 = arith.constant 17 : i32
      %dma_wait3A_401 = arith.constant 0 : i32
      %dma_wait3A_402 = tpu.memref_slice %arg7[%dma_wait3A_400, %dma_wait3A_401] : memref<25x80xi32, #tpu.memory_space<vmem>> -> memref<1x80xi32, #tpu.memory_space<vmem>>
      %dma_wait3A_403 = tpu.memref_squeeze %dma_wait3A_402 : memref<1x80xi32, #tpu.memory_space<vmem>> -> memref<80xi32, #tpu.memory_space<vmem>>
      %dma_wait3A_404 = arith.constant 0 : i32
      %dma_wait3A_405 = arith.constant 0 : i32
      %dma_wait3A_406 = tpu.memref_slice %arg4[%dma_wait3A_404, %dma_wait3A_405] : memref<10240x16xf32, #tpu.memory_space<hbm>> -> memref<10240x16xf32, #tpu.memory_space<hbm>>
      tpu.wait_indirect_dma semaphore(%arg35 : memref<!tpu.dma_semaphore, #tpu.memory_space<semaphore_mem>>) src(%dma_wait3A_406 : memref<10240x16xf32, #tpu.memory_space<hbm>>) dst(%arg25 : memref<80x16xf32, #tpu.memory_space<vmem>>)
      %scan3A_407 = arith.constant 0 : i32
      %scan3A_408 = arith.constant 80 : i32
      %scan3A_409 = arith.addi %scan3A_407, %scan3A_408 : i32
      %scan3A_410 = arith.constant 1 : i32
      scf.for %scan3A_496 = %scan3A_407 to %scan3A_409 step %scan3A_410  : i32 {
        %mul3A_497 = arith.constant 1 : i32
        %mul3A_498 = arith.muli %scan3A_496, %mul3A_497 : i32
        %add3A_499 = arith.constant 0 : i32
        %add3A_500 = arith.addi %add3A_499, %mul3A_498 : i32
        %get3A = arith.index_cast %add3A_500 : i32 to index
        %get3A_501 = arith.constant 0 : index
        %get3A_502 = tpu.vector_load %arg25[%get3A, %get3A_501] {strides = array<i32>} : memref<80x16xf32, #tpu.memory_space<vmem>>, vector<1x16xf32>,
        %get3A_503 = vector.shape_cast %get3A_502 : vector<1x16xf32> to vector<16xf32>
        %add3A_504 = arith.constant 1360 : i32
        %add3A_505 = arith.addi %add3A_504, %add3A_500 : i32
        %get3A_506 = arith.index_cast %add3A_505 : i32 to index
        %get3A_507 = arith.constant 0 : index
        %get3A_508 = tpu.vector_load %arg33[%get3A_506, %get3A_507] {strides = array<i32>} : memref<2000x16xf32, #tpu.memory_space<vmem>>, vector<1x16xf32>,
        %get3A_509 = vector.shape_cast %get3A_508 : vector<1x16xf32> to vector<16xf32>
        %add3A_510 = arith.constant 1.000000e-16 : f32
        %add3A_511 = vector.broadcast %add3A_510 : f32 to vector<16xf32>
        %add3A_512 = arith.addf %get3A_503, %add3A_511 : vector<16xf32>
        %div3A = arith.divf %get3A_509, %add3A_512 : vector<16xf32>
        %add3A_513 = arith.constant 1360 : i32
        %add3A_514 = arith.addi %add3A_513, %add3A_500 : i32
        %swap3A = arith.index_cast %add3A_514 : i32 to index
        %swap3A_515 = arith.constant 0 : index
        %swap3A_516 = tpu.vector_load %arg34[%swap3A, %swap3A_515] {strides = array<i32>} : memref<2000x16xf32, #tpu.memory_space<vmem>>, vector<1x16xf32>,
        %swap3A_517 = vector.shape_cast %swap3A_516 : vector<1x16xf32> to vector<16xf32>
        %swap3A_518 = vector.shape_cast %div3A : vector<16xf32> to vector<1x16xf32>
        tpu.vector_store %arg34[%swap3A, %swap3A_515], %swap3A_518 {strides = array<i32>} : memref<2000x16xf32, #tpu.memory_space<vmem>>, vector<1x16xf32>,
      }
      %scan3A_411 = arith.constant 80 : i32
      %dma_wait3A_412 = arith.constant 18 : i32
      %dma_wait3A_413 = arith.constant 0 : i32
      %dma_wait3A_414 = tpu.memref_slice %arg7[%dma_wait3A_412, %dma_wait3A_413] : memref<25x80xi32, #tpu.memory_space<vmem>> -> memref<1x80xi32, #tpu.memory_space<vmem>>
      %dma_wait3A_415 = tpu.memref_squeeze %dma_wait3A_414 : memref<1x80xi32, #tpu.memory_space<vmem>> -> memref<80xi32, #tpu.memory_space<vmem>>
      %dma_wait3A_416 = arith.constant 0 : i32
      %dma_wait3A_417 = arith.constant 0 : i32
      %dma_wait3A_418 = tpu.memref_slice %arg4[%dma_wait3A_416, %dma_wait3A_417] : memref<10240x16xf32, #tpu.memory_space<hbm>> -> memref<10240x16xf32, #tpu.memory_space<hbm>>
      tpu.wait_indirect_dma semaphore(%arg35 : memref<!tpu.dma_semaphore, #tpu.memory_space<semaphore_mem>>) src(%dma_wait3A_418 : memref<10240x16xf32, #tpu.memory_space<hbm>>) dst(%arg26 : memref<80x16xf32, #tpu.memory_space<vmem>>)
      %scan3A_419 = arith.constant 0 : i32
      %scan3A_420 = arith.constant 80 : i32
      %scan3A_421 = arith.addi %scan3A_419, %scan3A_420 : i32
      %scan3A_422 = arith.constant 1 : i32
      scf.for %scan3A_496 = %scan3A_419 to %scan3A_421 step %scan3A_422  : i32 {
        %mul3A_497 = arith.constant 1 : i32
        %mul3A_498 = arith.muli %scan3A_496, %mul3A_497 : i32
        %add3A_499 = arith.constant 0 : i32
        %add3A_500 = arith.addi %add3A_499, %mul3A_498 : i32
        %get3A = arith.index_cast %add3A_500 : i32 to index
        %get3A_501 = arith.constant 0 : index
        %get3A_502 = tpu.vector_load %arg26[%get3A, %get3A_501] {strides = array<i32>} : memref<80x16xf32, #tpu.memory_space<vmem>>, vector<1x16xf32>,
        %get3A_503 = vector.shape_cast %get3A_502 : vector<1x16xf32> to vector<16xf32>
        %add3A_504 = arith.constant 1440 : i32
        %add3A_505 = arith.addi %add3A_504, %add3A_500 : i32
        %get3A_506 = arith.index_cast %add3A_505 : i32 to index
        %get3A_507 = arith.constant 0 : index
        %get3A_508 = tpu.vector_load %arg33[%get3A_506, %get3A_507] {strides = array<i32>} : memref<2000x16xf32, #tpu.memory_space<vmem>>, vector<1x16xf32>,
        %get3A_509 = vector.shape_cast %get3A_508 : vector<1x16xf32> to vector<16xf32>
        %add3A_510 = arith.constant 1.000000e-16 : f32
        %add3A_511 = vector.broadcast %add3A_510 : f32 to vector<16xf32>
        %add3A_512 = arith.addf %get3A_503, %add3A_511 : vector<16xf32>
        %div3A = arith.divf %get3A_509, %add3A_512 : vector<16xf32>
        %add3A_513 = arith.constant 1440 : i32
        %add3A_514 = arith.addi %add3A_513, %add3A_500 : i32
        %swap3A = arith.index_cast %add3A_514 : i32 to index
        %swap3A_515 = arith.constant 0 : index
        %swap3A_516 = tpu.vector_load %arg34[%swap3A, %swap3A_515] {strides = array<i32>} : memref<2000x16xf32, #tpu.memory_space<vmem>>, vector<1x16xf32>,
        %swap3A_517 = vector.shape_cast %swap3A_516 : vector<1x16xf32> to vector<16xf32>
        %swap3A_518 = vector.shape_cast %div3A : vector<16xf32> to vector<1x16xf32>
        tpu.vector_store %arg34[%swap3A, %swap3A_515], %swap3A_518 {strides = array<i32>} : memref<2000x16xf32, #tpu.memory_space<vmem>>, vector<1x16xf32>,
      }
      %scan3A_423 = arith.constant 80 : i32
      %dma_wait3A_424 = arith.constant 19 : i32
      %dma_wait3A_425 = arith.constant 0 : i32
      %dma_wait3A_426 = tpu.memref_slice %arg7[%dma_wait3A_424, %dma_wait3A_425] : memref<25x80xi32, #tpu.memory_space<vmem>> -> memref<1x80xi32, #tpu.memory_space<vmem>>
      %dma_wait3A_427 = tpu.memref_squeeze %dma_wait3A_426 : memref<1x80xi32, #tpu.memory_space<vmem>> -> memref<80xi32, #tpu.memory_space<vmem>>
      %dma_wait3A_428 = arith.constant 0 : i32
      %dma_wait3A_429 = arith.constant 0 : i32
      %dma_wait3A_430 = tpu.memref_slice %arg4[%dma_wait3A_428, %dma_wait3A_429] : memref<10240x16xf32, #tpu.memory_space<hbm>> -> memref<10240x16xf32, #tpu.memory_space<hbm>>
      tpu.wait_indirect_dma semaphore(%arg35 : memref<!tpu.dma_semaphore, #tpu.memory_space<semaphore_mem>>) src(%dma_wait3A_430 : memref<10240x16xf32, #tpu.memory_space<hbm>>) dst(%arg27 : memref<80x16xf32, #tpu.memory_space<vmem>>)
      %scan3A_431 = arith.constant 0 : i32
      %scan3A_432 = arith.constant 80 : i32
      %scan3A_433 = arith.addi %scan3A_431, %scan3A_432 : i32
      %scan3A_434 = arith.constant 1 : i32
      scf.for %scan3A_496 = %scan3A_431 to %scan3A_433 step %scan3A_434  : i32 {
        %mul3A_497 = arith.constant 1 : i32
        %mul3A_498 = arith.muli %scan3A_496, %mul3A_497 : i32
        %add3A_499 = arith.constant 0 : i32
        %add3A_500 = arith.addi %add3A_499, %mul3A_498 : i32
        %get3A = arith.index_cast %add3A_500 : i32 to index
        %get3A_501 = arith.constant 0 : index
        %get3A_502 = tpu.vector_load %arg27[%get3A, %get3A_501] {strides = array<i32>} : memref<80x16xf32, #tpu.memory_space<vmem>>, vector<1x16xf32>,
        %get3A_503 = vector.shape_cast %get3A_502 : vector<1x16xf32> to vector<16xf32>
        %add3A_504 = arith.constant 1520 : i32
        %add3A_505 = arith.addi %add3A_504, %add3A_500 : i32
        %get3A_506 = arith.index_cast %add3A_505 : i32 to index
        %get3A_507 = arith.constant 0 : index
        %get3A_508 = tpu.vector_load %arg33[%get3A_506, %get3A_507] {strides = array<i32>} : memref<2000x16xf32, #tpu.memory_space<vmem>>, vector<1x16xf32>,
        %get3A_509 = vector.shape_cast %get3A_508 : vector<1x16xf32> to vector<16xf32>
        %add3A_510 = arith.constant 1.000000e-16 : f32
        %add3A_511 = vector.broadcast %add3A_510 : f32 to vector<16xf32>
        %add3A_512 = arith.addf %get3A_503, %add3A_511 : vector<16xf32>
        %div3A = arith.divf %get3A_509, %add3A_512 : vector<16xf32>
        %add3A_513 = arith.constant 1520 : i32
        %add3A_514 = arith.addi %add3A_513, %add3A_500 : i32
        %swap3A = arith.index_cast %add3A_514 : i32 to index
        %swap3A_515 = arith.constant 0 : index
        %swap3A_516 = tpu.vector_load %arg34[%swap3A, %swap3A_515] {strides = array<i32>} : memref<2000x16xf32, #tpu.memory_space<vmem>>, vector<1x16xf32>,
        %swap3A_517 = vector.shape_cast %swap3A_516 : vector<1x16xf32> to vector<16xf32>
        %swap3A_518 = vector.shape_cast %div3A : vector<16xf32> to vector<1x16xf32>
        tpu.vector_store %arg34[%swap3A, %swap3A_515], %swap3A_518 {strides = array<i32>} : memref<2000x16xf32, #tpu.memory_space<vmem>>, vector<1x16xf32>,
      }
      %scan3A_435 = arith.constant 80 : i32
      %dma_wait3A_436 = arith.constant 20 : i32
      %dma_wait3A_437 = arith.constant 0 : i32
      %dma_wait3A_438 = tpu.memref_slice %arg7[%dma_wait3A_436, %dma_wait3A_437] : memref<25x80xi32, #tpu.memory_space<vmem>> -> memref<1x80xi32, #tpu.memory_space<vmem>>
      %dma_wait3A_439 = tpu.memref_squeeze %dma_wait3A_438 : memref<1x80xi32, #tpu.memory_space<vmem>> -> memref<80xi32, #tpu.memory_space<vmem>>
      %dma_wait3A_440 = arith.constant 0 : i32
      %dma_wait3A_441 = arith.constant 0 : i32
      %dma_wait3A_442 = tpu.memref_slice %arg4[%dma_wait3A_440, %dma_wait3A_441] : memref<10240x16xf32, #tpu.memory_space<hbm>> -> memref<10240x16xf32, #tpu.memory_space<hbm>>
      tpu.wait_indirect_dma semaphore(%arg35 : memref<!tpu.dma_semaphore, #tpu.memory_space<semaphore_mem>>) src(%dma_wait3A_442 : memref<10240x16xf32, #tpu.memory_space<hbm>>) dst(%arg28 : memref<80x16xf32, #tpu.memory_space<vmem>>)
      %scan3A_443 = arith.constant 0 : i32
      %scan3A_444 = arith.constant 80 : i32
      %scan3A_445 = arith.addi %scan3A_443, %scan3A_444 : i32
      %scan3A_446 = arith.constant 1 : i32
      scf.for %scan3A_496 = %scan3A_443 to %scan3A_445 step %scan3A_446  : i32 {
        %mul3A_497 = arith.constant 1 : i32
        %mul3A_498 = arith.muli %scan3A_496, %mul3A_497 : i32
        %add3A_499 = arith.constant 0 : i32
        %add3A_500 = arith.addi %add3A_499, %mul3A_498 : i32
        %get3A = arith.index_cast %add3A_500 : i32 to index
        %get3A_501 = arith.constant 0 : index
        %get3A_502 = tpu.vector_load %arg28[%get3A, %get3A_501] {strides = array<i32>} : memref<80x16xf32, #tpu.memory_space<vmem>>, vector<1x16xf32>,
        %get3A_503 = vector.shape_cast %get3A_502 : vector<1x16xf32> to vector<16xf32>
        %add3A_504 = arith.constant 1600 : i32
        %add3A_505 = arith.addi %add3A_504, %add3A_500 : i32
        %get3A_506 = arith.index_cast %add3A_505 : i32 to index
        %get3A_507 = arith.constant 0 : index
        %get3A_508 = tpu.vector_load %arg33[%get3A_506, %get3A_507] {strides = array<i32>} : memref<2000x16xf32, #tpu.memory_space<vmem>>, vector<1x16xf32>,
        %get3A_509 = vector.shape_cast %get3A_508 : vector<1x16xf32> to vector<16xf32>
        %add3A_510 = arith.constant 1.000000e-16 : f32
        %add3A_511 = vector.broadcast %add3A_510 : f32 to vector<16xf32>
        %add3A_512 = arith.addf %get3A_503, %add3A_511 : vector<16xf32>
        %div3A = arith.divf %get3A_509, %add3A_512 : vector<16xf32>
        %add3A_513 = arith.constant 1600 : i32
        %add3A_514 = arith.addi %add3A_513, %add3A_500 : i32
        %swap3A = arith.index_cast %add3A_514 : i32 to index
        %swap3A_515 = arith.constant 0 : index
        %swap3A_516 = tpu.vector_load %arg34[%swap3A, %swap3A_515] {strides = array<i32>} : memref<2000x16xf32, #tpu.memory_space<vmem>>, vector<1x16xf32>,
        %swap3A_517 = vector.shape_cast %swap3A_516 : vector<1x16xf32> to vector<16xf32>
        %swap3A_518 = vector.shape_cast %div3A : vector<16xf32> to vector<1x16xf32>
        tpu.vector_store %arg34[%swap3A, %swap3A_515], %swap3A_518 {strides = array<i32>} : memref<2000x16xf32, #tpu.memory_space<vmem>>, vector<1x16xf32>,
      }
      %scan3A_447 = arith.constant 80 : i32
      %dma_wait3A_448 = arith.constant 21 : i32
      %dma_wait3A_449 = arith.constant 0 : i32
      %dma_wait3A_450 = tpu.memref_slice %arg7[%dma_wait3A_448, %dma_wait3A_449] : memref<25x80xi32, #tpu.memory_space<vmem>> -> memref<1x80xi32, #tpu.memory_space<vmem>>
      %dma_wait3A_451 = tpu.memref_squeeze %dma_wait3A_450 : memref<1x80xi32, #tpu.memory_space<vmem>> -> memref<80xi32, #tpu.memory_space<vmem>>
      %dma_wait3A_452 = arith.constant 0 : i32
      %dma_wait3A_453 = arith.constant 0 : i32
      %dma_wait3A_454 = tpu.memref_slice %arg4[%dma_wait3A_452, %dma_wait3A_453] : memref<10240x16xf32, #tpu.memory_space<hbm>> -> memref<10240x16xf32, #tpu.memory_space<hbm>>
      tpu.wait_indirect_dma semaphore(%arg35 : memref<!tpu.dma_semaphore, #tpu.memory_space<semaphore_mem>>) src(%dma_wait3A_454 : memref<10240x16xf32, #tpu.memory_space<hbm>>) dst(%arg29 : memref<80x16xf32, #tpu.memory_space<vmem>>)
      %scan3A_455 = arith.constant 0 : i32
      %scan3A_456 = arith.constant 80 : i32
      %scan3A_457 = arith.addi %scan3A_455, %scan3A_456 : i32
      %scan3A_458 = arith.constant 1 : i32
      scf.for %scan3A_496 = %scan3A_455 to %scan3A_457 step %scan3A_458  : i32 {
        %mul3A_497 = arith.constant 1 : i32
        %mul3A_498 = arith.muli %scan3A_496, %mul3A_497 : i32
        %add3A_499 = arith.constant 0 : i32
        %add3A_500 = arith.addi %add3A_499, %mul3A_498 : i32
        %get3A = arith.index_cast %add3A_500 : i32 to index
        %get3A_501 = arith.constant 0 : index
        %get3A_502 = tpu.vector_load %arg29[%get3A, %get3A_501] {strides = array<i32>} : memref<80x16xf32, #tpu.memory_space<vmem>>, vector<1x16xf32>,
        %get3A_503 = vector.shape_cast %get3A_502 : vector<1x16xf32> to vector<16xf32>
        %add3A_504 = arith.constant 1680 : i32
        %add3A_505 = arith.addi %add3A_504, %add3A_500 : i32
        %get3A_506 = arith.index_cast %add3A_505 : i32 to index
        %get3A_507 = arith.constant 0 : index
        %get3A_508 = tpu.vector_load %arg33[%get3A_506, %get3A_507] {strides = array<i32>} : memref<2000x16xf32, #tpu.memory_space<vmem>>, vector<1x16xf32>,
        %get3A_509 = vector.shape_cast %get3A_508 : vector<1x16xf32> to vector<16xf32>
        %add3A_510 = arith.constant 1.000000e-16 : f32
        %add3A_511 = vector.broadcast %add3A_510 : f32 to vector<16xf32>
        %add3A_512 = arith.addf %get3A_503, %add3A_511 : vector<16xf32>
        %div3A = arith.divf %get3A_509, %add3A_512 : vector<16xf32>
        %add3A_513 = arith.constant 1680 : i32
        %add3A_514 = arith.addi %add3A_513, %add3A_500 : i32
        %swap3A = arith.index_cast %add3A_514 : i32 to index
        %swap3A_515 = arith.constant 0 : index
        %swap3A_516 = tpu.vector_load %arg34[%swap3A, %swap3A_515] {strides = array<i32>} : memref<2000x16xf32, #tpu.memory_space<vmem>>, vector<1x16xf32>,
        %swap3A_517 = vector.shape_cast %swap3A_516 : vector<1x16xf32> to vector<16xf32>
        %swap3A_518 = vector.shape_cast %div3A : vector<16xf32> to vector<1x16xf32>
        tpu.vector_store %arg34[%swap3A, %swap3A_515], %swap3A_518 {strides = array<i32>} : memref<2000x16xf32, #tpu.memory_space<vmem>>, vector<1x16xf32>,
      }
      %scan3A_459 = arith.constant 80 : i32
      %dma_wait3A_460 = arith.constant 22 : i32
      %dma_wait3A_461 = arith.constant 0 : i32
      %dma_wait3A_462 = tpu.memref_slice %arg7[%dma_wait3A_460, %dma_wait3A_461] : memref<25x80xi32, #tpu.memory_space<vmem>> -> memref<1x80xi32, #tpu.memory_space<vmem>>
      %dma_wait3A_463 = tpu.memref_squeeze %dma_wait3A_462 : memref<1x80xi32, #tpu.memory_space<vmem>> -> memref<80xi32, #tpu.memory_space<vmem>>
      %dma_wait3A_464 = arith.constant 0 : i32
      %dma_wait3A_465 = arith.constant 0 : i32
      %dma_wait3A_466 = tpu.memref_slice %arg4[%dma_wait3A_464, %dma_wait3A_465] : memref<10240x16xf32, #tpu.memory_space<hbm>> -> memref<10240x16xf32, #tpu.memory_space<hbm>>
      tpu.wait_indirect_dma semaphore(%arg35 : memref<!tpu.dma_semaphore, #tpu.memory_space<semaphore_mem>>) src(%dma_wait3A_466 : memref<10240x16xf32, #tpu.memory_space<hbm>>) dst(%arg30 : memref<80x16xf32, #tpu.memory_space<vmem>>)
      %scan3A_467 = arith.constant 0 : i32
      %scan3A_468 = arith.constant 80 : i32
      %scan3A_469 = arith.addi %scan3A_467, %scan3A_468 : i32
      %scan3A_470 = arith.constant 1 : i32
      scf.for %scan3A_496 = %scan3A_467 to %scan3A_469 step %scan3A_470  : i32 {
        %mul3A_497 = arith.constant 1 : i32
        %mul3A_498 = arith.muli %scan3A_496, %mul3A_497 : i32
        %add3A_499 = arith.constant 0 : i32
        %add3A_500 = arith.addi %add3A_499, %mul3A_498 : i32
        %get3A = arith.index_cast %add3A_500 : i32 to index
        %get3A_501 = arith.constant 0 : index
        %get3A_502 = tpu.vector_load %arg30[%get3A, %get3A_501] {strides = array<i32>} : memref<80x16xf32, #tpu.memory_space<vmem>>, vector<1x16xf32>,
        %get3A_503 = vector.shape_cast %get3A_502 : vector<1x16xf32> to vector<16xf32>
        %add3A_504 = arith.constant 1760 : i32
        %add3A_505 = arith.addi %add3A_504, %add3A_500 : i32
        %get3A_506 = arith.index_cast %add3A_505 : i32 to index
        %get3A_507 = arith.constant 0 : index
        %get3A_508 = tpu.vector_load %arg33[%get3A_506, %get3A_507] {strides = array<i32>} : memref<2000x16xf32, #tpu.memory_space<vmem>>, vector<1x16xf32>,
        %get3A_509 = vector.shape_cast %get3A_508 : vector<1x16xf32> to vector<16xf32>
        %add3A_510 = arith.constant 1.000000e-16 : f32
        %add3A_511 = vector.broadcast %add3A_510 : f32 to vector<16xf32>
        %add3A_512 = arith.addf %get3A_503, %add3A_511 : vector<16xf32>
        %div3A = arith.divf %get3A_509, %add3A_512 : vector<16xf32>
        %add3A_513 = arith.constant 1760 : i32
        %add3A_514 = arith.addi %add3A_513, %add3A_500 : i32
        %swap3A = arith.index_cast %add3A_514 : i32 to index
        %swap3A_515 = arith.constant 0 : index
        %swap3A_516 = tpu.vector_load %arg34[%swap3A, %swap3A_515] {strides = array<i32>} : memref<2000x16xf32, #tpu.memory_space<vmem>>, vector<1x16xf32>,
        %swap3A_517 = vector.shape_cast %swap3A_516 : vector<1x16xf32> to vector<16xf32>
        %swap3A_518 = vector.shape_cast %div3A : vector<16xf32> to vector<1x16xf32>
        tpu.vector_store %arg34[%swap3A, %swap3A_515], %swap3A_518 {strides = array<i32>} : memref<2000x16xf32, #tpu.memory_space<vmem>>, vector<1x16xf32>,
      }
      %scan3A_471 = arith.constant 80 : i32
      %dma_wait3A_472 = arith.constant 23 : i32
      %dma_wait3A_473 = arith.constant 0 : i32
      %dma_wait3A_474 = tpu.memref_slice %arg7[%dma_wait3A_472, %dma_wait3A_473] : memref<25x80xi32, #tpu.memory_space<vmem>> -> memref<1x80xi32, #tpu.memory_space<vmem>>
      %dma_wait3A_475 = tpu.memref_squeeze %dma_wait3A_474 : memref<1x80xi32, #tpu.memory_space<vmem>> -> memref<80xi32, #tpu.memory_space<vmem>>
      %dma_wait3A_476 = arith.constant 0 : i32
      %dma_wait3A_477 = arith.constant 0 : i32
      %dma_wait3A_478 = tpu.memref_slice %arg4[%dma_wait3A_476, %dma_wait3A_477] : memref<10240x16xf32, #tpu.memory_space<hbm>> -> memref<10240x16xf32, #tpu.memory_space<hbm>>
      tpu.wait_indirect_dma semaphore(%arg35 : memref<!tpu.dma_semaphore, #tpu.memory_space<semaphore_mem>>) src(%dma_wait3A_478 : memref<10240x16xf32, #tpu.memory_space<hbm>>) dst(%arg31 : memref<80x16xf32, #tpu.memory_space<vmem>>)
      %scan3A_479 = arith.constant 0 : i32
      %scan3A_480 = arith.constant 80 : i32
      %scan3A_481 = arith.addi %scan3A_479, %scan3A_480 : i32
      %scan3A_482 = arith.constant 1 : i32
      scf.for %scan3A_496 = %scan3A_479 to %scan3A_481 step %scan3A_482  : i32 {
        %mul3A_497 = arith.constant 1 : i32
        %mul3A_498 = arith.muli %scan3A_496, %mul3A_497 : i32
        %add3A_499 = arith.constant 0 : i32
        %add3A_500 = arith.addi %add3A_499, %mul3A_498 : i32
        %get3A = arith.index_cast %add3A_500 : i32 to index
        %get3A_501 = arith.constant 0 : index
        %get3A_502 = tpu.vector_load %arg31[%get3A, %get3A_501] {strides = array<i32>} : memref<80x16xf32, #tpu.memory_space<vmem>>, vector<1x16xf32>,
        %get3A_503 = vector.shape_cast %get3A_502 : vector<1x16xf32> to vector<16xf32>
        %add3A_504 = arith.constant 1840 : i32
        %add3A_505 = arith.addi %add3A_504, %add3A_500 : i32
        %get3A_506 = arith.index_cast %add3A_505 : i32 to index
        %get3A_507 = arith.constant 0 : index
        %get3A_508 = tpu.vector_load %arg33[%get3A_506, %get3A_507] {strides = array<i32>} : memref<2000x16xf32, #tpu.memory_space<vmem>>, vector<1x16xf32>,
        %get3A_509 = vector.shape_cast %get3A_508 : vector<1x16xf32> to vector<16xf32>
        %add3A_510 = arith.constant 1.000000e-16 : f32
        %add3A_511 = vector.broadcast %add3A_510 : f32 to vector<16xf32>
        %add3A_512 = arith.addf %get3A_503, %add3A_511 : vector<16xf32>
        %div3A = arith.divf %get3A_509, %add3A_512 : vector<16xf32>
        %add3A_513 = arith.constant 1840 : i32
        %add3A_514 = arith.addi %add3A_513, %add3A_500 : i32
        %swap3A = arith.index_cast %add3A_514 : i32 to index
        %swap3A_515 = arith.constant 0 : index
        %swap3A_516 = tpu.vector_load %arg34[%swap3A, %swap3A_515] {strides = array<i32>} : memref<2000x16xf32, #tpu.memory_space<vmem>>, vector<1x16xf32>,
        %swap3A_517 = vector.shape_cast %swap3A_516 : vector<1x16xf32> to vector<16xf32>
        %swap3A_518 = vector.shape_cast %div3A : vector<16xf32> to vector<1x16xf32>
        tpu.vector_store %arg34[%swap3A, %swap3A_515], %swap3A_518 {strides = array<i32>} : memref<2000x16xf32, #tpu.memory_space<vmem>>, vector<1x16xf32>,
      }
      %scan3A_483 = arith.constant 80 : i32
      %dma_wait3A_484 = arith.constant 24 : i32
      %dma_wait3A_485 = arith.constant 0 : i32
      %dma_wait3A_486 = tpu.memref_slice %arg7[%dma_wait3A_484, %dma_wait3A_485] : memref<25x80xi32, #tpu.memory_space<vmem>> -> memref<1x80xi32, #tpu.memory_space<vmem>>
      %dma_wait3A_487 = tpu.memref_squeeze %dma_wait3A_486 : memref<1x80xi32, #tpu.memory_space<vmem>> -> memref<80xi32, #tpu.memory_space<vmem>>
      %dma_wait3A_488 = arith.constant 0 : i32
      %dma_wait3A_489 = arith.constant 0 : i32
      %dma_wait3A_490 = tpu.memref_slice %arg4[%dma_wait3A_488, %dma_wait3A_489] : memref<10240x16xf32, #tpu.memory_space<hbm>> -> memref<10240x16xf32, #tpu.memory_space<hbm>>
      tpu.wait_indirect_dma semaphore(%arg35 : memref<!tpu.dma_semaphore, #tpu.memory_space<semaphore_mem>>) src(%dma_wait3A_490 : memref<10240x16xf32, #tpu.memory_space<hbm>>) dst(%arg32 : memref<80x16xf32, #tpu.memory_space<vmem>>)
      %scan3A_491 = arith.constant 0 : i32
      %scan3A_492 = arith.constant 80 : i32
      %scan3A_493 = arith.addi %scan3A_491, %scan3A_492 : i32
      %scan3A_494 = arith.constant 1 : i32
      scf.for %scan3A_496 = %scan3A_491 to %scan3A_493 step %scan3A_494  : i32 {
        %mul3A_497 = arith.constant 1 : i32
        %mul3A_498 = arith.muli %scan3A_496, %mul3A_497 : i32
        %add3A_499 = arith.constant 0 : i32
        %add3A_500 = arith.addi %add3A_499, %mul3A_498 : i32
        %get3A = arith.index_cast %add3A_500 : i32 to index
        %get3A_501 = arith.constant 0 : index
        %get3A_502 = tpu.vector_load %arg32[%get3A, %get3A_501] {strides = array<i32>} : memref<80x16xf32, #tpu.memory_space<vmem>>, vector<1x16xf32>,
        %get3A_503 = vector.shape_cast %get3A_502 : vector<1x16xf32> to vector<16xf32>
        %add3A_504 = arith.constant 1920 : i32
        %add3A_505 = arith.addi %add3A_504, %add3A_500 : i32
        %get3A_506 = arith.index_cast %add3A_505 : i32 to index
        %get3A_507 = arith.constant 0 : index
        %get3A_508 = tpu.vector_load %arg33[%get3A_506, %get3A_507] {strides = array<i32>} : memref<2000x16xf32, #tpu.memory_space<vmem>>, vector<1x16xf32>,
        %get3A_509 = vector.shape_cast %get3A_508 : vector<1x16xf32> to vector<16xf32>
        %add3A_510 = arith.constant 1.000000e-16 : f32
        %add3A_511 = vector.broadcast %add3A_510 : f32 to vector<16xf32>
        %add3A_512 = arith.addf %get3A_503, %add3A_511 : vector<16xf32>
        %div3A = arith.divf %get3A_509, %add3A_512 : vector<16xf32>
        %add3A_513 = arith.constant 1920 : i32
        %add3A_514 = arith.addi %add3A_513, %add3A_500 : i32
        %swap3A = arith.index_cast %add3A_514 : i32 to index
        %swap3A_515 = arith.constant 0 : index
        %swap3A_516 = tpu.vector_load %arg34[%swap3A, %swap3A_515] {strides = array<i32>} : memref<2000x16xf32, #tpu.memory_space<vmem>>, vector<1x16xf32>,
        %swap3A_517 = vector.shape_cast %swap3A_516 : vector<1x16xf32> to vector<16xf32>
        %swap3A_518 = vector.shape_cast %div3A : vector<16xf32> to vector<1x16xf32>
        tpu.vector_store %arg34[%swap3A, %swap3A_515], %swap3A_518 {strides = array<i32>} : memref<2000x16xf32, #tpu.memory_space<vmem>>, vector<1x16xf32>,
      }
      %scan3A_495 = arith.constant 80 : i32
      "tpu.region"() ({
        %run_scoped3A = tpu.sem_alloc : memref<!tpu.dma_semaphore, #tpu.memory_space<semaphore_mem>>
        %dma_start3A_496 = arith.constant 0 : i32
        %dma_start3A_497 = tpu.memref_slice %arg5[%add3A_14, %dma_start3A_496] : memref<320000x16xf32, #tpu.memory_space<hbm>> -> memref<2000x16xf32, #tpu.memory_space<hbm>>
        %dma_start3A_498 = arith.constant 0 : i32
        %dma_start3A_499 = tpu.memref_slice %arg5[%add3A_14, %dma_start3A_498] : memref<320000x16xf32, #tpu.memory_space<hbm>> -> memref<2000x16xf32, #tpu.memory_space<hbm>>
        tpu.enqueue_dma source(%arg34 : memref<2000x16xf32, #tpu.memory_space<vmem>>) target(%dma_start3A_499 : memref<2000x16xf32, #tpu.memory_space<hbm>>) target_semaphore(%run_scoped3A : memref<!tpu.dma_semaphore, #tpu.memory_space<semaphore_mem>>)
        %dma_wait3A_500 = arith.constant 0 : i32
        %dma_wait3A_501 = tpu.memref_slice %arg5[%add3A_14, %dma_wait3A_500] : memref<320000x16xf32, #tpu.memory_space<hbm>> -> memref<2000x16xf32, #tpu.memory_space<hbm>>
        %dma_wait3A_502 = arith.constant 0 : i32
        %dma_wait3A_503 = tpu.memref_slice %arg5[%add3A_14, %dma_wait3A_502] : memref<320000x16xf32, #tpu.memory_space<hbm>> -> memref<2000x16xf32, #tpu.memory_space<hbm>>
        tpu.wait_dma2 semaphore(%run_scoped3A : memref<!tpu.dma_semaphore, #tpu.memory_space<semaphore_mem>>) src(%arg34 : memref<2000x16xf32, #tpu.memory_space<vmem>>) dst(%dma_wait3A_503 : memref<2000x16xf32, #tpu.memory_space<hbm>>)
        tpu.yield
      }) : () -> ()
    }
    %scan3A_4 = arith.constant 5 : i32
    return
  }
}

module attributes {stable_mosaic.version = 14 : i64} {
  func.func @_tc_body(%arg0: i32, %arg1: memref<128x2560xf32, #tpu.memory_space<vmem>>, %arg2: memref<128x2560xf32, #tpu.memory_space<vmem>>, %arg3: memref<128x8xf32, #tpu.memory_space<vmem>>, %arg4: memref<320x128xf32, #tpu.memory_space<vmem>>) attributes {dimension_semantics = [#tpu.dimension_semantics<arbitrary>], iteration_bounds = array<i64: 125>, scalar_prefetch = 0 : i64, scratch_operands = 0 : i64, tpu.core_type = #tpu.core_type<tc>, window_params = [{transform_indices = @transform_0, window_bounds = array<i64: 128, 2560>}, {transform_indices = @transform_1, window_bounds = array<i64: 128, 2560>}, {pipeline_mode = #tpu.pipeline_mode<synchronous>, transform_indices = @transform_2, window_bounds = array<i64: 128, 8>}, {transform_indices = @transform_3, window_bounds = array<i64: 320, 128>}]} {
    %get3A = arith.constant 0 : index
    %get3A_0 = arith.constant 0 : index
    %get3A_1 = vector.load %arg1[%get3A, %get3A_0] : memref<128x2560xf32, #tpu.memory_space<vmem>>, vector<128x2560xf32>
    %get3A_2 = arith.constant 0 : index
    %get3A_3 = arith.constant 0 : index
    %get3A_4 = vector.load %arg2[%get3A_2, %get3A_3] : memref<128x2560xf32, #tpu.memory_space<vmem>>, vector<128x2560xf32>
    %mul3A = arith.mulf %get3A_1, %get3A_4 : vector<128x2560xf32>
    %get3A_5 = arith.constant 0 : index
    %get3A_6 = arith.constant 0 : index
    %get3A_7 = vector.load %arg3[%get3A_5, %get3A_6] : memref<128x8xf32, #tpu.memory_space<vmem>>, vector<128x8xf32>
    %dot_general3A = arith.constant dense<0.000000e+00> : vector<2560x8xf32>
    %dot_general3A_8 = tpu.matmul %mul3A, %get3A_7, %dot_general3A {dimension_numbers = #tpu.dot_dimension_numbers<[0], [0], [1], [1], [0, 1, 1, 1], [], []>, transpose_lhs_hint = false} : vector<128x2560xf32>, vector<128x8xf32>, vector<2560x8xf32> -> vector<2560x8xf32>
    %exp3A = math.exp %dot_general3A_8 : vector<2560x8xf32>
    %broadcast_in_dim3A = arith.constant 0.000000e+00 : f32
    %broadcast_in_dim3A_9 = vector.broadcast %broadcast_in_dim3A : f32 to vector<2560x8xf32>
    %concatenate3A = tpu.concatenate %exp3A, %broadcast_in_dim3A_9 in 1 : vector<2560x8xf32>, vector<2560x8xf32> -> vector<2560x16xf32>
    %concatenate3A_10 = tpu.concatenate %concatenate3A, %concatenate3A, %concatenate3A, %concatenate3A, %concatenate3A, %concatenate3A, %concatenate3A, %concatenate3A in 1 : vector<2560x16xf32>, vector<2560x16xf32>, vector<2560x16xf32>, vector<2560x16xf32>, vector<2560x16xf32>, vector<2560x16xf32>, vector<2560x16xf32>, vector<2560x16xf32> -> vector<2560x128xf32>
    %reshape3A = vector.shape_cast %concatenate3A_10 : vector<2560x128xf32> to vector<320x8x128xf32>
    %iota3A = tpu.iota {dimensions = array<i32: 0>} : vector<8x128xi32>
    %iota3A_11 = tpu.iota {dimensions = array<i32: 1>} : vector<8x128xi32>
    %shift_right_arithmetic3A = arith.constant 4 : i32
    %shift_right_arithmetic3A_12 = vector.broadcast %shift_right_arithmetic3A : i32 to vector<8x128xi32>
    %shift_right_arithmetic3A_13 = arith.shrsi %iota3A_11, %shift_right_arithmetic3A_12 : vector<8x128xi32>
    %eq3A = arith.cmpi eq, %iota3A, %shift_right_arithmetic3A_13 : vector<8x128xi32>
    %convert_element_type3A = arith.extui %eq3A : vector<8x128xi1> to vector<8x128xi32>
    %convert_element_type3A_14 = arith.sitofp %convert_element_type3A : vector<8x128xi32> to vector<8x128xf32>
    %broadcast_in_dim3A_15 = vector.shape_cast %convert_element_type3A_14 : vector<8x128xf32> to vector<1x8x128xf32>
    %mul3A_16 = vector.broadcast %broadcast_in_dim3A_15 : vector<1x8x128xf32> to vector<320x8x128xf32>
    %mul3A_17 = arith.mulf %reshape3A, %mul3A_16 : vector<320x8x128xf32>
    %reduce_sum3A = arith.constant dense<0.000000e+00> : vector<320x128xf32>
    %reduce_sum3A_18 = vector.multi_reduction <add>, %mul3A_17, %reduce_sum3A [1] : vector<320x8x128xf32> to vector<320x128xf32>
    %swap3A = arith.constant 0 : index
    %swap3A_19 = arith.constant 0 : index
    %swap3A_20 = vector.load %arg4[%swap3A, %swap3A_19] : memref<320x128xf32, #tpu.memory_space<vmem>>, vector<320x128xf32>
    tpu.vector_store %arg4[%swap3A, %swap3A_19], %reduce_sum3A_18 {strides = array<i32>} : memref<320x128xf32, #tpu.memory_space<vmem>>, vector<320x128xf32>,
    return
  }
  func.func @transform_0(%arg0: i32) -> (i32, i32) {
    %c0_i32 = arith.constant 0 : i32
    %c0_i32_0 = arith.constant 0 : i32
    return %c0_i32, %arg0 : i32, i32
  }
  func.func @transform_1(%arg0: i32) -> (i32, i32) {
    %c0_i32 = arith.constant 0 : i32
    %c0_i32_0 = arith.constant 0 : i32
    return %c0_i32, %arg0 : i32, i32
  }
  func.func @transform_2(%arg0: i32) -> (i32, i32) {
    %c0_i32 = arith.constant 0 : i32
    %c0_i32_0 = arith.constant 0 : i32
    %c0_i32_1 = arith.constant 0 : i32
    return %c0_i32, %c0_i32_0 : i32, i32
  }
  func.func @transform_3(%arg0: i32) -> (i32, i32) {
    %c0_i32 = arith.constant 0 : i32
    %c0_i32_0 = arith.constant 0 : i32
    return %arg0, %c0_i32 : i32, i32
  }
}

</mosaic_0001>

<sc_bundles>
// kernel: kernel.5.cloned.1.call-start
scs
__scs_entry_jumppad:
0x0: {  	(pc) =	sbr.rel $0x88, $3  }
0x1: {  	(tag) =	ssettag $0x0;
	lr =	simm.s32 $0x1  }
0x2: {  	[smem:$0x3F9D] =	sst lr;
	_ =	strace $0xD0000000  }
0x3: {  	_ = 	snop  }
0x4: {  	_ = 	snop  }
0x5: {  	_ = 	snop  }
0x6: {  	_ = 	snop  }
0x7: {  	_ = 	snop  }
__scs_overlays_trampoline_lowered:
0x8: {  	[smem:$0x3FAC] =	sst s0  }
0x9: {  	[smem:$0x3FAD] =	sst s1  }
0xa: {  	[smem:$0x3FAE] =	sst s2  }
0xb: {  	[smem:$0x3FAF] =	sst s3  }
0xc: {  	[smem:$0x3FB0] =	sst s4  }
0xd: {  	[smem:$0x3FB1] =	sst s5  }
0xe: {  	[smem:$0x3FB2] =	sst s6  }
0xf: {  	[smem:$0x3FB3] =	sst s7  }
0x10: {  	[smem:$0x3FB4] =	sst s8  }
0x11: {  	[smem:$0x3FB5] =	sst s9;
	s0 =	simm.s32 @!p0 $0x0  }
0x12: {  	s1 =	sld [smem:$0x3F9B];
	s0 =	simm.s32 @p0 $0x1  }
0x13: {  	[smem:$0x3FB6] =	sst s0;
	s0 =	simm.s32 @!p1 $0x0  }
0x14: {  	s2 =	sld [smem:$0x3F9A];
	s0 =	simm.s32 @p1 $0x1  }
0x15: {  	[smem:$0x3FB7] =	sst s0;
	s0 =	simm.s32 @!p2 $0x0  }
0x16: {  	s3 =	sld [smem:$0x3FDB];
	s0 =	simm.s32 @p2 $0x1  }
0x17: {  	s4 =	simm.s32 $0x1BF5;
	[smem:$0x3FB9] =	sst s0  }
0x18: {  	s0 =	sld [smem:$0x3F9C];
	_ =	swait.ge [sflag:s4], $0x0  }
0x19: {  	s7 =	sld [smem:$0x3F9D]  }
0x1a: {  	s8 =	sadd.s32 $0xFFFFE003, lr  }
0x1b: {  	s9 =	sadd.s32 $0xFFFFFEF7, lr;
	s5 =	simm.s32 $0xFFFFFFFF;
	p2 =	slt.u32 s8, $0xFFFFF086  }
0x1c: {  	p1 =	slt.u32 s9, $0xF7A;
	s5 =	simm.s32 @!p2 $0x0  }
0x1d: {  	s5 =	simm.s32 @p1 $0x1;
	p0 =	seq.s32 s7, s2  }
0x1e: {  	s7 =	smul.u32 @!p0 $0xF7A, s2;
	p2 =	seq.s32 @!p0 s5, $0x0  }
0x1f: {  	s9 =	smul.u32 $0xF7A, s1;
	s8 =	simm.s32 @!p0 $0x1BF5;
	p2 =	por !p2, p0  }
0x20: {  	[sflag:s8] =	ssyncset.s32 @!p0 $0xFFFFF086;
	s6 =	sadd.s32 @!p0 s3, s7;
	s7 =	simm.s32 @!p0 $0x108  }
0x21: {  	s3 =	sadd.s32 s3, s9;
	s6 =	sadd.s32 @!p0 $0x88, s6;
	s7 =	simm.s32 @p2 $0x1082  }
0x22: {  	[simem:s7], [sflag:s8] =	dma.local @!p0 [hbm:s6], $0xF7A  }
0x23: {  	s9 =	sor.u32 $0xD0000000, s2;
	s6 =	simm.s32 $0x108;
	_ =	swait.ge @!p0 [sflag:s8], $0x0  }
0x24: {  	s3 =	sadd.s32 $0x88, s3;
	s6 =	simm.s32 @!p1 $0x1082;
	[sflag:s4] =	ssyncset.s32 $0xFFFFF086  }
0x25: {  	[simem:s6], [sflag:s4] =	dma.local [hbm:s3], $0xF7A  }
0x26: {  	[smem:$0x3F9D] =	sst s1;
	(tag) =	ssettag s2;
	_ =	strace s9  }
0x27: {  	s1 =	sld [smem:$0x3FAD]  }
0x28: {  	s2 =	sld [smem:$0x3FAE]  }
0x29: {  	s4 =	sld [smem:$0x3FB0]  }
0x2a: {  	p0 =	seq.s32 s5, $0x0;
	s5 =	sld [smem:$0x3FB1]  }
0x2b: {  	s6 =	sld [smem:$0x3FB2]  }
0x2c: {  	s7 =	sld [smem:$0x3FB3]  }
0x2d: {  	s3 =	simm.s32 $0x108;
	s8 =	sld [smem:$0x3FB4]  }
0x2e: {  	s3 =	simm.s32 @!p0 $0x1082;
	s9 =	sld [smem:$0x3FB5]  }
0x2f: {  	lr =	sadd.s32 s0, s3;
	s0 =	sld [smem:$0x3FAC]  }
0x30: {  	s3 =	sld [smem:$0x3FAF]  }
0x31: {  	[smem:$0x3FB8] =	sst s10  }
0x32: {  	s10 =	sld [smem:$0x3FB6];
	_ =	sdelay $0x3  }
0x33: {  	p0 =	seq.s32 s10, $0x1;
	s10 =	sld [smem:$0x3FB8];
	_ =	sdelay $0x3  }
0x34: {  	[smem:$0x3FB8] =	sst s10  }
0x35: {  	s10 =	sld [smem:$0x3FB7];
	_ =	sdelay $0x3  }
0x36: {  	p1 =	seq.s32 s10, $0x1;
	s10 =	sld [smem:$0x3FB8];
	_ =	sdelay $0x3  }
0x37: {  	[smem:$0x3FB8] =	sst s10  }
0x38: {  	s10 =	sld [smem:$0x3FB9]  }
0x39: {  	_ = 	snop;
	(pc) =	sbr.ind lr, $3  }
0x3a: {  	_ = 	snop  }
0x3b: {  	_ = 	snop  }
0x3c: {  	p2 =	seq.s32 s10, $0x1;
	s10 =	sld [smem:$0x3FB8]  }
0x3d: {  	_ =	shalt  }
0x3e: {  	_ =	shalt  }
0x3f: {  	_ =	shalt  }
0x40: {  	_ =	shalt  }
0x41: {  	_ =	shalt  }
0x42: {  	_ =	shalt  }
0x43: {  	_ =	shalt  }
0x44: {  	_ =	shalt  }
0x45: {  	_ =	shalt  }
0x46: {  	_ =	shalt  }
0x47: {  	_ =	shalt  }
0x48: {  	_ =	shalt  }
0x49: {  	_ =	shalt  }
0x4a: {  	_ =	shalt  }
0x4b: {  	_ =	shalt  }
0x4c: {  	_ =	shalt  }
0x4d: {  	_ =	shalt  }
0x4e: {  	_ =	shalt  }
0x4f: {  	_ =	shalt  }
0x50: {  	_ =	shalt  }
0x51: {  	_ =	shalt  }
0x52: {  	_ =	shalt  }
0x53: {  	_ =	shalt  }
0x54: {  	_ =	shalt  }
0x55: {  	_ =	shalt  }
0x56: {  	_ =	shalt  }
0x57: {  	_ =	shalt  }
0x58: {  	_ =	shalt  }
0x59: {  	_ =	shalt  }
0x5a: {  	_ =	shalt  }
0x5b: {  	_ =	shalt  }
0x5c: {  	_ =	shalt  }
0x5d: {  	_ =	shalt  }
0x5e: {  	_ =	shalt  }
0x5f: {  	_ =	shalt  }
0x60: {  	_ =	shalt  }
0x61: {  	_ =	shalt  }
0x62: {  	_ =	shalt  }
0x63: {  	_ =	shalt  }
0x64: {  	_ =	shalt  }
0x65: {  	_ =	shalt  }
0x66: {  	_ =	shalt  }
0x67: {  	_ =	shalt  }
0x68: {  	_ =	shalt  }
0x69: {  	_ =	shalt  }
0x6a: {  	_ =	shalt  }
0x6b: {  	_ =	shalt  }
0x6c: {  	_ =	shalt  }
0x6d: {  	_ =	shalt  }
0x6e: {  	_ =	shalt  }
0x6f: {  	_ =	shalt  }
0x70: {  	_ =	shalt  }
0x71: {  	_ =	shalt  }
0x72: {  	_ =	shalt  }
0x73: {  	_ =	shalt  }
0x74: {  	_ =	shalt  }
0x75: {  	_ =	shalt  }
0x76: {  	_ =	shalt  }
0x77: {  	_ =	shalt  }
0x78: {  	_ =	shalt  }
0x79: {  	_ =	shalt  }
0x7a: {  	_ =	shalt  }
0x7b: {  	_ =	shalt  }
0x7c: {  	_ =	shalt  }
0x7d: {  	_ =	shalt  }
0x7e: {  	_ =	shalt  }
0x7f: {  	_ =	shalt  }
0x80: {  	_ =	shalt  }
0x81: {  	_ =	shalt  }
0x82: {  	_ =	shalt  }
0x83: {  	_ =	shalt  }
0x84: {  	_ =	shalt  }
0x85: {  	_ =	shalt  }
0x86: {  	_ =	shalt  }
0x87: {  	_ =	shalt  }
.Lfunc_end0:
.L_simem_size_0:
called_computation_lowered:
.L_overlay_start_0:
0x88: {  	s2 =	sld [smem:$0x3FD9]  }
0x89: {  	s3 =	sld [smem:$0x3FFE];
	_ =	sdelay $0x1  }
0x8a: {  	s1 =	srdreg.scid  }
0x8b: {  	s0 =	sand.u32 $0x1, s1  }
0x8c: {  	s17 =	sshll.u32 s0, $0xA;
	s2 =	sadd.s32 s3, s2  }
0x8d: {  	s2 =	sadd.s32 s2, s17  }
0x8e: {  	[smem:$0x3FC4] =	sst s2  }
0x8f: {  	_ = 	snop  }
0x90: {  	s2 =	sld [smem:$0x3FD0];
	(tm) =	ssettm $0x1  }
0x91: {  	s18 =	sld [smem:$0x3FFB];
	_ =	sdelay $0x3  }
0x92: {  	_ =	strace s18  }
0x93: {  	s3 =	sld [smem:$0x3FFC];
	_ =	sdelay $0x3  }
0x94: {  	_ =	strace s3  }
0x95: {  	s3 =	sld [smem:$0x3FFD];
	_ =	sdelay $0x3  }
0x96: {  	_ =	strace s3  }
0x97: {  	_ =	strace $0x8FFFFFFF  }
0x98: {  	s19 =	sld [smem:$0x3FDB];
	_ =	sdelay $0x1  }
0x99: {  	s4 =	simm.s32 $_scs_section_size  }
0x9a: {  	s5 =	simm.s32 $_size__tile_overlayer_lowered;
	s6 =	simm.s32 $_tile_overlayer_lowered  }
0x9b: {  	s22 =	simm.s32 $0x1BFF;
	s21 =	sshll.u32 s6, $0x1;
	s3 =	sadd.s32 s4, s19  }
0x9c: {  	s7 =	simm.s32 $0x0;
	s20 =	sshll.u32 s5, $0x1;
	s5 =	sadd.s32 s21, s3  }
0x9d: {  	[timem:s7], [sflag:s22] =	dma.local [hbm:s5], s20  }
0x9e: {  	_ =	swait.ge [sflag:s22], s20  }
0x9f: {  	s4 =	ssub.s32 $0x0, s20;
	[sflag:s22] =	ssyncset.done $0x0  }
0xa0: {  	[sflag:s22] =	ssyncadd.s32 s4;
	_ =	sdelay $0x1  }
0xa1: {  	s23 =	simm.s32 $0x1B8B  }
0xa2: {  	_ =	swait.ge [sflag:s23], $0x1  }
0xa3: {  	[sflag:s23] =	ssyncset.done $0x0  }
0xa4: {  	s25 =	simm.s32 $0x1B8E;
	s24 =	sld [smem:$0x3FFE];
	[sflag:s23] =	ssyncadd.s32 $0xFFFFFFFF  }
0xa5: {  	s26 =	simm.s32 $execute0_lowered;
	[smem:$0x3FD2] =	sst s25  }
0xa6: {  	s5 =	sshll.u32 s26, $0x1;
	_ =	strace $0x80000046;
	[dreg:$0x1] =	wrdreg $0xFFFFFFFF  }
0xa7: {  	s28 =	simm.s32 $_size_execute0_lowered;
	s3 =	sadd.s32 s3, s5;
	[dreg:$0x0] =	wrdreg $0x0  }
0xa8: {  	s5 =	sshll.u32 s28, $0x1;
	[dreg:$0x2] =	wrdreg s3  }
0xa9: {  	[dreg:$0x3] =	wrdreg s5  }
0xaa: {  	[dreg:$0x4] =	wrdreg $0xC0  }
0xab: {  	_ =	task [dreg:s7], $0x5FFFF  }
0xac: {  	[dreg:$0x1] =	wrdreg $0xFFFFFFFF  }
0xad: {  	[dreg:$0x0] =	wrdreg $0x60  }
0xae: {  	[dreg:$0x2] =	wrdreg s24  }
0xaf: {  	[dreg:$0x3] =	wrdreg s2  }
0xb0: {  	[dreg:$0x4] =	wrdreg $0x91A00  }
0xb1: {  	[dreg:$0x5] =	wrdreg $0x9  }
0xb2: {  	_ =	task.clear_ibuf [dreg:s7], $0x6FFFF;
	_ =	strace $0x90000046  }
0xb3: {  	s29 =	simm.s32 $0x9;
	_ =	strace $0x80000048  }
0xb4: {  	_ =	swait.ge [sflag:s29], $0x1  }
0xb5: {  	[sflag:s29] =	ssyncadd.s32 $0xFFFFFFFF  }
0xb6: {  	_ =	strace $0x90000048  }
0xb7: {  	_ =	sfence  }
0xb8: {  	s30 =	sld [smem:$0x0];
	_ =	sdelay $0x2  }
0xb9: {  	s31 =	sshll.u32 s1, $0xD;
	s1 =	sshrl.u32 s1, $0x2  }
0xba: {  	s3 =	sand.u32 $0x4000, s31;
	s1 =	sadd.s32 s1, s30  }
0xbb: {  	s0 =	sor.u32 s3, s0;
	s1 =	sshll.u32 s1, $0x11  }
0xbc: {  	s0 =	sor.u32 s1, s0  }
0xbd: {  	s0 =	sadd.s32 $0x8F2B, s0  }
0xbe: {  	[sflag:s0] =	ssyncadd.remote.s32 $0x1  }
0xbf: {  	_ =	sfence.sel $0xFFFF  }
0xc0: {  	[dreg:$0x0] =	wrdreg $0xFFFFFFFF;
	(pc) =	sbr.abs _section_cstart, $3  }
0xc1: {  	[dreg:$0x1] =	wrdreg $0xFFFFFFFF  }
0xc2: {  	_ =	task.clear_ibuf [dreg:s7], $0x2FFFF;
	_ =	strace $0x9FFFFFFF  }
0xc3: {  	(tm) =	ssettm $0x7FFFFFFF  }
tec
execute0_lowered:
.L_overlay_start_1:
0x0: {  	(tag) =	ssettag $0x1  }
0x1: {  	s0 =	rddreg [dreg:$0x0]  }
0x2: {  	s3 =	rddreg [dreg:$0x2];
	s12 =	stileid.u32  }
0x3: {  	s4 =	simm.s32 $0x0;
	s2 =	srdreg.scid;
	s28 =	simm.s32 $0x55A0  }
0x4: {  	s29 =	simm.s32 $0x5AA0;
	[smem:$0x7FF] =	sst s4;
	s7 =	sadd.s32 $0x600, s0  }
0x5: {  	s10 =	sadd.s32 $0x740, s0;
	_ =	strace $0x80000047;
	[dreg:$0x4] =	wrdreg s7  }
0x6: {  	s30 =	simm.s32 $0x5FA0;
	s11 =	sadd.s32 $0x7E0, s0;
	[dreg:$0x9] =	wrdreg s10  }
0x7: {  	s31 =	simm.s32 $0x64A0;
	s15 =	sadd.s32 $0x880, s0;
	[dreg:$0xa] =	wrdreg s11  }
0x8: {  	s1 =	smul.u32 $0x1400, s12;
	s16 =	sadd.s32 $0x920, s0;
	[dreg:$0xb] =	wrdreg s15  }
0x9: {  	s2 =	sand.u32 $0x1, s2;
	s17 =	sadd.s32 $0x9C0, s0;
	[dreg:$0xc] =	wrdreg s16  }
0xa: {  	s8 =	sadd.s32 $0x9F200, s0;
	s21 =	sadd.s32 $0xA60, s0;
	[dreg:$0xd] =	wrdreg s17  }
0xb: {  	s26 =	sshll.u32 s12, $0x6;
	s22 =	sadd.s32 $0xB00, s0;
	[dreg:$0x12] =	wrdreg s21  }
0xc: {  	s23 =	sadd.s32 $0xBA0, s0;
	s24 =	sadd.s32 $0xC40, s0;
	[dreg:$0x13] =	wrdreg s22  }
0xd: {  	s6 =	ssub.s32 $0x2, s2;
	s9 =	smul.u32 $0x14000, s2;
	[dreg:$0x14] =	wrdreg s23  }
0xe: {  	[dreg:$0x15] =	wrdreg s24;
	s15 =	sadd.s32 $0x10A0, s0;
	s16 =	sadd.s32 $0x1140, s0  }
0xf: {  	s17 =	sadd.s32 $0x11E0, s0;
	s21 =	sadd.s32 $0x1460, s0;
	[dreg:$0x1c] =	wrdreg s15  }
0x10: {  	s5 =	sshrl.u32 s1, $0x3;
	s25 =	sshrl.u32 s6, $0x1;
	[dreg:$0x1d] =	wrdreg s16  }
0x11: {  	s13 =	sadd.s32 s1, s3;
	s10 =	sadd.s32 $0xA00, s1;
	[dreg:$0x1e] =	wrdreg s17  }
0x12: {  	[smem:$0x7F7] =	sst s21;
	s15 =	simm.s32 $0x1;
	s5 =	sadd.s32 s5, s0  }
0x13: {  	s7 =	ssub.s32 s6, s25;
	s6 =	smul.u32 $0x1388, s2;
	s25 =	sadd.s32 $0xCE0, s0  }
0x14: {  	s14 =	sadd.s32 s1, s9;
	s23 =	sadd.s32 s10, s3;
	[dreg:$0x16] =	wrdreg s25  }
0x15: {  	s11 =	sadd.s32 s9, s10;
	s5 =	sadd.s32 $0x9CA00, s5;
	[smem:$0x7FA] =	sst s23  }
0x16: {  	s19 =	sshrl.u32 s11, $0x3;
	s11 =	sadd.s32 $0xF60, s0;
	[dreg:$0x6] =	wrdreg s5  }
0x17: {  	s2 =	sshrl.u32 s14, $0x3;
	s14 =	sadd.s32 $0x1000, s0;
	[dreg:$0x1a] =	wrdreg s11  }
0x18: {  	s16 =	simm.s32 $0x50;
	s25 =	smax.u32 s7, $0x1;
	[dreg:$0x1b] =	wrdreg s14  }
0x19: {  	s17 =	simm.s32 $0x2;
	s5 =	sor.u32 $0x1C03, s26;
	[smem:$0x7FC] =	sst s25  }
0x1a: {  	s21 =	simm.s32 $0x37A0;
	s2 =	sadd.s32 s8, s2;
	[dreg:$0x7] =	wrdreg s5  }
0x1b: {  	s23 =	simm.s32 $0x41A0;
	s26 =	sadd.s32 $0xD80, s0;
	[dreg:$0xe] =	wrdreg s2  }
0x1c: {  	s5 =	sadd.s32 $0x6A0, s0;
	s2 =	sadd.s32 $0x500, s1;
	[dreg:$0x17] =	wrdreg s26  }
0x1d: {  	s1 =	sadd.s32 $0xF00, s1;
	[dreg:$0x8] =	wrdreg s5;
	s22 =	sadd.s32 s2, s3  }
0x1e: {  	s26 =	smul.u32 $0x4E20, s12;
	s24 =	sadd.s32 s1, s3;
	[smem:$0x7F9] =	sst s22  }
0x1f: {  	s7 =	simm.s32 $0x73A0;
	s18 =	sadd.s32 s9, s2;
	[smem:$0x7FB] =	sst s24  }
0x20: {  	s9 =	sadd.s32 s9, s1;
	s2 =	smov.u32 s13;
	[smem:$0x7FD] =	sst s26  }
0x21: {  	s5 =	sshrl.u32 s18, $0x3;
	s18 =	sadd.s32 $0x1280, s0;
	[dreg:$0x5] =	wrdreg s2  }
0x22: {  	s9 =	sshrl.u32 s9, $0x3;
	s5 =	sadd.s32 s8, s5;
	[dreg:$0x1f] =	wrdreg s18  }
0x23: {  	s14 =	simm.s32 $0x28A0;
	s20 =	sadd.s32 s8, s9;
	[dreg:$0xf] =	wrdreg s5  }
0x24: {  	s25 =	simm.s32 $0x4BA0;
	s9 =	sadd.s32 $0xEC0, s0;
	[dreg:$0x11] =	wrdreg s20  }
0x25: {  	s12 =	simm.s32 $0x1EA0;
	s5 =	sadd.s32 s8, s19;
	[dreg:$0x19] =	wrdreg s9  }
0x26: {  	s1 =	simm.s32 $0x0;
	s8 =	sadd.s32 $0xE20, s0;
	[dreg:$0x10] =	wrdreg s5  }
0x27: {  	s13 =	simm.s32 $0x23A0;
	s19 =	sadd.s32 $0x1320, s0;
	[dreg:$0x18] =	wrdreg s8  }
0x28: {  	s22 =	simm.s32 $0x3CA0;
	s20 =	sadd.s32 $0x13C0, s0;
	[smem:$0x7F5] =	sst s19  }
0x29: {  	s24 =	simm.s32 $0x46A0;
	s0 =	sadd.s32 $0x1500, s0;
	[smem:$0x7F6] =	sst s20  }
0x2a: {  	s26 =	simm.s32 $0x50A0;
	[smem:$0x7F8] =	sst s0;
	s0 =	simm.s32 $0x3  }
0x2b: {  	v0 =	vmov s6;
	s19 =	simm.s32 $0x2DA0;
	s20 =	simm.s32 $0x32A0;
	s8 =	simm.s32 $0x78A0  }
.LBB2_1:
0x2c: {  	[smem:$0x7F4] =	sst s1  }
0x2d: {  	s5 =	rddreg [dreg:$0x6]  }
0x2e: {  	s2 =	sshrl.u32 s2, $0x3;
	s6 =	rddreg [dreg:$0x7]  }
0x2f: {  	[spmem:s2], [sflag:s6] =	dma.local [hbm:s5], $0x280  }
0x30: {  	_ =	swait.ge [sflag:s0], $0x280  }
0x31: {  	[sflag:s0] =	ssyncset.done $0x0  }
0x32: {  	[sflag:s0] =	ssyncadd.s32 $0xFFFFFD80  }
0x33: {  	s6 =	simm.s32 $0x0;
	[bflag:$0x0] =	sbarrier.arrive $0xFFFF  }
.LBB2_2:
0x34: {  	s5 =	sld [smem:$0x7FD]  }
0x35: {  	s2 =	smul.u32 $0x7D0, s6;
	_ =	sdelay $0x1  }
0x36: {  	s2 =	sadd.s32 s5, s2  }
0x37: {  	s9 =	rddreg [dreg:$0x1];
	s5 =	sshrl.u32 s2, $0x3  }
0x38: {  	s18 =	simm.s32 $0x0;
	s5 =	sadd.s32 s9, s5  }
0x39: {  	[tilespmem:s18], [sflag:$0x3] =	stream.linear.gather [hbm4b:s5+s18], $0x7D0, $0x38;
	[tilespmem:$0xA5A0] =	vst v63  }
0x3a: {  	_ =	swait.ge [sflag:s0], $0x7D0  }
0x3b: {  	[sflag:s0] =	ssyncset.done $0x0  }
0x3c: {  	s9 =	simm.s32 $0x0;
	[sflag:s0] =	ssyncadd.s32 $0xFFFFF830  }
0x3d: {  	v1 =	vld [tilespmem:s9+$0x40]  }
0x3e: {  	v2 =	vld [tilespmem:s9+$0x0]  }
0x3f: {  	v5 =	vld [tilespmem:s9+$0x10]  }
0x40: {  	v6 =	vld [tilespmem:s9+$0x20]  }
0x41: {  	v7 =	vld [tilespmem:s9+$0x30]  }
0x42: {  	s5 =	simm.s32 $0x50;
	v3 =	vsub.s32 v1, v0  }
0x43: {  	v1 =	vld [tilespmem:s5+$0x40];
	v2 =	vsub.s32 v2, v0;
	v3 =	vmin.u32 v3, $0x1388  }
0x44: {  	v4 =	vld [tilespmem:s5+$0x0];
	v5 =	vsub.s32 v5, v0;
	v2 =	vmin.u32 v2, $0x1388;
	[tilespmem:s9+$0x810] =	vst v3  }
0x45: {  	v6 =	vsub.s32 v6, v0;
	v5 =	vmin.u32 v5, $0x1388;
	v3 =	vld [tilespmem:s5+$0x10];
	[tilespmem:s9+$0x7D0] =	vst v2  }
0x46: {  	v7 =	vsub.s32 v7, v0;
	v6 =	vmin.u32 v6, $0x1388;
	v2 =	vld [tilespmem:s5+$0x20];
	[tilespmem:s9+$0x7E0] =	vst v5  }
0x47: {  	s10 =	simm.s32 $0x280;
	v5 =	vld [tilespmem:s5+$0x30];
	[tilespmem:s9+$0x7F0] =	vst v6;
	v6 =	vmin.u32 v7, $0x1388  }
.LBB2_3:
0x48: {  	s11 =	sshra.s32 s10, $0x2;
	p0 =	sne.s32 s10, $0x1E00;
	s10 =	sadd.s32 $0x140, s10;
	v7 =	vsub.s32 v1, v0;
	[tilespmem:s9+$0x800] =	vst v6  }
.Ltmp0:
0x49: {  	s9 =	smov.u32 s5;
	v1 =	vld [tilespmem:s11+$0x40];
	v6 =	vsub.s32 v4, v0;
	v7 =	vmin.u32 v7, $0x1388;
	s5 =	smov.u32 s11;
	(pc) =	sbr.rel @p0 .LBB2_3-.Ltmp0, $4  }
0x4a: {  	v4 =	vld [tilespmem:s5+$0x0];
	v6 =	vmin.u32 v6, $0x1388;
	v8 =	vsub.s32 v3, v0;
	[tilespmem:s9+$0x810] =	vst v7  }
0x4b: {  	v3 =	vld [tilespmem:s5+$0x10];
	[tilespmem:s9+$0x7D0] =	vst v6;
	v6 =	vmin.u32 v8, $0x1388;
	v7 =	vsub.s32 v2, v0  }
0x4c: {  	v2 =	vld [tilespmem:s5+$0x20];
	[tilespmem:s9+$0x7E0] =	vst v6;
	v6 =	vmin.u32 v7, $0x1388;
	v7 =	vsub.s32 v5, v0  }
0x4d: {  	v5 =	vld [tilespmem:s5+$0x30];
	[tilespmem:s9+$0x7F0] =	vst v6;
	v6 =	vmin.u32 v7, $0x1388  }
0x4e: {  	v1 =	vsub.s32 v1, v0  }
0x4f: {  	[tilespmem:s9+$0x800] =	vst v6;
	v4 =	vsub.s32 v4, v0;
	v1 =	vmin.u32 v1, $0x1388  }
0x50: {  	v4 =	vmin.u32 v4, $0x1388;
	v3 =	vsub.s32 v3, v0;
	[tilespmem:s5+$0x810] =	vst v1  }
0x51: {  	[tilespmem:s5+$0x7D0] =	vst v4;
	v1 =	vmin.u32 v3, $0x1388;
	v2 =	vsub.s32 v2, v0  }
0x52: {  	[tilespmem:s5+$0x7E0] =	vst v1;
	v1 =	vmin.u32 v2, $0x1388;
	v2 =	vsub.s32 v5, v0  }
0x53: {  	s2 =	sshll.u32 s2, $0x1;
	s10 =	rddreg [dreg:$0x4];
	[tilespmem:s5+$0x7F0] =	vst v1;
	v1 =	vmin.u32 v2, $0x1388  }
0x54: {  	s9 =	simm.s32 $0xFA0;
	s11 =	rddreg [dreg:$0x8];
	[tilespmem:s5+$0x800] =	vst v1;
	s5 =	sadd.s32 s10, s2  }
0x55: {  	[tilespmem:s9], [sflag:$0x1] =	stream.linear.gather [hbm4b:s5+s4], $0x500, $0x38;
	[tilespmem:$0xA5A0] =	vst v63  }
0x56: {  	s18 =	rddreg [dreg:$0x9];
	s10 =	simm.s32 $0x14A0;
	s5 =	sadd.s32 s2, s11  }
0x57: {  	[tilespmem:s10], [sflag:$0x1] =	stream.linear.gather [hbm4b:s5+s4], $0x500, $0x38;
	[tilespmem:$0xA5A0] =	vst v63  }
0x58: {  	s0 =	rddreg [dreg:$0xa];
	s11 =	simm.s32 $0x19A0;
	s5 =	sadd.s32 s2, s18  }
0x59: {  	[tilespmem:s11], [sflag:$0x1] =	stream.linear.gather [hbm4b:s5+s4], $0x500, $0x38;
	[tilespmem:$0xA5A0] =	vst v63  }
0x5a: {  	s1 =	rddreg [dreg:$0xb];
	s5 =	sadd.s32 s2, s0  }
0x5b: {  	[tilespmem:s12], [sflag:$0x1] =	stream.linear.gather [hbm4b:s5+s4], $0x500, $0x38;
	[tilespmem:$0xA5A0] =	vst v63  }
0x5c: {  	s18 =	rddreg [dreg:$0xc];
	s5 =	sadd.s32 s2, s1  }
0x5d: {  	[tilespmem:s13], [sflag:$0x1] =	stream.linear.gather [hbm4b:s5+s4], $0x500, $0x38;
	[tilespmem:$0xA5A0] =	vst v63  }
0x5e: {  	s0 =	rddreg [dreg:$0xd];
	s5 =	sadd.s32 s2, s18  }
0x5f: {  	[tilespmem:s14], [sflag:$0x1] =	stream.linear.gather [hbm4b:s5+s4], $0x500, $0x38;
	[tilespmem:$0xA5A0] =	vst v63  }
0x60: {  	s1 =	rddreg [dreg:$0x12];
	s5 =	sadd.s32 s2, s0  }
0x61: {  	[tilespmem:s19], [sflag:$0x1] =	stream.linear.gather [hbm4b:s5+s4], $0x500, $0x38;
	[tilespmem:$0xA5A0] =	vst v63  }
0x62: {  	s18 =	rddreg [dreg:$0x13];
	s5 =	sadd.s32 s2, s1  }
0x63: {  	[tilespmem:s20], [sflag:$0x1] =	stream.linear.gather [hbm4b:s5+s4], $0x500, $0x38;
	[tilespmem:$0xA5A0] =	vst v63  }
0x64: {  	s0 =	rddreg [dreg:$0x14];
	s5 =	sadd.s32 s2, s18  }
0x65: {  	[tilespmem:s21], [sflag:$0x1] =	stream.linear.gather [hbm4b:s5+s4], $0x500, $0x38;
	[tilespmem:$0xA5A0] =	vst v63  }
0x66: {  	s1 =	rddreg [dreg:$0x15];
	s5 =	sadd.s32 s2, s0  }
0x67: {  	[tilespmem:s22], [sflag:$0x1] =	stream.linear.gather [hbm4b:s5+s4], $0x500, $0x38;
	[tilespmem:$0xA5A0] =	vst v63  }
0x68: {  	s18 =	rddreg [dreg:$0x16];
	s5 =	sadd.s32 s2, s1  }
0x69: {  	[tilespmem:s23], [sflag:$0x1] =	stream.linear.gather [hbm4b:s5+s4], $0x500, $0x38;
	[tilespmem:$0xA5A0] =	vst v63  }
0x6a: {  	s0 =	rddreg [dreg:$0x17];
	s5 =	sadd.s32 s2, s18  }
0x6b: {  	[tilespmem:s24], [sflag:$0x1] =	stream.linear.gather [hbm4b:s5+s4], $0x500, $0x38;
	[tilespmem:$0xA5A0] =	vst v63  }
0x6c: {  	s1 =	rddreg [dreg:$0x18];
	s5 =	sadd.s32 s2, s0  }
0x6d: {  	[tilespmem:s25], [sflag:$0x1] =	stream.linear.gather [hbm4b:s5+s4], $0x500, $0x38;
	[tilespmem:$0xA5A0] =	vst v63  }
0x6e: {  	s18 =	rddreg [dreg:$0x19];
	s5 =	sadd.s32 s2, s1  }
0x6f: {  	[tilespmem:s26], [sflag:$0x1] =	stream.linear.gather [hbm4b:s5+s4], $0x500, $0x38;
	[tilespmem:$0xA5A0] =	vst v63  }
0x70: {  	s0 =	rddreg [dreg:$0x1a];
	s5 =	sadd.s32 s2, s18  }
0x71: {  	[tilespmem:s28], [sflag:$0x1] =	stream.linear.gather [hbm4b:s5+s4], $0x500, $0x38;
	[tilespmem:$0xA5A0] =	vst v63  }
0x72: {  	s1 =	rddreg [dreg:$0x1b];
	s5 =	sadd.s32 s2, s0  }
0x73: {  	[tilespmem:s29], [sflag:$0x1] =	stream.linear.gather [hbm4b:s5+s4], $0x500, $0x38;
	[tilespmem:$0xA5A0] =	vst v63  }
0x74: {  	s18 =	rddreg [dreg:$0x1c];
	s5 =	sadd.s32 s2, s1  }
0x75: {  	[tilespmem:s30], [sflag:$0x1] =	stream.linear.gather [hbm4b:s5+s4], $0x500, $0x38;
	[tilespmem:$0xA5A0] =	vst v63  }
0x76: {  	s0 =	rddreg [dreg:$0x1d];
	s5 =	sadd.s32 s2, s18  }
0x77: {  	[tilespmem:s31], [sflag:$0x1] =	stream.linear.gather [hbm4b:s5+s4], $0x500, $0x38;
	[tilespmem:$0xA5A0] =	vst v63  }
0x78: {  	s1 =	rddreg [dreg:$0x1e];
	s5 =	sadd.s32 s2, s0;
	s0 =	simm.s32 $0x69A0  }
0x79: {  	[tilespmem:s0], [sflag:$0x1] =	stream.linear.gather [hbm4b:s5+s4], $0x500, $0x38;
	[tilespmem:$0xA5A0] =	vst v63  }
0x7a: {  	s18 =	rddreg [dreg:$0x1f];
	s5 =	sadd.s32 s2, s1;
	s1 =	simm.s32 $0x6EA0  }
0x7b: {  	[tilespmem:s1], [sflag:$0x1] =	stream.linear.gather [hbm4b:s5+s4], $0x500, $0x38;
	[tilespmem:$0xA5A0] =	vst v63  }
0x7c: {  	s5 =	sadd.s32 s2, s18;
	s18 =	sld [smem:$0x7F5];
	_ =	sdelay $0x1  }
0x7d: {  	[tilespmem:s7], [sflag:$0x1] =	stream.linear.gather [hbm4b:s5+s4], $0x500, $0x38;
	[tilespmem:$0xA5A0] =	vst v63  }
0x7e: {  	s5 =	sadd.s32 s2, s18;
	s18 =	sld [smem:$0x7F6];
	_ =	sdelay $0x1  }
0x7f: {  	[tilespmem:s8], [sflag:$0x1] =	stream.linear.gather [hbm4b:s5+s4], $0x500, $0x38;
	[tilespmem:$0xA5A0] =	vst v63  }
0x80: {  	s5 =	sadd.s32 s2, s18;
	s18 =	simm.s32 $0x7DA0  }
0x81: {  	[tilespmem:s18], [sflag:$0x1] =	stream.linear.gather [hbm4b:s5+s4], $0x500, $0x38;
	[tilespmem:$0xA5A0] =	vst v63  }
0x82: {  	s18 =	sld [smem:$0x7F7];
	_ =	sdelay $0x2  }
0x83: {  	s5 =	sadd.s32 s2, s18;
	s18 =	simm.s32 $0x82A0  }
0x84: {  	[tilespmem:s18], [sflag:$0x1] =	stream.linear.gather [hbm4b:s5+s4], $0x500, $0x38;
	[tilespmem:$0xA5A0] =	vst v63  }
0x85: {  	s5 =	sld [smem:$0x7F8];
	_ =	sdelay $0x2  }
0x86: {  	s2 =	sadd.s32 s2, s5;
	s5 =	simm.s32 $0x87A0  }
0x87: {  	[tilespmem:s5], [sflag:$0x1] =	stream.linear.gather [hbm4b:s2+s4], $0x500, $0x38;
	[tilespmem:$0xA5A0] =	vst v63  }
0x88: {  	_ =	swait.ge [sflag:s15], $0x500  }
0x89: {  	[sflag:s15] =	ssyncset.done $0x0  }
0x8a: {  	s2 =	simm.s32 $0x7D0;
	[sflag:s15] =	ssyncadd.s32 $0xFFFFFB00  }
0x8b: {  	[spmem:s3] =	stream.indirect.scatter.add.f32 [tilespmem:s9], [sflag:$0x2], $0x10, s2, s16, $0xb8;
	[tilespmem:$0xA5A0] =	vst v63  }
0x8c: {  	_ =	swait.ge [sflag:s15], $0x500  }
0x8d: {  	[sflag:s15] =	ssyncset.done $0x0  }
0x8e: {  	s9 =	simm.s32 $0x820;
	[sflag:s15] =	ssyncadd.s32 $0xFFFFFB00  }
0x8f: {  	[spmem:s3] =	stream.indirect.scatter.add.f32 [tilespmem:s10], [sflag:$0x2], $0x10, s9, s16, $0xb8;
	[tilespmem:$0xA5A0] =	vst v63  }
0x90: {  	_ =	swait.ge [sflag:s15], $0x500  }
0x91: {  	[sflag:s15] =	ssyncset.done $0x0  }
0x92: {  	s9 =	simm.s32 $0x870;
	[sflag:s15] =	ssyncadd.s32 $0xFFFFFB00  }
0x93: {  	[spmem:s3] =	stream.indirect.scatter.add.f32 [tilespmem:s11], [sflag:$0x2], $0x10, s9, s16, $0xb8;
	[tilespmem:$0xA5A0] =	vst v63  }
0x94: {  	_ =	swait.ge [sflag:s15], $0x500  }
0x95: {  	[sflag:s15] =	ssyncset.done $0x0  }
0x96: {  	s10 =	simm.s32 $0x8C0;
	[sflag:s15] =	ssyncadd.s32 $0xFFFFFB00  }
0x97: {  	[spmem:s3] =	stream.indirect.scatter.add.f32 [tilespmem:s12], [sflag:$0x2], $0x10, s10, s16, $0xb8;
	[tilespmem:$0xA5A0] =	vst v63  }
0x98: {  	_ =	swait.ge [sflag:s15], $0x500  }
0x99: {  	[sflag:s15] =	ssyncset.done $0x0  }
0x9a: {  	s11 =	simm.s32 $0x910;
	[sflag:s15] =	ssyncadd.s32 $0xFFFFFB00  }
0x9b: {  	[spmem:s3] =	stream.indirect.scatter.add.f32 [tilespmem:s13], [sflag:$0x2], $0x10, s11, s16, $0xb8;
	[tilespmem:$0xA5A0] =	vst v63  }
0x9c: {  	_ =	swait.ge [sflag:s15], $0x500  }
0x9d: {  	[sflag:s15] =	ssyncset.done $0x0  }
0x9e: {  	s9 =	simm.s32 $0x960;
	[sflag:s15] =	ssyncadd.s32 $0xFFFFFB00  }
0x9f: {  	[spmem:s3] =	stream.indirect.scatter.add.f32 [tilespmem:s14], [sflag:$0x2], $0x10, s9, s16, $0xb8;
	[tilespmem:$0xA5A0] =	vst v63  }
0xa0: {  	_ =	swait.ge [sflag:s15], $0x500  }
0xa1: {  	[sflag:s15] =	ssyncset.done $0x0  }
0xa2: {  	s10 =	simm.s32 $0x9B0;
	[sflag:s15] =	ssyncadd.s32 $0xFFFFFB00  }
0xa3: {  	[spmem:s3] =	stream.indirect.scatter.add.f32 [tilespmem:s19], [sflag:$0x2], $0x10, s10, s16, $0xb8;
	[tilespmem:$0xA5A0] =	vst v63  }
0xa4: {  	_ =	swait.ge [sflag:s15], $0x500  }
0xa5: {  	[sflag:s15] =	ssyncset.done $0x0  }
0xa6: {  	s11 =	simm.s32 $0xA00;
	[sflag:s15] =	ssyncadd.s32 $0xFFFFFB00  }
0xa7: {  	[spmem:s3] =	stream.indirect.scatter.add.f32 [tilespmem:s20], [sflag:$0x2], $0x10, s11, s16, $0xb8;
	[tilespmem:$0xA5A0] =	vst v63  }
0xa8: {  	_ =	swait.ge [sflag:s15], $0x500  }
0xa9: {  	[sflag:s15] =	ssyncset.done $0x0  }
0xaa: {  	s9 =	simm.s32 $0xA50;
	[sflag:s15] =	ssyncadd.s32 $0xFFFFFB00  }
0xab: {  	[spmem:s3] =	stream.indirect.scatter.add.f32 [tilespmem:s21], [sflag:$0x2], $0x10, s9, s16, $0xb8;
	[tilespmem:$0xA5A0] =	vst v63  }
0xac: {  	_ =	swait.ge [sflag:s15], $0x500  }
0xad: {  	[sflag:s15] =	ssyncset.done $0x0  }
0xae: {  	s10 =	simm.s32 $0xAA0;
	[sflag:s15] =	ssyncadd.s32 $0xFFFFFB00  }
0xaf: {  	[spmem:s3] =	stream.indirect.scatter.add.f32 [tilespmem:s22], [sflag:$0x2], $0x10, s10, s16, $0xb8;
	[tilespmem:$0xA5A0] =	vst v63  }
0xb0: {  	_ =	swait.ge [sflag:s15], $0x500  }
0xb1: {  	[sflag:s15] =	ssyncset.done $0x0  }
0xb2: {  	s11 =	simm.s32 $0xAF0;
	[sflag:s15] =	ssyncadd.s32 $0xFFFFFB00  }
0xb3: {  	[spmem:s3] =	stream.indirect.scatter.add.f32 [tilespmem:s23], [sflag:$0x2], $0x10, s11, s16, $0xb8;
	[tilespmem:$0xA5A0] =	vst v63  }
0xb4: {  	_ =	swait.ge [sflag:s15], $0x500  }
0xb5: {  	[sflag:s15] =	ssyncset.done $0x0  }
0xb6: {  	s9 =	simm.s32 $0xB40;
	[sflag:s15] =	ssyncadd.s32 $0xFFFFFB00  }
0xb7: {  	[spmem:s3] =	stream.indirect.scatter.add.f32 [tilespmem:s24], [sflag:$0x2], $0x10, s9, s16, $0xb8;
	[tilespmem:$0xA5A0] =	vst v63  }
0xb8: {  	_ =	swait.ge [sflag:s15], $0x500  }
0xb9: {  	[sflag:s15] =	ssyncset.done $0x0  }
0xba: {  	s10 =	simm.s32 $0xB90;
	[sflag:s15] =	ssyncadd.s32 $0xFFFFFB00  }
0xbb: {  	[spmem:s3] =	stream.indirect.scatter.add.f32 [tilespmem:s25], [sflag:$0x2], $0x10, s10, s16, $0xb8;
	[tilespmem:$0xA5A0] =	vst v63  }
0xbc: {  	_ =	swait.ge [sflag:s15], $0x500  }
0xbd: {  	[sflag:s15] =	ssyncset.done $0x0  }
0xbe: {  	s11 =	simm.s32 $0xBE0;
	[sflag:s15] =	ssyncadd.s32 $0xFFFFFB00  }
0xbf: {  	[spmem:s3] =	stream.indirect.scatter.add.f32 [tilespmem:s26], [sflag:$0x2], $0x10, s11, s16, $0xb8;
	[tilespmem:$0xA5A0] =	vst v63  }
0xc0: {  	_ =	swait.ge [sflag:s15], $0x500  }
0xc1: {  	[sflag:s15] =	ssyncset.done $0x0  }
0xc2: {  	s9 =	simm.s32 $0xC30;
	[sflag:s15] =	ssyncadd.s32 $0xFFFFFB00  }
0xc3: {  	[spmem:s3] =	stream.indirect.scatter.add.f32 [tilespmem:s28], [sflag:$0x2], $0x10, s9, s16, $0xb8;
	[tilespmem:$0xA5A0] =	vst v63  }
0xc4: {  	_ =	swait.ge [sflag:s15], $0x500  }
0xc5: {  	[sflag:s15] =	ssyncset.done $0x0  }
0xc6: {  	s10 =	simm.s32 $0xC80;
	[sflag:s15] =	ssyncadd.s32 $0xFFFFFB00  }
0xc7: {  	[spmem:s3] =	stream.indirect.scatter.add.f32 [tilespmem:s29], [sflag:$0x2], $0x10, s10, s16, $0xb8;
	[tilespmem:$0xA5A0] =	vst v63  }
0xc8: {  	_ =	swait.ge [sflag:s15], $0x500  }
0xc9: {  	[sflag:s15] =	ssyncset.done $0x0  }
0xca: {  	s11 =	simm.s32 $0xCD0;
	[sflag:s15] =	ssyncadd.s32 $0xFFFFFB00  }
0xcb: {  	[spmem:s3] =	stream.indirect.scatter.add.f32 [tilespmem:s30], [sflag:$0x2], $0x10, s11, s16, $0xb8;
	[tilespmem:$0xA5A0] =	vst v63  }
0xcc: {  	_ =	swait.ge [sflag:s15], $0x500  }
0xcd: {  	[sflag:s15] =	ssyncset.done $0x0  }
0xce: {  	s9 =	simm.s32 $0xD20;
	[sflag:s15] =	ssyncadd.s32 $0xFFFFFB00  }
0xcf: {  	[spmem:s3] =	stream.indirect.scatter.add.f32 [tilespmem:s31], [sflag:$0x2], $0x10, s9, s16, $0xb8;
	[tilespmem:$0xA5A0] =	vst v63  }
0xd0: {  	_ =	swait.ge [sflag:s15], $0x500  }
0xd1: {  	[sflag:s15] =	ssyncset.done $0x0  }
0xd2: {  	s10 =	simm.s32 $0xD70;
	[sflag:s15] =	ssyncadd.s32 $0xFFFFFB00  }
0xd3: {  	[spmem:s3] =	stream.indirect.scatter.add.f32 [tilespmem:s0], [sflag:$0x2], $0x10, s10, s16, $0xb8;
	[tilespmem:$0xA5A0] =	vst v63  }
0xd4: {  	_ =	swait.ge [sflag:s15], $0x500  }
0xd5: {  	[sflag:s15] =	ssyncset.done $0x0  }
0xd6: {  	s11 =	simm.s32 $0xDC0;
	[sflag:s15] =	ssyncadd.s32 $0xFFFFFB00  }
0xd7: {  	[spmem:s3] =	stream.indirect.scatter.add.f32 [tilespmem:s1], [sflag:$0x2], $0x10, s11, s16, $0xb8;
	[tilespmem:$0xA5A0] =	vst v63  }
0xd8: {  	_ =	swait.ge [sflag:s15], $0x500  }
0xd9: {  	[sflag:s15] =	ssyncset.done $0x0  }
0xda: {  	s1 =	simm.s32 $0xE10;
	[sflag:s15] =	ssyncadd.s32 $0xFFFFFB00  }
0xdb: {  	[spmem:s3] =	stream.indirect.scatter.add.f32 [tilespmem:s7], [sflag:$0x2], $0x10, s1, s16, $0xb8;
	[tilespmem:$0xA5A0] =	vst v63  }
0xdc: {  	_ =	swait.ge [sflag:s15], $0x500  }
0xdd: {  	[sflag:s15] =	ssyncset.done $0x0  }
0xde: {  	s2 =	simm.s32 $0xE60;
	[sflag:s15] =	ssyncadd.s32 $0xFFFFFB00  }
0xdf: {  	[spmem:s3] =	stream.indirect.scatter.add.f32 [tilespmem:s8], [sflag:$0x2], $0x10, s2, s16, $0xb8;
	[tilespmem:$0xA5A0] =	vst v63  }
0xe0: {  	_ =	swait.ge [sflag:s15], $0x500  }
0xe1: {  	[sflag:s15] =	ssyncset.done $0x0  }
0xe2: {  	s9 =	simm.s32 $0xEB0;
	s10 =	simm.s32 $0x7DA0;
	[sflag:s15] =	ssyncadd.s32 $0xFFFFFB00  }
0xe3: {  	[spmem:s3] =	stream.indirect.scatter.add.f32 [tilespmem:s10], [sflag:$0x2], $0x10, s9, s16, $0xb8;
	[tilespmem:$0xA5A0] =	vst v63  }
0xe4: {  	_ =	swait.ge [sflag:s15], $0x500  }
0xe5: {  	[sflag:s15] =	ssyncset.done $0x0  }
0xe6: {  	s18 =	simm.s32 $0x82A0;
	s11 =	simm.s32 $0xF00;
	[sflag:s15] =	ssyncadd.s32 $0xFFFFFB00  }
0xe7: {  	[spmem:s3] =	stream.indirect.scatter.add.f32 [tilespmem:s18], [sflag:$0x2], $0x10, s11, s16, $0xb8;
	[tilespmem:$0xA5A0] =	vst v63  }
0xe8: {  	_ =	swait.ge [sflag:s15], $0x500  }
0xe9: {  	[sflag:s15] =	ssyncset.done $0x0  }
0xea: {  	s18 =	simm.s32 $0xF50;
	[sflag:s15] =	ssyncadd.s32 $0xFFFFFB00  }
0xeb: {  	[spmem:s3] =	stream.indirect.scatter.add.f32 [tilespmem:s5], [sflag:$0x2], $0x10, s18, s16, $0xb8;
	[tilespmem:$0xA5A0] =	vst v63  }
0xec: {  	_ =	swait.ge [sflag:s17], $0x500  }
0xed: {  	[sflag:s17] =	ssyncset.done $0x0  }
0xee: {  	[sflag:s17] =	ssyncadd.s32 $0xFFFFFB00  }
0xef: {  	_ =	swait.ge [sflag:s17], $0x500  }
0xf0: {  	[sflag:s17] =	ssyncset.done $0x0  }
0xf1: {  	[sflag:s17] =	ssyncadd.s32 $0xFFFFFB00  }
0xf2: {  	_ =	swait.ge [sflag:s17], $0x500  }
0xf3: {  	[sflag:s17] =	ssyncset.done $0x0  }
0xf4: {  	[sflag:s17] =	ssyncadd.s32 $0xFFFFFB00  }
0xf5: {  	_ =	swait.ge [sflag:s17], $0x500  }
0xf6: {  	[sflag:s17] =	ssyncset.done $0x0  }
0xf7: {  	[sflag:s17] =	ssyncadd.s32 $0xFFFFFB00  }
0xf8: {  	_ =	swait.ge [sflag:s17], $0x500  }
0xf9: {  	[sflag:s17] =	ssyncset.done $0x0  }
0xfa: {  	[sflag:s17] =	ssyncadd.s32 $0xFFFFFB00  }
0xfb: {  	_ =	swait.ge [sflag:s17], $0x500  }
0xfc: {  	[sflag:s17] =	ssyncset.done $0x0  }
0xfd: {  	[sflag:s17] =	ssyncadd.s32 $0xFFFFFB00  }
0xfe: {  	_ =	swait.ge [sflag:s17], $0x500  }
0xff: {  	[sflag:s17] =	ssyncset.done $0x0  }
0x100: {  	[sflag:s17] =	ssyncadd.s32 $0xFFFFFB00  }
0x101: {  	_ =	swait.ge [sflag:s17], $0x500  }
0x102: {  	[sflag:s17] =	ssyncset.done $0x0  }
0x103: {  	[sflag:s17] =	ssyncadd.s32 $0xFFFFFB00  }
0x104: {  	_ =	swait.ge [sflag:s17], $0x500  }
0x105: {  	[sflag:s17] =	ssyncset.done $0x0  }
0x106: {  	[sflag:s17] =	ssyncadd.s32 $0xFFFFFB00  }
0x107: {  	_ =	swait.ge [sflag:s17], $0x500  }
0x108: {  	[sflag:s17] =	ssyncset.done $0x0  }
0x109: {  	[sflag:s17] =	ssyncadd.s32 $0xFFFFFB00  }
0x10a: {  	_ =	swait.ge [sflag:s17], $0x500  }
0x10b: {  	[sflag:s17] =	ssyncset.done $0x0  }
0x10c: {  	[sflag:s17] =	ssyncadd.s32 $0xFFFFFB00  }
0x10d: {  	_ =	swait.ge [sflag:s17], $0x500  }
0x10e: {  	[sflag:s17] =	ssyncset.done $0x0  }
0x10f: {  	[sflag:s17] =	ssyncadd.s32 $0xFFFFFB00  }
0x110: {  	_ =	swait.ge [sflag:s17], $0x500  }
0x111: {  	[sflag:s17] =	ssyncset.done $0x0  }
0x112: {  	[sflag:s17] =	ssyncadd.s32 $0xFFFFFB00  }
0x113: {  	_ =	swait.ge [sflag:s17], $0x500  }
0x114: {  	[sflag:s17] =	ssyncset.done $0x0  }
0x115: {  	[sflag:s17] =	ssyncadd.s32 $0xFFFFFB00  }
0x116: {  	_ =	swait.ge [sflag:s17], $0x500  }
0x117: {  	[sflag:s17] =	ssyncset.done $0x0  }
0x118: {  	[sflag:s17] =	ssyncadd.s32 $0xFFFFFB00  }
0x119: {  	_ =	swait.ge [sflag:s17], $0x500  }
0x11a: {  	[sflag:s17] =	ssyncset.done $0x0  }
0x11b: {  	[sflag:s17] =	ssyncadd.s32 $0xFFFFFB00  }
0x11c: {  	_ =	swait.ge [sflag:s17], $0x500  }
0x11d: {  	[sflag:s17] =	ssyncset.done $0x0  }
0x11e: {  	[sflag:s17] =	ssyncadd.s32 $0xFFFFFB00  }
0x11f: {  	_ =	swait.ge [sflag:s17], $0x500  }
0x120: {  	[sflag:s17] =	ssyncset.done $0x0  }
0x121: {  	[sflag:s17] =	ssyncadd.s32 $0xFFFFFB00  }
0x122: {  	_ =	swait.ge [sflag:s17], $0x500  }
0x123: {  	[sflag:s17] =	ssyncset.done $0x0  }
0x124: {  	[sflag:s17] =	ssyncadd.s32 $0xFFFFFB00  }
0x125: {  	_ =	swait.ge [sflag:s17], $0x500  }
0x126: {  	[sflag:s17] =	ssyncset.done $0x0  }
0x127: {  	[sflag:s17] =	ssyncadd.s32 $0xFFFFFB00  }
0x128: {  	_ =	swait.ge [sflag:s17], $0x500  }
0x129: {  	[sflag:s17] =	ssyncset.done $0x0  }
0x12a: {  	[sflag:s17] =	ssyncadd.s32 $0xFFFFFB00  }
0x12b: {  	_ =	swait.ge [sflag:s17], $0x500  }
0x12c: {  	[sflag:s17] =	ssyncset.done $0x0  }
0x12d: {  	[sflag:s17] =	ssyncadd.s32 $0xFFFFFB00  }
0x12e: {  	_ =	swait.ge [sflag:s17], $0x500  }
0x12f: {  	[sflag:s17] =	ssyncset.done $0x0  }
0x130: {  	s6 =	sadd.s32 $0x1, s6;
	[sflag:s17] =	ssyncadd.s32 $0xFFFFFB00  }
0x131: {  	p0 =	sne.s32 s6, $0xA;
	_ =	swait.ge [sflag:s17], $0x500  }
.Ltmp1:
0x132: {  	[sflag:s17] =	ssyncset.done $0x0;
	(pc) =	sbr.rel @p0 .LBB2_2-.Ltmp1, $4  }
0x133: {  	[sflag:s17] =	ssyncadd.s32 $0xFFFFFB00  }
0x134: {  	_ =	swait.ge [sflag:s17], $0x500  }
0x135: {  	[sflag:s17] =	ssyncset.done $0x0  }
0x136: {  	s0 =	simm.s32 $0x3;
	[sflag:s17] =	ssyncadd.s32 $0xFFFFFB00  }
0x137: {  	[bflag:$0x0] =	sbarrier.arrive $0xFFFF  }
0x138: {  	s1 =	simm.s32 $0x8CA0;
	s2 =	rddreg [dreg:$0x5]  }
0x139: {  	[tilespmem:s1], [sflag:$0x3] =	stream.linear.gather [spmem:s2], $0x500, $0x38;
	[tilespmem:$0xA5A0] =	vst v63  }
0x13a: {  	_ =	swait.ge [sflag:s0], $0x500  }
0x13b: {  	[sflag:s0] =	ssyncset.done $0x0  }
0x13c: {  	s5 =	rddreg [dreg:$0xe];
	[sflag:s0] =	ssyncadd.s32 $0xFFFFFB00  }
0x13d: {  	[hbm4b:s5+s4] =	stream.linear.scatter [tilespmem:s1], [sflag:$0x3], $0x500, $0x38;
	[tilespmem:$0xA5A0] =	vst v63  }
0x13e: {  	_ =	swait.ge [sflag:s0], $0x500  }
0x13f: {  	s10 =	sld [smem:$0x7F9]  }
0x140: {  	[sflag:s0] =	ssyncset.done $0x0  }
0x141: {  	[sflag:s0] =	ssyncadd.s32 $0xFFFFFB00  }
0x142: {  	[tilespmem:s1], [sflag:$0x3] =	stream.linear.gather [spmem:s10], $0x500, $0x38;
	[tilespmem:$0xA5A0] =	vst v63  }
0x143: {  	_ =	swait.ge [sflag:s0], $0x500  }
0x144: {  	[sflag:s0] =	ssyncset.done $0x0  }
0x145: {  	s11 =	rddreg [dreg:$0xf];
	[sflag:s0] =	ssyncadd.s32 $0xFFFFFB00  }
0x146: {  	[hbm4b:s11+s4] =	stream.linear.scatter [tilespmem:s1], [sflag:$0x3], $0x500, $0x38;
	[tilespmem:$0xA5A0] =	vst v63  }
0x147: {  	_ =	swait.ge [sflag:s0], $0x500  }
0x148: {  	s18 =	sld [smem:$0x7FA]  }
0x149: {  	[sflag:s0] =	ssyncset.done $0x0  }
0x14a: {  	[sflag:s0] =	ssyncadd.s32 $0xFFFFFB00  }
0x14b: {  	[tilespmem:s1], [sflag:$0x3] =	stream.linear.gather [spmem:s18], $0x500, $0x38;
	[tilespmem:$0xA5A0] =	vst v63  }
0x14c: {  	_ =	swait.ge [sflag:s0], $0x500  }
0x14d: {  	[sflag:s0] =	ssyncset.done $0x0  }
0x14e: {  	s6 =	rddreg [dreg:$0x10];
	[sflag:s0] =	ssyncadd.s32 $0xFFFFFB00  }
0x14f: {  	[hbm4b:s6+s4] =	stream.linear.scatter [tilespmem:s1], [sflag:$0x3], $0x500, $0x38;
	[tilespmem:$0xA5A0] =	vst v63  }
0x150: {  	_ =	swait.ge [sflag:s0], $0x500  }
0x151: {  	s9 =	sld [smem:$0x7FB]  }
0x152: {  	[sflag:s0] =	ssyncset.done $0x0  }
0x153: {  	[sflag:s0] =	ssyncadd.s32 $0xFFFFFB00  }
0x154: {  	[tilespmem:s1], [sflag:$0x3] =	stream.linear.gather [spmem:s9], $0x500, $0x38;
	[tilespmem:$0xA5A0] =	vst v63  }
0x155: {  	_ =	swait.ge [sflag:s0], $0x500  }
0x156: {  	[sflag:s0] =	ssyncset.done $0x0  }
0x157: {  	s10 =	rddreg [dreg:$0x11];
	[sflag:s0] =	ssyncadd.s32 $0xFFFFFB00  }
0x158: {  	[hbm4b:s10+s4] =	stream.linear.scatter [tilespmem:s1], [sflag:$0x3], $0x500, $0x38;
	[tilespmem:$0xA5A0] =	vst v63  }
0x159: {  	_ =	swait.ge [sflag:s0], $0x500  }
0x15a: {  	s11 =	sld [smem:$0x7F4]  }
0x15b: {  	s18 =	sld [smem:$0x7FC];
	_ =	sdelay $0x1  }
0x15c: {  	s1 =	sadd.s32 $0x1, s11  }
0x15d: {  	p0 =	sne.s32 s1, s18  }
.Ltmp2:
0x15e: {  	_ = 	snop;
	(pc) =	sbr.rel @p0 .LBB2_1-.Ltmp2, $3  }
0x15f: {  	_ =	sdelay $0x1  }
0x160: {  	[sflag:s0] =	ssyncset.done $0x0  }
0x161: {  	[sflag:s0] =	ssyncadd.s32 $0xFFFFFB00  }
0x162: {  	_ =	sfence.sel $0x180000  }
0x163: {  	[bflag:$0x0] =	sbarrier.arrive $0xFFFF  }
0x164: {  	_ =	strace $0x90000047  }
0x165: {  	s0 =	stileid.u32;
	[bflag:$0x2] =	sbarrier.arrive $0xFFFF  }
0x166: {  	p0 =	sne.s32 s0, $0x0;
	s0 =	rddreg [dreg:$0x3]  }
0x167: {  	s0 =	sadd.s32 @!p0 $0x100000, s0  }
0x168: {  	[sflag:s0] =	ssyncadd.tile.s32 @!p0 $0x1;
	_ =	shalt  }
.Lfunc_end2:
_tile_overlayer_lowered:
.L_overlay_start_2:
0x169: {  	(tag) =	ssettag $0x2  }
0x16a: {  	s0 =	rddreg [dreg:$0x0];
	s2 =	stileid.u32  }
0x16b: {  	s1 =	rddreg [dreg:$0x1];
	p0 =	sne.s32 s2, $0x0  }
0x16c: {  	s3 =	rddreg [dreg:$0x2];
	[bflag:$0x3] =	sbarrier.arrive $0xFFFF;
	s2 =	simm.s32 @!p0 $0x1C03  }
0x16d: {  	[timem:s3], [sflag:s2] =	dma.local @!p0 [hbm:s0], s1  }
0x16e: {  	s0 =	simm.s32 @!p0 $0x3  }
0x16f: {  	_ =	swait.ge @!p0 [sflag:s0], s1  }
0x170: {  	s1 =	ssub.s32 @!p0 $0x0, s1;
	[sflag:s0] =	ssyncset.done @!p0 $0x0  }
0x171: {  	[sflag:s0] =	ssyncadd.s32 @!p0 s1  }
0x172: {  	[bflag:$0x3] =	sbarrier.arrive $0xFFFF  }
0x173: {  	_ =	shalt  }

// kernel: kernel.8.cloned.1.call-start
scs
__scs_entry_jumppad:
0x0: {  	(pc) =	sbr.rel $0x88, $3  }
0x1: {  	(tag) =	ssettag $0x0;
	lr =	simm.s32 $0x1  }
0x2: {  	[smem:$0x3F9D] =	sst lr;
	_ =	strace $0xD0000000  }
0x3: {  	_ = 	snop  }
0x4: {  	_ = 	snop  }
0x5: {  	_ = 	snop  }
0x6: {  	_ = 	snop  }
0x7: {  	_ = 	snop  }
__scs_overlays_trampoline_lowered:
0x8: {  	[smem:$0x3FAC] =	sst s0  }
0x9: {  	[smem:$0x3FAD] =	sst s1  }
0xa: {  	[smem:$0x3FAE] =	sst s2  }
0xb: {  	[smem:$0x3FAF] =	sst s3  }
0xc: {  	[smem:$0x3FB0] =	sst s4  }
0xd: {  	[smem:$0x3FB1] =	sst s5  }
0xe: {  	[smem:$0x3FB2] =	sst s6  }
0xf: {  	[smem:$0x3FB3] =	sst s7  }
0x10: {  	[smem:$0x3FB4] =	sst s8  }
0x11: {  	[smem:$0x3FB5] =	sst s9;
	s0 =	simm.s32 @!p0 $0x0  }
0x12: {  	s1 =	sld [smem:$0x3F9B];
	s0 =	simm.s32 @p0 $0x1  }
0x13: {  	[smem:$0x3FB6] =	sst s0;
	s0 =	simm.s32 @!p1 $0x0  }
0x14: {  	s2 =	sld [smem:$0x3F9A];
	s0 =	simm.s32 @p1 $0x1  }
0x15: {  	[smem:$0x3FB7] =	sst s0;
	s0 =	simm.s32 @!p2 $0x0  }
0x16: {  	s3 =	sld [smem:$0x3FDB];
	s0 =	simm.s32 @p2 $0x1  }
0x17: {  	s4 =	simm.s32 $0x1BF5;
	[smem:$0x3FB9] =	sst s0  }
0x18: {  	s0 =	sld [smem:$0x3F9C];
	_ =	swait.ge [sflag:s4], $0x0  }
0x19: {  	s7 =	sld [smem:$0x3F9D]  }
0x1a: {  	s8 =	sadd.s32 $0xFFFFE003, lr  }
0x1b: {  	s9 =	sadd.s32 $0xFFFFFEF7, lr;
	s5 =	simm.s32 $0xFFFFFFFF;
	p2 =	slt.u32 s8, $0xFFFFF086  }
0x1c: {  	p1 =	slt.u32 s9, $0xF7A;
	s5 =	simm.s32 @!p2 $0x0  }
0x1d: {  	s5 =	simm.s32 @p1 $0x1;
	p0 =	seq.s32 s7, s2  }
0x1e: {  	s7 =	smul.u32 @!p0 $0xF7A, s2;
	p2 =	seq.s32 @!p0 s5, $0x0  }
0x1f: {  	s9 =	smul.u32 $0xF7A, s1;
	s8 =	simm.s32 @!p0 $0x1BF5;
	p2 =	por !p2, p0  }
0x20: {  	[sflag:s8] =	ssyncset.s32 @!p0 $0xFFFFF086;
	s6 =	sadd.s32 @!p0 s3, s7;
	s7 =	simm.s32 @!p0 $0x108  }
0x21: {  	s3 =	sadd.s32 s3, s9;
	s6 =	sadd.s32 @!p0 $0x88, s6;
	s7 =	simm.s32 @p2 $0x1082  }
0x22: {  	[simem:s7], [sflag:s8] =	dma.local @!p0 [hbm:s6], $0xF7A  }
0x23: {  	s9 =	sor.u32 $0xD0000000, s2;
	s6 =	simm.s32 $0x108;
	_ =	swait.ge @!p0 [sflag:s8], $0x0  }
0x24: {  	s3 =	sadd.s32 $0x88, s3;
	s6 =	simm.s32 @!p1 $0x1082;
	[sflag:s4] =	ssyncset.s32 $0xFFFFF086  }
0x25: {  	[simem:s6], [sflag:s4] =	dma.local [hbm:s3], $0xF7A  }
0x26: {  	[smem:$0x3F9D] =	sst s1;
	(tag) =	ssettag s2;
	_ =	strace s9  }
0x27: {  	s1 =	sld [smem:$0x3FAD]  }
0x28: {  	s2 =	sld [smem:$0x3FAE]  }
0x29: {  	s4 =	sld [smem:$0x3FB0]  }
0x2a: {  	p0 =	seq.s32 s5, $0x0;
	s5 =	sld [smem:$0x3FB1]  }
0x2b: {  	s6 =	sld [smem:$0x3FB2]  }
0x2c: {  	s7 =	sld [smem:$0x3FB3]  }
0x2d: {  	s3 =	simm.s32 $0x108;
	s8 =	sld [smem:$0x3FB4]  }
0x2e: {  	s3 =	simm.s32 @!p0 $0x1082;
	s9 =	sld [smem:$0x3FB5]  }
0x2f: {  	lr =	sadd.s32 s0, s3;
	s0 =	sld [smem:$0x3FAC]  }
0x30: {  	s3 =	sld [smem:$0x3FAF]  }
0x31: {  	[smem:$0x3FB8] =	sst s10  }
0x32: {  	s10 =	sld [smem:$0x3FB6];
	_ =	sdelay $0x3  }
0x33: {  	p0 =	seq.s32 s10, $0x1;
	s10 =	sld [smem:$0x3FB8];
	_ =	sdelay $0x3  }
0x34: {  	[smem:$0x3FB8] =	sst s10  }
0x35: {  	s10 =	sld [smem:$0x3FB7];
	_ =	sdelay $0x3  }
0x36: {  	p1 =	seq.s32 s10, $0x1;
	s10 =	sld [smem:$0x3FB8];
	_ =	sdelay $0x3  }
0x37: {  	[smem:$0x3FB8] =	sst s10  }
0x38: {  	s10 =	sld [smem:$0x3FB9]  }
0x39: {  	_ = 	snop;
	(pc) =	sbr.ind lr, $3  }
0x3a: {  	_ = 	snop  }
0x3b: {  	_ = 	snop  }
0x3c: {  	p2 =	seq.s32 s10, $0x1;
	s10 =	sld [smem:$0x3FB8]  }
0x3d: {  	_ =	shalt  }
0x3e: {  	_ =	shalt  }
0x3f: {  	_ =	shalt  }
0x40: {  	_ =	shalt  }
0x41: {  	_ =	shalt  }
0x42: {  	_ =	shalt  }
0x43: {  	_ =	shalt  }
0x44: {  	_ =	shalt  }
0x45: {  	_ =	shalt  }
0x46: {  	_ =	shalt  }
0x47: {  	_ =	shalt  }
0x48: {  	_ =	shalt  }
0x49: {  	_ =	shalt  }
0x4a: {  	_ =	shalt  }
0x4b: {  	_ =	shalt  }
0x4c: {  	_ =	shalt  }
0x4d: {  	_ =	shalt  }
0x4e: {  	_ =	shalt  }
0x4f: {  	_ =	shalt  }
0x50: {  	_ =	shalt  }
0x51: {  	_ =	shalt  }
0x52: {  	_ =	shalt  }
0x53: {  	_ =	shalt  }
0x54: {  	_ =	shalt  }
0x55: {  	_ =	shalt  }
0x56: {  	_ =	shalt  }
0x57: {  	_ =	shalt  }
0x58: {  	_ =	shalt  }
0x59: {  	_ =	shalt  }
0x5a: {  	_ =	shalt  }
0x5b: {  	_ =	shalt  }
0x5c: {  	_ =	shalt  }
0x5d: {  	_ =	shalt  }
0x5e: {  	_ =	shalt  }
0x5f: {  	_ =	shalt  }
0x60: {  	_ =	shalt  }
0x61: {  	_ =	shalt  }
0x62: {  	_ =	shalt  }
0x63: {  	_ =	shalt  }
0x64: {  	_ =	shalt  }
0x65: {  	_ =	shalt  }
0x66: {  	_ =	shalt  }
0x67: {  	_ =	shalt  }
0x68: {  	_ =	shalt  }
0x69: {  	_ =	shalt  }
0x6a: {  	_ =	shalt  }
0x6b: {  	_ =	shalt  }
0x6c: {  	_ =	shalt  }
0x6d: {  	_ =	shalt  }
0x6e: {  	_ =	shalt  }
0x6f: {  	_ =	shalt  }
0x70: {  	_ =	shalt  }
0x71: {  	_ =	shalt  }
0x72: {  	_ =	shalt  }
0x73: {  	_ =	shalt  }
0x74: {  	_ =	shalt  }
0x75: {  	_ =	shalt  }
0x76: {  	_ =	shalt  }
0x77: {  	_ =	shalt  }
0x78: {  	_ =	shalt  }
0x79: {  	_ =	shalt  }
0x7a: {  	_ =	shalt  }
0x7b: {  	_ =	shalt  }
0x7c: {  	_ =	shalt  }
0x7d: {  	_ =	shalt  }
0x7e: {  	_ =	shalt  }
0x7f: {  	_ =	shalt  }
0x80: {  	_ =	shalt  }
0x81: {  	_ =	shalt  }
0x82: {  	_ =	shalt  }
0x83: {  	_ =	shalt  }
0x84: {  	_ =	shalt  }
0x85: {  	_ =	shalt  }
0x86: {  	_ =	shalt  }
0x87: {  	_ =	shalt  }
.Lfunc_end0:
.L_simem_size_0:
called_computation.1_lowered:
.L_overlay_start_0:
0x88: {  	s2 =	sld [smem:$0x3FD9]  }
0x89: {  	s3 =	sld [smem:$0x3FFE];
	_ =	sdelay $0x1  }
0x8a: {  	s1 =	srdreg.scid  }
0x8b: {  	s0 =	sand.u32 $0x1, s1  }
0x8c: {  	s17 =	sshll.u32 s0, $0xA;
	s2 =	sadd.s32 s3, s2  }
0x8d: {  	s2 =	sadd.s32 s2, s17  }
0x8e: {  	[smem:$0x3FC4] =	sst s2  }
0x8f: {  	_ = 	snop  }
0x90: {  	s2 =	sld [smem:$0x3FD0];
	(tm) =	ssettm $0x1  }
0x91: {  	s18 =	sld [smem:$0x3FFB];
	_ =	sdelay $0x3  }
0x92: {  	_ =	strace s18  }
0x93: {  	s3 =	sld [smem:$0x3FFC];
	_ =	sdelay $0x3  }
0x94: {  	_ =	strace s3  }
0x95: {  	s3 =	sld [smem:$0x3FFD];
	_ =	sdelay $0x3  }
0x96: {  	_ =	strace s3  }
0x97: {  	_ =	strace $0x8FFFFFFF  }
0x98: {  	s19 =	sld [smem:$0x3FDB];
	_ =	sdelay $0x1  }
0x99: {  	s4 =	simm.s32 $_scs_section_size  }
0x9a: {  	s5 =	simm.s32 $_size__tile_overlayer_lowered;
	s6 =	simm.s32 $_tile_overlayer_lowered  }
0x9b: {  	s22 =	simm.s32 $0x1BFF;
	s21 =	sshll.u32 s6, $0x1;
	s3 =	sadd.s32 s4, s19  }
0x9c: {  	s7 =	simm.s32 $0x0;
	s20 =	sshll.u32 s5, $0x1;
	s5 =	sadd.s32 s21, s3  }
0x9d: {  	[timem:s7], [sflag:s22] =	dma.local [hbm:s5], s20  }
0x9e: {  	_ =	swait.ge [sflag:s22], s20  }
0x9f: {  	s4 =	ssub.s32 $0x0, s20;
	[sflag:s22] =	ssyncset.done $0x0  }
0xa0: {  	[sflag:s22] =	ssyncadd.s32 s4;
	_ =	sdelay $0x1  }
0xa1: {  	s23 =	simm.s32 $0x1B8B  }
0xa2: {  	_ =	swait.ge [sflag:s23], $0x1  }
0xa3: {  	[sflag:s23] =	ssyncset.done $0x0  }
0xa4: {  	s25 =	simm.s32 $0x1B8E;
	s24 =	sld [smem:$0x3FFE];
	[sflag:s23] =	ssyncadd.s32 $0xFFFFFFFF  }
0xa5: {  	s26 =	simm.s32 $execute0_lowered;
	[smem:$0x3FD2] =	sst s25  }
0xa6: {  	s5 =	sshll.u32 s26, $0x1;
	_ =	strace $0x80000049;
	[dreg:$0x1] =	wrdreg $0xFFFFFFFF  }
0xa7: {  	s28 =	simm.s32 $_size_execute0_lowered;
	s3 =	sadd.s32 s3, s5;
	[dreg:$0x0] =	wrdreg $0x0  }
0xa8: {  	s5 =	sshll.u32 s28, $0x1;
	[dreg:$0x2] =	wrdreg s3  }
0xa9: {  	[dreg:$0x3] =	wrdreg s5  }
0xaa: {  	[dreg:$0x4] =	wrdreg $0xC0  }
0xab: {  	_ =	task [dreg:s7], $0x5FFFF  }
0xac: {  	[dreg:$0x1] =	wrdreg $0xFFFFFFFF  }
0xad: {  	[dreg:$0x0] =	wrdreg $0x60  }
0xae: {  	[dreg:$0x2] =	wrdreg s24  }
0xaf: {  	[dreg:$0x3] =	wrdreg s2  }
0xb0: {  	[dreg:$0x4] =	wrdreg $0x9  }
0xb1: {  	_ =	task.clear_ibuf [dreg:s7], $0x5FFFF;
	_ =	strace $0x90000049  }
0xb2: {  	s29 =	simm.s32 $0x9;
	_ =	strace $0x8000004B  }
0xb3: {  	_ =	swait.ge [sflag:s29], $0x1  }
0xb4: {  	[sflag:s29] =	ssyncadd.s32 $0xFFFFFFFF  }
0xb5: {  	_ =	strace $0x9000004B  }
0xb6: {  	_ =	sfence  }
0xb7: {  	s30 =	sld [smem:$0x0];
	_ =	sdelay $0x2  }
0xb8: {  	s31 =	sshll.u32 s1, $0xD;
	s1 =	sshrl.u32 s1, $0x2  }
0xb9: {  	s3 =	sand.u32 $0x4000, s31;
	s1 =	sadd.s32 s1, s30  }
0xba: {  	s0 =	sor.u32 s3, s0;
	s1 =	sshll.u32 s1, $0x11  }
0xbb: {  	s0 =	sor.u32 s1, s0  }
0xbc: {  	s0 =	sadd.s32 $0x8F2B, s0  }
0xbd: {  	[sflag:s0] =	ssyncadd.remote.s32 $0x1  }
0xbe: {  	_ =	sfence.sel $0xFFFF  }
0xbf: {  	[dreg:$0x0] =	wrdreg $0xFFFFFFFF;
	(pc) =	sbr.abs _section_cstart, $3  }
0xc0: {  	[dreg:$0x1] =	wrdreg $0xFFFFFFFF  }
0xc1: {  	_ =	task.clear_ibuf [dreg:s7], $0x2FFFF;
	_ =	strace $0x9FFFFFFF  }
0xc2: {  	(tm) =	ssettm $0x7FFFFFFF  }
0xc3: {  	_ =	shalt  }
tec
execute0_lowered:
.L_overlay_start_1:
0x0: {  	(tag) =	ssettag $0x1  }
0x1: {  	s0 =	rddreg [dreg:$0x0];
	s1 =	simm.s32 $0x0;
	s25 =	srdreg.scid  }
0x2: {  	s6 =	stileid.u32;
	s9 =	simm.s32 $0x2;
	s11 =	simm.s32 $0x50  }
0x3: {  	s21 =	simm.s32 $0xD20;
	s22 =	simm.s32 $0x64A0;
	s23 =	simm.s32 $0xD70  }
0x4: {  	s24 =	simm.s32 $0x69A0;
	s28 =	simm.s32 $0xE10;
	s29 =	simm.s32 $0x73A0  }
0x5: {  	s30 =	simm.s32 $0xE60;
	s31 =	simm.s32 $0x78A0;
	s8 =	simm.s32 $0xF00  }
0x6: {  	s10 =	simm.s32 $0x87A0;
	s12 =	simm.s32 $0x1;
	s13 =	simm.s32 $0x109A0  }
0x7: {  	s15 =	simm.s32 $0x0;
	[smem:$0x7FF] =	sst s1;
	s4 =	sadd.s32 $0x600, s0  }
0x8: {  	s1 =	sand.u32 $0x1, s25;
	s5 =	sadd.s32 $0x9F200, s0;
	s25 =	simm.s32 $0xDC0  }
0x9: {  	_ =	strace $0x8000004A;
	s2 =	ssub.s32 $0x2, s1;
	s1 =	sshll.u32 s1, $0x4  }
0xa: {  	s3 =	sshrl.u32 s2, $0x1;
	s1 =	sor.u32 s6, s1;
	s6 =	sadd.s32 $0xA4200, s0  }
0xb: {  	s26 =	ssub.s32 s2, s3;
	s7 =	smul.u32 $0x2710, s1;
	s3 =	simm.s32 $0x7DA0  }
0xc: {  	s1 =	simm.s32 $0x82A0;
	s2 =	simm.s32 $0xF50;
	s0 =	smax.u32 s26, $0x1  }
0xd: {  	v0 =	vimm.s32 $0x0;
	s26 =	simm.s32 $0x6EA0;
	[dreg:$0x3] =	wrdreg s0;
	s0 =	simm.s32 $0xEB0  }
.LBB2_1:
0xe: {  	[dreg:$0x4] =	wrdreg s15;
	s14 =	simm.s32 $0x0  }
.LBB2_2:
0xf: {  	s15 =	smul.u32 $0x7D0, s14;
	_ =	sdelay $0x1  }
0x10: {  	s15 =	sadd.s32 s7, s15  }
0x11: {  	s17 =	rddreg [dreg:$0x1];
	s16 =	sshrl.u32 s15, $0x3  }
0x12: {  	s19 =	simm.s32 $0x0;
	s16 =	sadd.s32 s17, s16  }
0x13: {  	[tilespmem:s19], [sflag:$0x2] =	stream.linear.gather [hbm4b:s16+s19], $0x7D0, $0x38;
	[tilespmem:$0x186A0] =	vst v63  }
0x14: {  	_ =	swait.ge [sflag:s9], $0x7D0  }
0x15: {  	s15 =	sshll.u32 s15, $0x1;
	[sflag:s9] =	ssyncset.done $0x0  }
0x16: {  	s18 =	simm.s32 $0x8CA0;
	s20 =	sadd.s32 s4, s15;
	[sflag:s9] =	ssyncadd.s32 $0xFFFFF830  }
0x17: {  	[tilespmem:s18], [sflag:$0x2] =	stream.linear.gather [hbm4b:s20+s19], $0x7D00, $0x38;
	[tilespmem:$0x186A0] =	vst v63  }
0x18: {  	_ =	swait.ge [sflag:s9], $0x7D00  }
0x19: {  	[sflag:s9] =	ssyncset.done $0x0  }
0x1a: {  	s17 =	simm.s32 $0x0;
	[sflag:s9] =	ssyncadd.s32 $0xFFFF8300  }
0x1b: {  	v1 =	vld [tilespmem:s17+$0x40]  }
0x1c: {  	v3 =	vld [tilespmem:s17+$0x0]  }
0x1d: {  	v5 =	vld [tilespmem:s17+$0x10]  }
0x1e: {  	v7 =	vld [tilespmem:s17+$0x20]  }
0x1f: {  	v6 =	vld [tilespmem:s17+$0x30]  }
0x20: {  	s16 =	simm.s32 $0x50;
	vm0 =	vgt.s32 v1, $0x1387  }
0x21: {  	v2 =	vld [tilespmem:s16+$0x40];
	vm12 =	vgt.s32 v3, $0x1387;
	v8 =	vsel vm0, $0x78, v0  }
0x22: {  	v4 =	vld [tilespmem:s16+$0x0];
	vm13 =	vgt.s32 v5, $0x1387;
	v9 =	vsel vm12, $0x78, v0;
	v8 =	vadd.s32 v1, v8  }
0x23: {  	vm14 =	vgt.s32 v7, $0x1387;
	v1 =	vld [tilespmem:s16+$0x10];
	[tilespmem:s17+$0x810] =	vst v8;
	v8 =	vadd.s32 v3, v9;
	v9 =	vsel vm13, $0x78, v0  }
0x24: {  	vm15 =	vgt.s32 v6, $0x1387;
	v3 =	vld [tilespmem:s16+$0x20];
	[tilespmem:s17+$0x7D0] =	vst v8;
	v8 =	vadd.s32 v5, v9;
	v9 =	vsel vm14, $0x78, v0  }
0x25: {  	s18 =	simm.s32 $0x280;
	v5 =	vld [tilespmem:s16+$0x30];
	[tilespmem:s17+$0x7E0] =	vst v8;
	v7 =	vadd.s32 v7, v9;
	v8 =	vsel vm15, $0x78, v0  }
.LBB2_3:
0x26: {  	s19 =	sshra.s32 s18, $0x2;
	p0 =	sne.s32 s18, $0x1E00;
	s18 =	sadd.s32 $0x140, s18;
	vm0 =	vgt.s32 v2, $0x1387;
	[tilespmem:s17+$0x7F0] =	vst v7;
	v9 =	vadd.s32 v6, v8;
	v7 =	vmov v2  }
.Ltmp0:
0x27: {  	v2 =	vld [tilespmem:s19+$0x40];
	vm1 =	vgt.s32 v4, $0x1387;
	v10 =	vsel vm0, $0x78, v0;
	[tilespmem:s17+$0x800] =	vst v9;
	v6 =	vmov v4;
	s17 =	smov.u32 s16;
	s16 =	smov.u32 s19;
	(pc) =	sbr.rel @p0 .LBB2_3-.Ltmp0, $4  }
0x28: {  	v4 =	vld [tilespmem:s16+$0x0];
	v9 =	vsel vm1, $0x78, v0;
	vm0 =	vgt.s32 v1, $0x1387;
	v10 =	vadd.s32 v7, v10;
	v8 =	vmovc v1  }
0x29: {  	v1 =	vld [tilespmem:s16+$0x10];
	v11 =	vadd.s32 v6, v9;
	v9 =	vsel vm0, $0x78, v0;
	vm0 =	vgt.s32 v3, $0x1387;
	[tilespmem:s17+$0x810] =	vst v10;
	v7 =	vmovc v3  }
0x2a: {  	v3 =	vld [tilespmem:s16+$0x20];
	[tilespmem:s17+$0x7D0] =	vst v11;
	v8 =	vadd.s32 v8, v9;
	v9 =	vsel vm0, $0x78, v0;
	vm0 =	vgt.s32 v5, $0x1387;
	v6 =	vmovc v5  }
0x2b: {  	v5 =	vld [tilespmem:s16+$0x30];
	[tilespmem:s17+$0x7E0] =	vst v8;
	v7 =	vadd.s32 v7, v9;
	v8 =	vsel vm0, $0x78, v0  }
0x2c: {  	vm0 =	vgt.s32 v2, $0x1387  }
0x2d: {  	[tilespmem:s17+$0x7F0] =	vst v7;
	v6 =	vadd.s32 v6, v8;
	vm1 =	vgt.s32 v4, $0x1387;
	v61 =	vsel vm0, $0x78, v0  }
0x2e: {  	[tilespmem:s17+$0x800] =	vst v6;
	v62 =	vsel vm1, $0x78, v0;
	vm13 =	vgt.s32 v1, $0x1387;
	v2 =	vadd.s32 v2, v61  }
0x2f: {  	v4 =	vadd.s32 v4, v62;
	v63 =	vsel vm13, $0x78, v0;
	vm14 =	vgt.s32 v3, $0x1387;
	[tilespmem:s16+$0x810] =	vst v2  }
0x30: {  	[tilespmem:s16+$0x7D0] =	vst v4;
	v1 =	vadd.s32 v1, v63;
	v2 =	vsel vm14, $0x78, v0;
	vm15 =	vgt.s32 v5, $0x1387  }
0x31: {  	[tilespmem:s16+$0x7E0] =	vst v1;
	v1 =	vadd.s32 v3, v2;
	v2 =	vsel vm15, $0x78, v0  }
0x32: {  	[tilespmem:s16+$0x7F0] =	vst v1;
	v1 =	vadd.s32 v5, v2  }
0x33: {  	s19 =	simm.s32 $0x7D0;
	s20 =	simm.s32 $0xFA0;
	[tilespmem:s16+$0x800] =	vst v1  }
0x34: {  	[tilespmem:s20], [sflag:$0x1] =	stream.indirect.gather [hbm4b:s5+s11], $0x10, s19, s11, $0xb8;
	[tilespmem:$0x186A0] =	vst v63  }
0x35: {  	s18 =	simm.s32 $0x14A0;
	s17 =	simm.s32 $0x820  }
0x36: {  	[tilespmem:s18], [sflag:$0x1] =	stream.indirect.gather [hbm4b:s5+s11], $0x10, s17, s11, $0xb8;
	[tilespmem:$0x186A0] =	vst v63  }
0x37: {  	s19 =	simm.s32 $0x870;
	s20 =	simm.s32 $0x19A0  }
0x38: {  	[tilespmem:s20], [sflag:$0x1] =	stream.indirect.gather [hbm4b:s5+s11], $0x10, s19, s11, $0xb8;
	[tilespmem:$0x186A0] =	vst v63  }
0x39: {  	s17 =	simm.s32 $0x8C0;
	s18 =	simm.s32 $0x1EA0  }
0x3a: {  	[tilespmem:s18], [sflag:$0x1] =	stream.indirect.gather [hbm4b:s5+s11], $0x10, s17, s11, $0xb8;
	[tilespmem:$0x186A0] =	vst v63  }
0x3b: {  	s19 =	simm.s32 $0x910;
	s20 =	simm.s32 $0x23A0  }
0x3c: {  	[tilespmem:s20], [sflag:$0x1] =	stream.indirect.gather [hbm4b:s5+s11], $0x10, s19, s11, $0xb8;
	[tilespmem:$0x186A0] =	vst v63  }
0x3d: {  	s17 =	simm.s32 $0x960;
	s18 =	simm.s32 $0x28A0  }
0x3e: {  	[tilespmem:s18], [sflag:$0x1] =	stream.indirect.gather [hbm4b:s5+s11], $0x10, s17, s11, $0xb8;
	[tilespmem:$0x186A0] =	vst v63  }
0x3f: {  	s19 =	simm.s32 $0x9B0;
	s20 =	simm.s32 $0x2DA0  }
0x40: {  	[tilespmem:s20], [sflag:$0x1] =	stream.indirect.gather [hbm4b:s5+s11], $0x10, s19, s11, $0xb8;
	[tilespmem:$0x186A0] =	vst v63  }
0x41: {  	s17 =	simm.s32 $0xA00;
	s18 =	simm.s32 $0x32A0  }
0x42: {  	[tilespmem:s18], [sflag:$0x1] =	stream.indirect.gather [hbm4b:s5+s11], $0x10, s17, s11, $0xb8;
	[tilespmem:$0x186A0] =	vst v63  }
0x43: {  	s19 =	simm.s32 $0xA50;
	s20 =	simm.s32 $0x37A0  }
0x44: {  	[tilespmem:s20], [sflag:$0x1] =	stream.indirect.gather [hbm4b:s5+s11], $0x10, s19, s11, $0xb8;
	[tilespmem:$0x186A0] =	vst v63  }
0x45: {  	s17 =	simm.s32 $0xAA0;
	s18 =	simm.s32 $0x3CA0  }
0x46: {  	[tilespmem:s18], [sflag:$0x1] =	stream.indirect.gather [hbm4b:s5+s11], $0x10, s17, s11, $0xb8;
	[tilespmem:$0x186A0] =	vst v63  }
0x47: {  	s19 =	simm.s32 $0xAF0;
	s20 =	simm.s32 $0x41A0  }
0x48: {  	[tilespmem:s20], [sflag:$0x1] =	stream.indirect.gather [hbm4b:s5+s11], $0x10, s19, s11, $0xb8;
	[tilespmem:$0x186A0] =	vst v63  }
0x49: {  	s17 =	simm.s32 $0xB40;
	s18 =	simm.s32 $0x46A0  }
0x4a: {  	[tilespmem:s18], [sflag:$0x1] =	stream.indirect.gather [hbm4b:s5+s11], $0x10, s17, s11, $0xb8;
	[tilespmem:$0x186A0] =	vst v63  }
0x4b: {  	s19 =	simm.s32 $0xB90;
	s20 =	simm.s32 $0x4BA0  }
0x4c: {  	[tilespmem:s20], [sflag:$0x1] =	stream.indirect.gather [hbm4b:s5+s11], $0x10, s19, s11, $0xb8;
	[tilespmem:$0x186A0] =	vst v63  }
0x4d: {  	s17 =	simm.s32 $0xBE0;
	s18 =	simm.s32 $0x50A0  }
0x4e: {  	[tilespmem:s18], [sflag:$0x1] =	stream.indirect.gather [hbm4b:s5+s11], $0x10, s17, s11, $0xb8;
	[tilespmem:$0x186A0] =	vst v63  }
0x4f: {  	s19 =	simm.s32 $0xC30;
	s20 =	simm.s32 $0x55A0  }
0x50: {  	[tilespmem:s20], [sflag:$0x1] =	stream.indirect.gather [hbm4b:s5+s11], $0x10, s19, s11, $0xb8;
	[tilespmem:$0x186A0] =	vst v63  }
0x51: {  	s17 =	simm.s32 $0xC80;
	s18 =	simm.s32 $0x5AA0  }
0x52: {  	[tilespmem:s18], [sflag:$0x1] =	stream.indirect.gather [hbm4b:s5+s11], $0x10, s17, s11, $0xb8;
	[tilespmem:$0x186A0] =	vst v63  }
0x53: {  	s19 =	simm.s32 $0xCD0;
	s20 =	simm.s32 $0x5FA0  }
0x54: {  	[tilespmem:s20], [sflag:$0x1] =	stream.indirect.gather [hbm4b:s5+s11], $0x10, s19, s11, $0xb8;
	[tilespmem:$0x186A0] =	vst v63  }
0x55: {  	_ = 	snop  }
0x56: {  	[tilespmem:s22], [sflag:$0x1] =	stream.indirect.gather [hbm4b:s5+s11], $0x10, s21, s11, $0xb8;
	[tilespmem:$0x186A0] =	vst v63  }
0x57: {  	_ = 	snop  }
0x58: {  	[tilespmem:s24], [sflag:$0x1] =	stream.indirect.gather [hbm4b:s5+s11], $0x10, s23, s11, $0xb8;
	[tilespmem:$0x186A0] =	vst v63  }
0x59: {  	_ = 	snop  }
0x5a: {  	[tilespmem:s26], [sflag:$0x1] =	stream.indirect.gather [hbm4b:s5+s11], $0x10, s25, s11, $0xb8;
	[tilespmem:$0x186A0] =	vst v63  }
0x5b: {  	_ = 	snop  }
0x5c: {  	[tilespmem:s29], [sflag:$0x1] =	stream.indirect.gather [hbm4b:s5+s11], $0x10, s28, s11, $0xb8;
	[tilespmem:$0x186A0] =	vst v63  }
0x5d: {  	_ = 	snop  }
0x5e: {  	[tilespmem:s31], [sflag:$0x1] =	stream.indirect.gather [hbm4b:s5+s11], $0x10, s30, s11, $0xb8;
	[tilespmem:$0x186A0] =	vst v63  }
0x5f: {  	_ = 	snop  }
0x60: {  	[tilespmem:s3], [sflag:$0x1] =	stream.indirect.gather [hbm4b:s5+s11], $0x10, s0, s11, $0xb8;
	[tilespmem:$0x186A0] =	vst v63  }
0x61: {  	_ = 	snop  }
0x62: {  	[tilespmem:s1], [sflag:$0x1] =	stream.indirect.gather [hbm4b:s5+s11], $0x10, s8, s11, $0xb8;
	[tilespmem:$0x186A0] =	vst v63  }
0x63: {  	_ = 	snop  }
0x64: {  	[tilespmem:s10], [sflag:$0x1] =	stream.indirect.gather [hbm4b:s5+s11], $0x10, s2, s11, $0xb8;
	[tilespmem:$0x186A0] =	vst v63  }
0x65: {  	_ =	swait.ge [sflag:s12], $0x500  }
0x66: {  	[sflag:s12] =	ssyncset.done $0x0  }
0x67: {  	s17 =	simm.s32 $0x0;
	[sflag:s12] =	ssyncadd.s32 $0xFFFFFB00  }
0x68: {  	v1 =	vld [tilespmem:s17+$0xFA0];
	_ =	sdelay $0x4  }
0x69: {  	v1 =	vadd.f32 $1.000000020e-16, v1  }
0x6a: {  	s16 =	simm.s32 $0x10  }
0x6b: {  	(erf) = vrcp.f32 v1;
	v1 =	vld [tilespmem:s16+$0xFA0];
	_ =	sdelay $0x3  }
0x6c: {  	s18 =	simm.s32 $0x20  }
0x6d: {  	v2 =	vld [tilespmem:s18+$0xFA0];
	v3 =	vadd.f32 $1.000000020e-16, v1  }
0x6e: {  	v1 =	vld [tilespmem:s17+$0x8CA0]  }
0x6f: {  	(erf) = vrcp.f32 v3;
	_ =	sdelay $0x2  }
0x70: {  	s19 =	simm.s32 $0xC0;
	v3 =	vpop (erf)  }
.LBB2_5:
0x71: {  	s20 =	sshra.s32 s19, $0x2;
	p0 =	sne.s32 s19, $0x13C0;
	s19 =	sadd.s32 $0x40, s19;
	v4 =	vadd.f32 $1.000000020e-16, v2;
	v3 =	vmul.f32 v3, v1;
	v1 =	vld [tilespmem:s16+$0x8CA0]  }
.Ltmp1:
0x72: {  	v2 =	vld [tilespmem:s20+$0xFA0];
	(pc) =	sbr.rel @p0 .LBB2_5-.Ltmp1, $3  }
0x73: {  	(erf) = vrcp.f32 v4;
	[tilespmem:s17+$0x109A0] =	vst v3;
	s17 =	smov.u32 s16;
	s16 =	smov.u32 s18;
	s18 =	smov.u32 s20  }
0x74: {  	_ =	sdelay $0x1  }
0x75: {  	v3 =	vpop (erf)  }
0x76: {  	v2 =	vadd.f32 $1.000000020e-16, v2;
	_ =	sdelay $0x1  }
0x77: {  	(erf) = vrcp.f32 v2;
	_ =	sdelay $0x1  }
0x78: {  	v1 =	vmul.f32 v3, v1;
	_ =	sdelay $0x1  }
0x79: {  	v2 =	vld [tilespmem:s16+$0x8CA0];
	[tilespmem:s17+$0x109A0] =	vst v1  }
0x7a: {  	v1 =	vld [tilespmem:s18+$0x8CA0];
	_ =	sdelay $0x2  }
0x7b: {  	v3 =	vpop (erf)  }
0x7c: {  	v2 =	vmul.f32 v3, v2;
	v3 =	vpop (erf)  }
0x7d: {  	v1 =	vmul.f32 v3, v1  }
0x7e: {  	[tilespmem:s16+$0x109A0] =	vst v2  }
0x7f: {  	[tilespmem:s18+$0x109A0] =	vst v1  }
0x80: {  	_ =	swait.ge [sflag:s12], $0x500  }
0x81: {  	[sflag:s12] =	ssyncset.done $0x0  }
0x82: {  	s17 =	simm.s32 $0x0;
	[sflag:s12] =	ssyncadd.s32 $0xFFFFFB00  }
0x83: {  	v1 =	vld [tilespmem:s17+$0x14A0];
	_ =	sdelay $0x4  }
0x84: {  	v1 =	vadd.f32 $1.000000020e-16, v1  }
0x85: {  	s16 =	simm.s32 $0x10  }
0x86: {  	(erf) = vrcp.f32 v1;
	v1 =	vld [tilespmem:s16+$0x14A0];
	_ =	sdelay $0x3  }
0x87: {  	s18 =	simm.s32 $0x20  }
0x88: {  	v2 =	vld [tilespmem:s18+$0x14A0];
	v3 =	vadd.f32 $1.000000020e-16, v1  }
0x89: {  	v1 =	vld [tilespmem:s17+$0x91A0]  }
0x8a: {  	(erf) = vrcp.f32 v3;
	_ =	sdelay $0x2  }
0x8b: {  	s19 =	simm.s32 $0xC0;
	v3 =	vpop (erf)  }
.LBB2_7:
0x8c: {  	s20 =	sshra.s32 s19, $0x2;
	p0 =	sne.s32 s19, $0x13C0;
	s19 =	sadd.s32 $0x40, s19;
	v4 =	vadd.f32 $1.000000020e-16, v2;
	v3 =	vmul.f32 v3, v1;
	v1 =	vld [tilespmem:s16+$0x91A0]  }
.Ltmp2:
0x8d: {  	v2 =	vld [tilespmem:s20+$0x14A0];
	(pc) =	sbr.rel @p0 .LBB2_7-.Ltmp2, $3  }
0x8e: {  	(erf) = vrcp.f32 v4;
	[tilespmem:s17+$0x10EA0] =	vst v3;
	s17 =	smov.u32 s16;
	s16 =	smov.u32 s18;
	s18 =	smov.u32 s20  }
0x8f: {  	_ =	sdelay $0x1  }
0x90: {  	v3 =	vpop (erf)  }
0x91: {  	v2 =	vadd.f32 $1.000000020e-16, v2;
	_ =	sdelay $0x1  }
0x92: {  	(erf) = vrcp.f32 v2;
	_ =	sdelay $0x1  }
0x93: {  	v1 =	vmul.f32 v3, v1;
	_ =	sdelay $0x1  }
0x94: {  	v2 =	vld [tilespmem:s16+$0x91A0];
	[tilespmem:s17+$0x10EA0] =	vst v1  }
0x95: {  	v1 =	vld [tilespmem:s18+$0x91A0];
	_ =	sdelay $0x2  }
0x96: {  	v3 =	vpop (erf)  }
0x97: {  	v2 =	vmul.f32 v3, v2;
	v3 =	vpop (erf)  }
0x98: {  	v1 =	vmul.f32 v3, v1  }
0x99: {  	[tilespmem:s16+$0x10EA0] =	vst v2  }
0x9a: {  	[tilespmem:s18+$0x10EA0] =	vst v1  }
0x9b: {  	_ =	swait.ge [sflag:s12], $0x500  }
0x9c: {  	[sflag:s12] =	ssyncset.done $0x0  }
0x9d: {  	s17 =	simm.s32 $0x0;
	[sflag:s12] =	ssyncadd.s32 $0xFFFFFB00  }
0x9e: {  	v1 =	vld [tilespmem:s17+$0x19A0];
	_ =	sdelay $0x4  }
0x9f: {  	v1 =	vadd.f32 $1.000000020e-16, v1  }
0xa0: {  	s16 =	simm.s32 $0x10  }
0xa1: {  	(erf) = vrcp.f32 v1;
	v1 =	vld [tilespmem:s16+$0x19A0];
	_ =	sdelay $0x3  }
0xa2: {  	s18 =	simm.s32 $0x20  }
0xa3: {  	v2 =	vld [tilespmem:s18+$0x19A0];
	v3 =	vadd.f32 $1.000000020e-16, v1  }
0xa4: {  	v1 =	vld [tilespmem:s17+$0x96A0]  }
0xa5: {  	(erf) = vrcp.f32 v3;
	_ =	sdelay $0x2  }
0xa6: {  	s19 =	simm.s32 $0xC0;
	v3 =	vpop (erf)  }
.LBB2_9:
0xa7: {  	s20 =	sshra.s32 s19, $0x2;
	p0 =	sne.s32 s19, $0x13C0;
	s19 =	sadd.s32 $0x40, s19;
	v4 =	vadd.f32 $1.000000020e-16, v2;
	v3 =	vmul.f32 v3, v1;
	v1 =	vld [tilespmem:s16+$0x96A0]  }
.Ltmp3:
0xa8: {  	v2 =	vld [tilespmem:s20+$0x19A0];
	(pc) =	sbr.rel @p0 .LBB2_9-.Ltmp3, $3  }
0xa9: {  	(erf) = vrcp.f32 v4;
	[tilespmem:s17+$0x113A0] =	vst v3;
	s17 =	smov.u32 s16;
	s16 =	smov.u32 s18;
	s18 =	smov.u32 s20  }
0xaa: {  	_ =	sdelay $0x1  }
0xab: {  	v3 =	vpop (erf)  }
0xac: {  	v2 =	vadd.f32 $1.000000020e-16, v2;
	_ =	sdelay $0x1  }
0xad: {  	(erf) = vrcp.f32 v2;
	_ =	sdelay $0x1  }
0xae: {  	v1 =	vmul.f32 v3, v1;
	_ =	sdelay $0x1  }
0xaf: {  	v2 =	vld [tilespmem:s16+$0x96A0];
	[tilespmem:s17+$0x113A0] =	vst v1  }
0xb0: {  	v1 =	vld [tilespmem:s18+$0x96A0];
	_ =	sdelay $0x2  }
0xb1: {  	v3 =	vpop (erf)  }
0xb2: {  	v2 =	vmul.f32 v3, v2;
	v3 =	vpop (erf)  }
0xb3: {  	v1 =	vmul.f32 v3, v1  }
0xb4: {  	[tilespmem:s16+$0x113A0] =	vst v2  }
0xb5: {  	[tilespmem:s18+$0x113A0] =	vst v1  }
0xb6: {  	_ =	swait.ge [sflag:s12], $0x500  }
0xb7: {  	[sflag:s12] =	ssyncset.done $0x0  }
0xb8: {  	s17 =	simm.s32 $0x0;
	[sflag:s12] =	ssyncadd.s32 $0xFFFFFB00  }
0xb9: {  	v1 =	vld [tilespmem:s17+$0x1EA0];
	_ =	sdelay $0x4  }
0xba: {  	v1 =	vadd.f32 $1.000000020e-16, v1  }
0xbb: {  	s16 =	simm.s32 $0x10  }
0xbc: {  	(erf) = vrcp.f32 v1;
	v1 =	vld [tilespmem:s16+$0x1EA0];
	_ =	sdelay $0x3  }
0xbd: {  	s18 =	simm.s32 $0x20  }
0xbe: {  	v2 =	vld [tilespmem:s18+$0x1EA0];
	v3 =	vadd.f32 $1.000000020e-16, v1  }
0xbf: {  	v1 =	vld [tilespmem:s17+$0x9BA0]  }
0xc0: {  	(erf) = vrcp.f32 v3;
	_ =	sdelay $0x2  }
0xc1: {  	s19 =	simm.s32 $0xC0;
	v3 =	vpop (erf)  }
.LBB2_11:
0xc2: {  	s20 =	sshra.s32 s19, $0x2;
	p0 =	sne.s32 s19, $0x13C0;
	s19 =	sadd.s32 $0x40, s19;
	v4 =	vadd.f32 $1.000000020e-16, v2;
	v3 =	vmul.f32 v3, v1;
	v1 =	vld [tilespmem:s16+$0x9BA0]  }
.Ltmp4:
0xc3: {  	v2 =	vld [tilespmem:s20+$0x1EA0];
	(pc) =	sbr.rel @p0 .LBB2_11-.Ltmp4, $3  }
0xc4: {  	(erf) = vrcp.f32 v4;
	[tilespmem:s17+$0x118A0] =	vst v3;
	s17 =	smov.u32 s16;
	s16 =	smov.u32 s18;
	s18 =	smov.u32 s20  }
0xc5: {  	_ =	sdelay $0x1  }
0xc6: {  	v3 =	vpop (erf)  }
0xc7: {  	v2 =	vadd.f32 $1.000000020e-16, v2;
	_ =	sdelay $0x1  }
0xc8: {  	(erf) = vrcp.f32 v2;
	_ =	sdelay $0x1  }
0xc9: {  	v1 =	vmul.f32 v3, v1;
	_ =	sdelay $0x1  }
0xca: {  	v2 =	vld [tilespmem:s16+$0x9BA0];
	[tilespmem:s17+$0x118A0] =	vst v1  }
0xcb: {  	v1 =	vld [tilespmem:s18+$0x9BA0];
	_ =	sdelay $0x2  }
0xcc: {  	v3 =	vpop (erf)  }
0xcd: {  	v2 =	vmul.f32 v3, v2;
	v3 =	vpop (erf)  }
0xce: {  	v1 =	vmul.f32 v3, v1  }
0xcf: {  	[tilespmem:s16+$0x118A0] =	vst v2  }
0xd0: {  	[tilespmem:s18+$0x118A0] =	vst v1  }
0xd1: {  	_ =	swait.ge [sflag:s12], $0x500  }
0xd2: {  	[sflag:s12] =	ssyncset.done $0x0  }
0xd3: {  	s17 =	simm.s32 $0x0;
	[sflag:s12] =	ssyncadd.s32 $0xFFFFFB00  }
0xd4: {  	v1 =	vld [tilespmem:s17+$0x23A0];
	_ =	sdelay $0x4  }
0xd5: {  	v1 =	vadd.f32 $1.000000020e-16, v1  }
0xd6: {  	s16 =	simm.s32 $0x10  }
0xd7: {  	(erf) = vrcp.f32 v1;
	v1 =	vld [tilespmem:s16+$0x23A0];
	_ =	sdelay $0x3  }
0xd8: {  	s18 =	simm.s32 $0x20  }
0xd9: {  	v2 =	vld [tilespmem:s18+$0x23A0];
	v3 =	vadd.f32 $1.000000020e-16, v1  }
0xda: {  	v1 =	vld [tilespmem:s17+$0xA0A0]  }
0xdb: {  	(erf) = vrcp.f32 v3;
	_ =	sdelay $0x2  }
0xdc: {  	s19 =	simm.s32 $0xC0;
	v3 =	vpop (erf)  }
.LBB2_13:
0xdd: {  	s20 =	sshra.s32 s19, $0x2;
	p0 =	sne.s32 s19, $0x13C0;
	s19 =	sadd.s32 $0x40, s19;
	v4 =	vadd.f32 $1.000000020e-16, v2;
	v3 =	vmul.f32 v3, v1;
	v1 =	vld [tilespmem:s16+$0xA0A0]  }
.Ltmp5:
0xde: {  	v2 =	vld [tilespmem:s20+$0x23A0];
	(pc) =	sbr.rel @p0 .LBB2_13-.Ltmp5, $3  }
0xdf: {  	(erf) = vrcp.f32 v4;
	[tilespmem:s17+$0x11DA0] =	vst v3;
	s17 =	smov.u32 s16;
	s16 =	smov.u32 s18;
	s18 =	smov.u32 s20  }
0xe0: {  	_ =	sdelay $0x1  }
0xe1: {  	v3 =	vpop (erf)  }
0xe2: {  	v2 =	vadd.f32 $1.000000020e-16, v2;
	_ =	sdelay $0x1  }
0xe3: {  	(erf) = vrcp.f32 v2;
	_ =	sdelay $0x1  }
0xe4: {  	v1 =	vmul.f32 v3, v1;
	_ =	sdelay $0x1  }
0xe5: {  	v2 =	vld [tilespmem:s16+$0xA0A0];
	[tilespmem:s17+$0x11DA0] =	vst v1  }
0xe6: {  	v1 =	vld [tilespmem:s18+$0xA0A0];
	_ =	sdelay $0x2  }
0xe7: {  	v3 =	vpop (erf)  }
0xe8: {  	v2 =	vmul.f32 v3, v2;
	v3 =	vpop (erf)  }
0xe9: {  	v1 =	vmul.f32 v3, v1  }
0xea: {  	[tilespmem:s16+$0x11DA0] =	vst v2  }
0xeb: {  	[tilespmem:s18+$0x11DA0] =	vst v1  }
0xec: {  	_ =	swait.ge [sflag:s12], $0x500  }
0xed: {  	[sflag:s12] =	ssyncset.done $0x0  }
0xee: {  	s17 =	simm.s32 $0x0;
	[sflag:s12] =	ssyncadd.s32 $0xFFFFFB00  }
0xef: {  	v1 =	vld [tilespmem:s17+$0x28A0];
	_ =	sdelay $0x4  }
0xf0: {  	v1 =	vadd.f32 $1.000000020e-16, v1  }
0xf1: {  	s16 =	simm.s32 $0x10  }
0xf2: {  	(erf) = vrcp.f32 v1;
	v1 =	vld [tilespmem:s16+$0x28A0];
	_ =	sdelay $0x3  }
0xf3: {  	s18 =	simm.s32 $0x20  }
0xf4: {  	v2 =	vld [tilespmem:s18+$0x28A0];
	v3 =	vadd.f32 $1.000000020e-16, v1  }
0xf5: {  	v1 =	vld [tilespmem:s17+$0xA5A0]  }
0xf6: {  	(erf) = vrcp.f32 v3;
	_ =	sdelay $0x2  }
0xf7: {  	s19 =	simm.s32 $0xC0;
	v3 =	vpop (erf)  }
.LBB2_15:
0xf8: {  	s20 =	sshra.s32 s19, $0x2;
	p0 =	sne.s32 s19, $0x13C0;
	s19 =	sadd.s32 $0x40, s19;
	v4 =	vadd.f32 $1.000000020e-16, v2;
	v3 =	vmul.f32 v3, v1;
	v1 =	vld [tilespmem:s16+$0xA5A0]  }
.Ltmp6:
0xf9: {  	v2 =	vld [tilespmem:s20+$0x28A0];
	(pc) =	sbr.rel @p0 .LBB2_15-.Ltmp6, $3  }
0xfa: {  	(erf) = vrcp.f32 v4;
	[tilespmem:s17+$0x122A0] =	vst v3;
	s17 =	smov.u32 s16;
	s16 =	smov.u32 s18;
	s18 =	smov.u32 s20  }
0xfb: {  	_ =	sdelay $0x1  }
0xfc: {  	v3 =	vpop (erf)  }
0xfd: {  	v2 =	vadd.f32 $1.000000020e-16, v2;
	_ =	sdelay $0x1  }
0xfe: {  	(erf) = vrcp.f32 v2;
	_ =	sdelay $0x1  }
0xff: {  	v1 =	vmul.f32 v3, v1;
	_ =	sdelay $0x1  }
0x100: {  	v2 =	vld [tilespmem:s16+$0xA5A0];
	[tilespmem:s17+$0x122A0] =	vst v1  }
0x101: {  	v1 =	vld [tilespmem:s18+$0xA5A0];
	_ =	sdelay $0x2  }
0x102: {  	v3 =	vpop (erf)  }
0x103: {  	v2 =	vmul.f32 v3, v2;
	v3 =	vpop (erf)  }
0x104: {  	v1 =	vmul.f32 v3, v1  }
0x105: {  	[tilespmem:s16+$0x122A0] =	vst v2  }
0x106: {  	[tilespmem:s18+$0x122A0] =	vst v1  }
0x107: {  	_ =	swait.ge [sflag:s12], $0x500  }
0x108: {  	[sflag:s12] =	ssyncset.done $0x0  }
0x109: {  	s17 =	simm.s32 $0x0;
	[sflag:s12] =	ssyncadd.s32 $0xFFFFFB00  }
0x10a: {  	v1 =	vld [tilespmem:s17+$0x2DA0];
	_ =	sdelay $0x4  }
0x10b: {  	v1 =	vadd.f32 $1.000000020e-16, v1  }
0x10c: {  	s16 =	simm.s32 $0x10  }
0x10d: {  	(erf) = vrcp.f32 v1;
	v1 =	vld [tilespmem:s16+$0x2DA0];
	_ =	sdelay $0x3  }
0x10e: {  	s18 =	simm.s32 $0x20  }
0x10f: {  	v2 =	vld [tilespmem:s18+$0x2DA0];
	v3 =	vadd.f32 $1.000000020e-16, v1  }
0x110: {  	v1 =	vld [tilespmem:s17+$0xAAA0]  }
0x111: {  	(erf) = vrcp.f32 v3;
	_ =	sdelay $0x2  }
0x112: {  	s19 =	simm.s32 $0xC0;
	v3 =	vpop (erf)  }
.LBB2_17:
0x113: {  	s20 =	sshra.s32 s19, $0x2;
	p0 =	sne.s32 s19, $0x13C0;
	s19 =	sadd.s32 $0x40, s19;
	v4 =	vadd.f32 $1.000000020e-16, v2;
	v3 =	vmul.f32 v3, v1;
	v1 =	vld [tilespmem:s16+$0xAAA0]  }
.Ltmp7:
0x114: {  	v2 =	vld [tilespmem:s20+$0x2DA0];
	(pc) =	sbr.rel @p0 .LBB2_17-.Ltmp7, $3  }
0x115: {  	(erf) = vrcp.f32 v4;
	[tilespmem:s17+$0x127A0] =	vst v3;
	s17 =	smov.u32 s16;
	s16 =	smov.u32 s18;
	s18 =	smov.u32 s20  }
0x116: {  	_ =	sdelay $0x1  }
0x117: {  	v3 =	vpop (erf)  }
0x118: {  	v2 =	vadd.f32 $1.000000020e-16, v2;
	_ =	sdelay $0x1  }
0x119: {  	(erf) = vrcp.f32 v2;
	_ =	sdelay $0x1  }
0x11a: {  	v1 =	vmul.f32 v3, v1;
	_ =	sdelay $0x1  }
0x11b: {  	v2 =	vld [tilespmem:s16+$0xAAA0];
	[tilespmem:s17+$0x127A0] =	vst v1  }
0x11c: {  	v1 =	vld [tilespmem:s18+$0xAAA0];
	_ =	sdelay $0x2  }
0x11d: {  	v3 =	vpop (erf)  }
0x11e: {  	v2 =	vmul.f32 v3, v2;
	v3 =	vpop (erf)  }
0x11f: {  	v1 =	vmul.f32 v3, v1  }
0x120: {  	[tilespmem:s16+$0x127A0] =	vst v2  }
0x121: {  	[tilespmem:s18+$0x127A0] =	vst v1  }
0x122: {  	_ =	swait.ge [sflag:s12], $0x500  }
0x123: {  	[sflag:s12] =	ssyncset.done $0x0  }
0x124: {  	s17 =	simm.s32 $0x0;
	[sflag:s12] =	ssyncadd.s32 $0xFFFFFB00  }
0x125: {  	v1 =	vld [tilespmem:s17+$0x32A0];
	_ =	sdelay $0x4  }
0x126: {  	v1 =	vadd.f32 $1.000000020e-16, v1  }
0x127: {  	s16 =	simm.s32 $0x10  }
0x128: {  	(erf) = vrcp.f32 v1;
	v1 =	vld [tilespmem:s16+$0x32A0];
	_ =	sdelay $0x3  }
0x129: {  	s18 =	simm.s32 $0x20  }
0x12a: {  	v2 =	vld [tilespmem:s18+$0x32A0];
	v3 =	vadd.f32 $1.000000020e-16, v1  }
0x12b: {  	v1 =	vld [tilespmem:s17+$0xAFA0]  }
0x12c: {  	(erf) = vrcp.f32 v3;
	_ =	sdelay $0x2  }
0x12d: {  	s19 =	simm.s32 $0xC0;
	v3 =	vpop (erf)  }
.LBB2_19:
0x12e: {  	s20 =	sshra.s32 s19, $0x2;
	p0 =	sne.s32 s19, $0x13C0;
	s19 =	sadd.s32 $0x40, s19;
	v4 =	vadd.f32 $1.000000020e-16, v2;
	v3 =	vmul.f32 v3, v1;
	v1 =	vld [tilespmem:s16+$0xAFA0]  }
.Ltmp8:
0x12f: {  	v2 =	vld [tilespmem:s20+$0x32A0];
	(pc) =	sbr.rel @p0 .LBB2_19-.Ltmp8, $3  }
0x130: {  	(erf) = vrcp.f32 v4;
	[tilespmem:s17+$0x12CA0] =	vst v3;
	s17 =	smov.u32 s16;
	s16 =	smov.u32 s18;
	s18 =	smov.u32 s20  }
0x131: {  	_ =	sdelay $0x1  }
0x132: {  	v3 =	vpop (erf)  }
0x133: {  	v2 =	vadd.f32 $1.000000020e-16, v2;
	_ =	sdelay $0x1  }
0x134: {  	(erf) = vrcp.f32 v2;
	_ =	sdelay $0x1  }
0x135: {  	v1 =	vmul.f32 v3, v1;
	_ =	sdelay $0x1  }
0x136: {  	v2 =	vld [tilespmem:s16+$0xAFA0];
	[tilespmem:s17+$0x12CA0] =	vst v1  }
0x137: {  	v1 =	vld [tilespmem:s18+$0xAFA0];
	_ =	sdelay $0x2  }
0x138: {  	v3 =	vpop (erf)  }
0x139: {  	v2 =	vmul.f32 v3, v2;
	v3 =	vpop (erf)  }
0x13a: {  	v1 =	vmul.f32 v3, v1  }
0x13b: {  	[tilespmem:s16+$0x12CA0] =	vst v2  }
0x13c: {  	[tilespmem:s18+$0x12CA0] =	vst v1  }
0x13d: {  	_ =	swait.ge [sflag:s12], $0x500  }
0x13e: {  	[sflag:s12] =	ssyncset.done $0x0  }
0x13f: {  	s17 =	simm.s32 $0x0;
	[sflag:s12] =	ssyncadd.s32 $0xFFFFFB00  }
0x140: {  	v1 =	vld [tilespmem:s17+$0x37A0];
	_ =	sdelay $0x4  }
0x141: {  	v1 =	vadd.f32 $1.000000020e-16, v1  }
0x142: {  	s16 =	simm.s32 $0x10  }
0x143: {  	(erf) = vrcp.f32 v1;
	v1 =	vld [tilespmem:s16+$0x37A0];
	_ =	sdelay $0x3  }
0x144: {  	s18 =	simm.s32 $0x20  }
0x145: {  	v2 =	vld [tilespmem:s18+$0x37A0];
	v3 =	vadd.f32 $1.000000020e-16, v1  }
0x146: {  	v1 =	vld [tilespmem:s17+$0xB4A0]  }
0x147: {  	(erf) = vrcp.f32 v3;
	_ =	sdelay $0x2  }
0x148: {  	s19 =	simm.s32 $0xC0;
	v3 =	vpop (erf)  }
.LBB2_21:
0x149: {  	s20 =	sshra.s32 s19, $0x2;
	p0 =	sne.s32 s19, $0x13C0;
	s19 =	sadd.s32 $0x40, s19;
	v4 =	vadd.f32 $1.000000020e-16, v2;
	v3 =	vmul.f32 v3, v1;
	v1 =	vld [tilespmem:s16+$0xB4A0]  }
.Ltmp9:
0x14a: {  	v2 =	vld [tilespmem:s20+$0x37A0];
	(pc) =	sbr.rel @p0 .LBB2_21-.Ltmp9, $3  }
0x14b: {  	(erf) = vrcp.f32 v4;
	[tilespmem:s17+$0x131A0] =	vst v3;
	s17 =	smov.u32 s16;
	s16 =	smov.u32 s18;
	s18 =	smov.u32 s20  }
0x14c: {  	_ =	sdelay $0x1  }
0x14d: {  	v3 =	vpop (erf)  }
0x14e: {  	v2 =	vadd.f32 $1.000000020e-16, v2;
	_ =	sdelay $0x1  }
0x14f: {  	(erf) = vrcp.f32 v2;
	_ =	sdelay $0x1  }
0x150: {  	v1 =	vmul.f32 v3, v1;
	_ =	sdelay $0x1  }
0x151: {  	v2 =	vld [tilespmem:s16+$0xB4A0];
	[tilespmem:s17+$0x131A0] =	vst v1  }
0x152: {  	v1 =	vld [tilespmem:s18+$0xB4A0];
	_ =	sdelay $0x2  }
0x153: {  	v3 =	vpop (erf)  }
0x154: {  	v2 =	vmul.f32 v3, v2;
	v3 =	vpop (erf)  }
0x155: {  	v1 =	vmul.f32 v3, v1  }
0x156: {  	[tilespmem:s16+$0x131A0] =	vst v2  }
0x157: {  	[tilespmem:s18+$0x131A0] =	vst v1  }
0x158: {  	_ =	swait.ge [sflag:s12], $0x500  }
0x159: {  	[sflag:s12] =	ssyncset.done $0x0  }
0x15a: {  	s17 =	simm.s32 $0x0;
	[sflag:s12] =	ssyncadd.s32 $0xFFFFFB00  }
0x15b: {  	v1 =	vld [tilespmem:s17+$0x3CA0];
	_ =	sdelay $0x4  }
0x15c: {  	v1 =	vadd.f32 $1.000000020e-16, v1  }
0x15d: {  	s16 =	simm.s32 $0x10  }
0x15e: {  	(erf) = vrcp.f32 v1;
	v1 =	vld [tilespmem:s16+$0x3CA0];
	_ =	sdelay $0x3  }
0x15f: {  	s18 =	simm.s32 $0x20  }
0x160: {  	v2 =	vld [tilespmem:s18+$0x3CA0];
	v3 =	vadd.f32 $1.000000020e-16, v1  }
0x161: {  	v1 =	vld [tilespmem:s17+$0xB9A0]  }
0x162: {  	(erf) = vrcp.f32 v3;
	_ =	sdelay $0x2  }
0x163: {  	s19 =	simm.s32 $0xC0;
	v3 =	vpop (erf)  }
.LBB2_23:
0x164: {  	s20 =	sshra.s32 s19, $0x2;
	p0 =	sne.s32 s19, $0x13C0;
	s19 =	sadd.s32 $0x40, s19;
	v4 =	vadd.f32 $1.000000020e-16, v2;
	v3 =	vmul.f32 v3, v1;
	v1 =	vld [tilespmem:s16+$0xB9A0]  }
.Ltmp10:
0x165: {  	v2 =	vld [tilespmem:s20+$0x3CA0];
	(pc) =	sbr.rel @p0 .LBB2_23-.Ltmp10, $3  }
0x166: {  	(erf) = vrcp.f32 v4;
	[tilespmem:s17+$0x136A0] =	vst v3;
	s17 =	smov.u32 s16;
	s16 =	smov.u32 s18;
	s18 =	smov.u32 s20  }
0x167: {  	_ =	sdelay $0x1  }
0x168: {  	v3 =	vpop (erf)  }
0x169: {  	v2 =	vadd.f32 $1.000000020e-16, v2;
	_ =	sdelay $0x1  }
0x16a: {  	(erf) = vrcp.f32 v2;
	_ =	sdelay $0x1  }
0x16b: {  	v1 =	vmul.f32 v3, v1;
	_ =	sdelay $0x1  }
0x16c: {  	v2 =	vld [tilespmem:s16+$0xB9A0];
	[tilespmem:s17+$0x136A0] =	vst v1  }
0x16d: {  	v1 =	vld [tilespmem:s18+$0xB9A0];
	_ =	sdelay $0x2  }
0x16e: {  	v3 =	vpop (erf)  }
0x16f: {  	v2 =	vmul.f32 v3, v2;
	v3 =	vpop (erf)  }
0x170: {  	v1 =	vmul.f32 v3, v1  }
0x171: {  	[tilespmem:s16+$0x136A0] =	vst v2  }
0x172: {  	[tilespmem:s18+$0x136A0] =	vst v1  }
0x173: {  	_ =	swait.ge [sflag:s12], $0x500  }
0x174: {  	[sflag:s12] =	ssyncset.done $0x0  }
0x175: {  	s17 =	simm.s32 $0x0;
	[sflag:s12] =	ssyncadd.s32 $0xFFFFFB00  }
0x176: {  	v1 =	vld [tilespmem:s17+$0x41A0];
	_ =	sdelay $0x4  }
0x177: {  	v1 =	vadd.f32 $1.000000020e-16, v1  }
0x178: {  	s16 =	simm.s32 $0x10  }
0x179: {  	(erf) = vrcp.f32 v1;
	v1 =	vld [tilespmem:s16+$0x41A0];
	_ =	sdelay $0x3  }
0x17a: {  	s18 =	simm.s32 $0x20  }
0x17b: {  	v2 =	vld [tilespmem:s18+$0x41A0];
	v3 =	vadd.f32 $1.000000020e-16, v1  }
0x17c: {  	v1 =	vld [tilespmem:s17+$0xBEA0]  }
0x17d: {  	(erf) = vrcp.f32 v3;
	_ =	sdelay $0x2  }
0x17e: {  	s19 =	simm.s32 $0xC0;
	v3 =	vpop (erf)  }
.LBB2_25:
0x17f: {  	s20 =	sshra.s32 s19, $0x2;
	p0 =	sne.s32 s19, $0x13C0;
	s19 =	sadd.s32 $0x40, s19;
	v4 =	vadd.f32 $1.000000020e-16, v2;
	v3 =	vmul.f32 v3, v1;
	v1 =	vld [tilespmem:s16+$0xBEA0]  }
.Ltmp11:
0x180: {  	v2 =	vld [tilespmem:s20+$0x41A0];
	(pc) =	sbr.rel @p0 .LBB2_25-.Ltmp11, $3  }
0x181: {  	(erf) = vrcp.f32 v4;
	[tilespmem:s17+$0x13BA0] =	vst v3;
	s17 =	smov.u32 s16;
	s16 =	smov.u32 s18;
	s18 =	smov.u32 s20  }
0x182: {  	_ =	sdelay $0x1  }
0x183: {  	v3 =	vpop (erf)  }
0x184: {  	v2 =	vadd.f32 $1.000000020e-16, v2;
	_ =	sdelay $0x1  }
0x185: {  	(erf) = vrcp.f32 v2;
	_ =	sdelay $0x1  }
0x186: {  	v1 =	vmul.f32 v3, v1;
	_ =	sdelay $0x1  }
0x187: {  	v2 =	vld [tilespmem:s16+$0xBEA0];
	[tilespmem:s17+$0x13BA0] =	vst v1  }
0x188: {  	v1 =	vld [tilespmem:s18+$0xBEA0];
	_ =	sdelay $0x2  }
0x189: {  	v3 =	vpop (erf)  }
0x18a: {  	v2 =	vmul.f32 v3, v2;
	v3 =	vpop (erf)  }
0x18b: {  	v1 =	vmul.f32 v3, v1  }
0x18c: {  	[tilespmem:s16+$0x13BA0] =	vst v2  }
0x18d: {  	[tilespmem:s18+$0x13BA0] =	vst v1  }
0x18e: {  	_ =	swait.ge [sflag:s12], $0x500  }
0x18f: {  	[sflag:s12] =	ssyncset.done $0x0  }
0x190: {  	s17 =	simm.s32 $0x0;
	[sflag:s12] =	ssyncadd.s32 $0xFFFFFB00  }
0x191: {  	v1 =	vld [tilespmem:s17+$0x46A0];
	_ =	sdelay $0x4  }
0x192: {  	v1 =	vadd.f32 $1.000000020e-16, v1  }
0x193: {  	s16 =	simm.s32 $0x10  }
0x194: {  	(erf) = vrcp.f32 v1;
	v1 =	vld [tilespmem:s16+$0x46A0];
	_ =	sdelay $0x3  }
0x195: {  	s18 =	simm.s32 $0x20  }
0x196: {  	v2 =	vld [tilespmem:s18+$0x46A0];
	v3 =	vadd.f32 $1.000000020e-16, v1  }
0x197: {  	v1 =	vld [tilespmem:s17+$0xC3A0]  }
0x198: {  	(erf) = vrcp.f32 v3;
	_ =	sdelay $0x2  }
0x199: {  	s19 =	simm.s32 $0xC0;
	v3 =	vpop (erf)  }
.LBB2_27:
0x19a: {  	s20 =	sshra.s32 s19, $0x2;
	p0 =	sne.s32 s19, $0x13C0;
	s19 =	sadd.s32 $0x40, s19;
	v4 =	vadd.f32 $1.000000020e-16, v2;
	v3 =	vmul.f32 v3, v1;
	v1 =	vld [tilespmem:s16+$0xC3A0]  }
.Ltmp12:
0x19b: {  	v2 =	vld [tilespmem:s20+$0x46A0];
	(pc) =	sbr.rel @p0 .LBB2_27-.Ltmp12, $3  }
0x19c: {  	(erf) = vrcp.f32 v4;
	[tilespmem:s17+$0x140A0] =	vst v3;
	s17 =	smov.u32 s16;
	s16 =	smov.u32 s18;
	s18 =	smov.u32 s20  }
0x19d: {  	_ =	sdelay $0x1  }
0x19e: {  	v3 =	vpop (erf)  }
0x19f: {  	v2 =	vadd.f32 $1.000000020e-16, v2;
	_ =	sdelay $0x1  }
0x1a0: {  	(erf) = vrcp.f32 v2;
	_ =	sdelay $0x1  }
0x1a1: {  	v1 =	vmul.f32 v3, v1;
	_ =	sdelay $0x1  }
0x1a2: {  	v2 =	vld [tilespmem:s16+$0xC3A0];
	[tilespmem:s17+$0x140A0] =	vst v1  }
0x1a3: {  	v1 =	vld [tilespmem:s18+$0xC3A0];
	_ =	sdelay $0x2  }
0x1a4: {  	v3 =	vpop (erf)  }
0x1a5: {  	v2 =	vmul.f32 v3, v2;
	v3 =	vpop (erf)  }
0x1a6: {  	v1 =	vmul.f32 v3, v1  }
0x1a7: {  	[tilespmem:s16+$0x140A0] =	vst v2  }
0x1a8: {  	[tilespmem:s18+$0x140A0] =	vst v1  }
0x1a9: {  	_ =	swait.ge [sflag:s12], $0x500  }
0x1aa: {  	[sflag:s12] =	ssyncset.done $0x0  }
0x1ab: {  	s17 =	simm.s32 $0x0;
	[sflag:s12] =	ssyncadd.s32 $0xFFFFFB00  }
0x1ac: {  	v1 =	vld [tilespmem:s17+$0x4BA0];
	_ =	sdelay $0x4  }
0x1ad: {  	v1 =	vadd.f32 $1.000000020e-16, v1  }
0x1ae: {  	s16 =	simm.s32 $0x10  }
0x1af: {  	(erf) = vrcp.f32 v1;
	v1 =	vld [tilespmem:s16+$0x4BA0];
	_ =	sdelay $0x3  }
0x1b0: {  	s18 =	simm.s32 $0x20  }
0x1b1: {  	v2 =	vld [tilespmem:s18+$0x4BA0];
	v3 =	vadd.f32 $1.000000020e-16, v1  }
0x1b2: {  	v1 =	vld [tilespmem:s17+$0xC8A0]  }
0x1b3: {  	(erf) = vrcp.f32 v3;
	_ =	sdelay $0x2  }
0x1b4: {  	s19 =	simm.s32 $0xC0;
	v3 =	vpop (erf)  }
.LBB2_29:
0x1b5: {  	s20 =	sshra.s32 s19, $0x2;
	p0 =	sne.s32 s19, $0x13C0;
	s19 =	sadd.s32 $0x40, s19;
	v4 =	vadd.f32 $1.000000020e-16, v2;
	v3 =	vmul.f32 v3, v1;
	v1 =	vld [tilespmem:s16+$0xC8A0]  }
.Ltmp13:
0x1b6: {  	v2 =	vld [tilespmem:s20+$0x4BA0];
	(pc) =	sbr.rel @p0 .LBB2_29-.Ltmp13, $3  }
0x1b7: {  	(erf) = vrcp.f32 v4;
	[tilespmem:s17+$0x145A0] =	vst v3;
	s17 =	smov.u32 s16;
	s16 =	smov.u32 s18;
	s18 =	smov.u32 s20  }
0x1b8: {  	_ =	sdelay $0x1  }
0x1b9: {  	v3 =	vpop (erf)  }
0x1ba: {  	v2 =	vadd.f32 $1.000000020e-16, v2;
	_ =	sdelay $0x1  }
0x1bb: {  	(erf) = vrcp.f32 v2;
	_ =	sdelay $0x1  }
0x1bc: {  	v1 =	vmul.f32 v3, v1;
	_ =	sdelay $0x1  }
0x1bd: {  	v2 =	vld [tilespmem:s16+$0xC8A0];
	[tilespmem:s17+$0x145A0] =	vst v1  }
0x1be: {  	v1 =	vld [tilespmem:s18+$0xC8A0];
	_ =	sdelay $0x2  }
0x1bf: {  	v3 =	vpop (erf)  }
0x1c0: {  	v2 =	vmul.f32 v3, v2;
	v3 =	vpop (erf)  }
0x1c1: {  	v1 =	vmul.f32 v3, v1  }
0x1c2: {  	[tilespmem:s16+$0x145A0] =	vst v2  }
0x1c3: {  	[tilespmem:s18+$0x145A0] =	vst v1  }
0x1c4: {  	_ =	swait.ge [sflag:s12], $0x500  }
0x1c5: {  	[sflag:s12] =	ssyncset.done $0x0  }
0x1c6: {  	s17 =	simm.s32 $0x0;
	[sflag:s12] =	ssyncadd.s32 $0xFFFFFB00  }
0x1c7: {  	v1 =	vld [tilespmem:s17+$0x50A0];
	_ =	sdelay $0x4  }
0x1c8: {  	v1 =	vadd.f32 $1.000000020e-16, v1  }
0x1c9: {  	s16 =	simm.s32 $0x10  }
0x1ca: {  	(erf) = vrcp.f32 v1;
	v1 =	vld [tilespmem:s16+$0x50A0];
	_ =	sdelay $0x3  }
0x1cb: {  	s18 =	simm.s32 $0x20  }
0x1cc: {  	v2 =	vld [tilespmem:s18+$0x50A0];
	v3 =	vadd.f32 $1.000000020e-16, v1  }
0x1cd: {  	v1 =	vld [tilespmem:s17+$0xCDA0]  }
0x1ce: {  	(erf) = vrcp.f32 v3;
	_ =	sdelay $0x2  }
0x1cf: {  	s19 =	simm.s32 $0xC0;
	v3 =	vpop (erf)  }
.LBB2_31:
0x1d0: {  	s20 =	sshra.s32 s19, $0x2;
	p0 =	sne.s32 s19, $0x13C0;
	s19 =	sadd.s32 $0x40, s19;
	v4 =	vadd.f32 $1.000000020e-16, v2;
	v3 =	vmul.f32 v3, v1;
	v1 =	vld [tilespmem:s16+$0xCDA0]  }
.Ltmp14:
0x1d1: {  	v2 =	vld [tilespmem:s20+$0x50A0];
	(pc) =	sbr.rel @p0 .LBB2_31-.Ltmp14, $3  }
0x1d2: {  	(erf) = vrcp.f32 v4;
	[tilespmem:s17+$0x14AA0] =	vst v3;
	s17 =	smov.u32 s16;
	s16 =	smov.u32 s18;
	s18 =	smov.u32 s20  }
0x1d3: {  	_ =	sdelay $0x1  }
0x1d4: {  	v3 =	vpop (erf)  }
0x1d5: {  	v2 =	vadd.f32 $1.000000020e-16, v2;
	_ =	sdelay $0x1  }
0x1d6: {  	(erf) = vrcp.f32 v2;
	_ =	sdelay $0x1  }
0x1d7: {  	v1 =	vmul.f32 v3, v1;
	_ =	sdelay $0x1  }
0x1d8: {  	v2 =	vld [tilespmem:s16+$0xCDA0];
	[tilespmem:s17+$0x14AA0] =	vst v1  }
0x1d9: {  	v1 =	vld [tilespmem:s18+$0xCDA0];
	_ =	sdelay $0x2  }
0x1da: {  	v3 =	vpop (erf)  }
0x1db: {  	v2 =	vmul.f32 v3, v2;
	v3 =	vpop (erf)  }
0x1dc: {  	v1 =	vmul.f32 v3, v1  }
0x1dd: {  	[tilespmem:s16+$0x14AA0] =	vst v2  }
0x1de: {  	[tilespmem:s18+$0x14AA0] =	vst v1  }
0x1df: {  	_ =	swait.ge [sflag:s12], $0x500  }
0x1e0: {  	[sflag:s12] =	ssyncset.done $0x0  }
0x1e1: {  	s17 =	simm.s32 $0x0;
	[sflag:s12] =	ssyncadd.s32 $0xFFFFFB00  }
0x1e2: {  	v1 =	vld [tilespmem:s17+$0x55A0];
	_ =	sdelay $0x4  }
0x1e3: {  	v1 =	vadd.f32 $1.000000020e-16, v1  }
0x1e4: {  	s16 =	simm.s32 $0x10  }
0x1e5: {  	(erf) = vrcp.f32 v1;
	v1 =	vld [tilespmem:s16+$0x55A0];
	_ =	sdelay $0x3  }
0x1e6: {  	s18 =	simm.s32 $0x20  }
0x1e7: {  	v2 =	vld [tilespmem:s18+$0x55A0];
	v3 =	vadd.f32 $1.000000020e-16, v1  }
0x1e8: {  	v1 =	vld [tilespmem:s17+$0xD2A0]  }
0x1e9: {  	(erf) = vrcp.f32 v3;
	_ =	sdelay $0x2  }
0x1ea: {  	s19 =	simm.s32 $0xC0;
	v3 =	vpop (erf)  }
.LBB2_33:
0x1eb: {  	s20 =	sshra.s32 s19, $0x2;
	p0 =	sne.s32 s19, $0x13C0;
	s19 =	sadd.s32 $0x40, s19;
	v4 =	vadd.f32 $1.000000020e-16, v2;
	v3 =	vmul.f32 v3, v1;
	v1 =	vld [tilespmem:s16+$0xD2A0]  }
.Ltmp15:
0x1ec: {  	v2 =	vld [tilespmem:s20+$0x55A0];
	(pc) =	sbr.rel @p0 .LBB2_33-.Ltmp15, $3  }
0x1ed: {  	(erf) = vrcp.f32 v4;
	[tilespmem:s17+$0x14FA0] =	vst v3;
	s17 =	smov.u32 s16;
	s16 =	smov.u32 s18;
	s18 =	smov.u32 s20  }
0x1ee: {  	_ =	sdelay $0x1  }
0x1ef: {  	v3 =	vpop (erf)  }
0x1f0: {  	v2 =	vadd.f32 $1.000000020e-16, v2;
	_ =	sdelay $0x1  }
0x1f1: {  	(erf) = vrcp.f32 v2;
	_ =	sdelay $0x1  }
0x1f2: {  	v1 =	vmul.f32 v3, v1;
	_ =	sdelay $0x1  }
0x1f3: {  	v2 =	vld [tilespmem:s16+$0xD2A0];
	[tilespmem:s17+$0x14FA0] =	vst v1  }
0x1f4: {  	v1 =	vld [tilespmem:s18+$0xD2A0];
	_ =	sdelay $0x2  }
0x1f5: {  	v3 =	vpop (erf)  }
0x1f6: {  	v2 =	vmul.f32 v3, v2;
	v3 =	vpop (erf)  }
0x1f7: {  	v1 =	vmul.f32 v3, v1  }
0x1f8: {  	[tilespmem:s16+$0x14FA0] =	vst v2  }
0x1f9: {  	[tilespmem:s18+$0x14FA0] =	vst v1  }
0x1fa: {  	_ =	swait.ge [sflag:s12], $0x500  }
0x1fb: {  	[sflag:s12] =	ssyncset.done $0x0  }
0x1fc: {  	s17 =	simm.s32 $0x0;
	[sflag:s12] =	ssyncadd.s32 $0xFFFFFB00  }
0x1fd: {  	v1 =	vld [tilespmem:s17+$0x5AA0];
	_ =	sdelay $0x4  }
0x1fe: {  	v1 =	vadd.f32 $1.000000020e-16, v1  }
0x1ff: {  	s16 =	simm.s32 $0x10  }
0x200: {  	(erf) = vrcp.f32 v1;
	v1 =	vld [tilespmem:s16+$0x5AA0];
	_ =	sdelay $0x3  }
0x201: {  	s18 =	simm.s32 $0x20  }
0x202: {  	v2 =	vld [tilespmem:s18+$0x5AA0];
	v3 =	vadd.f32 $1.000000020e-16, v1  }
0x203: {  	v1 =	vld [tilespmem:s17+$0xD7A0]  }
0x204: {  	(erf) = vrcp.f32 v3;
	_ =	sdelay $0x2  }
0x205: {  	s19 =	simm.s32 $0xC0;
	v3 =	vpop (erf)  }
.LBB2_35:
0x206: {  	s20 =	sshra.s32 s19, $0x2;
	p0 =	sne.s32 s19, $0x13C0;
	s19 =	sadd.s32 $0x40, s19;
	v4 =	vadd.f32 $1.000000020e-16, v2;
	v3 =	vmul.f32 v3, v1;
	v1 =	vld [tilespmem:s16+$0xD7A0]  }
.Ltmp16:
0x207: {  	v2 =	vld [tilespmem:s20+$0x5AA0];
	(pc) =	sbr.rel @p0 .LBB2_35-.Ltmp16, $3  }
0x208: {  	(erf) = vrcp.f32 v4;
	[tilespmem:s17+$0x154A0] =	vst v3;
	s17 =	smov.u32 s16;
	s16 =	smov.u32 s18;
	s18 =	smov.u32 s20  }
0x209: {  	_ =	sdelay $0x1  }
0x20a: {  	v3 =	vpop (erf)  }
0x20b: {  	v2 =	vadd.f32 $1.000000020e-16, v2;
	_ =	sdelay $0x1  }
0x20c: {  	(erf) = vrcp.f32 v2;
	_ =	sdelay $0x1  }
0x20d: {  	v1 =	vmul.f32 v3, v1;
	_ =	sdelay $0x1  }
0x20e: {  	v2 =	vld [tilespmem:s16+$0xD7A0];
	[tilespmem:s17+$0x154A0] =	vst v1  }
0x20f: {  	v1 =	vld [tilespmem:s18+$0xD7A0];
	_ =	sdelay $0x2  }
0x210: {  	v3 =	vpop (erf)  }
0x211: {  	v2 =	vmul.f32 v3, v2;
	v3 =	vpop (erf)  }
0x212: {  	v1 =	vmul.f32 v3, v1  }
0x213: {  	[tilespmem:s16+$0x154A0] =	vst v2  }
0x214: {  	[tilespmem:s18+$0x154A0] =	vst v1  }
0x215: {  	_ =	swait.ge [sflag:s12], $0x500  }
0x216: {  	[sflag:s12] =	ssyncset.done $0x0  }
0x217: {  	s17 =	simm.s32 $0x0;
	[sflag:s12] =	ssyncadd.s32 $0xFFFFFB00  }
0x218: {  	v1 =	vld [tilespmem:s17+$0x5FA0];
	_ =	sdelay $0x4  }
0x219: {  	v1 =	vadd.f32 $1.000000020e-16, v1  }
0x21a: {  	s16 =	simm.s32 $0x10  }
0x21b: {  	(erf) = vrcp.f32 v1;
	v1 =	vld [tilespmem:s16+$0x5FA0];
	_ =	sdelay $0x3  }
0x21c: {  	s18 =	simm.s32 $0x20  }
0x21d: {  	v2 =	vld [tilespmem:s18+$0x5FA0];
	v3 =	vadd.f32 $1.000000020e-16, v1  }
0x21e: {  	v1 =	vld [tilespmem:s17+$0xDCA0]  }
0x21f: {  	(erf) = vrcp.f32 v3;
	_ =	sdelay $0x2  }
0x220: {  	s19 =	simm.s32 $0xC0;
	v3 =	vpop (erf)  }
.LBB2_37:
0x221: {  	s20 =	sshra.s32 s19, $0x2;
	p0 =	sne.s32 s19, $0x13C0;
	s19 =	sadd.s32 $0x40, s19;
	v4 =	vadd.f32 $1.000000020e-16, v2;
	v3 =	vmul.f32 v3, v1;
	v1 =	vld [tilespmem:s16+$0xDCA0]  }
.Ltmp17:
0x222: {  	v2 =	vld [tilespmem:s20+$0x5FA0];
	(pc) =	sbr.rel @p0 .LBB2_37-.Ltmp17, $3  }
0x223: {  	(erf) = vrcp.f32 v4;
	[tilespmem:s17+$0x159A0] =	vst v3;
	s17 =	smov.u32 s16;
	s16 =	smov.u32 s18;
	s18 =	smov.u32 s20  }
0x224: {  	_ =	sdelay $0x1  }
0x225: {  	v3 =	vpop (erf)  }
0x226: {  	v2 =	vadd.f32 $1.000000020e-16, v2;
	_ =	sdelay $0x1  }
0x227: {  	(erf) = vrcp.f32 v2;
	_ =	sdelay $0x1  }
0x228: {  	v1 =	vmul.f32 v3, v1;
	_ =	sdelay $0x1  }
0x229: {  	v2 =	vld [tilespmem:s16+$0xDCA0];
	[tilespmem:s17+$0x159A0] =	vst v1  }
0x22a: {  	v1 =	vld [tilespmem:s18+$0xDCA0];
	_ =	sdelay $0x2  }
0x22b: {  	v3 =	vpop (erf)  }
0x22c: {  	v2 =	vmul.f32 v3, v2;
	v3 =	vpop (erf)  }
0x22d: {  	v1 =	vmul.f32 v3, v1  }
0x22e: {  	[tilespmem:s16+$0x159A0] =	vst v2  }
0x22f: {  	[tilespmem:s18+$0x159A0] =	vst v1  }
0x230: {  	_ =	swait.ge [sflag:s12], $0x500  }
0x231: {  	[sflag:s12] =	ssyncset.done $0x0  }
0x232: {  	s17 =	simm.s32 $0x0;
	[sflag:s12] =	ssyncadd.s32 $0xFFFFFB00  }
0x233: {  	v1 =	vld [tilespmem:s17+$0x64A0];
	_ =	sdelay $0x4  }
0x234: {  	v1 =	vadd.f32 $1.000000020e-16, v1  }
0x235: {  	s16 =	simm.s32 $0x10  }
0x236: {  	(erf) = vrcp.f32 v1;
	v1 =	vld [tilespmem:s16+$0x64A0];
	_ =	sdelay $0x3  }
0x237: {  	s18 =	simm.s32 $0x20  }
0x238: {  	v2 =	vld [tilespmem:s18+$0x64A0];
	v3 =	vadd.f32 $1.000000020e-16, v1  }
0x239: {  	v1 =	vld [tilespmem:s17+$0xE1A0]  }
0x23a: {  	(erf) = vrcp.f32 v3;
	_ =	sdelay $0x2  }
0x23b: {  	s19 =	simm.s32 $0xC0;
	v3 =	vpop (erf)  }
.LBB2_39:
0x23c: {  	s20 =	sshra.s32 s19, $0x2;
	p0 =	sne.s32 s19, $0x13C0;
	s19 =	sadd.s32 $0x40, s19;
	v4 =	vadd.f32 $1.000000020e-16, v2;
	v3 =	vmul.f32 v3, v1;
	v1 =	vld [tilespmem:s16+$0xE1A0]  }
.Ltmp18:
0x23d: {  	v2 =	vld [tilespmem:s20+$0x64A0];
	(pc) =	sbr.rel @p0 .LBB2_39-.Ltmp18, $3  }
0x23e: {  	(erf) = vrcp.f32 v4;
	[tilespmem:s17+$0x15EA0] =	vst v3;
	s17 =	smov.u32 s16;
	s16 =	smov.u32 s18;
	s18 =	smov.u32 s20  }
0x23f: {  	_ =	sdelay $0x1  }
0x240: {  	v3 =	vpop (erf)  }
0x241: {  	v2 =	vadd.f32 $1.000000020e-16, v2;
	_ =	sdelay $0x1  }
0x242: {  	(erf) = vrcp.f32 v2;
	_ =	sdelay $0x1  }
0x243: {  	v1 =	vmul.f32 v3, v1;
	_ =	sdelay $0x1  }
0x244: {  	v2 =	vld [tilespmem:s16+$0xE1A0];
	[tilespmem:s17+$0x15EA0] =	vst v1  }
0x245: {  	v1 =	vld [tilespmem:s18+$0xE1A0];
	_ =	sdelay $0x2  }
0x246: {  	v3 =	vpop (erf)  }
0x247: {  	v2 =	vmul.f32 v3, v2;
	v3 =	vpop (erf)  }
0x248: {  	v1 =	vmul.f32 v3, v1  }
0x249: {  	[tilespmem:s16+$0x15EA0] =	vst v2  }
0x24a: {  	[tilespmem:s18+$0x15EA0] =	vst v1  }
0x24b: {  	_ =	swait.ge [sflag:s12], $0x500  }
0x24c: {  	[sflag:s12] =	ssyncset.done $0x0  }
0x24d: {  	s17 =	simm.s32 $0x0;
	[sflag:s12] =	ssyncadd.s32 $0xFFFFFB00  }
0x24e: {  	v1 =	vld [tilespmem:s17+$0x69A0];
	_ =	sdelay $0x4  }
0x24f: {  	v1 =	vadd.f32 $1.000000020e-16, v1  }
0x250: {  	s16 =	simm.s32 $0x10  }
0x251: {  	(erf) = vrcp.f32 v1;
	v1 =	vld [tilespmem:s16+$0x69A0];
	_ =	sdelay $0x3  }
0x252: {  	s18 =	simm.s32 $0x20  }
0x253: {  	v2 =	vld [tilespmem:s18+$0x69A0];
	v3 =	vadd.f32 $1.000000020e-16, v1  }
0x254: {  	v1 =	vld [tilespmem:s17+$0xE6A0]  }
0x255: {  	(erf) = vrcp.f32 v3;
	_ =	sdelay $0x2  }
0x256: {  	s19 =	simm.s32 $0xC0;
	v3 =	vpop (erf)  }
.LBB2_41:
0x257: {  	s20 =	sshra.s32 s19, $0x2;
	p0 =	sne.s32 s19, $0x13C0;
	s19 =	sadd.s32 $0x40, s19;
	v4 =	vadd.f32 $1.000000020e-16, v2;
	v3 =	vmul.f32 v3, v1;
	v1 =	vld [tilespmem:s16+$0xE6A0]  }
.Ltmp19:
0x258: {  	v2 =	vld [tilespmem:s20+$0x69A0];
	(pc) =	sbr.rel @p0 .LBB2_41-.Ltmp19, $3  }
0x259: {  	(erf) = vrcp.f32 v4;
	[tilespmem:s17+$0x163A0] =	vst v3;
	s17 =	smov.u32 s16;
	s16 =	smov.u32 s18;
	s18 =	smov.u32 s20  }
0x25a: {  	_ =	sdelay $0x1  }
0x25b: {  	v3 =	vpop (erf)  }
0x25c: {  	v2 =	vadd.f32 $1.000000020e-16, v2;
	_ =	sdelay $0x1  }
0x25d: {  	(erf) = vrcp.f32 v2;
	_ =	sdelay $0x1  }
0x25e: {  	v1 =	vmul.f32 v3, v1;
	_ =	sdelay $0x1  }
0x25f: {  	v2 =	vld [tilespmem:s16+$0xE6A0];
	[tilespmem:s17+$0x163A0] =	vst v1  }
0x260: {  	v1 =	vld [tilespmem:s18+$0xE6A0];
	_ =	sdelay $0x2  }
0x261: {  	v3 =	vpop (erf)  }
0x262: {  	v2 =	vmul.f32 v3, v2;
	v3 =	vpop (erf)  }
0x263: {  	v1 =	vmul.f32 v3, v1  }
0x264: {  	[tilespmem:s16+$0x163A0] =	vst v2  }
0x265: {  	[tilespmem:s18+$0x163A0] =	vst v1  }
0x266: {  	_ =	swait.ge [sflag:s12], $0x500  }
0x267: {  	[sflag:s12] =	ssyncset.done $0x0  }
0x268: {  	s17 =	simm.s32 $0x0;
	[sflag:s12] =	ssyncadd.s32 $0xFFFFFB00  }
0x269: {  	v1 =	vld [tilespmem:s17+$0x6EA0];
	_ =	sdelay $0x4  }
0x26a: {  	v1 =	vadd.f32 $1.000000020e-16, v1  }
0x26b: {  	s16 =	simm.s32 $0x10  }
0x26c: {  	(erf) = vrcp.f32 v1;
	v1 =	vld [tilespmem:s16+$0x6EA0];
	_ =	sdelay $0x3  }
0x26d: {  	s18 =	simm.s32 $0x20  }
0x26e: {  	v2 =	vld [tilespmem:s18+$0x6EA0];
	v3 =	vadd.f32 $1.000000020e-16, v1  }
0x26f: {  	v1 =	vld [tilespmem:s17+$0xEBA0]  }
0x270: {  	(erf) = vrcp.f32 v3;
	_ =	sdelay $0x2  }
0x271: {  	s19 =	simm.s32 $0xC0;
	v3 =	vpop (erf)  }
.LBB2_43:
0x272: {  	s20 =	sshra.s32 s19, $0x2;
	p0 =	sne.s32 s19, $0x13C0;
	s19 =	sadd.s32 $0x40, s19;
	v4 =	vadd.f32 $1.000000020e-16, v2;
	v3 =	vmul.f32 v3, v1;
	v1 =	vld [tilespmem:s16+$0xEBA0]  }
.Ltmp20:
0x273: {  	v2 =	vld [tilespmem:s20+$0x6EA0];
	(pc) =	sbr.rel @p0 .LBB2_43-.Ltmp20, $3  }
0x274: {  	(erf) = vrcp.f32 v4;
	[tilespmem:s17+$0x168A0] =	vst v3;
	s17 =	smov.u32 s16;
	s16 =	smov.u32 s18;
	s18 =	smov.u32 s20  }
0x275: {  	_ =	sdelay $0x1  }
0x276: {  	v3 =	vpop (erf)  }
0x277: {  	v2 =	vadd.f32 $1.000000020e-16, v2;
	_ =	sdelay $0x1  }
0x278: {  	(erf) = vrcp.f32 v2;
	_ =	sdelay $0x1  }
0x279: {  	v1 =	vmul.f32 v3, v1;
	_ =	sdelay $0x1  }
0x27a: {  	v2 =	vld [tilespmem:s16+$0xEBA0];
	[tilespmem:s17+$0x168A0] =	vst v1  }
0x27b: {  	v1 =	vld [tilespmem:s18+$0xEBA0];
	_ =	sdelay $0x2  }
0x27c: {  	v3 =	vpop (erf)  }
0x27d: {  	v2 =	vmul.f32 v3, v2;
	v3 =	vpop (erf)  }
0x27e: {  	v1 =	vmul.f32 v3, v1  }
0x27f: {  	[tilespmem:s16+$0x168A0] =	vst v2  }
0x280: {  	[tilespmem:s18+$0x168A0] =	vst v1  }
0x281: {  	_ =	swait.ge [sflag:s12], $0x500  }
0x282: {  	[sflag:s12] =	ssyncset.done $0x0  }
0x283: {  	s17 =	simm.s32 $0x0;
	[sflag:s12] =	ssyncadd.s32 $0xFFFFFB00  }
0x284: {  	v1 =	vld [tilespmem:s17+$0x73A0];
	_ =	sdelay $0x4  }
0x285: {  	v1 =	vadd.f32 $1.000000020e-16, v1  }
0x286: {  	s16 =	simm.s32 $0x10  }
0x287: {  	(erf) = vrcp.f32 v1;
	v1 =	vld [tilespmem:s16+$0x73A0];
	_ =	sdelay $0x3  }
0x288: {  	s18 =	simm.s32 $0x20  }
0x289: {  	v2 =	vld [tilespmem:s18+$0x73A0];
	v3 =	vadd.f32 $1.000000020e-16, v1  }
0x28a: {  	v1 =	vld [tilespmem:s17+$0xF0A0]  }
0x28b: {  	(erf) = vrcp.f32 v3;
	_ =	sdelay $0x2  }
0x28c: {  	s19 =	simm.s32 $0xC0;
	v3 =	vpop (erf)  }
.LBB2_45:
0x28d: {  	s20 =	sshra.s32 s19, $0x2;
	p0 =	sne.s32 s19, $0x13C0;
	s19 =	sadd.s32 $0x40, s19;
	v4 =	vadd.f32 $1.000000020e-16, v2;
	v3 =	vmul.f32 v3, v1;
	v1 =	vld [tilespmem:s16+$0xF0A0]  }
.Ltmp21:
0x28e: {  	v2 =	vld [tilespmem:s20+$0x73A0];
	(pc) =	sbr.rel @p0 .LBB2_45-.Ltmp21, $3  }
0x28f: {  	(erf) = vrcp.f32 v4;
	[tilespmem:s17+$0x16DA0] =	vst v3;
	s17 =	smov.u32 s16;
	s16 =	smov.u32 s18;
	s18 =	smov.u32 s20  }
0x290: {  	_ =	sdelay $0x1  }
0x291: {  	v3 =	vpop (erf)  }
0x292: {  	v2 =	vadd.f32 $1.000000020e-16, v2;
	_ =	sdelay $0x1  }
0x293: {  	(erf) = vrcp.f32 v2;
	_ =	sdelay $0x1  }
0x294: {  	v1 =	vmul.f32 v3, v1;
	_ =	sdelay $0x1  }
0x295: {  	v2 =	vld [tilespmem:s16+$0xF0A0];
	[tilespmem:s17+$0x16DA0] =	vst v1  }
0x296: {  	v1 =	vld [tilespmem:s18+$0xF0A0];
	_ =	sdelay $0x2  }
0x297: {  	v3 =	vpop (erf)  }
0x298: {  	v2 =	vmul.f32 v3, v2;
	v3 =	vpop (erf)  }
0x299: {  	v1 =	vmul.f32 v3, v1  }
0x29a: {  	[tilespmem:s16+$0x16DA0] =	vst v2  }
0x29b: {  	[tilespmem:s18+$0x16DA0] =	vst v1  }
0x29c: {  	_ =	swait.ge [sflag:s12], $0x500  }
0x29d: {  	[sflag:s12] =	ssyncset.done $0x0  }
0x29e: {  	s17 =	simm.s32 $0x0;
	[sflag:s12] =	ssyncadd.s32 $0xFFFFFB00  }
0x29f: {  	v1 =	vld [tilespmem:s17+$0x78A0];
	_ =	sdelay $0x4  }
0x2a0: {  	v1 =	vadd.f32 $1.000000020e-16, v1  }
0x2a1: {  	s16 =	simm.s32 $0x10  }
0x2a2: {  	(erf) = vrcp.f32 v1;
	v1 =	vld [tilespmem:s16+$0x78A0];
	_ =	sdelay $0x3  }
0x2a3: {  	s18 =	simm.s32 $0x20  }
0x2a4: {  	v2 =	vld [tilespmem:s18+$0x78A0];
	v3 =	vadd.f32 $1.000000020e-16, v1  }
0x2a5: {  	v1 =	vld [tilespmem:s17+$0xF5A0]  }
0x2a6: {  	(erf) = vrcp.f32 v3;
	_ =	sdelay $0x2  }
0x2a7: {  	s19 =	simm.s32 $0xC0;
	v3 =	vpop (erf)  }
.LBB2_47:
0x2a8: {  	s20 =	sshra.s32 s19, $0x2;
	p0 =	sne.s32 s19, $0x13C0;
	s19 =	sadd.s32 $0x40, s19;
	v4 =	vadd.f32 $1.000000020e-16, v2;
	v3 =	vmul.f32 v3, v1;
	v1 =	vld [tilespmem:s16+$0xF5A0]  }
.Ltmp22:
0x2a9: {  	v2 =	vld [tilespmem:s20+$0x78A0];
	(pc) =	sbr.rel @p0 .LBB2_47-.Ltmp22, $3  }
0x2aa: {  	(erf) = vrcp.f32 v4;
	[tilespmem:s17+$0x172A0] =	vst v3;
	s17 =	smov.u32 s16;
	s16 =	smov.u32 s18;
	s18 =	smov.u32 s20  }
0x2ab: {  	_ =	sdelay $0x1  }
0x2ac: {  	v3 =	vpop (erf)  }
0x2ad: {  	v2 =	vadd.f32 $1.000000020e-16, v2;
	_ =	sdelay $0x1  }
0x2ae: {  	(erf) = vrcp.f32 v2;
	_ =	sdelay $0x1  }
0x2af: {  	v1 =	vmul.f32 v3, v1;
	_ =	sdelay $0x1  }
0x2b0: {  	v2 =	vld [tilespmem:s16+$0xF5A0];
	[tilespmem:s17+$0x172A0] =	vst v1  }
0x2b1: {  	v1 =	vld [tilespmem:s18+$0xF5A0];
	_ =	sdelay $0x2  }
0x2b2: {  	v3 =	vpop (erf)  }
0x2b3: {  	v2 =	vmul.f32 v3, v2;
	v3 =	vpop (erf)  }
0x2b4: {  	v1 =	vmul.f32 v3, v1  }
0x2b5: {  	[tilespmem:s16+$0x172A0] =	vst v2  }
0x2b6: {  	[tilespmem:s18+$0x172A0] =	vst v1  }
0x2b7: {  	_ =	swait.ge [sflag:s12], $0x500  }
0x2b8: {  	[sflag:s12] =	ssyncset.done $0x0  }
0x2b9: {  	s17 =	simm.s32 $0x0;
	[sflag:s12] =	ssyncadd.s32 $0xFFFFFB00  }
0x2ba: {  	v1 =	vld [tilespmem:s17+$0x7DA0];
	_ =	sdelay $0x4  }
0x2bb: {  	v1 =	vadd.f32 $1.000000020e-16, v1  }
0x2bc: {  	s16 =	simm.s32 $0x10  }
0x2bd: {  	(erf) = vrcp.f32 v1;
	v1 =	vld [tilespmem:s16+$0x7DA0];
	_ =	sdelay $0x3  }
0x2be: {  	s18 =	simm.s32 $0x20  }
0x2bf: {  	v2 =	vld [tilespmem:s18+$0x7DA0];
	v3 =	vadd.f32 $1.000000020e-16, v1  }
0x2c0: {  	v1 =	vld [tilespmem:s17+$0xFAA0]  }
0x2c1: {  	(erf) = vrcp.f32 v3;
	_ =	sdelay $0x2  }
0x2c2: {  	s19 =	simm.s32 $0xC0;
	v3 =	vpop (erf)  }
.LBB2_49:
0x2c3: {  	s20 =	sshra.s32 s19, $0x2;
	p0 =	sne.s32 s19, $0x13C0;
	s19 =	sadd.s32 $0x40, s19;
	v4 =	vadd.f32 $1.000000020e-16, v2;
	v3 =	vmul.f32 v3, v1;
	v1 =	vld [tilespmem:s16+$0xFAA0]  }
.Ltmp23:
0x2c4: {  	v2 =	vld [tilespmem:s20+$0x7DA0];
	(pc) =	sbr.rel @p0 .LBB2_49-.Ltmp23, $3  }
0x2c5: {  	(erf) = vrcp.f32 v4;
	[tilespmem:s17+$0x177A0] =	vst v3;
	s17 =	smov.u32 s16;
	s16 =	smov.u32 s18;
	s18 =	smov.u32 s20  }
0x2c6: {  	_ =	sdelay $0x1  }
0x2c7: {  	v3 =	vpop (erf)  }
0x2c8: {  	v2 =	vadd.f32 $1.000000020e-16, v2;
	_ =	sdelay $0x1  }
0x2c9: {  	(erf) = vrcp.f32 v2;
	_ =	sdelay $0x1  }
0x2ca: {  	v1 =	vmul.f32 v3, v1;
	_ =	sdelay $0x1  }
0x2cb: {  	v2 =	vld [tilespmem:s16+$0xFAA0];
	[tilespmem:s17+$0x177A0] =	vst v1  }
0x2cc: {  	v1 =	vld [tilespmem:s18+$0xFAA0];
	_ =	sdelay $0x2  }
0x2cd: {  	v3 =	vpop (erf)  }
0x2ce: {  	v2 =	vmul.f32 v3, v2;
	v3 =	vpop (erf)  }
0x2cf: {  	v1 =	vmul.f32 v3, v1  }
0x2d0: {  	[tilespmem:s16+$0x177A0] =	vst v2  }
0x2d1: {  	[tilespmem:s18+$0x177A0] =	vst v1  }
0x2d2: {  	_ =	swait.ge [sflag:s12], $0x500  }
0x2d3: {  	[sflag:s12] =	ssyncset.done $0x0  }
0x2d4: {  	s17 =	simm.s32 $0x0;
	[sflag:s12] =	ssyncadd.s32 $0xFFFFFB00  }
0x2d5: {  	v1 =	vld [tilespmem:s17+$0x82A0];
	_ =	sdelay $0x4  }
0x2d6: {  	v1 =	vadd.f32 $1.000000020e-16, v1  }
0x2d7: {  	s16 =	simm.s32 $0x10  }
0x2d8: {  	(erf) = vrcp.f32 v1;
	v1 =	vld [tilespmem:s16+$0x82A0];
	_ =	sdelay $0x3  }
0x2d9: {  	s18 =	simm.s32 $0x20  }
0x2da: {  	v2 =	vld [tilespmem:s18+$0x82A0];
	v3 =	vadd.f32 $1.000000020e-16, v1  }
0x2db: {  	v1 =	vld [tilespmem:s17+$0xFFA0]  }
0x2dc: {  	(erf) = vrcp.f32 v3;
	_ =	sdelay $0x2  }
0x2dd: {  	s19 =	simm.s32 $0xC0;
	v3 =	vpop (erf)  }
.LBB2_51:
0x2de: {  	s20 =	sshra.s32 s19, $0x2;
	p0 =	sne.s32 s19, $0x13C0;
	s19 =	sadd.s32 $0x40, s19;
	v4 =	vadd.f32 $1.000000020e-16, v2;
	v3 =	vmul.f32 v3, v1;
	v1 =	vld [tilespmem:s16+$0xFFA0]  }
.Ltmp24:
0x2df: {  	v2 =	vld [tilespmem:s20+$0x82A0];
	(pc) =	sbr.rel @p0 .LBB2_51-.Ltmp24, $3  }
0x2e0: {  	(erf) = vrcp.f32 v4;
	[tilespmem:s17+$0x17CA0] =	vst v3;
	s17 =	smov.u32 s16;
	s16 =	smov.u32 s18;
	s18 =	smov.u32 s20  }
0x2e1: {  	_ =	sdelay $0x1  }
0x2e2: {  	v3 =	vpop (erf)  }
0x2e3: {  	v2 =	vadd.f32 $1.000000020e-16, v2;
	_ =	sdelay $0x1  }
0x2e4: {  	(erf) = vrcp.f32 v2;
	_ =	sdelay $0x1  }
0x2e5: {  	v1 =	vmul.f32 v3, v1;
	_ =	sdelay $0x1  }
0x2e6: {  	v2 =	vld [tilespmem:s16+$0xFFA0];
	[tilespmem:s17+$0x17CA0] =	vst v1  }
0x2e7: {  	v1 =	vld [tilespmem:s18+$0xFFA0];
	_ =	sdelay $0x2  }
0x2e8: {  	v3 =	vpop (erf)  }
0x2e9: {  	v2 =	vmul.f32 v3, v2;
	v3 =	vpop (erf)  }
0x2ea: {  	v1 =	vmul.f32 v3, v1  }
0x2eb: {  	[tilespmem:s16+$0x17CA0] =	vst v2  }
0x2ec: {  	[tilespmem:s18+$0x17CA0] =	vst v1  }
0x2ed: {  	_ =	swait.ge [sflag:s12], $0x500  }
0x2ee: {  	[sflag:s12] =	ssyncset.done $0x0  }
0x2ef: {  	s17 =	simm.s32 $0x0;
	[sflag:s12] =	ssyncadd.s32 $0xFFFFFB00  }
0x2f0: {  	v1 =	vld [tilespmem:s17+$0x87A0];
	_ =	sdelay $0x4  }
0x2f1: {  	v1 =	vadd.f32 $1.000000020e-16, v1  }
0x2f2: {  	s16 =	simm.s32 $0x10  }
0x2f3: {  	(erf) = vrcp.f32 v1;
	v1 =	vld [tilespmem:s16+$0x87A0];
	_ =	sdelay $0x3  }
0x2f4: {  	s18 =	simm.s32 $0x20  }
0x2f5: {  	v2 =	vld [tilespmem:s18+$0x87A0];
	v3 =	vadd.f32 $1.000000020e-16, v1  }
0x2f6: {  	v1 =	vld [tilespmem:s17+$0x104A0]  }
0x2f7: {  	(erf) = vrcp.f32 v3;
	_ =	sdelay $0x2  }
0x2f8: {  	s19 =	simm.s32 $0xC0;
	v3 =	vpop (erf)  }
.LBB2_53:
0x2f9: {  	s20 =	sshra.s32 s19, $0x2;
	p0 =	sne.s32 s19, $0x13C0;
	s19 =	sadd.s32 $0x40, s19;
	v4 =	vadd.f32 $1.000000020e-16, v2;
	v3 =	vmul.f32 v3, v1;
	v1 =	vld [tilespmem:s16+$0x104A0]  }
.Ltmp25:
0x2fa: {  	v2 =	vld [tilespmem:s20+$0x87A0];
	(pc) =	sbr.rel @p0 .LBB2_53-.Ltmp25, $3  }
0x2fb: {  	(erf) = vrcp.f32 v4;
	[tilespmem:s17+$0x181A0] =	vst v3;
	s17 =	smov.u32 s16;
	s16 =	smov.u32 s18;
	s18 =	smov.u32 s20  }
0x2fc: {  	_ =	sdelay $0x1  }
0x2fd: {  	v3 =	vpop (erf)  }
0x2fe: {  	v2 =	vadd.f32 $1.000000020e-16, v2;
	_ =	sdelay $0x1  }
0x2ff: {  	(erf) = vrcp.f32 v2;
	_ =	sdelay $0x1  }
0x300: {  	v1 =	vmul.f32 v3, v1;
	_ =	sdelay $0x1  }
0x301: {  	v2 =	vld [tilespmem:s16+$0x104A0];
	[tilespmem:s17+$0x181A0] =	vst v1  }
0x302: {  	v1 =	vld [tilespmem:s18+$0x104A0];
	_ =	sdelay $0x2  }
0x303: {  	v3 =	vpop (erf)  }
0x304: {  	v2 =	vmul.f32 v3, v2;
	v3 =	vpop (erf)  }
0x305: {  	s14 =	sadd.s32 $0x1, s14;
	v1 =	vmul.f32 v3, v1  }
0x306: {  	p0 =	sne.s32 s14, $0x5;
	[tilespmem:s16+$0x181A0] =	vst v2  }
.Ltmp26:
0x307: {  	s15 =	sadd.s32 s6, s15;
	s20 =	simm.s32 $0x0;
	[tilespmem:s18+$0x181A0] =	vst v1;
	(pc) =	sbr.rel @p0 .LBB2_2-.Ltmp26, $4  }
0x308: {  	[hbm4b:s15+s20] =	stream.linear.scatter [tilespmem:s13], [sflag:$0x2], $0x7D00, $0x38;
	[tilespmem:$0x186A0] =	vst v63  }
0x309: {  	_ =	swait.ge [sflag:s9], $0x7D00  }
0x30a: {  	[sflag:s9] =	ssyncset.done $0x0  }
0x30b: {  	[sflag:s9] =	ssyncadd.s32 $0xFFFF8300  }
0x30c: {  	s15 =	rddreg [dreg:$0x4]  }
0x30d: {  	s14 =	rddreg [dreg:$0x3];
	s15 =	sadd.s32 $0x1, s15  }
0x30e: {  	p0 =	sne.s32 s15, s14  }
.Ltmp27:
0x30f: {  	_ = 	snop;
	(pc) =	sbr.rel @p0 .LBB2_1-.Ltmp27, $1  }
0x310: {  	_ =	sdelay $0x3  }
0x311: {  	_ =	sfence.sel $0x180000  }
0x312: {  	[bflag:$0x0] =	sbarrier.arrive $0xFFFF  }
0x313: {  	_ =	strace $0x9000004A  }
0x314: {  	s0 =	stileid.u32;
	[bflag:$0x2] =	sbarrier.arrive $0xFFFF  }
0x315: {  	p0 =	sne.s32 s0, $0x0;
	s0 =	rddreg [dreg:$0x2]  }
0x316: {  	s0 =	sadd.s32 @!p0 $0x100000, s0  }
0x317: {  	[sflag:s0] =	ssyncadd.tile.s32 @!p0 $0x1;
	_ =	shalt  }
.Lfunc_end2:
_tile_overlayer_lowered:
.L_overlay_start_2:
0x318: {  	(tag) =	ssettag $0x2  }
0x319: {  	s0 =	rddreg [dreg:$0x0];
	s2 =	stileid.u32  }
0x31a: {  	s1 =	rddreg [dreg:$0x1];
	p0 =	sne.s32 s2, $0x0  }
0x31b: {  	s3 =	rddreg [dreg:$0x2];
	[bflag:$0x3] =	sbarrier.arrive $0xFFFF;
	s2 =	simm.s32 @!p0 $0x1C02  }
0x31c: {  	[timem:s3], [sflag:s2] =	dma.local @!p0 [hbm:s0], s1  }
0x31d: {  	s0 =	simm.s32 @!p0 $0x2  }
0x31e: {  	_ =	swait.ge @!p0 [sflag:s0], s1  }
0x31f: {  	s1 =	ssub.s32 @!p0 $0x0, s1;
	[sflag:s0] =	ssyncset.done @!p0 $0x0  }
0x320: {  	[sflag:s0] =	ssyncadd.s32 @!p0 s1  }
0x321: {  	[bflag:$0x3] =	sbarrier.arrive $0xFFFF  }
0x322: {  	_ =	shalt  }

</sc_bundles>
